<compile_context>
chip_gen: v7x
topology: tpu7x:2x2x1
jax: 0.10.2.dev20260603
libtpu: 0.0.44.dev20260713+nightly
codegen_flags: <defaults>
</compile_context>

<pallas_src>
import functools
from math import ceil

import jax
import jax.numpy as jnp
from jax import lax
from jax.experimental import pallas as pl
from jax.experimental.pallas import tpu as pltpu
from jax.experimental.pallas import tpu_sc as plsc

_N = 10000
_E = 320000
_B = 100
_NPER = 100
_D = 128
_MAXDEPTH = 20

_NW = 32
_GCH = 64
_NPAD = 10240
_ROWS = 3 * _NPAD
_RPW = _ROWS // _NW
_GN = _RPW // _GCH

_ECH = 128
_CSLOTS = _B * _NPER * _NPER
_CPAD = 1000448
_CHALF = _CPAD // 2
_CBUF = _CHALF + 16
_CSLICE = _CHALF // 16
_EPT = 20224
_ECN = _EPT // _ECH
_EPAD = _EPT * 16


def _sc_gather_scatter(tbl, idx_all, tpad):
    mesh = plsc.VectorSubcoreMesh(core_axis_name="c", subcore_axis_name="s")

    @functools.partial(
        pl.kernel,
        mesh=mesh,
        out_type=[
            jax.ShapeDtypeStruct((_ROWS, _D), jnp.float32),
            jax.ShapeDtypeStruct((2, 16, _CSLICE), jnp.float32),
        ],
        scratch_types=[
            pltpu.VMEM((_GCH,), jnp.int32),
            pltpu.VMEM((_GCH, _D), jnp.float32),
            pltpu.VMEM((_ECH,), jnp.int32),
            pltpu.VMEM((_ECH,), jnp.int32),
            pltpu.VMEM((_ECH,), jnp.float32),
            pltpu.VMEM((_CSLICE,), jnp.float32),
            pltpu.VMEM((48,), jnp.int32),
            pltpu.VMEM((48,), jnp.float32),
            pltpu.VMEM_SHARED((_CBUF,), jnp.float32),
            pltpu.SemaphoreType.DMA,
            pltpu.SemaphoreType.DMA,
            pltpu.SemaphoreType.DMA,
        ],
    )
    def k(tbl_hbm, idx_hbm, tpad_hbm, h3_hbm, c2_hbm,
          idx_v, rows_v, ea, eb, val_v, zv, bi, bv, cshared, gsem,
          esema, esemb):
        cid = lax.axis_index("c")
        sid = lax.axis_index("s")
        wid = sid * 2 + cid
        lo = cid * _CHALF
        i32 = jnp.int32
        f32 = jnp.float32
        ones16 = jnp.ones((16,), f32)

        def zbody(i, carry):
            zv[pl.ds(i * 16, 16)] = jnp.zeros((16,), f32)
            return carry
        lax.fori_loop(0, _CSLICE // 16, zbody, 0)
        pltpu.sync_copy(zv, cshared.at[pl.ds(sid * _CSLICE, _CSLICE)])
        plsc.subcore_barrier()
        ii = lax.iota(i32, 16)
        one_i = jnp.ones((16,), i32)
        zero_i = jnp.zeros((16,), i32)
        dump_v = jnp.full((16,), _CHALF, i32)
        zero_f = jnp.zeros((16,), f32)
        gm = [jnp.where(ii >= 16 - s, one_i, zero_i) for s in range(1, 16)]

        def dedup_scatter(ebuf):
            for j in range(_ECH // 16):
                tv = ebuf[pl.ds(j * 16, 16)]
                bi[pl.ds(0, 16)] = tv
                bi[pl.ds(16, 16)] = tv
                cnt = one_i
                bad = zero_i
                for s in range(1, 16):
                    w = bi[pl.ds(s, 16)]
                    eqi = jnp.where(tv == w, one_i, zero_i)
                    cnt = cnt + eqi
                    bad = bad + eqi * gm[s - 1]
                inlo = jnp.where(tv >= lo, zero_i, one_i)
                inhi = jnp.where(tv < lo + _CHALF, zero_i, one_i)
                disq = bad + inlo + inhi
                ebuf[pl.ds(j * 16, 16)] = jnp.where(disq == zero_i,
                                                    tv - lo, dump_v)
                val_v[pl.ds(j * 16, 16)] = jnp.where(bad == zero_i,
                                                     cnt.astype(f32), zero_f)
            pltpu.sync_copy(val_v, cshared.at[ebuf], add=True)

        base = sid * _EPT
        pltpu.async_copy(tpad_hbm.at[pl.ds(base, _ECH)], ea, esema)
        pltpu.async_copy(tpad_hbm.at[pl.ds(base + _ECH, _ECH)], eb, esemb)

        def sbody(p, carry):
            off = base + 2 * p * _ECH
            pltpu.make_async_copy(tpad_hbm.at[pl.ds(off, _ECH)],
                                  ea, esema).wait()
            dedup_scatter(ea)
            pltpu.async_copy(tpad_hbm.at[pl.ds(off + 2 * _ECH, _ECH)],
                             ea, esema)
            pltpu.make_async_copy(tpad_hbm.at[pl.ds(off + _ECH, _ECH)],
                                  eb, esemb).wait()
            dedup_scatter(eb)
            pltpu.async_copy(tpad_hbm.at[pl.ds(off + 3 * _ECH, _ECH)],
                             eb, esemb)
            return carry
        lax.fori_loop(0, _ECN // 2, sbody, 0)
        pltpu.make_async_copy(tpad_hbm.at[pl.ds(base, _ECH)], ea,
                              esema).wait()
        pltpu.make_async_copy(tpad_hbm.at[pl.ds(base, _ECH)], eb,
                              esemb).wait()
        plsc.subcore_barrier()

        pltpu.sync_copy(cshared.at[pl.ds(sid * _CSLICE, _CSLICE)], zv)
        pltpu.sync_copy(zv, c2_hbm.at[cid, sid])

        def gbody(c, carry):
            off = wid * _RPW + c * _GCH
            pltpu.sync_copy(idx_hbm.at[pl.ds(off, _GCH)], idx_v)
            pltpu.async_copy(tbl_hbm.at[idx_v], rows_v, gsem).wait()
            pltpu.sync_copy(rows_v, h3_hbm.at[pl.ds(off, _GCH)])
            return carry
        lax.fori_loop(0, _GN, gbody, 0)

    return k(tbl, idx_all, tpad)


def _layer(H, C, W, cb, aW, ab, n, k):
    f32 = jnp.float32
    deg = jnp.sum(C, axis=1, keepdims=True) + 1.0
    dinv = 1.0 / jnp.sqrt(deg)
    rdeg = 1.0 / deg

    Hh = jnp.dot(H, W, preferred_element_type=f32)
    agg = dinv * jnp.dot(C, dinv * Hh, preferred_element_type=f32, precision=lax.Precision.HIGHEST)
    Hc = jnp.maximum(agg + Hh * rdeg + cb, 0.0)

    sh = jnp.dot(Hc, aW, preferred_element_type=f32)
    s2d = dinv * jnp.dot(C, dinv * sh, preferred_element_type=f32, precision=lax.Precision.HIGHEST) \
        + sh * rdeg + ab

    eyeN = (lax.broadcasted_iota(jnp.int32, (n, n), 0)
            == lax.broadcasted_iota(jnp.int32, (n, n), 1)).astype(f32)
    st = lax.dot_general(s2d, eyeN, (((0,), (0,)), ((), ())),
                         preferred_element_type=f32, precision=lax.Precision.HIGHEST)
    Sj = s2d * jnp.ones((n, n), f32)
    Si = st * jnp.ones((n, n), f32)
    ij = lax.broadcasted_iota(jnp.int32, (n, n), 0)
    ii = lax.broadcasted_iota(jnp.int32, (n, n), 1)
    T = (Sj > Si) | ((Sj == Si) & (ij < ii))
    rank = jnp.sum(T.astype(f32), axis=0, keepdims=True)

    P = (lax.broadcasted_iota(jnp.int32, (k, n), 0).astype(f32)
         == jnp.ones((k, 1), f32) * rank).astype(f32)

    sk = jnp.dot(P, s2d, preferred_element_type=f32, precision=lax.Precision.HIGHEST)
    Hn = jnp.dot(P, Hc, preferred_element_type=f32, precision=lax.Precision.HIGHEST) * jnp.tanh(sk)
    CP = lax.dot_general(C, P, (((1,), (1,)), ((), ())),
                         preferred_element_type=f32, precision=lax.Precision.HIGHEST)
    Cn = jnp.dot(P, CP, preferred_element_type=f32, precision=lax.Precision.HIGHEST)

    mx = jnp.max(Hn, axis=0, keepdims=True)
    mn = jnp.sum(Hn, axis=0, keepdims=True) / f32(k)
    return Hn, Cn, mx, mn


_GB = 4


def _gnn_body(ha, hb, hc, c2, c1W, c1b, a1W, a1b, c2W, c2b, a2W, a2b,
              c3W, c3b, a3W, a3b, out):
    Ws = ((c1W[...], c1b[...], a1W[...], a1b[...]),
          (c2W[...], c2b[...], a2W[...], a2b[...]),
          (c3W[...], c3b[...], a3W[...], a3b[...]))
    for g in range(_GB):
        H = ha[g] + hb[g] + hc[g]
        C = c2[g]
        n = _NPER
        acc = None
        for (cW, cb, aW, ab) in Ws:
            k = int(ceil(0.5 * n))
            H, C, mx, mn = _layer(H, C, cW, cb, aW, ab, n, k)
            r = jnp.concatenate([mx, mn], axis=1)
            acc = r if acc is None else acc + r
            n = k
        out[g] = acc


def _mlp_body(g, w1, b1, w2, b2, out):
    f32 = jnp.float32
    h = jnp.maximum(jnp.dot(g[...], w1[...], preferred_element_type=f32)
                    + b1[...], 0.0)
    out[...] = jnp.maximum(jnp.dot(h, w2[...], preferred_element_type=f32)
                           + b2[...], 0.0)


def _pred_body(gg, pW, pb, out):
    out[...] = (jnp.dot(gg[...], pW[0], preferred_element_type=jnp.float32)
                + pb[0])[None]


def kernel(x, node_depth, edge_index, edge_attr, batch, type_emb, attr_emb,
           depth_emb, conv1_W, conv1_b, attn1_W, attn1_b, conv2_W, conv2_b,
           attn2_W, attn2_b, conv3_W, conv3_b, attn3_W, attn3_b, lin1_W,
           lin1_b, lin2_W, lin2_b, pred_W, pred_b):
    f32 = jnp.float32
    i32 = jnp.int32

    src = edge_index[0].astype(i32)
    dst = edge_index[1].astype(i32)
    g = src // _NPER
    t = g * (_NPER * _NPER) + (dst % _NPER) * _NPER + (src % _NPER)
    tpad = jnp.full((_EPAD + 2 * _ECH,), _CSLOTS, i32).at[: _E].set(t)

    nt = type_emb.shape[0]
    na = attr_emb.shape[0]
    depth = jnp.clip(node_depth[:, 0], 0, _MAXDEPTH).astype(i32)
    i0 = jnp.zeros((_NPAD,), i32).at[: _N].set(x[:, 0].astype(i32))
    i1 = jnp.zeros((_NPAD,), i32).at[: _N].set(nt + x[:, 1].astype(i32))
    i2 = jnp.zeros((_NPAD,), i32).at[: _N].set(nt + na + depth)
    idx_all = jnp.concatenate([i0, i1, i2])
    tbl = jnp.concatenate([type_emb, attr_emb, depth_emb], axis=0)

    h3, c2 = _sc_gather_scatter(tbl, idx_all, tpad)

    ha = h3[0:_N].reshape(_B, _NPER, _D)
    hb = h3[_NPAD:_NPAD + _N].reshape(_B, _NPER, _D)
    hc = h3[2 * _NPAD:2 * _NPAD + _N].reshape(_B, _NPER, _D)
    c_lin = c2.reshape(_CPAD)[:_CSLOTS].reshape(_B, _NPER, _NPER)

    biases = [b.reshape(1, -1) for b in
              (conv1_b, attn1_b, conv2_b, attn2_b, conv3_b, attn3_b,
               lin1_b, lin2_b)]
    (c1b, a1b, c2b, a2b, c3b, a3b, l1b, l2b) = biases

    full = lambda arr: pl.BlockSpec(arr.shape, lambda gi: (0,) * arr.ndim)

    gsum = pl.pallas_call(
        _gnn_body,
        grid=(_B // _GB,),
        in_specs=[
            pl.BlockSpec((_GB, _NPER, _D), lambda gi: (gi, 0, 0)),
            pl.BlockSpec((_GB, _NPER, _D), lambda gi: (gi, 0, 0)),
            pl.BlockSpec((_GB, _NPER, _D), lambda gi: (gi, 0, 0)),
            pl.BlockSpec((_GB, _NPER, _NPER), lambda gi: (gi, 0, 0)),
            full(conv1_W), full(c1b), full(attn1_W), full(a1b),
            full(conv2_W), full(c2b), full(attn2_W), full(a2b),
            full(conv3_W), full(c3b), full(attn3_W), full(a3b),
        ],
        out_specs=pl.BlockSpec((_GB, 1, 2 * _D), lambda gi: (gi, 0, 0)),
        out_shape=jax.ShapeDtypeStruct((_B, 1, 2 * _D), f32),
    )(ha, hb, hc, c_lin, conv1_W, c1b, attn1_W, a1b,
      conv2_W, c2b, attn2_W, a2b, conv3_W, c3b, attn3_W, a3b)
    gsum = gsum.reshape(_B, 2 * _D)

    gg = pl.pallas_call(
        _mlp_body,
        out_shape=jax.ShapeDtypeStruct((_B, _D), f32),
    )(gsum, lin1_W, l1b, lin2_W, l2b)

    SEQ, _, VOCAB = pred_W.shape
    preds = pl.pallas_call(
        _pred_body,
        grid=(SEQ,),
        in_specs=[
            pl.BlockSpec((_B, _D), lambda s: (0, 0)),
            pl.BlockSpec((1, _D, VOCAB), lambda s: (s, 0, 0)),
            pl.BlockSpec((1, 1, VOCAB), lambda s: (s, 0, 0)),
        ],
        out_specs=pl.BlockSpec((1, _B, VOCAB), lambda s: (s, 0, 0)),
        out_shape=jax.ShapeDtypeStruct((SEQ, _B, VOCAB), f32),
    )(gg, pred_W, pred_b.reshape(SEQ, 1, VOCAB))

    return preds

# --- scband reference (transcript-rebuilt; emitter-appended) ---
"""Pipeline reference for scband-sagpool-gnn-26036091748792 (READ-ONLY COPY).

The authoritative reference and input builder live on the scoring server;
editing this copy changes nothing except your own understanding.
"""

import jax, jax.numpy as jnp
import numpy as np
from math import ceil

N = 10000; E = 320000; B = 100; NPER = 100; D = 128
VOCAB = 5000; SEQ = 5; NTYPE = 98; NATTR = 10000; MAXDEPTH = 20

def _lin(k, fi, fo):
    return jax.random.normal(k, (fi, fo), dtype=jnp.float32) * (1.0 / np.sqrt(fi))

def setup_inputs(seed: int = 0):
    key = jax.random.key(seed)
    ks = jax.random.split(key, 32)
    node_type = jax.random.randint(ks[0], (N,), 0, NTYPE)
    node_attr = jax.random.randint(ks[1], (N,), 0, NATTR)
    x = jnp.stack([node_type, node_attr], axis=1)
    node_depth = jax.random.randint(ks[2], (N, 1), 0, MAXDEPTH + 1)
    eg = jax.random.randint(ks[3], (E,), 0, B)
    src = eg * NPER + jax.random.randint(ks[4], (E,), 0, NPER)
    dst = eg * NPER + jax.random.randint(ks[5], (E,), 0, NPER)
    edge_index = jnp.stack([src, dst])
    edge_attr = jax.random.normal(ks[6], (E, 4), dtype=jnp.float32)
    batch = jnp.arange(N) // NPER
    inp = dict(x=x, node_depth=node_depth, edge_index=edge_index, edge_attr=edge_attr, batch=batch)
    inp['type_emb'] = jax.random.normal(ks[7], (NTYPE, D), dtype=jnp.float32) * 0.1
    inp['attr_emb'] = jax.random.normal(ks[8], (NATTR, D), dtype=jnp.float32) * 0.1
    inp['depth_emb'] = jax.random.normal(ks[9], (MAXDEPTH + 1, D), dtype=jnp.float32) * 0.1
    inp['conv1_W'] = _lin(ks[10], D, D); inp['conv1_b'] = jnp.zeros((D,), jnp.float32)
    inp['attn1_W'] = _lin(ks[11], D, 1); inp['attn1_b'] = jnp.zeros((1,), jnp.float32)
    inp['conv2_W'] = _lin(ks[12], D, D); inp['conv2_b'] = jnp.zeros((D,), jnp.float32)
    inp['attn2_W'] = _lin(ks[13], D, 1); inp['attn2_b'] = jnp.zeros((1,), jnp.float32)
    inp['conv3_W'] = _lin(ks[14], D, D); inp['conv3_b'] = jnp.zeros((D,), jnp.float32)
    inp['attn3_W'] = _lin(ks[15], D, 1); inp['attn3_b'] = jnp.zeros((1,), jnp.float32)
    inp['lin1_W'] = _lin(ks[16], 2 * D, D); inp['lin1_b'] = jnp.zeros((D,), jnp.float32)
    inp['lin2_W'] = _lin(ks[17], D, D); inp['lin2_b'] = jnp.zeros((D,), jnp.float32)
    inp['pred_W'] = _lin(ks[18], D, SEQ * VOCAB).reshape(D, SEQ, VOCAB).transpose(1, 0, 2)
    inp['pred_b'] = jnp.zeros((SEQ, VOCAB), jnp.float32)
    return inp

def _gcn(x, src, dst, ew, W, b, n):
    # PyG GCNConv with edge weights and added self-loops (weight 1); index n is a dummy node.
    h = x @ W
    hp = jnp.concatenate([h, jnp.zeros((1, h.shape[1]), h.dtype)], axis=0)
    deg = jnp.ones((n + 1,), h.dtype).at[dst].add(ew)
    dinv = 1.0 / jnp.sqrt(deg)
    norm = dinv[src] * dinv[dst] * ew
    agg = jnp.zeros_like(hp).at[dst].add(norm[:, None] * hp[src])
    return agg[:n] + h * (1.0 / deg[:n])[:, None] + b

def _sag_pool(x, src, dst, ew, aW, ab, b_graphs, n_per, k_per):
    # SAGPooling: score GNN (GCNConv, as in original SAGPool), per-graph top-k, x * tanh(score)
    n = b_graphs * n_per
    score = _gcn(x, src, dst, ew, aW, ab, n)[:, 0]
    topv, topi = jax.lax.top_k(score.reshape(b_graphs, n_per), k_per)
    perm = (topi + (jnp.arange(b_graphs) * n_per)[:, None]).reshape(-1)
    xk = x[perm] * jnp.tanh(score[perm])[:, None]
    new_n = b_graphs * k_per
    inv = jnp.full((n + 1,), -1).at[perm].set(jnp.arange(new_n))
    nsrc = inv[src]; ndst = inv[dst]
    valid = (nsrc >= 0) & (ndst >= 0) & (ew > 0)
    nsrc = jnp.where(valid, nsrc, new_n)
    ndst = jnp.where(valid, ndst, new_n)
    new_ew = jnp.where(valid, ew, 0.0)
    return xk, nsrc, ndst, new_ew

def _readout(x, b_graphs, k_per):
    # gmp || gap per graph (graphs are contiguous equal-size blocks)
    xr = x.reshape(b_graphs, k_per, -1)
    return jnp.concatenate([jnp.max(xr, axis=1), jnp.mean(xr, axis=1)], axis=1)

def reference(x, node_depth, edge_index, edge_attr, batch, type_emb, attr_emb, depth_emb, conv1_W, conv1_b, attn1_W, attn1_b, conv2_W, conv2_b, attn2_W, attn2_b, conv3_W, conv3_b, attn3_W, attn3_b, lin1_W, lin1_b, lin2_W, lin2_b, pred_W, pred_b):
    src, dst = edge_index[0], edge_index[1]
    ew = jnp.ones((src.shape[0],), jnp.float32)
    depth = jnp.clip(node_depth[:, 0], 0, MAXDEPTH)
    h = type_emb[x[:, 0]] + attr_emb[x[:, 1]] + depth_emb[depth]
    layers = [(conv1_W, conv1_b, attn1_W, attn1_b), (conv2_W, conv2_b, attn2_W, attn2_b), (conv3_W, conv3_b, attn3_W, attn3_b)]
    n_per = NPER
    xs = []
    for (cW, cb, aW, ab) in layers:
        n = B * n_per
        h = jax.nn.relu(_gcn(h, src, dst, ew, cW, cb, n))
        k_per = int(ceil(0.5 * n_per))
        h, src, dst, ew = _sag_pool(h, src, dst, ew, aW, ab, B, n_per, k_per)
        n_per = k_per
        xs.append(_readout(h, B, n_per))
    g = xs[0] + xs[1] + xs[2]
    g = jax.nn.relu(g @ lin1_W + lin1_b)
    # dropout p=0.5 is identity in eval mode
    g = jax.nn.relu(g @ lin2_W + lin2_b)
    preds = jnp.einsum('bd,sdv->sbv', g, pred_W) + pred_b[:, None, :]
    return preds

if __name__ == "__main__":
    import jax
    _d = setup_inputs()
    print(jax.jit(kernel)(*tuple(_d.values())))

</pallas_src>

<mosaic_0001>
#map = affine_map<(d0, d1) -> (0, 0)>
#map1 = affine_map<(d0, d1) -> (0)>
#map2 = affine_map<(d0, d1) -> (0, 0, 0)>
module attributes {stable_mosaic.version = 14 : i64} {
  func.func @k(%arg0: i32, %arg1: i32, %arg2: memref<10119x128xf32, #tpu.memory_space<hbm>>, %arg3: memref<30720xi32, #tpu.memory_space<hbm>>, %arg4: memref<323840xi32, #tpu.memory_space<hbm>>, %arg5: memref<30720x128xf32, #tpu.memory_space<hbm>>, %arg6: memref<2x16x31264xf32, #tpu.memory_space<hbm>>, %arg7: memref<64xi32, #tpu.memory_space<vmem>>, %arg8: memref<64x128xf32, #tpu.memory_space<vmem>>, %arg9: memref<128xi32, #tpu.memory_space<vmem>>, %arg10: memref<128xi32, #tpu.memory_space<vmem>>, %arg11: memref<128xf32, #tpu.memory_space<vmem>>, %arg12: memref<31264xf32, #tpu.memory_space<vmem>>, %arg13: memref<48xi32, #tpu.memory_space<vmem>>, %arg14: memref<48xf32, #tpu.memory_space<vmem>>, %arg15: memref<500240xf32, #tpu.memory_space<vmem_shared>>, %arg16: memref<!tpu.dma_semaphore, #tpu.memory_space<semaphore_mem>>, %arg17: memref<!tpu.dma_semaphore, #tpu.memory_space<semaphore_mem>>, %arg18: memref<!tpu.dma_semaphore, #tpu.memory_space<semaphore_mem>>) attributes {dimension_semantics = [#tpu.dimension_semantics<core_parallel>, #tpu.dimension_semantics<subcore_parallel>], iteration_bounds = array<i64: 2, 16>, scalar_prefetch = 0 : i64, scratch_operands = 12 : i64, tpu.core_type = #tpu.core_type<sc_vector_subcore>, window_params = [{transform_indices = #map}, {transform_indices = #map1}, {transform_indices = #map1}, {transform_indices = #map}, {transform_indices = #map2}]} {
    %mul3A = arith.constant 2 : i32
    %mul3A_0 = arith.muli %arg1, %mul3A : i32
    %add3A = arith.addi %mul3A_0, %arg0 : i32
    %mul3A_1 = arith.constant 500224 : i32
    %mul3A_2 = arith.muli %arg0, %mul3A_1 : i32
    %broadcast_in_dim3A = arith.constant 1.000000e+00 : f32
    %broadcast_in_dim3A_3 = vector.broadcast %broadcast_in_dim3A : f32 to vector<16xf32>
    %scan3A = arith.constant 0 : i32
    %scan3A_4 = arith.constant 0 : i32
    %scan3A_5 = arith.constant 1954 : i32
    %scan3A_6 = arith.addi %scan3A_4, %scan3A_5 : i32
    %scan3A_7 = arith.constant 1 : i32
    scf.for %scan3A_102 = %scan3A_4 to %scan3A_6 step %scan3A_7  : i32 {
      %broadcast_in_dim3A_103 = arith.constant 0.000000e+00 : f32
      %broadcast_in_dim3A_104 = vector.broadcast %broadcast_in_dim3A_103 : f32 to vector<16xf32>
      %mul3A_105 = arith.constant 16 : i32
      %mul3A_106 = arith.muli %scan3A_102, %mul3A_105 : i32
      %swap3A = arith.index_cast %mul3A_106 : i32 to index
      %swap3A_107 = tpu.vector_load %arg12[%swap3A] {strides = array<i32>} : memref<31264xf32, #tpu.memory_space<vmem>>, vector<16xf32>,
      %swap3A_108 = vector.shape_cast %swap3A_107 : vector<16xf32> to vector<16xf32>
      %swap3A_109 = vector.shape_cast %broadcast_in_dim3A_104 : vector<16xf32> to vector<16xf32>
      tpu.vector_store %arg12[%swap3A], %swap3A_109 {strides = array<i32>} : memref<31264xf32, #tpu.memory_space<vmem>>, vector<16xf32>,
    }
    %scan3A_8 = arith.constant 1954 : i32
    %mul3A_9 = arith.constant 31264 : i32
    %mul3A_10 = arith.muli %arg1, %mul3A_9 : i32
    "tpu.region"() ({
      %run_scoped3A = tpu.sem_alloc : memref<!tpu.dma_semaphore, #tpu.memory_space<semaphore_mem>>
      %dma_start3A_102 = tpu.memref_slice %arg15[%mul3A_10] : memref<500240xf32, #tpu.memory_space<vmem_shared>> -> memref<31264xf32, #tpu.memory_space<vmem_shared>>
      %dma_start3A_103 = tpu.memref_slice %arg15[%mul3A_10] : memref<500240xf32, #tpu.memory_space<vmem_shared>> -> memref<31264xf32, #tpu.memory_space<vmem_shared>>
      tpu.enqueue_dma source(%arg12 : memref<31264xf32, #tpu.memory_space<vmem>>) target(%dma_start3A_103 : memref<31264xf32, #tpu.memory_space<vmem_shared>>) target_semaphore(%run_scoped3A : memref<!tpu.dma_semaphore, #tpu.memory_space<semaphore_mem>>)
      %dma_wait3A_104 = tpu.memref_slice %arg15[%mul3A_10] : memref<500240xf32, #tpu.memory_space<vmem_shared>> -> memref<31264xf32, #tpu.memory_space<vmem_shared>>
      %dma_wait3A_105 = tpu.memref_slice %arg15[%mul3A_10] : memref<500240xf32, #tpu.memory_space<vmem_shared>> -> memref<31264xf32, #tpu.memory_space<vmem_shared>>
      tpu.wait_dma2 semaphore(%run_scoped3A : memref<!tpu.dma_semaphore, #tpu.memory_space<semaphore_mem>>) src(%arg12 : memref<31264xf32, #tpu.memory_space<vmem>>) dst(%dma_wait3A_105 : memref<31264xf32, #tpu.memory_space<vmem_shared>>)
      tpu.yield
    }) : () -> ()
    %barrier3A = arith.constant 0 : index
    tpu.barrier barrier_id(%barrier3A)
    %iota3A = tpu.iota {dimensions = array<i32: 0>} : vector<16xi32>
    %broadcast_in_dim3A_11 = arith.constant 1 : i32
    %broadcast_in_dim3A_12 = vector.broadcast %broadcast_in_dim3A_11 : i32 to vector<16xi32>
    %broadcast_in_dim3A_13 = arith.constant 0 : i32
    %broadcast_in_dim3A_14 = vector.broadcast %broadcast_in_dim3A_13 : i32 to vector<16xi32>
    %broadcast_in_dim3A_15 = arith.constant 500224 : i32
    %broadcast_in_dim3A_16 = vector.broadcast %broadcast_in_dim3A_15 : i32 to vector<16xi32>
    %broadcast_in_dim3A_17 = arith.constant 0.000000e+00 : f32
    %broadcast_in_dim3A_18 = vector.broadcast %broadcast_in_dim3A_17 : f32 to vector<16xf32>
    %ge3A = arith.constant 15 : i32
    %ge3A_19 = vector.broadcast %ge3A : i32 to vector<16xi32>
    %ge3A_20 = arith.cmpi sge, %iota3A, %ge3A_19 : vector<16xi32>
    %select_n3A = arith.select %ge3A_20, %broadcast_in_dim3A_12, %broadcast_in_dim3A_14 : vector<16xi1>, vector<16xi32>
    %ge3A_21 = arith.constant 14 : i32
    %ge3A_22 = vector.broadcast %ge3A_21 : i32 to vector<16xi32>
    %ge3A_23 = arith.cmpi sge, %iota3A, %ge3A_22 : vector<16xi32>
    %select_n3A_24 = arith.select %ge3A_23, %broadcast_in_dim3A_12, %broadcast_in_dim3A_14 : vector<16xi1>, vector<16xi32>
    %ge3A_25 = arith.constant 13 : i32
    %ge3A_26 = vector.broadcast %ge3A_25 : i32 to vector<16xi32>
    %ge3A_27 = arith.cmpi sge, %iota3A, %ge3A_26 : vector<16xi32>
    %select_n3A_28 = arith.select %ge3A_27, %broadcast_in_dim3A_12, %broadcast_in_dim3A_14 : vector<16xi1>, vector<16xi32>
    %ge3A_29 = arith.constant 12 : i32
    %ge3A_30 = vector.broadcast %ge3A_29 : i32 to vector<16xi32>
    %ge3A_31 = arith.cmpi sge, %iota3A, %ge3A_30 : vector<16xi32>
    %select_n3A_32 = arith.select %ge3A_31, %broadcast_in_dim3A_12, %broadcast_in_dim3A_14 : vector<16xi1>, vector<16xi32>
    %ge3A_33 = arith.constant 11 : i32
    %ge3A_34 = vector.broadcast %ge3A_33 : i32 to vector<16xi32>
    %ge3A_35 = arith.cmpi sge, %iota3A, %ge3A_34 : vector<16xi32>
    %select_n3A_36 = arith.select %ge3A_35, %broadcast_in_dim3A_12, %broadcast_in_dim3A_14 : vector<16xi1>, vector<16xi32>
    %ge3A_37 = arith.constant 10 : i32
    %ge3A_38 = vector.broadcast %ge3A_37 : i32 to vector<16xi32>
    %ge3A_39 = arith.cmpi sge, %iota3A, %ge3A_38 : vector<16xi32>
    %select_n3A_40 = arith.select %ge3A_39, %broadcast_in_dim3A_12, %broadcast_in_dim3A_14 : vector<16xi1>, vector<16xi32>
    %ge3A_41 = arith.constant 9 : i32
    %ge3A_42 = vector.broadcast %ge3A_41 : i32 to vector<16xi32>
    %ge3A_43 = arith.cmpi sge, %iota3A, %ge3A_42 : vector<16xi32>
    %select_n3A_44 = arith.select %ge3A_43, %broadcast_in_dim3A_12, %broadcast_in_dim3A_14 : vector<16xi1>, vector<16xi32>
    %ge3A_45 = arith.constant 8 : i32
    %ge3A_46 = vector.broadcast %ge3A_45 : i32 to vector<16xi32>
    %ge3A_47 = arith.cmpi sge, %iota3A, %ge3A_46 : vector<16xi32>
    %select_n3A_48 = arith.select %ge3A_47, %broadcast_in_dim3A_12, %broadcast_in_dim3A_14 : vector<16xi1>, vector<16xi32>
    %ge3A_49 = arith.constant 7 : i32
    %ge3A_50 = vector.broadcast %ge3A_49 : i32 to vector<16xi32>
    %ge3A_51 = arith.cmpi sge, %iota3A, %ge3A_50 : vector<16xi32>
    %select_n3A_52 = arith.select %ge3A_51, %broadcast_in_dim3A_12, %broadcast_in_dim3A_14 : vector<16xi1>, vector<16xi32>
    %ge3A_53 = arith.constant 6 : i32
    %ge3A_54 = vector.broadcast %ge3A_53 : i32 to vector<16xi32>
    %ge3A_55 = arith.cmpi sge, %iota3A, %ge3A_54 : vector<16xi32>
    %select_n3A_56 = arith.select %ge3A_55, %broadcast_in_dim3A_12, %broadcast_in_dim3A_14 : vector<16xi1>, vector<16xi32>
    %ge3A_57 = arith.constant 5 : i32
    %ge3A_58 = vector.broadcast %ge3A_57 : i32 to vector<16xi32>
    %ge3A_59 = arith.cmpi sge, %iota3A, %ge3A_58 : vector<16xi32>
    %select_n3A_60 = arith.select %ge3A_59, %broadcast_in_dim3A_12, %broadcast_in_dim3A_14 : vector<16xi1>, vector<16xi32>
    %ge3A_61 = arith.constant 4 : i32
    %ge3A_62 = vector.broadcast %ge3A_61 : i32 to vector<16xi32>
    %ge3A_63 = arith.cmpi sge, %iota3A, %ge3A_62 : vector<16xi32>
    %select_n3A_64 = arith.select %ge3A_63, %broadcast_in_dim3A_12, %broadcast_in_dim3A_14 : vector<16xi1>, vector<16xi32>
    %ge3A_65 = arith.constant 3 : i32
    %ge3A_66 = vector.broadcast %ge3A_65 : i32 to vector<16xi32>
    %ge3A_67 = arith.cmpi sge, %iota3A, %ge3A_66 : vector<16xi32>
    %select_n3A_68 = arith.select %ge3A_67, %broadcast_in_dim3A_12, %broadcast_in_dim3A_14 : vector<16xi1>, vector<16xi32>
    %ge3A_69 = arith.constant 2 : i32
    %ge3A_70 = vector.broadcast %ge3A_69 : i32 to vector<16xi32>
    %ge3A_71 = arith.cmpi sge, %iota3A, %ge3A_70 : vector<16xi32>
    %select_n3A_72 = arith.select %ge3A_71, %broadcast_in_dim3A_12, %broadcast_in_dim3A_14 : vector<16xi1>, vector<16xi32>
    %ge3A_73 = arith.constant 1 : i32
    %ge3A_74 = vector.broadcast %ge3A_73 : i32 to vector<16xi32>
    %ge3A_75 = arith.cmpi sge, %iota3A, %ge3A_74 : vector<16xi32>
    %select_n3A_76 = arith.select %ge3A_75, %broadcast_in_dim3A_12, %broadcast_in_dim3A_14 : vector<16xi1>, vector<16xi32>
    %mul3A_77 = arith.constant 20224 : i32
    %mul3A_78 = arith.muli %arg1, %mul3A_77 : i32
    %dma_start3A = tpu.memref_slice %arg4[%mul3A_78] : memref<323840xi32, #tpu.memory_space<hbm>> -> memref<128xi32, #tpu.memory_space<hbm>>
    %dma_start3A_79 = tpu.memref_slice %arg4[%mul3A_78] : memref<323840xi32, #tpu.memory_space<hbm>> -> memref<128xi32, #tpu.memory_space<hbm>>
    tpu.enqueue_dma source(%dma_start3A_79 : memref<128xi32, #tpu.memory_space<hbm>>) target(%arg9 : memref<128xi32, #tpu.memory_space<vmem>>) target_semaphore(%arg17 : memref<!tpu.dma_semaphore, #tpu.memory_space<semaphore_mem>>)
    %add3A_80 = arith.constant 128 : i32
    %add3A_81 = arith.addi %mul3A_78, %add3A_80 : i32
    %dma_start3A_82 = tpu.memref_slice %arg4[%add3A_81] : memref<323840xi32, #tpu.memory_space<hbm>> -> memref<128xi32, #tpu.memory_space<hbm>>
    %dma_start3A_83 = tpu.memref_slice %arg4[%add3A_81] : memref<323840xi32, #tpu.memory_space<hbm>> -> memref<128xi32, #tpu.memory_space<hbm>>
    tpu.enqueue_dma source(%dma_start3A_83 : memref<128xi32, #tpu.memory_space<hbm>>) target(%arg10 : memref<128xi32, #tpu.memory_space<vmem>>) target_semaphore(%arg18 : memref<!tpu.dma_semaphore, #tpu.memory_space<semaphore_mem>>)
    %scan3A_84 = arith.constant 0 : i32
    %scan3A_85 = arith.constant 0 : i32
    %scan3A_86 = arith.constant 79 : i32
    %scan3A_87 = arith.addi %scan3A_85, %scan3A_86 : i32
    %scan3A_88 = arith.constant 1 : i32
    scf.for %scan3A_102 = %scan3A_85 to %scan3A_87 step %scan3A_88  : i32 {
      %mul3A_103 = arith.constant 2 : i32
      %mul3A_104 = arith.muli %mul3A_103, %scan3A_102 : i32
      %mul3A_105 = arith.constant 128 : i32
      %mul3A_106 = arith.muli %mul3A_104, %mul3A_105 : i32
      %add3A_107 = arith.addi %mul3A_78, %mul3A_106 : i32
      %dma_wait3A_108 = tpu.memref_slice %arg4[%add3A_107] : memref<323840xi32, #tpu.memory_space<hbm>> -> memref<128xi32, #tpu.memory_space<hbm>>
      %dma_wait3A_109 = tpu.memref_slice %arg4[%add3A_107] : memref<323840xi32, #tpu.memory_space<hbm>> -> memref<128xi32, #tpu.memory_space<hbm>>
      tpu.wait_dma2 semaphore(%arg17 : memref<!tpu.dma_semaphore, #tpu.memory_space<semaphore_mem>>) src(%dma_wait3A_109 : memref<128xi32, #tpu.memory_space<hbm>>) dst(%arg9 : memref<128xi32, #tpu.memory_space<vmem>>)
      %get3A = arith.constant 0 : index
      %get3A_110 = tpu.vector_load %arg9[%get3A] {strides = array<i32>} : memref<128xi32, #tpu.memory_space<vmem>>, vector<16xi32>,
      %get3A_111 = vector.shape_cast %get3A_110 : vector<16xi32> to vector<16xi32>
      %swap3A = arith.constant 0 : index
      %swap3A_112 = tpu.vector_load %arg13[%swap3A] {strides = array<i32>} : memref<48xi32, #tpu.memory_space<vmem>>, vector<16xi32>,
      %swap3A_113 = vector.shape_cast %swap3A_112 : vector<16xi32> to vector<16xi32>
      %swap3A_114 = vector.shape_cast %get3A_111 : vector<16xi32> to vector<16xi32>
      tpu.vector_store %arg13[%swap3A], %swap3A_114 {strides = array<i32>} : memref<48xi32, #tpu.memory_space<vmem>>, vector<16xi32>,
      %swap3A_115 = arith.constant 16 : index
      %swap3A_116 = tpu.vector_load %arg13[%swap3A_115] {strides = array<i32>} : memref<48xi32, #tpu.memory_space<vmem>>, vector<16xi32>,
      %swap3A_117 = vector.shape_cast %swap3A_116 : vector<16xi32> to vector<16xi32>
      %swap3A_118 = vector.shape_cast %get3A_111 : vector<16xi32> to vector<16xi32>
      tpu.vector_store %arg13[%swap3A_115], %swap3A_118 {strides = array<i32>} : memref<48xi32, #tpu.memory_space<vmem>>, vector<16xi32>,
      %get3A_119 = arith.constant 1 : index
      %get3A_120 = tpu.vector_load %arg13[%get3A_119] {strides = array<i32>} : memref<48xi32, #tpu.memory_space<vmem>>, vector<16xi32>,
      %get3A_121 = vector.shape_cast %get3A_120 : vector<16xi32> to vector<16xi32>
      %eq3A = arith.cmpi eq, %get3A_111, %get3A_121 : vector<16xi32>
      %select_n3A_122 = arith.select %eq3A, %broadcast_in_dim3A_12, %broadcast_in_dim3A_14 : vector<16xi1>, vector<16xi32>
      %add3A_123 = arith.addi %broadcast_in_dim3A_12, %select_n3A_122 : vector<16xi32>
      %mul3A_124 = arith.muli %select_n3A_122, %select_n3A : vector<16xi32>
      %add3A_125 = arith.addi %broadcast_in_dim3A_14, %mul3A_124 : vector<16xi32>
      %get3A_126 = arith.constant 2 : index
      %get3A_127 = tpu.vector_load %arg13[%get3A_126] {strides = array<i32>} : memref<48xi32, #tpu.memory_space<vmem>>, vector<16xi32>,
      %get3A_128 = vector.shape_cast %get3A_127 : vector<16xi32> to vector<16xi32>
      %eq3A_129 = arith.cmpi eq, %get3A_111, %get3A_128 : vector<16xi32>
      %select_n3A_130 = arith.select %eq3A_129, %broadcast_in_dim3A_12, %broadcast_in_dim3A_14 : vector<16xi1>, vector<16xi32>
      %add3A_131 = arith.addi %add3A_123, %select_n3A_130 : vector<16xi32>
      %mul3A_132 = arith.muli %select_n3A_130, %select_n3A_24 : vector<16xi32>
      %add3A_133 = arith.addi %add3A_125, %mul3A_132 : vector<16xi32>
      %get3A_134 = arith.constant 3 : index
      %get3A_135 = tpu.vector_load %arg13[%get3A_134] {strides = array<i32>} : memref<48xi32, #tpu.memory_space<vmem>>, vector<16xi32>,
      %get3A_136 = vector.shape_cast %get3A_135 : vector<16xi32> to vector<16xi32>
      %eq3A_137 = arith.cmpi eq, %get3A_111, %get3A_136 : vector<16xi32>
      %select_n3A_138 = arith.select %eq3A_137, %broadcast_in_dim3A_12, %broadcast_in_dim3A_14 : vector<16xi1>, vector<16xi32>
      %add3A_139 = arith.addi %add3A_131, %select_n3A_138 : vector<16xi32>
      %mul3A_140 = arith.muli %select_n3A_138, %select_n3A_28 : vector<16xi32>
      %add3A_141 = arith.addi %add3A_133, %mul3A_140 : vector<16xi32>
      %get3A_142 = arith.constant 4 : index
      %get3A_143 = tpu.vector_load %arg13[%get3A_142] {strides = array<i32>} : memref<48xi32, #tpu.memory_space<vmem>>, vector<16xi32>,
      %get3A_144 = vector.shape_cast %get3A_143 : vector<16xi32> to vector<16xi32>
      %eq3A_145 = arith.cmpi eq, %get3A_111, %get3A_144 : vector<16xi32>
      %select_n3A_146 = arith.select %eq3A_145, %broadcast_in_dim3A_12, %broadcast_in_dim3A_14 : vector<16xi1>, vector<16xi32>
      %add3A_147 = arith.addi %add3A_139, %select_n3A_146 : vector<16xi32>
      %mul3A_148 = arith.muli %select_n3A_146, %select_n3A_32 : vector<16xi32>
      %add3A_149 = arith.addi %add3A_141, %mul3A_148 : vector<16xi32>
      %get3A_150 = arith.constant 5 : index
      %get3A_151 = tpu.vector_load %arg13[%get3A_150] {strides = array<i32>} : memref<48xi32, #tpu.memory_space<vmem>>, vector<16xi32>,
      %get3A_152 = vector.shape_cast %get3A_151 : vector<16xi32> to vector<16xi32>
      %eq3A_153 = arith.cmpi eq, %get3A_111, %get3A_152 : vector<16xi32>
      %select_n3A_154 = arith.select %eq3A_153, %broadcast_in_dim3A_12, %broadcast_in_dim3A_14 : vector<16xi1>, vector<16xi32>
      %add3A_155 = arith.addi %add3A_147, %select_n3A_154 : vector<16xi32>
      %mul3A_156 = arith.muli %select_n3A_154, %select_n3A_36 : vector<16xi32>
      %add3A_157 = arith.addi %add3A_149, %mul3A_156 : vector<16xi32>
      %get3A_158 = arith.constant 6 : index
      %get3A_159 = tpu.vector_load %arg13[%get3A_158] {strides = array<i32>} : memref<48xi32, #tpu.memory_space<vmem>>, vector<16xi32>,
      %get3A_160 = vector.shape_cast %get3A_159 : vector<16xi32> to vector<16xi32>
      %eq3A_161 = arith.cmpi eq, %get3A_111, %get3A_160 : vector<16xi32>
      %select_n3A_162 = arith.select %eq3A_161, %broadcast_in_dim3A_12, %broadcast_in_dim3A_14 : vector<16xi1>, vector<16xi32>
      %add3A_163 = arith.addi %add3A_155, %select_n3A_162 : vector<16xi32>
      %mul3A_164 = arith.muli %select_n3A_162, %select_n3A_40 : vector<16xi32>
      %add3A_165 = arith.addi %add3A_157, %mul3A_164 : vector<16xi32>
      %get3A_166 = arith.constant 7 : index
      %get3A_167 = tpu.vector_load %arg13[%get3A_166] {strides = array<i32>} : memref<48xi32, #tpu.memory_space<vmem>>, vector<16xi32>,
      %get3A_168 = vector.shape_cast %get3A_167 : vector<16xi32> to vector<16xi32>
      %eq3A_169 = arith.cmpi eq, %get3A_111, %get3A_168 : vector<16xi32>
      %select_n3A_170 = arith.select %eq3A_169, %broadcast_in_dim3A_12, %broadcast_in_dim3A_14 : vector<16xi1>, vector<16xi32>
      %add3A_171 = arith.addi %add3A_163, %select_n3A_170 : vector<16xi32>
      %mul3A_172 = arith.muli %select_n3A_170, %select_n3A_44 : vector<16xi32>
      %add3A_173 = arith.addi %add3A_165, %mul3A_172 : vector<16xi32>
      %get3A_174 = arith.constant 8 : index
      %get3A_175 = tpu.vector_load %arg13[%get3A_174] {strides = array<i32>} : memref<48xi32, #tpu.memory_space<vmem>>, vector<16xi32>,
      %get3A_176 = vector.shape_cast %get3A_175 : vector<16xi32> to vector<16xi32>
      %eq3A_177 = arith.cmpi eq, %get3A_111, %get3A_176 : vector<16xi32>
      %select_n3A_178 = arith.select %eq3A_177, %broadcast_in_dim3A_12, %broadcast_in_dim3A_14 : vector<16xi1>, vector<16xi32>
      %add3A_179 = arith.addi %add3A_171, %select_n3A_178 : vector<16xi32>
      %mul3A_180 = arith.muli %select_n3A_178, %select_n3A_48 : vector<16xi32>
      %add3A_181 = arith.addi %add3A_173, %mul3A_180 : vector<16xi32>
      %get3A_182 = arith.constant 9 : index
      %get3A_183 = tpu.vector_load %arg13[%get3A_182] {strides = array<i32>} : memref<48xi32, #tpu.memory_space<vmem>>, vector<16xi32>,
      %get3A_184 = vector.shape_cast %get3A_183 : vector<16xi32> to vector<16xi32>
      %eq3A_185 = arith.cmpi eq, %get3A_111, %get3A_184 : vector<16xi32>
      %select_n3A_186 = arith.select %eq3A_185, %broadcast_in_dim3A_12, %broadcast_in_dim3A_14 : vector<16xi1>, vector<16xi32>
      %add3A_187 = arith.addi %add3A_179, %select_n3A_186 : vector<16xi32>
      %mul3A_188 = arith.muli %select_n3A_186, %select_n3A_52 : vector<16xi32>
      %add3A_189 = arith.addi %add3A_181, %mul3A_188 : vector<16xi32>
      %get3A_190 = arith.constant 10 : index
      %get3A_191 = tpu.vector_load %arg13[%get3A_190] {strides = array<i32>} : memref<48xi32, #tpu.memory_space<vmem>>, vector<16xi32>,
      %get3A_192 = vector.shape_cast %get3A_191 : vector<16xi32> to vector<16xi32>
      %eq3A_193 = arith.cmpi eq, %get3A_111, %get3A_192 : vector<16xi32>
      %select_n3A_194 = arith.select %eq3A_193, %broadcast_in_dim3A_12, %broadcast_in_dim3A_14 : vector<16xi1>, vector<16xi32>
      %add3A_195 = arith.addi %add3A_187, %select_n3A_194 : vector<16xi32>
      %mul3A_196 = arith.muli %select_n3A_194, %select_n3A_56 : vector<16xi32>
      %add3A_197 = arith.addi %add3A_189, %mul3A_196 : vector<16xi32>
      %get3A_198 = arith.constant 11 : index
      %get3A_199 = tpu.vector_load %arg13[%get3A_198] {strides = array<i32>} : memref<48xi32, #tpu.memory_space<vmem>>, vector<16xi32>,
      %get3A_200 = vector.shape_cast %get3A_199 : vector<16xi32> to vector<16xi32>
      %eq3A_201 = arith.cmpi eq, %get3A_111, %get3A_200 : vector<16xi32>
      %select_n3A_202 = arith.select %eq3A_201, %broadcast_in_dim3A_12, %broadcast_in_dim3A_14 : vector<16xi1>, vector<16xi32>
      %add3A_203 = arith.addi %add3A_195, %select_n3A_202 : vector<16xi32>
      %mul3A_204 = arith.muli %select_n3A_202, %select_n3A_60 : vector<16xi32>
      %add3A_205 = arith.addi %add3A_197, %mul3A_204 : vector<16xi32>
      %get3A_206 = arith.constant 12 : index
      %get3A_207 = tpu.vector_load %arg13[%get3A_206] {strides = array<i32>} : memref<48xi32, #tpu.memory_space<vmem>>, vector<16xi32>,
      %get3A_208 = vector.shape_cast %get3A_207 : vector<16xi32> to vector<16xi32>
      %eq3A_209 = arith.cmpi eq, %get3A_111, %get3A_208 : vector<16xi32>
      %select_n3A_210 = arith.select %eq3A_209, %broadcast_in_dim3A_12, %broadcast_in_dim3A_14 : vector<16xi1>, vector<16xi32>
      %add3A_211 = arith.addi %add3A_203, %select_n3A_210 : vector<16xi32>
      %mul3A_212 = arith.muli %select_n3A_210, %select_n3A_64 : vector<16xi32>
      %add3A_213 = arith.addi %add3A_205, %mul3A_212 : vector<16xi32>
      %get3A_214 = arith.constant 13 : index
      %get3A_215 = tpu.vector_load %arg13[%get3A_214] {strides = array<i32>} : memref<48xi32, #tpu.memory_space<vmem>>, vector<16xi32>,
      %get3A_216 = vector.shape_cast %get3A_215 : vector<16xi32> to vector<16xi32>
      %eq3A_217 = arith.cmpi eq, %get3A_111, %get3A_216 : vector<16xi32>
      %select_n3A_218 = arith.select %eq3A_217, %broadcast_in_dim3A_12, %broadcast_in_dim3A_14 : vector<16xi1>, vector<16xi32>
      %add3A_219 = arith.addi %add3A_211, %select_n3A_218 : vector<16xi32>
      %mul3A_220 = arith.muli %select_n3A_218, %select_n3A_68 : vector<16xi32>
      %add3A_221 = arith.addi %add3A_213, %mul3A_220 : vector<16xi32>
      %get3A_222 = arith.constant 14 : index
      %get3A_223 = tpu.vector_load %arg13[%get3A_222] {strides = array<i32>} : memref<48xi32, #tpu.memory_space<vmem>>, vector<16xi32>,
      %get3A_224 = vector.shape_cast %get3A_223 : vector<16xi32> to vector<16xi32>
      %eq3A_225 = arith.cmpi eq, %get3A_111, %get3A_224 : vector<16xi32>
      %select_n3A_226 = arith.select %eq3A_225, %broadcast_in_dim3A_12, %broadcast_in_dim3A_14 : vector<16xi1>, vector<16xi32>
      %add3A_227 = arith.addi %add3A_219, %select_n3A_226 : vector<16xi32>
      %mul3A_228 = arith.muli %select_n3A_226, %select_n3A_72 : vector<16xi32>
      %add3A_229 = arith.addi %add3A_221, %mul3A_228 : vector<16xi32>
      %get3A_230 = arith.constant 15 : index
      %get3A_231 = tpu.vector_load %arg13[%get3A_230] {strides = array<i32>} : memref<48xi32, #tpu.memory_space<vmem>>, vector<16xi32>,
      %get3A_232 = vector.shape_cast %get3A_231 : vector<16xi32> to vector<16xi32>
      %eq3A_233 = arith.cmpi eq, %get3A_111, %get3A_232 : vector<16xi32>
      %select_n3A_234 = arith.select %eq3A_233, %broadcast_in_dim3A_12, %broadcast_in_dim3A_14 : vector<16xi1>, vector<16xi32>
      %add3A_235 = arith.addi %add3A_227, %select_n3A_234 : vector<16xi32>
      %mul3A_236 = arith.muli %select_n3A_234, %select_n3A_76 : vector<16xi32>
      %add3A_237 = arith.addi %add3A_229, %mul3A_236 : vector<16xi32>
      %ge3A_238 = vector.broadcast %mul3A_2 : i32 to vector<16xi32>
      %ge3A_239 = arith.cmpi sge, %get3A_111, %ge3A_238 : vector<16xi32>
      %select_n3A_240 = arith.select %ge3A_239, %broadcast_in_dim3A_14, %broadcast_in_dim3A_12 : vector<16xi1>, vector<16xi32>
      %add3A_241 = arith.constant 500224 : i32
      %add3A_242 = arith.addi %mul3A_2, %add3A_241 : i32
      %lt3A = vector.broadcast %add3A_242 : i32 to vector<16xi32>
      %lt3A_243 = arith.cmpi slt, %get3A_111, %lt3A : vector<16xi32>
      %select_n3A_244 = arith.select %lt3A_243, %broadcast_in_dim3A_14, %broadcast_in_dim3A_12 : vector<16xi1>, vector<16xi32>
      %add3A_245 = arith.addi %add3A_237, %select_n3A_240 : vector<16xi32>
      %add3A_246 = arith.addi %add3A_245, %select_n3A_244 : vector<16xi32>
      %eq3A_247 = arith.cmpi eq, %add3A_246, %broadcast_in_dim3A_14 : vector<16xi32>
      %sub3A = vector.broadcast %mul3A_2 : i32 to vector<16xi32>
      %sub3A_248 = arith.subi %get3A_111, %sub3A : vector<16xi32>
      %select_n3A_249 = arith.select %eq3A_247, %sub3A_248, %broadcast_in_dim3A_16 : vector<16xi1>, vector<16xi32>
      %swap3A_250 = arith.constant 0 : index
      %swap3A_251 = tpu.vector_load %arg9[%swap3A_250] {strides = array<i32>} : memref<128xi32, #tpu.memory_space<vmem>>, vector<16xi32>,
      %swap3A_252 = vector.shape_cast %swap3A_251 : vector<16xi32> to vector<16xi32>
      %swap3A_253 = vector.shape_cast %select_n3A_249 : vector<16xi32> to vector<16xi32>
      tpu.vector_store %arg9[%swap3A_250], %swap3A_253 {strides = array<i32>} : memref<128xi32, #tpu.memory_space<vmem>>, vector<16xi32>,
      %eq3A_254 = arith.cmpi eq, %add3A_237, %broadcast_in_dim3A_14 : vector<16xi32>
      %convert_element_type3A = arith.sitofp %add3A_235 : vector<16xi32> to vector<16xf32>
      %select_n3A_255 = arith.select %eq3A_254, %convert_element_type3A, %broadcast_in_dim3A_18 : vector<16xi1>, vector<16xf32>
      %swap3A_256 = arith.constant 0 : index
      %swap3A_257 = tpu.vector_load %arg11[%swap3A_256] {strides = array<i32>} : memref<128xf32, #tpu.memory_space<vmem>>, vector<16xf32>,
      %swap3A_258 = vector.shape_cast %swap3A_257 : vector<16xf32> to vector<16xf32>
      %swap3A_259 = vector.shape_cast %select_n3A_255 : vector<16xf32> to vector<16xf32>
      tpu.vector_store %arg11[%swap3A_256], %swap3A_259 {strides = array<i32>} : memref<128xf32, #tpu.memory_space<vmem>>, vector<16xf32>,
      %get3A_260 = arith.constant 16 : index
      %get3A_261 = tpu.vector_load %arg9[%get3A_260] {strides = array<i32>} : memref<128xi32, #tpu.memory_space<vmem>>, vector<16xi32>,
      %get3A_262 = vector.shape_cast %get3A_261 : vector<16xi32> to vector<16xi32>
      %swap3A_263 = arith.constant 0 : index
      %swap3A_264 = tpu.vector_load %arg13[%swap3A_263] {strides = array<i32>} : memref<48xi32, #tpu.memory_space<vmem>>, vector<16xi32>,
      %swap3A_265 = vector.shape_cast %swap3A_264 : vector<16xi32> to vector<16xi32>
      %swap3A_266 = vector.shape_cast %get3A_262 : vector<16xi32> to vector<16xi32>
      tpu.vector_store %arg13[%swap3A_263], %swap3A_266 {strides = array<i32>} : memref<48xi32, #tpu.memory_space<vmem>>, vector<16xi32>,
      %swap3A_267 = arith.constant 16 : index
      %swap3A_268 = tpu.vector_load %arg13[%swap3A_267] {strides = array<i32>} : memref<48xi32, #tpu.memory_space<vmem>>, vector<16xi32>,
      %swap3A_269 = vector.shape_cast %swap3A_268 : vector<16xi32> to vector<16xi32>
      %swap3A_270 = vector.shape_cast %get3A_262 : vector<16xi32> to vector<16xi32>
      tpu.vector_store %arg13[%swap3A_267], %swap3A_270 {strides = array<i32>} : memref<48xi32, #tpu.memory_space<vmem>>, vector<16xi32>,
      %get3A_271 = arith.constant 1 : index
      %get3A_272 = tpu.vector_load %arg13[%get3A_271] {strides = array<i32>} : memref<48xi32, #tpu.memory_space<vmem>>, vector<16xi32>,
      %get3A_273 = vector.shape_cast %get3A_272 : vector<16xi32> to vector<16xi32>
      %eq3A_274 = arith.cmpi eq, %get3A_262, %get3A_273 : vector<16xi32>
      %select_n3A_275 = arith.select %eq3A_274, %broadcast_in_dim3A_12, %broadcast_in_dim3A_14 : vector<16xi1>, vector<16xi32>
      %add3A_276 = arith.addi %broadcast_in_dim3A_12, %select_n3A_275 : vector<16xi32>
      %mul3A_277 = arith.muli %select_n3A_275, %select_n3A : vector<16xi32>
      %add3A_278 = arith.addi %broadcast_in_dim3A_14, %mul3A_277 : vector<16xi32>
      %get3A_279 = arith.constant 2 : index
      %get3A_280 = tpu.vector_load %arg13[%get3A_279] {strides = array<i32>} : memref<48xi32, #tpu.memory_space<vmem>>, vector<16xi32>,
      %get3A_281 = vector.shape_cast %get3A_280 : vector<16xi32> to vector<16xi32>
      %eq3A_282 = arith.cmpi eq, %get3A_262, %get3A_281 : vector<16xi32>
      %select_n3A_283 = arith.select %eq3A_282, %broadcast_in_dim3A_12, %broadcast_in_dim3A_14 : vector<16xi1>, vector<16xi32>
      %add3A_284 = arith.addi %add3A_276, %select_n3A_283 : vector<16xi32>
      %mul3A_285 = arith.muli %select_n3A_283, %select_n3A_24 : vector<16xi32>
      %add3A_286 = arith.addi %add3A_278, %mul3A_285 : vector<16xi32>
      %get3A_287 = arith.constant 3 : index
      %get3A_288 = tpu.vector_load %arg13[%get3A_287] {strides = array<i32>} : memref<48xi32, #tpu.memory_space<vmem>>, vector<16xi32>,
      %get3A_289 = vector.shape_cast %get3A_288 : vector<16xi32> to vector<16xi32>
      %eq3A_290 = arith.cmpi eq, %get3A_262, %get3A_289 : vector<16xi32>
      %select_n3A_291 = arith.select %eq3A_290, %broadcast_in_dim3A_12, %broadcast_in_dim3A_14 : vector<16xi1>, vector<16xi32>
      %add3A_292 = arith.addi %add3A_284, %select_n3A_291 : vector<16xi32>
      %mul3A_293 = arith.muli %select_n3A_291, %select_n3A_28 : vector<16xi32>
      %add3A_294 = arith.addi %add3A_286, %mul3A_293 : vector<16xi32>
      %get3A_295 = arith.constant 4 : index
      %get3A_296 = tpu.vector_load %arg13[%get3A_295] {strides = array<i32>} : memref<48xi32, #tpu.memory_space<vmem>>, vector<16xi32>,
      %get3A_297 = vector.shape_cast %get3A_296 : vector<16xi32> to vector<16xi32>
      %eq3A_298 = arith.cmpi eq, %get3A_262, %get3A_297 : vector<16xi32>
      %select_n3A_299 = arith.select %eq3A_298, %broadcast_in_dim3A_12, %broadcast_in_dim3A_14 : vector<16xi1>, vector<16xi32>
      %add3A_300 = arith.addi %add3A_292, %select_n3A_299 : vector<16xi32>
      %mul3A_301 = arith.muli %select_n3A_299, %select_n3A_32 : vector<16xi32>
      %add3A_302 = arith.addi %add3A_294, %mul3A_301 : vector<16xi32>
      %get3A_303 = arith.constant 5 : index
      %get3A_304 = tpu.vector_load %arg13[%get3A_303] {strides = array<i32>} : memref<48xi32, #tpu.memory_space<vmem>>, vector<16xi32>,
      %get3A_305 = vector.shape_cast %get3A_304 : vector<16xi32> to vector<16xi32>
      %eq3A_306 = arith.cmpi eq, %get3A_262, %get3A_305 : vector<16xi32>
      %select_n3A_307 = arith.select %eq3A_306, %broadcast_in_dim3A_12, %broadcast_in_dim3A_14 : vector<16xi1>, vector<16xi32>
      %add3A_308 = arith.addi %add3A_300, %select_n3A_307 : vector<16xi32>
      %mul3A_309 = arith.muli %select_n3A_307, %select_n3A_36 : vector<16xi32>
      %add3A_310 = arith.addi %add3A_302, %mul3A_309 : vector<16xi32>
      %get3A_311 = arith.constant 6 : index
      %get3A_312 = tpu.vector_load %arg13[%get3A_311] {strides = array<i32>} : memref<48xi32, #tpu.memory_space<vmem>>, vector<16xi32>,
      %get3A_313 = vector.shape_cast %get3A_312 : vector<16xi32> to vector<16xi32>
      %eq3A_314 = arith.cmpi eq, %get3A_262, %get3A_313 : vector<16xi32>
      %select_n3A_315 = arith.select %eq3A_314, %broadcast_in_dim3A_12, %broadcast_in_dim3A_14 : vector<16xi1>, vector<16xi32>
      %add3A_316 = arith.addi %add3A_308, %select_n3A_315 : vector<16xi32>
      %mul3A_317 = arith.muli %select_n3A_315, %select_n3A_40 : vector<16xi32>
      %add3A_318 = arith.addi %add3A_310, %mul3A_317 : vector<16xi32>
      %get3A_319 = arith.constant 7 : index
      %get3A_320 = tpu.vector_load %arg13[%get3A_319] {strides = array<i32>} : memref<48xi32, #tpu.memory_space<vmem>>, vector<16xi32>,
      %get3A_321 = vector.shape_cast %get3A_320 : vector<16xi32> to vector<16xi32>
      %eq3A_322 = arith.cmpi eq, %get3A_262, %get3A_321 : vector<16xi32>
      %select_n3A_323 = arith.select %eq3A_322, %broadcast_in_dim3A_12, %broadcast_in_dim3A_14 : vector<16xi1>, vector<16xi32>
      %add3A_324 = arith.addi %add3A_316, %select_n3A_323 : vector<16xi32>
      %mul3A_325 = arith.muli %select_n3A_323, %select_n3A_44 : vector<16xi32>
      %add3A_326 = arith.addi %add3A_318, %mul3A_325 : vector<16xi32>
      %get3A_327 = arith.constant 8 : index
      %get3A_328 = tpu.vector_load %arg13[%get3A_327] {strides = array<i32>} : memref<48xi32, #tpu.memory_space<vmem>>, vector<16xi32>,
      %get3A_329 = vector.shape_cast %get3A_328 : vector<16xi32> to vector<16xi32>
      %eq3A_330 = arith.cmpi eq, %get3A_262, %get3A_329 : vector<16xi32>
      %select_n3A_331 = arith.select %eq3A_330, %broadcast_in_dim3A_12, %broadcast_in_dim3A_14 : vector<16xi1>, vector<16xi32>
      %add3A_332 = arith.addi %add3A_324, %select_n3A_331 : vector<16xi32>
      %mul3A_333 = arith.muli %select_n3A_331, %select_n3A_48 : vector<16xi32>
      %add3A_334 = arith.addi %add3A_326, %mul3A_333 : vector<16xi32>
      %get3A_335 = arith.constant 9 : index
      %get3A_336 = tpu.vector_load %arg13[%get3A_335] {strides = array<i32>} : memref<48xi32, #tpu.memory_space<vmem>>, vector<16xi32>,
      %get3A_337 = vector.shape_cast %get3A_336 : vector<16xi32> to vector<16xi32>
      %eq3A_338 = arith.cmpi eq, %get3A_262, %get3A_337 : vector<16xi32>
      %select_n3A_339 = arith.select %eq3A_338, %broadcast_in_dim3A_12, %broadcast_in_dim3A_14 : vector<16xi1>, vector<16xi32>
      %add3A_340 = arith.addi %add3A_332, %select_n3A_339 : vector<16xi32>
      %mul3A_341 = arith.muli %select_n3A_339, %select_n3A_52 : vector<16xi32>
      %add3A_342 = arith.addi %add3A_334, %mul3A_341 : vector<16xi32>
      %get3A_343 = arith.constant 10 : index
      %get3A_344 = tpu.vector_load %arg13[%get3A_343] {strides = array<i32>} : memref<48xi32, #tpu.memory_space<vmem>>, vector<16xi32>,
      %get3A_345 = vector.shape_cast %get3A_344 : vector<16xi32> to vector<16xi32>
      %eq3A_346 = arith.cmpi eq, %get3A_262, %get3A_345 : vector<16xi32>
      %select_n3A_347 = arith.select %eq3A_346, %broadcast_in_dim3A_12, %broadcast_in_dim3A_14 : vector<16xi1>, vector<16xi32>
      %add3A_348 = arith.addi %add3A_340, %select_n3A_347 : vector<16xi32>
      %mul3A_349 = arith.muli %select_n3A_347, %select_n3A_56 : vector<16xi32>
      %add3A_350 = arith.addi %add3A_342, %mul3A_349 : vector<16xi32>
      %get3A_351 = arith.constant 11 : index
      %get3A_352 = tpu.vector_load %arg13[%get3A_351] {strides = array<i32>} : memref<48xi32, #tpu.memory_space<vmem>>, vector<16xi32>,
      %get3A_353 = vector.shape_cast %get3A_352 : vector<16xi32> to vector<16xi32>
      %eq3A_354 = arith.cmpi eq, %get3A_262, %get3A_353 : vector<16xi32>
      %select_n3A_355 = arith.select %eq3A_354, %broadcast_in_dim3A_12, %broadcast_in_dim3A_14 : vector<16xi1>, vector<16xi32>
      %add3A_356 = arith.addi %add3A_348, %select_n3A_355 : vector<16xi32>
      %mul3A_357 = arith.muli %select_n3A_355, %select_n3A_60 : vector<16xi32>
      %add3A_358 = arith.addi %add3A_350, %mul3A_357 : vector<16xi32>
      %get3A_359 = arith.constant 12 : index
      %get3A_360 = tpu.vector_load %arg13[%get3A_359] {strides = array<i32>} : memref<48xi32, #tpu.memory_space<vmem>>, vector<16xi32>,
      %get3A_361 = vector.shape_cast %get3A_360 : vector<16xi32> to vector<16xi32>
      %eq3A_362 = arith.cmpi eq, %get3A_262, %get3A_361 : vector<16xi32>
      %select_n3A_363 = arith.select %eq3A_362, %broadcast_in_dim3A_12, %broadcast_in_dim3A_14 : vector<16xi1>, vector<16xi32>
      %add3A_364 = arith.addi %add3A_356, %select_n3A_363 : vector<16xi32>
      %mul3A_365 = arith.muli %select_n3A_363, %select_n3A_64 : vector<16xi32>
      %add3A_366 = arith.addi %add3A_358, %mul3A_365 : vector<16xi32>
      %get3A_367 = arith.constant 13 : index
      %get3A_368 = tpu.vector_load %arg13[%get3A_367] {strides = array<i32>} : memref<48xi32, #tpu.memory_space<vmem>>, vector<16xi32>,
      %get3A_369 = vector.shape_cast %get3A_368 : vector<16xi32> to vector<16xi32>
      %eq3A_370 = arith.cmpi eq, %get3A_262, %get3A_369 : vector<16xi32>
      %select_n3A_371 = arith.select %eq3A_370, %broadcast_in_dim3A_12, %broadcast_in_dim3A_14 : vector<16xi1>, vector<16xi32>
      %add3A_372 = arith.addi %add3A_364, %select_n3A_371 : vector<16xi32>
      %mul3A_373 = arith.muli %select_n3A_371, %select_n3A_68 : vector<16xi32>
      %add3A_374 = arith.addi %add3A_366, %mul3A_373 : vector<16xi32>
      %get3A_375 = arith.constant 14 : index
      %get3A_376 = tpu.vector_load %arg13[%get3A_375] {strides = array<i32>} : memref<48xi32, #tpu.memory_space<vmem>>, vector<16xi32>,
      %get3A_377 = vector.shape_cast %get3A_376 : vector<16xi32> to vector<16xi32>
      %eq3A_378 = arith.cmpi eq, %get3A_262, %get3A_377 : vector<16xi32>
      %select_n3A_379 = arith.select %eq3A_378, %broadcast_in_dim3A_12, %broadcast_in_dim3A_14 : vector<16xi1>, vector<16xi32>
      %add3A_380 = arith.addi %add3A_372, %select_n3A_379 : vector<16xi32>
      %mul3A_381 = arith.muli %select_n3A_379, %select_n3A_72 : vector<16xi32>
      %add3A_382 = arith.addi %add3A_374, %mul3A_381 : vector<16xi32>
      %get3A_383 = arith.constant 15 : index
      %get3A_384 = tpu.vector_load %arg13[%get3A_383] {strides = array<i32>} : memref<48xi32, #tpu.memory_space<vmem>>, vector<16xi32>,
      %get3A_385 = vector.shape_cast %get3A_384 : vector<16xi32> to vector<16xi32>
      %eq3A_386 = arith.cmpi eq, %get3A_262, %get3A_385 : vector<16xi32>
      %select_n3A_387 = arith.select %eq3A_386, %broadcast_in_dim3A_12, %broadcast_in_dim3A_14 : vector<16xi1>, vector<16xi32>
      %add3A_388 = arith.addi %add3A_380, %select_n3A_387 : vector<16xi32>
      %mul3A_389 = arith.muli %select_n3A_387, %select_n3A_76 : vector<16xi32>
      %add3A_390 = arith.addi %add3A_382, %mul3A_389 : vector<16xi32>
      %ge3A_391 = vector.broadcast %mul3A_2 : i32 to vector<16xi32>
      %ge3A_392 = arith.cmpi sge, %get3A_262, %ge3A_391 : vector<16xi32>
      %select_n3A_393 = arith.select %ge3A_392, %broadcast_in_dim3A_14, %broadcast_in_dim3A_12 : vector<16xi1>, vector<16xi32>
      %add3A_394 = arith.constant 500224 : i32
      %add3A_395 = arith.addi %mul3A_2, %add3A_394 : i32
      %lt3A_396 = vector.broadcast %add3A_395 : i32 to vector<16xi32>
      %lt3A_397 = arith.cmpi slt, %get3A_262, %lt3A_396 : vector<16xi32>
      %select_n3A_398 = arith.select %lt3A_397, %broadcast_in_dim3A_14, %broadcast_in_dim3A_12 : vector<16xi1>, vector<16xi32>
      %add3A_399 = arith.addi %add3A_390, %select_n3A_393 : vector<16xi32>
      %add3A_400 = arith.addi %add3A_399, %select_n3A_398 : vector<16xi32>
      %eq3A_401 = arith.cmpi eq, %add3A_400, %broadcast_in_dim3A_14 : vector<16xi32>
      %sub3A_402 = vector.broadcast %mul3A_2 : i32 to vector<16xi32>
      %sub3A_403 = arith.subi %get3A_262, %sub3A_402 : vector<16xi32>
      %select_n3A_404 = arith.select %eq3A_401, %sub3A_403, %broadcast_in_dim3A_16 : vector<16xi1>, vector<16xi32>
      %swap3A_405 = arith.constant 16 : index
      %swap3A_406 = tpu.vector_load %arg9[%swap3A_405] {strides = array<i32>} : memref<128xi32, #tpu.memory_space<vmem>>, vector<16xi32>,
      %swap3A_407 = vector.shape_cast %swap3A_406 : vector<16xi32> to vector<16xi32>
      %swap3A_408 = vector.shape_cast %select_n3A_404 : vector<16xi32> to vector<16xi32>
      tpu.vector_store %arg9[%swap3A_405], %swap3A_408 {strides = array<i32>} : memref<128xi32, #tpu.memory_space<vmem>>, vector<16xi32>,
      %eq3A_409 = arith.cmpi eq, %add3A_390, %broadcast_in_dim3A_14 : vector<16xi32>
      %convert_element_type3A_410 = arith.sitofp %add3A_388 : vector<16xi32> to vector<16xf32>
      %select_n3A_411 = arith.select %eq3A_409, %convert_element_type3A_410, %broadcast_in_dim3A_18 : vector<16xi1>, vector<16xf32>
      %swap3A_412 = arith.constant 16 : index
      %swap3A_413 = tpu.vector_load %arg11[%swap3A_412] {strides = array<i32>} : memref<128xf32, #tpu.memory_space<vmem>>, vector<16xf32>,
      %swap3A_414 = vector.shape_cast %swap3A_413 : vector<16xf32> to vector<16xf32>
      %swap3A_415 = vector.shape_cast %select_n3A_411 : vector<16xf32> to vector<16xf32>
      tpu.vector_store %arg11[%swap3A_412], %swap3A_415 {strides = array<i32>} : memref<128xf32, #tpu.memory_space<vmem>>, vector<16xf32>,
      %get3A_416 = arith.constant 32 : index
      %get3A_417 = tpu.vector_load %arg9[%get3A_416] {strides = array<i32>} : memref<128xi32, #tpu.memory_space<vmem>>, vector<16xi32>,
      %get3A_418 = vector.shape_cast %get3A_417 : vector<16xi32> to vector<16xi32>
      %swap3A_419 = arith.constant 0 : index
      %swap3A_420 = tpu.vector_load %arg13[%swap3A_419] {strides = array<i32>} : memref<48xi32, #tpu.memory_space<vmem>>, vector<16xi32>,
      %swap3A_421 = vector.shape_cast %swap3A_420 : vector<16xi32> to vector<16xi32>
      %swap3A_422 = vector.shape_cast %get3A_418 : vector<16xi32> to vector<16xi32>
      tpu.vector_store %arg13[%swap3A_419], %swap3A_422 {strides = array<i32>} : memref<48xi32, #tpu.memory_space<vmem>>, vector<16xi32>,
      %swap3A_423 = arith.constant 16 : index
      %swap3A_424 = tpu.vector_load %arg13[%swap3A_423] {strides = array<i32>} : memref<48xi32, #tpu.memory_space<vmem>>, vector<16xi32>,
      %swap3A_425 = vector.shape_cast %swap3A_424 : vector<16xi32> to vector<16xi32>
      %swap3A_426 = vector.shape_cast %get3A_418 : vector<16xi32> to vector<16xi32>
      tpu.vector_store %arg13[%swap3A_423], %swap3A_426 {strides = array<i32>} : memref<48xi32, #tpu.memory_space<vmem>>, vector<16xi32>,
      %get3A_427 = arith.constant 1 : index
      %get3A_428 = tpu.vector_load %arg13[%get3A_427] {strides = array<i32>} : memref<48xi32, #tpu.memory_space<vmem>>, vector<16xi32>,
      %get3A_429 = vector.shape_cast %get3A_428 : vector<16xi32> to vector<16xi32>
      %eq3A_430 = arith.cmpi eq, %get3A_418, %get3A_429 : vector<16xi32>
      %select_n3A_431 = arith.select %eq3A_430, %broadcast_in_dim3A_12, %broadcast_in_dim3A_14 : vector<16xi1>, vector<16xi32>
      %add3A_432 = arith.addi %broadcast_in_dim3A_12, %select_n3A_431 : vector<16xi32>
      %mul3A_433 = arith.muli %select_n3A_431, %select_n3A : vector<16xi32>
      %add3A_434 = arith.addi %broadcast_in_dim3A_14, %mul3A_433 : vector<16xi32>
      %get3A_435 = arith.constant 2 : index
      %get3A_436 = tpu.vector_load %arg13[%get3A_435] {strides = array<i32>} : memref<48xi32, #tpu.memory_space<vmem>>, vector<16xi32>,
      %get3A_437 = vector.shape_cast %get3A_436 : vector<16xi32> to vector<16xi32>
      %eq3A_438 = arith.cmpi eq, %get3A_418, %get3A_437 : vector<16xi32>
      %select_n3A_439 = arith.select %eq3A_438, %broadcast_in_dim3A_12, %broadcast_in_dim3A_14 : vector<16xi1>, vector<16xi32>
      %add3A_440 = arith.addi %add3A_432, %select_n3A_439 : vector<16xi32>
      %mul3A_441 = arith.muli %select_n3A_439, %select_n3A_24 : vector<16xi32>
      %add3A_442 = arith.addi %add3A_434, %mul3A_441 : vector<16xi32>
      %get3A_443 = arith.constant 3 : index
      %get3A_444 = tpu.vector_load %arg13[%get3A_443] {strides = array<i32>} : memref<48xi32, #tpu.memory_space<vmem>>, vector<16xi32>,
      %get3A_445 = vector.shape_cast %get3A_444 : vector<16xi32> to vector<16xi32>
      %eq3A_446 = arith.cmpi eq, %get3A_418, %get3A_445 : vector<16xi32>
      %select_n3A_447 = arith.select %eq3A_446, %broadcast_in_dim3A_12, %broadcast_in_dim3A_14 : vector<16xi1>, vector<16xi32>
      %add3A_448 = arith.addi %add3A_440, %select_n3A_447 : vector<16xi32>
      %mul3A_449 = arith.muli %select_n3A_447, %select_n3A_28 : vector<16xi32>
      %add3A_450 = arith.addi %add3A_442, %mul3A_449 : vector<16xi32>
      %get3A_451 = arith.constant 4 : index
      %get3A_452 = tpu.vector_load %arg13[%get3A_451] {strides = array<i32>} : memref<48xi32, #tpu.memory_space<vmem>>, vector<16xi32>,
      %get3A_453 = vector.shape_cast %get3A_452 : vector<16xi32> to vector<16xi32>
      %eq3A_454 = arith.cmpi eq, %get3A_418, %get3A_453 : vector<16xi32>
      %select_n3A_455 = arith.select %eq3A_454, %broadcast_in_dim3A_12, %broadcast_in_dim3A_14 : vector<16xi1>, vector<16xi32>
      %add3A_456 = arith.addi %add3A_448, %select_n3A_455 : vector<16xi32>
      %mul3A_457 = arith.muli %select_n3A_455, %select_n3A_32 : vector<16xi32>
      %add3A_458 = arith.addi %add3A_450, %mul3A_457 : vector<16xi32>
      %get3A_459 = arith.constant 5 : index
      %get3A_460 = tpu.vector_load %arg13[%get3A_459] {strides = array<i32>} : memref<48xi32, #tpu.memory_space<vmem>>, vector<16xi32>,
      %get3A_461 = vector.shape_cast %get3A_460 : vector<16xi32> to vector<16xi32>
      %eq3A_462 = arith.cmpi eq, %get3A_418, %get3A_461 : vector<16xi32>
      %select_n3A_463 = arith.select %eq3A_462, %broadcast_in_dim3A_12, %broadcast_in_dim3A_14 : vector<16xi1>, vector<16xi32>
      %add3A_464 = arith.addi %add3A_456, %select_n3A_463 : vector<16xi32>
      %mul3A_465 = arith.muli %select_n3A_463, %select_n3A_36 : vector<16xi32>
      %add3A_466 = arith.addi %add3A_458, %mul3A_465 : vector<16xi32>
      %get3A_467 = arith.constant 6 : index
      %get3A_468 = tpu.vector_load %arg13[%get3A_467] {strides = array<i32>} : memref<48xi32, #tpu.memory_space<vmem>>, vector<16xi32>,
      %get3A_469 = vector.shape_cast %get3A_468 : vector<16xi32> to vector<16xi32>
      %eq3A_470 = arith.cmpi eq, %get3A_418, %get3A_469 : vector<16xi32>
      %select_n3A_471 = arith.select %eq3A_470, %broadcast_in_dim3A_12, %broadcast_in_dim3A_14 : vector<16xi1>, vector<16xi32>
      %add3A_472 = arith.addi %add3A_464, %select_n3A_471 : vector<16xi32>
      %mul3A_473 = arith.muli %select_n3A_471, %select_n3A_40 : vector<16xi32>
      %add3A_474 = arith.addi %add3A_466, %mul3A_473 : vector<16xi32>
      %get3A_475 = arith.constant 7 : index
      %get3A_476 = tpu.vector_load %arg13[%get3A_475] {strides = array<i32>} : memref<48xi32, #tpu.memory_space<vmem>>, vector<16xi32>,
      %get3A_477 = vector.shape_cast %get3A_476 : vector<16xi32> to vector<16xi32>
      %eq3A_478 = arith.cmpi eq, %get3A_418, %get3A_477 : vector<16xi32>
      %select_n3A_479 = arith.select %eq3A_478, %broadcast_in_dim3A_12, %broadcast_in_dim3A_14 : vector<16xi1>, vector<16xi32>
      %add3A_480 = arith.addi %add3A_472, %select_n3A_479 : vector<16xi32>
      %mul3A_481 = arith.muli %select_n3A_479, %select_n3A_44 : vector<16xi32>
      %add3A_482 = arith.addi %add3A_474, %mul3A_481 : vector<16xi32>
      %get3A_483 = arith.constant 8 : index
      %get3A_484 = tpu.vector_load %arg13[%get3A_483] {strides = array<i32>} : memref<48xi32, #tpu.memory_space<vmem>>, vector<16xi32>,
      %get3A_485 = vector.shape_cast %get3A_484 : vector<16xi32> to vector<16xi32>
      %eq3A_486 = arith.cmpi eq, %get3A_418, %get3A_485 : vector<16xi32>
      %select_n3A_487 = arith.select %eq3A_486, %broadcast_in_dim3A_12, %broadcast_in_dim3A_14 : vector<16xi1>, vector<16xi32>
      %add3A_488 = arith.addi %add3A_480, %select_n3A_487 : vector<16xi32>
      %mul3A_489 = arith.muli %select_n3A_487, %select_n3A_48 : vector<16xi32>
      %add3A_490 = arith.addi %add3A_482, %mul3A_489 : vector<16xi32>
      %get3A_491 = arith.constant 9 : index
      %get3A_492 = tpu.vector_load %arg13[%get3A_491] {strides = array<i32>} : memref<48xi32, #tpu.memory_space<vmem>>, vector<16xi32>,
      %get3A_493 = vector.shape_cast %get3A_492 : vector<16xi32> to vector<16xi32>
      %eq3A_494 = arith.cmpi eq, %get3A_418, %get3A_493 : vector<16xi32>
      %select_n3A_495 = arith.select %eq3A_494, %broadcast_in_dim3A_12, %broadcast_in_dim3A_14 : vector<16xi1>, vector<16xi32>
      %add3A_496 = arith.addi %add3A_488, %select_n3A_495 : vector<16xi32>
      %mul3A_497 = arith.muli %select_n3A_495, %select_n3A_52 : vector<16xi32>
      %add3A_498 = arith.addi %add3A_490, %mul3A_497 : vector<16xi32>
      %get3A_499 = arith.constant 10 : index
      %get3A_500 = tpu.vector_load %arg13[%get3A_499] {strides = array<i32>} : memref<48xi32, #tpu.memory_space<vmem>>, vector<16xi32>,
      %get3A_501 = vector.shape_cast %get3A_500 : vector<16xi32> to vector<16xi32>
      %eq3A_502 = arith.cmpi eq, %get3A_418, %get3A_501 : vector<16xi32>
      %select_n3A_503 = arith.select %eq3A_502, %broadcast_in_dim3A_12, %broadcast_in_dim3A_14 : vector<16xi1>, vector<16xi32>
      %add3A_504 = arith.addi %add3A_496, %select_n3A_503 : vector<16xi32>
      %mul3A_505 = arith.muli %select_n3A_503, %select_n3A_56 : vector<16xi32>
      %add3A_506 = arith.addi %add3A_498, %mul3A_505 : vector<16xi32>
      %get3A_507 = arith.constant 11 : index
      %get3A_508 = tpu.vector_load %arg13[%get3A_507] {strides = array<i32>} : memref<48xi32, #tpu.memory_space<vmem>>, vector<16xi32>,
      %get3A_509 = vector.shape_cast %get3A_508 : vector<16xi32> to vector<16xi32>
      %eq3A_510 = arith.cmpi eq, %get3A_418, %get3A_509 : vector<16xi32>
      %select_n3A_511 = arith.select %eq3A_510, %broadcast_in_dim3A_12, %broadcast_in_dim3A_14 : vector<16xi1>, vector<16xi32>
      %add3A_512 = arith.addi %add3A_504, %select_n3A_511 : vector<16xi32>
      %mul3A_513 = arith.muli %select_n3A_511, %select_n3A_60 : vector<16xi32>
      %add3A_514 = arith.addi %add3A_506, %mul3A_513 : vector<16xi32>
      %get3A_515 = arith.constant 12 : index
      %get3A_516 = tpu.vector_load %arg13[%get3A_515] {strides = array<i32>} : memref<48xi32, #tpu.memory_space<vmem>>, vector<16xi32>,
      %get3A_517 = vector.shape_cast %get3A_516 : vector<16xi32> to vector<16xi32>
      %eq3A_518 = arith.cmpi eq, %get3A_418, %get3A_517 : vector<16xi32>
      %select_n3A_519 = arith.select %eq3A_518, %broadcast_in_dim3A_12, %broadcast_in_dim3A_14 : vector<16xi1>, vector<16xi32>
      %add3A_520 = arith.addi %add3A_512, %select_n3A_519 : vector<16xi32>
      %mul3A_521 = arith.muli %select_n3A_519, %select_n3A_64 : vector<16xi32>
      %add3A_522 = arith.addi %add3A_514, %mul3A_521 : vector<16xi32>
      %get3A_523 = arith.constant 13 : index
      %get3A_524 = tpu.vector_load %arg13[%get3A_523] {strides = array<i32>} : memref<48xi32, #tpu.memory_space<vmem>>, vector<16xi32>,
      %get3A_525 = vector.shape_cast %get3A_524 : vector<16xi32> to vector<16xi32>
      %eq3A_526 = arith.cmpi eq, %get3A_418, %get3A_525 : vector<16xi32>
      %select_n3A_527 = arith.select %eq3A_526, %broadcast_in_dim3A_12, %broadcast_in_dim3A_14 : vector<16xi1>, vector<16xi32>
      %add3A_528 = arith.addi %add3A_520, %select_n3A_527 : vector<16xi32>
      %mul3A_529 = arith.muli %select_n3A_527, %select_n3A_68 : vector<16xi32>
      %add3A_530 = arith.addi %add3A_522, %mul3A_529 : vector<16xi32>
      %get3A_531 = arith.constant 14 : index
      %get3A_532 = tpu.vector_load %arg13[%get3A_531] {strides = array<i32>} : memref<48xi32, #tpu.memory_space<vmem>>, vector<16xi32>,
      %get3A_533 = vector.shape_cast %get3A_532 : vector<16xi32> to vector<16xi32>
      %eq3A_534 = arith.cmpi eq, %get3A_418, %get3A_533 : vector<16xi32>
      %select_n3A_535 = arith.select %eq3A_534, %broadcast_in_dim3A_12, %broadcast_in_dim3A_14 : vector<16xi1>, vector<16xi32>
      %add3A_536 = arith.addi %add3A_528, %select_n3A_535 : vector<16xi32>
      %mul3A_537 = arith.muli %select_n3A_535, %select_n3A_72 : vector<16xi32>
      %add3A_538 = arith.addi %add3A_530, %mul3A_537 : vector<16xi32>
      %get3A_539 = arith.constant 15 : index
      %get3A_540 = tpu.vector_load %arg13[%get3A_539] {strides = array<i32>} : memref<48xi32, #tpu.memory_space<vmem>>, vector<16xi32>,
      %get3A_541 = vector.shape_cast %get3A_540 : vector<16xi32> to vector<16xi32>
      %eq3A_542 = arith.cmpi eq, %get3A_418, %get3A_541 : vector<16xi32>
      %select_n3A_543 = arith.select %eq3A_542, %broadcast_in_dim3A_12, %broadcast_in_dim3A_14 : vector<16xi1>, vector<16xi32>
      %add3A_544 = arith.addi %add3A_536, %select_n3A_543 : vector<16xi32>
      %mul3A_545 = arith.muli %select_n3A_543, %select_n3A_76 : vector<16xi32>
      %add3A_546 = arith.addi %add3A_538, %mul3A_545 : vector<16xi32>
      %ge3A_547 = vector.broadcast %mul3A_2 : i32 to vector<16xi32>
      %ge3A_548 = arith.cmpi sge, %get3A_418, %ge3A_547 : vector<16xi32>
      %select_n3A_549 = arith.select %ge3A_548, %broadcast_in_dim3A_14, %broadcast_in_dim3A_12 : vector<16xi1>, vector<16xi32>
      %add3A_550 = arith.constant 500224 : i32
      %add3A_551 = arith.addi %mul3A_2, %add3A_550 : i32
      %lt3A_552 = vector.broadcast %add3A_551 : i32 to vector<16xi32>
      %lt3A_553 = arith.cmpi slt, %get3A_418, %lt3A_552 : vector<16xi32>
      %select_n3A_554 = arith.select %lt3A_553, %broadcast_in_dim3A_14, %broadcast_in_dim3A_12 : vector<16xi1>, vector<16xi32>
      %add3A_555 = arith.addi %add3A_546, %select_n3A_549 : vector<16xi32>
      %add3A_556 = arith.addi %add3A_555, %select_n3A_554 : vector<16xi32>
      %eq3A_557 = arith.cmpi eq, %add3A_556, %broadcast_in_dim3A_14 : vector<16xi32>
      %sub3A_558 = vector.broadcast %mul3A_2 : i32 to vector<16xi32>
      %sub3A_559 = arith.subi %get3A_418, %sub3A_558 : vector<16xi32>
      %select_n3A_560 = arith.select %eq3A_557, %sub3A_559, %broadcast_in_dim3A_16 : vector<16xi1>, vector<16xi32>
      %swap3A_561 = arith.constant 32 : index
      %swap3A_562 = tpu.vector_load %arg9[%swap3A_561] {strides = array<i32>} : memref<128xi32, #tpu.memory_space<vmem>>, vector<16xi32>,
      %swap3A_563 = vector.shape_cast %swap3A_562 : vector<16xi32> to vector<16xi32>
      %swap3A_564 = vector.shape_cast %select_n3A_560 : vector<16xi32> to vector<16xi32>
      tpu.vector_store %arg9[%swap3A_561], %swap3A_564 {strides = array<i32>} : memref<128xi32, #tpu.memory_space<vmem>>, vector<16xi32>,
      %eq3A_565 = arith.cmpi eq, %add3A_546, %broadcast_in_dim3A_14 : vector<16xi32>
      %convert_element_type3A_566 = arith.sitofp %add3A_544 : vector<16xi32> to vector<16xf32>
      %select_n3A_567 = arith.select %eq3A_565, %convert_element_type3A_566, %broadcast_in_dim3A_18 : vector<16xi1>, vector<16xf32>
      %swap3A_568 = arith.constant 32 : index
      %swap3A_569 = tpu.vector_load %arg11[%swap3A_568] {strides = array<i32>} : memref<128xf32, #tpu.memory_space<vmem>>, vector<16xf32>,
      %swap3A_570 = vector.shape_cast %swap3A_569 : vector<16xf32> to vector<16xf32>
      %swap3A_571 = vector.shape_cast %select_n3A_567 : vector<16xf32> to vector<16xf32>
      tpu.vector_store %arg11[%swap3A_568], %swap3A_571 {strides = array<i32>} : memref<128xf32, #tpu.memory_space<vmem>>, vector<16xf32>,
      %get3A_572 = arith.constant 48 : index
      %get3A_573 = tpu.vector_load %arg9[%get3A_572] {strides = array<i32>} : memref<128xi32, #tpu.memory_space<vmem>>, vector<16xi32>,
      %get3A_574 = vector.shape_cast %get3A_573 : vector<16xi32> to vector<16xi32>
      %swap3A_575 = arith.constant 0 : index
      %swap3A_576 = tpu.vector_load %arg13[%swap3A_575] {strides = array<i32>} : memref<48xi32, #tpu.memory_space<vmem>>, vector<16xi32>,
      %swap3A_577 = vector.shape_cast %swap3A_576 : vector<16xi32> to vector<16xi32>
      %swap3A_578 = vector.shape_cast %get3A_574 : vector<16xi32> to vector<16xi32>
      tpu.vector_store %arg13[%swap3A_575], %swap3A_578 {strides = array<i32>} : memref<48xi32, #tpu.memory_space<vmem>>, vector<16xi32>,
      %swap3A_579 = arith.constant 16 : index
      %swap3A_580 = tpu.vector_load %arg13[%swap3A_579] {strides = array<i32>} : memref<48xi32, #tpu.memory_space<vmem>>, vector<16xi32>,
      %swap3A_581 = vector.shape_cast %swap3A_580 : vector<16xi32> to vector<16xi32>
      %swap3A_582 = vector.shape_cast %get3A_574 : vector<16xi32> to vector<16xi32>
      tpu.vector_store %arg13[%swap3A_579], %swap3A_582 {strides = array<i32>} : memref<48xi32, #tpu.memory_space<vmem>>, vector<16xi32>,
      %get3A_583 = arith.constant 1 : index
      %get3A_584 = tpu.vector_load %arg13[%get3A_583] {strides = array<i32>} : memref<48xi32, #tpu.memory_space<vmem>>, vector<16xi32>,
      %get3A_585 = vector.shape_cast %get3A_584 : vector<16xi32> to vector<16xi32>
      %eq3A_586 = arith.cmpi eq, %get3A_574, %get3A_585 : vector<16xi32>
      %select_n3A_587 = arith.select %eq3A_586, %broadcast_in_dim3A_12, %broadcast_in_dim3A_14 : vector<16xi1>, vector<16xi32>
      %add3A_588 = arith.addi %broadcast_in_dim3A_12, %select_n3A_587 : vector<16xi32>
      %mul3A_589 = arith.muli %select_n3A_587, %select_n3A : vector<16xi32>
      %add3A_590 = arith.addi %broadcast_in_dim3A_14, %mul3A_589 : vector<16xi32>
      %get3A_591 = arith.constant 2 : index
      %get3A_592 = tpu.vector_load %arg13[%get3A_591] {strides = array<i32>} : memref<48xi32, #tpu.memory_space<vmem>>, vector<16xi32>,
      %get3A_593 = vector.shape_cast %get3A_592 : vector<16xi32> to vector<16xi32>
      %eq3A_594 = arith.cmpi eq, %get3A_574, %get3A_593 : vector<16xi32>
      %select_n3A_595 = arith.select %eq3A_594, %broadcast_in_dim3A_12, %broadcast_in_dim3A_14 : vector<16xi1>, vector<16xi32>
      %add3A_596 = arith.addi %add3A_588, %select_n3A_595 : vector<16xi32>
      %mul3A_597 = arith.muli %select_n3A_595, %select_n3A_24 : vector<16xi32>
      %add3A_598 = arith.addi %add3A_590, %mul3A_597 : vector<16xi32>
      %get3A_599 = arith.constant 3 : index
      %get3A_600 = tpu.vector_load %arg13[%get3A_599] {strides = array<i32>} : memref<48xi32, #tpu.memory_space<vmem>>, vector<16xi32>,
      %get3A_601 = vector.shape_cast %get3A_600 : vector<16xi32> to vector<16xi32>
      %eq3A_602 = arith.cmpi eq, %get3A_574, %get3A_601 : vector<16xi32>
      %select_n3A_603 = arith.select %eq3A_602, %broadcast_in_dim3A_12, %broadcast_in_dim3A_14 : vector<16xi1>, vector<16xi32>
      %add3A_604 = arith.addi %add3A_596, %select_n3A_603 : vector<16xi32>
      %mul3A_605 = arith.muli %select_n3A_603, %select_n3A_28 : vector<16xi32>
      %add3A_606 = arith.addi %add3A_598, %mul3A_605 : vector<16xi32>
      %get3A_607 = arith.constant 4 : index
      %get3A_608 = tpu.vector_load %arg13[%get3A_607] {strides = array<i32>} : memref<48xi32, #tpu.memory_space<vmem>>, vector<16xi32>,
      %get3A_609 = vector.shape_cast %get3A_608 : vector<16xi32> to vector<16xi32>
      %eq3A_610 = arith.cmpi eq, %get3A_574, %get3A_609 : vector<16xi32>
      %select_n3A_611 = arith.select %eq3A_610, %broadcast_in_dim3A_12, %broadcast_in_dim3A_14 : vector<16xi1>, vector<16xi32>
      %add3A_612 = arith.addi %add3A_604, %select_n3A_611 : vector<16xi32>
      %mul3A_613 = arith.muli %select_n3A_611, %select_n3A_32 : vector<16xi32>
      %add3A_614 = arith.addi %add3A_606, %mul3A_613 : vector<16xi32>
      %get3A_615 = arith.constant 5 : index
      %get3A_616 = tpu.vector_load %arg13[%get3A_615] {strides = array<i32>} : memref<48xi32, #tpu.memory_space<vmem>>, vector<16xi32>,
      %get3A_617 = vector.shape_cast %get3A_616 : vector<16xi32> to vector<16xi32>
      %eq3A_618 = arith.cmpi eq, %get3A_574, %get3A_617 : vector<16xi32>
      %select_n3A_619 = arith.select %eq3A_618, %broadcast_in_dim3A_12, %broadcast_in_dim3A_14 : vector<16xi1>, vector<16xi32>
      %add3A_620 = arith.addi %add3A_612, %select_n3A_619 : vector<16xi32>
      %mul3A_621 = arith.muli %select_n3A_619, %select_n3A_36 : vector<16xi32>
      %add3A_622 = arith.addi %add3A_614, %mul3A_621 : vector<16xi32>
      %get3A_623 = arith.constant 6 : index
      %get3A_624 = tpu.vector_load %arg13[%get3A_623] {strides = array<i32>} : memref<48xi32, #tpu.memory_space<vmem>>, vector<16xi32>,
      %get3A_625 = vector.shape_cast %get3A_624 : vector<16xi32> to vector<16xi32>
      %eq3A_626 = arith.cmpi eq, %get3A_574, %get3A_625 : vector<16xi32>
      %select_n3A_627 = arith.select %eq3A_626, %broadcast_in_dim3A_12, %broadcast_in_dim3A_14 : vector<16xi1>, vector<16xi32>
      %add3A_628 = arith.addi %add3A_620, %select_n3A_627 : vector<16xi32>
      %mul3A_629 = arith.muli %select_n3A_627, %select_n3A_40 : vector<16xi32>
      %add3A_630 = arith.addi %add3A_622, %mul3A_629 : vector<16xi32>
      %get3A_631 = arith.constant 7 : index
      %get3A_632 = tpu.vector_load %arg13[%get3A_631] {strides = array<i32>} : memref<48xi32, #tpu.memory_space<vmem>>, vector<16xi32>,
      %get3A_633 = vector.shape_cast %get3A_632 : vector<16xi32> to vector<16xi32>
      %eq3A_634 = arith.cmpi eq, %get3A_574, %get3A_633 : vector<16xi32>
      %select_n3A_635 = arith.select %eq3A_634, %broadcast_in_dim3A_12, %broadcast_in_dim3A_14 : vector<16xi1>, vector<16xi32>
      %add3A_636 = arith.addi %add3A_628, %select_n3A_635 : vector<16xi32>
      %mul3A_637 = arith.muli %select_n3A_635, %select_n3A_44 : vector<16xi32>
      %add3A_638 = arith.addi %add3A_630, %mul3A_637 : vector<16xi32>
      %get3A_639 = arith.constant 8 : index
      %get3A_640 = tpu.vector_load %arg13[%get3A_639] {strides = array<i32>} : memref<48xi32, #tpu.memory_space<vmem>>, vector<16xi32>,
      %get3A_641 = vector.shape_cast %get3A_640 : vector<16xi32> to vector<16xi32>
      %eq3A_642 = arith.cmpi eq, %get3A_574, %get3A_641 : vector<16xi32>
      %select_n3A_643 = arith.select %eq3A_642, %broadcast_in_dim3A_12, %broadcast_in_dim3A_14 : vector<16xi1>, vector<16xi32>
      %add3A_644 = arith.addi %add3A_636, %select_n3A_643 : vector<16xi32>
      %mul3A_645 = arith.muli %select_n3A_643, %select_n3A_48 : vector<16xi32>
      %add3A_646 = arith.addi %add3A_638, %mul3A_645 : vector<16xi32>
      %get3A_647 = arith.constant 9 : index
      %get3A_648 = tpu.vector_load %arg13[%get3A_647] {strides = array<i32>} : memref<48xi32, #tpu.memory_space<vmem>>, vector<16xi32>,
      %get3A_649 = vector.shape_cast %get3A_648 : vector<16xi32> to vector<16xi32>
      %eq3A_650 = arith.cmpi eq, %get3A_574, %get3A_649 : vector<16xi32>
      %select_n3A_651 = arith.select %eq3A_650, %broadcast_in_dim3A_12, %broadcast_in_dim3A_14 : vector<16xi1>, vector<16xi32>
      %add3A_652 = arith.addi %add3A_644, %select_n3A_651 : vector<16xi32>
      %mul3A_653 = arith.muli %select_n3A_651, %select_n3A_52 : vector<16xi32>
      %add3A_654 = arith.addi %add3A_646, %mul3A_653 : vector<16xi32>
      %get3A_655 = arith.constant 10 : index
      %get3A_656 = tpu.vector_load %arg13[%get3A_655] {strides = array<i32>} : memref<48xi32, #tpu.memory_space<vmem>>, vector<16xi32>,
      %get3A_657 = vector.shape_cast %get3A_656 : vector<16xi32> to vector<16xi32>
      %eq3A_658 = arith.cmpi eq, %get3A_574, %get3A_657 : vector<16xi32>
      %select_n3A_659 = arith.select %eq3A_658, %broadcast_in_dim3A_12, %broadcast_in_dim3A_14 : vector<16xi1>, vector<16xi32>
      %add3A_660 = arith.addi %add3A_652, %select_n3A_659 : vector<16xi32>
      %mul3A_661 = arith.muli %select_n3A_659, %select_n3A_56 : vector<16xi32>
      %add3A_662 = arith.addi %add3A_654, %mul3A_661 : vector<16xi32>
      %get3A_663 = arith.constant 11 : index
      %get3A_664 = tpu.vector_load %arg13[%get3A_663] {strides = array<i32>} : memref<48xi32, #tpu.memory_space<vmem>>, vector<16xi32>,
      %get3A_665 = vector.shape_cast %get3A_664 : vector<16xi32> to vector<16xi32>
      %eq3A_666 = arith.cmpi eq, %get3A_574, %get3A_665 : vector<16xi32>
      %select_n3A_667 = arith.select %eq3A_666, %broadcast_in_dim3A_12, %broadcast_in_dim3A_14 : vector<16xi1>, vector<16xi32>
      %add3A_668 = arith.addi %add3A_660, %select_n3A_667 : vector<16xi32>
      %mul3A_669 = arith.muli %select_n3A_667, %select_n3A_60 : vector<16xi32>
      %add3A_670 = arith.addi %add3A_662, %mul3A_669 : vector<16xi32>
      %get3A_671 = arith.constant 12 : index
      %get3A_672 = tpu.vector_load %arg13[%get3A_671] {strides = array<i32>} : memref<48xi32, #tpu.memory_space<vmem>>, vector<16xi32>,
      %get3A_673 = vector.shape_cast %get3A_672 : vector<16xi32> to vector<16xi32>
      %eq3A_674 = arith.cmpi eq, %get3A_574, %get3A_673 : vector<16xi32>
      %select_n3A_675 = arith.select %eq3A_674, %broadcast_in_dim3A_12, %broadcast_in_dim3A_14 : vector<16xi1>, vector<16xi32>
      %add3A_676 = arith.addi %add3A_668, %select_n3A_675 : vector<16xi32>
      %mul3A_677 = arith.muli %select_n3A_675, %select_n3A_64 : vector<16xi32>
      %add3A_678 = arith.addi %add3A_670, %mul3A_677 : vector<16xi32>
      %get3A_679 = arith.constant 13 : index
      %get3A_680 = tpu.vector_load %arg13[%get3A_679] {strides = array<i32>} : memref<48xi32, #tpu.memory_space<vmem>>, vector<16xi32>,
      %get3A_681 = vector.shape_cast %get3A_680 : vector<16xi32> to vector<16xi32>
      %eq3A_682 = arith.cmpi eq, %get3A_574, %get3A_681 : vector<16xi32>
      %select_n3A_683 = arith.select %eq3A_682, %broadcast_in_dim3A_12, %broadcast_in_dim3A_14 : vector<16xi1>, vector<16xi32>
      %add3A_684 = arith.addi %add3A_676, %select_n3A_683 : vector<16xi32>
      %mul3A_685 = arith.muli %select_n3A_683, %select_n3A_68 : vector<16xi32>
      %add3A_686 = arith.addi %add3A_678, %mul3A_685 : vector<16xi32>
      %get3A_687 = arith.constant 14 : index
      %get3A_688 = tpu.vector_load %arg13[%get3A_687] {strides = array<i32>} : memref<48xi32, #tpu.memory_space<vmem>>, vector<16xi32>,
      %get3A_689 = vector.shape_cast %get3A_688 : vector<16xi32> to vector<16xi32>
      %eq3A_690 = arith.cmpi eq, %get3A_574, %get3A_689 : vector<16xi32>
      %select_n3A_691 = arith.select %eq3A_690, %broadcast_in_dim3A_12, %broadcast_in_dim3A_14 : vector<16xi1>, vector<16xi32>
      %add3A_692 = arith.addi %add3A_684, %select_n3A_691 : vector<16xi32>
      %mul3A_693 = arith.muli %select_n3A_691, %select_n3A_72 : vector<16xi32>
      %add3A_694 = arith.addi %add3A_686, %mul3A_693 : vector<16xi32>
      %get3A_695 = arith.constant 15 : index
      %get3A_696 = tpu.vector_load %arg13[%get3A_695] {strides = array<i32>} : memref<48xi32, #tpu.memory_space<vmem>>, vector<16xi32>,
      %get3A_697 = vector.shape_cast %get3A_696 : vector<16xi32> to vector<16xi32>
      %eq3A_698 = arith.cmpi eq, %get3A_574, %get3A_697 : vector<16xi32>
      %select_n3A_699 = arith.select %eq3A_698, %broadcast_in_dim3A_12, %broadcast_in_dim3A_14 : vector<16xi1>, vector<16xi32>
      %add3A_700 = arith.addi %add3A_692, %select_n3A_699 : vector<16xi32>
      %mul3A_701 = arith.muli %select_n3A_699, %select_n3A_76 : vector<16xi32>
      %add3A_702 = arith.addi %add3A_694, %mul3A_701 : vector<16xi32>
      %ge3A_703 = vector.broadcast %mul3A_2 : i32 to vector<16xi32>
      %ge3A_704 = arith.cmpi sge, %get3A_574, %ge3A_703 : vector<16xi32>
      %select_n3A_705 = arith.select %ge3A_704, %broadcast_in_dim3A_14, %broadcast_in_dim3A_12 : vector<16xi1>, vector<16xi32>
      %add3A_706 = arith.constant 500224 : i32
      %add3A_707 = arith.addi %mul3A_2, %add3A_706 : i32
      %lt3A_708 = vector.broadcast %add3A_707 : i32 to vector<16xi32>
      %lt3A_709 = arith.cmpi slt, %get3A_574, %lt3A_708 : vector<16xi32>
      %select_n3A_710 = arith.select %lt3A_709, %broadcast_in_dim3A_14, %broadcast_in_dim3A_12 : vector<16xi1>, vector<16xi32>
      %add3A_711 = arith.addi %add3A_702, %select_n3A_705 : vector<16xi32>
      %add3A_712 = arith.addi %add3A_711, %select_n3A_710 : vector<16xi32>
      %eq3A_713 = arith.cmpi eq, %add3A_712, %broadcast_in_dim3A_14 : vector<16xi32>
      %sub3A_714 = vector.broadcast %mul3A_2 : i32 to vector<16xi32>
      %sub3A_715 = arith.subi %get3A_574, %sub3A_714 : vector<16xi32>
      %select_n3A_716 = arith.select %eq3A_713, %sub3A_715, %broadcast_in_dim3A_16 : vector<16xi1>, vector<16xi32>
      %swap3A_717 = arith.constant 48 : index
      %swap3A_718 = tpu.vector_load %arg9[%swap3A_717] {strides = array<i32>} : memref<128xi32, #tpu.memory_space<vmem>>, vector<16xi32>,
      %swap3A_719 = vector.shape_cast %swap3A_718 : vector<16xi32> to vector<16xi32>
      %swap3A_720 = vector.shape_cast %select_n3A_716 : vector<16xi32> to vector<16xi32>
      tpu.vector_store %arg9[%swap3A_717], %swap3A_720 {strides = array<i32>} : memref<128xi32, #tpu.memory_space<vmem>>, vector<16xi32>,
      %eq3A_721 = arith.cmpi eq, %add3A_702, %broadcast_in_dim3A_14 : vector<16xi32>
      %convert_element_type3A_722 = arith.sitofp %add3A_700 : vector<16xi32> to vector<16xf32>
      %select_n3A_723 = arith.select %eq3A_721, %convert_element_type3A_722, %broadcast_in_dim3A_18 : vector<16xi1>, vector<16xf32>
      %swap3A_724 = arith.constant 48 : index
      %swap3A_725 = tpu.vector_load %arg11[%swap3A_724] {strides = array<i32>} : memref<128xf32, #tpu.memory_space<vmem>>, vector<16xf32>,
      %swap3A_726 = vector.shape_cast %swap3A_725 : vector<16xf32> to vector<16xf32>
      %swap3A_727 = vector.shape_cast %select_n3A_723 : vector<16xf32> to vector<16xf32>
      tpu.vector_store %arg11[%swap3A_724], %swap3A_727 {strides = array<i32>} : memref<128xf32, #tpu.memory_space<vmem>>, vector<16xf32>,
      %get3A_728 = arith.constant 64 : index
      %get3A_729 = tpu.vector_load %arg9[%get3A_728] {strides = array<i32>} : memref<128xi32, #tpu.memory_space<vmem>>, vector<16xi32>,
      %get3A_730 = vector.shape_cast %get3A_729 : vector<16xi32> to vector<16xi32>
      %swap3A_731 = arith.constant 0 : index
      %swap3A_732 = tpu.vector_load %arg13[%swap3A_731] {strides = array<i32>} : memref<48xi32, #tpu.memory_space<vmem>>, vector<16xi32>,
      %swap3A_733 = vector.shape_cast %swap3A_732 : vector<16xi32> to vector<16xi32>
      %swap3A_734 = vector.shape_cast %get3A_730 : vector<16xi32> to vector<16xi32>
      tpu.vector_store %arg13[%swap3A_731], %swap3A_734 {strides = array<i32>} : memref<48xi32, #tpu.memory_space<vmem>>, vector<16xi32>,
      %swap3A_735 = arith.constant 16 : index
      %swap3A_736 = tpu.vector_load %arg13[%swap3A_735] {strides = array<i32>} : memref<48xi32, #tpu.memory_space<vmem>>, vector<16xi32>,
      %swap3A_737 = vector.shape_cast %swap3A_736 : vector<16xi32> to vector<16xi32>
      %swap3A_738 = vector.shape_cast %get3A_730 : vector<16xi32> to vector<16xi32>
      tpu.vector_store %arg13[%swap3A_735], %swap3A_738 {strides = array<i32>} : memref<48xi32, #tpu.memory_space<vmem>>, vector<16xi32>,
      %get3A_739 = arith.constant 1 : index
      %get3A_740 = tpu.vector_load %arg13[%get3A_739] {strides = array<i32>} : memref<48xi32, #tpu.memory_space<vmem>>, vector<16xi32>,
      %get3A_741 = vector.shape_cast %get3A_740 : vector<16xi32> to vector<16xi32>
      %eq3A_742 = arith.cmpi eq, %get3A_730, %get3A_741 : vector<16xi32>
      %select_n3A_743 = arith.select %eq3A_742, %broadcast_in_dim3A_12, %broadcast_in_dim3A_14 : vector<16xi1>, vector<16xi32>
      %add3A_744 = arith.addi %broadcast_in_dim3A_12, %select_n3A_743 : vector<16xi32>
      %mul3A_745 = arith.muli %select_n3A_743, %select_n3A : vector<16xi32>
      %add3A_746 = arith.addi %broadcast_in_dim3A_14, %mul3A_745 : vector<16xi32>
      %get3A_747 = arith.constant 2 : index
      %get3A_748 = tpu.vector_load %arg13[%get3A_747] {strides = array<i32>} : memref<48xi32, #tpu.memory_space<vmem>>, vector<16xi32>,
      %get3A_749 = vector.shape_cast %get3A_748 : vector<16xi32> to vector<16xi32>
      %eq3A_750 = arith.cmpi eq, %get3A_730, %get3A_749 : vector<16xi32>
      %select_n3A_751 = arith.select %eq3A_750, %broadcast_in_dim3A_12, %broadcast_in_dim3A_14 : vector<16xi1>, vector<16xi32>
      %add3A_752 = arith.addi %add3A_744, %select_n3A_751 : vector<16xi32>
      %mul3A_753 = arith.muli %select_n3A_751, %select_n3A_24 : vector<16xi32>
      %add3A_754 = arith.addi %add3A_746, %mul3A_753 : vector<16xi32>
      %get3A_755 = arith.constant 3 : index
      %get3A_756 = tpu.vector_load %arg13[%get3A_755] {strides = array<i32>} : memref<48xi32, #tpu.memory_space<vmem>>, vector<16xi32>,
      %get3A_757 = vector.shape_cast %get3A_756 : vector<16xi32> to vector<16xi32>
      %eq3A_758 = arith.cmpi eq, %get3A_730, %get3A_757 : vector<16xi32>
      %select_n3A_759 = arith.select %eq3A_758, %broadcast_in_dim3A_12, %broadcast_in_dim3A_14 : vector<16xi1>, vector<16xi32>
      %add3A_760 = arith.addi %add3A_752, %select_n3A_759 : vector<16xi32>
      %mul3A_761 = arith.muli %select_n3A_759, %select_n3A_28 : vector<16xi32>
      %add3A_762 = arith.addi %add3A_754, %mul3A_761 : vector<16xi32>
      %get3A_763 = arith.constant 4 : index
      %get3A_764 = tpu.vector_load %arg13[%get3A_763] {strides = array<i32>} : memref<48xi32, #tpu.memory_space<vmem>>, vector<16xi32>,
      %get3A_765 = vector.shape_cast %get3A_764 : vector<16xi32> to vector<16xi32>
      %eq3A_766 = arith.cmpi eq, %get3A_730, %get3A_765 : vector<16xi32>
      %select_n3A_767 = arith.select %eq3A_766, %broadcast_in_dim3A_12, %broadcast_in_dim3A_14 : vector<16xi1>, vector<16xi32>
      %add3A_768 = arith.addi %add3A_760, %select_n3A_767 : vector<16xi32>
      %mul3A_769 = arith.muli %select_n3A_767, %select_n3A_32 : vector<16xi32>
      %add3A_770 = arith.addi %add3A_762, %mul3A_769 : vector<16xi32>
      %get3A_771 = arith.constant 5 : index
      %get3A_772 = tpu.vector_load %arg13[%get3A_771] {strides = array<i32>} : memref<48xi32, #tpu.memory_space<vmem>>, vector<16xi32>,
      %get3A_773 = vector.shape_cast %get3A_772 : vector<16xi32> to vector<16xi32>
      %eq3A_774 = arith.cmpi eq, %get3A_730, %get3A_773 : vector<16xi32>
      %select_n3A_775 = arith.select %eq3A_774, %broadcast_in_dim3A_12, %broadcast_in_dim3A_14 : vector<16xi1>, vector<16xi32>
      %add3A_776 = arith.addi %add3A_768, %select_n3A_775 : vector<16xi32>
      %mul3A_777 = arith.muli %select_n3A_775, %select_n3A_36 : vector<16xi32>
      %add3A_778 = arith.addi %add3A_770, %mul3A_777 : vector<16xi32>
      %get3A_779 = arith.constant 6 : index
      %get3A_780 = tpu.vector_load %arg13[%get3A_779] {strides = array<i32>} : memref<48xi32, #tpu.memory_space<vmem>>, vector<16xi32>,
      %get3A_781 = vector.shape_cast %get3A_780 : vector<16xi32> to vector<16xi32>
      %eq3A_782 = arith.cmpi eq, %get3A_730, %get3A_781 : vector<16xi32>
      %select_n3A_783 = arith.select %eq3A_782, %broadcast_in_dim3A_12, %broadcast_in_dim3A_14 : vector<16xi1>, vector<16xi32>
      %add3A_784 = arith.addi %add3A_776, %select_n3A_783 : vector<16xi32>
      %mul3A_785 = arith.muli %select_n3A_783, %select_n3A_40 : vector<16xi32>
      %add3A_786 = arith.addi %add3A_778, %mul3A_785 : vector<16xi32>
      %get3A_787 = arith.constant 7 : index
      %get3A_788 = tpu.vector_load %arg13[%get3A_787] {strides = array<i32>} : memref<48xi32, #tpu.memory_space<vmem>>, vector<16xi32>,
      %get3A_789 = vector.shape_cast %get3A_788 : vector<16xi32> to vector<16xi32>
      %eq3A_790 = arith.cmpi eq, %get3A_730, %get3A_789 : vector<16xi32>
      %select_n3A_791 = arith.select %eq3A_790, %broadcast_in_dim3A_12, %broadcast_in_dim3A_14 : vector<16xi1>, vector<16xi32>
      %add3A_792 = arith.addi %add3A_784, %select_n3A_791 : vector<16xi32>
      %mul3A_793 = arith.muli %select_n3A_791, %select_n3A_44 : vector<16xi32>
      %add3A_794 = arith.addi %add3A_786, %mul3A_793 : vector<16xi32>
      %get3A_795 = arith.constant 8 : index
      %get3A_796 = tpu.vector_load %arg13[%get3A_795] {strides = array<i32>} : memref<48xi32, #tpu.memory_space<vmem>>, vector<16xi32>,
      %get3A_797 = vector.shape_cast %get3A_796 : vector<16xi32> to vector<16xi32>
      %eq3A_798 = arith.cmpi eq, %get3A_730, %get3A_797 : vector<16xi32>
      %select_n3A_799 = arith.select %eq3A_798, %broadcast_in_dim3A_12, %broadcast_in_dim3A_14 : vector<16xi1>, vector<16xi32>
      %add3A_800 = arith.addi %add3A_792, %select_n3A_799 : vector<16xi32>
      %mul3A_801 = arith.muli %select_n3A_799, %select_n3A_48 : vector<16xi32>
      %add3A_802 = arith.addi %add3A_794, %mul3A_801 : vector<16xi32>
      %get3A_803 = arith.constant 9 : index
      %get3A_804 = tpu.vector_load %arg13[%get3A_803] {strides = array<i32>} : memref<48xi32, #tpu.memory_space<vmem>>, vector<16xi32>,
      %get3A_805 = vector.shape_cast %get3A_804 : vector<16xi32> to vector<16xi32>
      %eq3A_806 = arith.cmpi eq, %get3A_730, %get3A_805 : vector<16xi32>
      %select_n3A_807 = arith.select %eq3A_806, %broadcast_in_dim3A_12, %broadcast_in_dim3A_14 : vector<16xi1>, vector<16xi32>
      %add3A_808 = arith.addi %add3A_800, %select_n3A_807 : vector<16xi32>
      %mul3A_809 = arith.muli %select_n3A_807, %select_n3A_52 : vector<16xi32>
      %add3A_810 = arith.addi %add3A_802, %mul3A_809 : vector<16xi32>
      %get3A_811 = arith.constant 10 : index
      %get3A_812 = tpu.vector_load %arg13[%get3A_811] {strides = array<i32>} : memref<48xi32, #tpu.memory_space<vmem>>, vector<16xi32>,
      %get3A_813 = vector.shape_cast %get3A_812 : vector<16xi32> to vector<16xi32>
      %eq3A_814 = arith.cmpi eq, %get3A_730, %get3A_813 : vector<16xi32>
      %select_n3A_815 = arith.select %eq3A_814, %broadcast_in_dim3A_12, %broadcast_in_dim3A_14 : vector<16xi1>, vector<16xi32>
      %add3A_816 = arith.addi %add3A_808, %select_n3A_815 : vector<16xi32>
      %mul3A_817 = arith.muli %select_n3A_815, %select_n3A_56 : vector<16xi32>
      %add3A_818 = arith.addi %add3A_810, %mul3A_817 : vector<16xi32>
      %get3A_819 = arith.constant 11 : index
      %get3A_820 = tpu.vector_load %arg13[%get3A_819] {strides = array<i32>} : memref<48xi32, #tpu.memory_space<vmem>>, vector<16xi32>,
      %get3A_821 = vector.shape_cast %get3A_820 : vector<16xi32> to vector<16xi32>
      %eq3A_822 = arith.cmpi eq, %get3A_730, %get3A_821 : vector<16xi32>
      %select_n3A_823 = arith.select %eq3A_822, %broadcast_in_dim3A_12, %broadcast_in_dim3A_14 : vector<16xi1>, vector<16xi32>
      %add3A_824 = arith.addi %add3A_816, %select_n3A_823 : vector<16xi32>
      %mul3A_825 = arith.muli %select_n3A_823, %select_n3A_60 : vector<16xi32>
      %add3A_826 = arith.addi %add3A_818, %mul3A_825 : vector<16xi32>
      %get3A_827 = arith.constant 12 : index
      %get3A_828 = tpu.vector_load %arg13[%get3A_827] {strides = array<i32>} : memref<48xi32, #tpu.memory_space<vmem>>, vector<16xi32>,
      %get3A_829 = vector.shape_cast %get3A_828 : vector<16xi32> to vector<16xi32>
      %eq3A_830 = arith.cmpi eq, %get3A_730, %get3A_829 : vector<16xi32>
      %select_n3A_831 = arith.select %eq3A_830, %broadcast_in_dim3A_12, %broadcast_in_dim3A_14 : vector<16xi1>, vector<16xi32>
      %add3A_832 = arith.addi %add3A_824, %select_n3A_831 : vector<16xi32>
      %mul3A_833 = arith.muli %select_n3A_831, %select_n3A_64 : vector<16xi32>
      %add3A_834 = arith.addi %add3A_826, %mul3A_833 : vector<16xi32>
      %get3A_835 = arith.constant 13 : index
      %get3A_836 = tpu.vector_load %arg13[%get3A_835] {strides = array<i32>} : memref<48xi32, #tpu.memory_space<vmem>>, vector<16xi32>,
      %get3A_837 = vector.shape_cast %get3A_836 : vector<16xi32> to vector<16xi32>
      %eq3A_838 = arith.cmpi eq, %get3A_730, %get3A_837 : vector<16xi32>
      %select_n3A_839 = arith.select %eq3A_838, %broadcast_in_dim3A_12, %broadcast_in_dim3A_14 : vector<16xi1>, vector<16xi32>
      %add3A_840 = arith.addi %add3A_832, %select_n3A_839 : vector<16xi32>
      %mul3A_841 = arith.muli %select_n3A_839, %select_n3A_68 : vector<16xi32>
      %add3A_842 = arith.addi %add3A_834, %mul3A_841 : vector<16xi32>
      %get3A_843 = arith.constant 14 : index
      %get3A_844 = tpu.vector_load %arg13[%get3A_843] {strides = array<i32>} : memref<48xi32, #tpu.memory_space<vmem>>, vector<16xi32>,
      %get3A_845 = vector.shape_cast %get3A_844 : vector<16xi32> to vector<16xi32>
      %eq3A_846 = arith.cmpi eq, %get3A_730, %get3A_845 : vector<16xi32>
      %select_n3A_847 = arith.select %eq3A_846, %broadcast_in_dim3A_12, %broadcast_in_dim3A_14 : vector<16xi1>, vector<16xi32>
      %add3A_848 = arith.addi %add3A_840, %select_n3A_847 : vector<16xi32>
      %mul3A_849 = arith.muli %select_n3A_847, %select_n3A_72 : vector<16xi32>
      %add3A_850 = arith.addi %add3A_842, %mul3A_849 : vector<16xi32>
      %get3A_851 = arith.constant 15 : index
      %get3A_852 = tpu.vector_load %arg13[%get3A_851] {strides = array<i32>} : memref<48xi32, #tpu.memory_space<vmem>>, vector<16xi32>,
      %get3A_853 = vector.shape_cast %get3A_852 : vector<16xi32> to vector<16xi32>
      %eq3A_854 = arith.cmpi eq, %get3A_730, %get3A_853 : vector<16xi32>
      %select_n3A_855 = arith.select %eq3A_854, %broadcast_in_dim3A_12, %broadcast_in_dim3A_14 : vector<16xi1>, vector<16xi32>
      %add3A_856 = arith.addi %add3A_848, %select_n3A_855 : vector<16xi32>
      %mul3A_857 = arith.muli %select_n3A_855, %select_n3A_76 : vector<16xi32>
      %add3A_858 = arith.addi %add3A_850, %mul3A_857 : vector<16xi32>
      %ge3A_859 = vector.broadcast %mul3A_2 : i32 to vector<16xi32>
      %ge3A_860 = arith.cmpi sge, %get3A_730, %ge3A_859 : vector<16xi32>
      %select_n3A_861 = arith.select %ge3A_860, %broadcast_in_dim3A_14, %broadcast_in_dim3A_12 : vector<16xi1>, vector<16xi32>
      %add3A_862 = arith.constant 500224 : i32
      %add3A_863 = arith.addi %mul3A_2, %add3A_862 : i32
      %lt3A_864 = vector.broadcast %add3A_863 : i32 to vector<16xi32>
      %lt3A_865 = arith.cmpi slt, %get3A_730, %lt3A_864 : vector<16xi32>
      %select_n3A_866 = arith.select %lt3A_865, %broadcast_in_dim3A_14, %broadcast_in_dim3A_12 : vector<16xi1>, vector<16xi32>
      %add3A_867 = arith.addi %add3A_858, %select_n3A_861 : vector<16xi32>
      %add3A_868 = arith.addi %add3A_867, %select_n3A_866 : vector<16xi32>
      %eq3A_869 = arith.cmpi eq, %add3A_868, %broadcast_in_dim3A_14 : vector<16xi32>
      %sub3A_870 = vector.broadcast %mul3A_2 : i32 to vector<16xi32>
      %sub3A_871 = arith.subi %get3A_730, %sub3A_870 : vector<16xi32>
      %select_n3A_872 = arith.select %eq3A_869, %sub3A_871, %broadcast_in_dim3A_16 : vector<16xi1>, vector<16xi32>
      %swap3A_873 = arith.constant 64 : index
      %swap3A_874 = tpu.vector_load %arg9[%swap3A_873] {strides = array<i32>} : memref<128xi32, #tpu.memory_space<vmem>>, vector<16xi32>,
      %swap3A_875 = vector.shape_cast %swap3A_874 : vector<16xi32> to vector<16xi32>
      %swap3A_876 = vector.shape_cast %select_n3A_872 : vector<16xi32> to vector<16xi32>
      tpu.vector_store %arg9[%swap3A_873], %swap3A_876 {strides = array<i32>} : memref<128xi32, #tpu.memory_space<vmem>>, vector<16xi32>,
      %eq3A_877 = arith.cmpi eq, %add3A_858, %broadcast_in_dim3A_14 : vector<16xi32>
      %convert_element_type3A_878 = arith.sitofp %add3A_856 : vector<16xi32> to vector<16xf32>
      %select_n3A_879 = arith.select %eq3A_877, %convert_element_type3A_878, %broadcast_in_dim3A_18 : vector<16xi1>, vector<16xf32>
      %swap3A_880 = arith.constant 64 : index
      %swap3A_881 = tpu.vector_load %arg11[%swap3A_880] {strides = array<i32>} : memref<128xf32, #tpu.memory_space<vmem>>, vector<16xf32>,
      %swap3A_882 = vector.shape_cast %swap3A_881 : vector<16xf32> to vector<16xf32>
      %swap3A_883 = vector.shape_cast %select_n3A_879 : vector<16xf32> to vector<16xf32>
      tpu.vector_store %arg11[%swap3A_880], %swap3A_883 {strides = array<i32>} : memref<128xf32, #tpu.memory_space<vmem>>, vector<16xf32>,
      %get3A_884 = arith.constant 80 : index
      %get3A_885 = tpu.vector_load %arg9[%get3A_884] {strides = array<i32>} : memref<128xi32, #tpu.memory_space<vmem>>, vector<16xi32>,
      %get3A_886 = vector.shape_cast %get3A_885 : vector<16xi32> to vector<16xi32>
      %swap3A_887 = arith.constant 0 : index
      %swap3A_888 = tpu.vector_load %arg13[%swap3A_887] {strides = array<i32>} : memref<48xi32, #tpu.memory_space<vmem>>, vector<16xi32>,
      %swap3A_889 = vector.shape_cast %swap3A_888 : vector<16xi32> to vector<16xi32>
      %swap3A_890 = vector.shape_cast %get3A_886 : vector<16xi32> to vector<16xi32>
      tpu.vector_store %arg13[%swap3A_887], %swap3A_890 {strides = array<i32>} : memref<48xi32, #tpu.memory_space<vmem>>, vector<16xi32>,
      %swap3A_891 = arith.constant 16 : index
      %swap3A_892 = tpu.vector_load %arg13[%swap3A_891] {strides = array<i32>} : memref<48xi32, #tpu.memory_space<vmem>>, vector<16xi32>,
      %swap3A_893 = vector.shape_cast %swap3A_892 : vector<16xi32> to vector<16xi32>
      %swap3A_894 = vector.shape_cast %get3A_886 : vector<16xi32> to vector<16xi32>
      tpu.vector_store %arg13[%swap3A_891], %swap3A_894 {strides = array<i32>} : memref<48xi32, #tpu.memory_space<vmem>>, vector<16xi32>,
      %get3A_895 = arith.constant 1 : index
      %get3A_896 = tpu.vector_load %arg13[%get3A_895] {strides = array<i32>} : memref<48xi32, #tpu.memory_space<vmem>>, vector<16xi32>,
      %get3A_897 = vector.shape_cast %get3A_896 : vector<16xi32> to vector<16xi32>
      %eq3A_898 = arith.cmpi eq, %get3A_886, %get3A_897 : vector<16xi32>
      %select_n3A_899 = arith.select %eq3A_898, %broadcast_in_dim3A_12, %broadcast_in_dim3A_14 : vector<16xi1>, vector<16xi32>
      %add3A_900 = arith.addi %broadcast_in_dim3A_12, %select_n3A_899 : vector<16xi32>
      %mul3A_901 = arith.muli %select_n3A_899, %select_n3A : vector<16xi32>
      %add3A_902 = arith.addi %broadcast_in_dim3A_14, %mul3A_901 : vector<16xi32>
      %get3A_903 = arith.constant 2 : index
      %get3A_904 = tpu.vector_load %arg13[%get3A_903] {strides = array<i32>} : memref<48xi32, #tpu.memory_space<vmem>>, vector<16xi32>,
      %get3A_905 = vector.shape_cast %get3A_904 : vector<16xi32> to vector<16xi32>
      %eq3A_906 = arith.cmpi eq, %get3A_886, %get3A_905 : vector<16xi32>
      %select_n3A_907 = arith.select %eq3A_906, %broadcast_in_dim3A_12, %broadcast_in_dim3A_14 : vector<16xi1>, vector<16xi32>
      %add3A_908 = arith.addi %add3A_900, %select_n3A_907 : vector<16xi32>
      %mul3A_909 = arith.muli %select_n3A_907, %select_n3A_24 : vector<16xi32>
      %add3A_910 = arith.addi %add3A_902, %mul3A_909 : vector<16xi32>
      %get3A_911 = arith.constant 3 : index
      %get3A_912 = tpu.vector_load %arg13[%get3A_911] {strides = array<i32>} : memref<48xi32, #tpu.memory_space<vmem>>, vector<16xi32>,
      %get3A_913 = vector.shape_cast %get3A_912 : vector<16xi32> to vector<16xi32>
      %eq3A_914 = arith.cmpi eq, %get3A_886, %get3A_913 : vector<16xi32>
      %select_n3A_915 = arith.select %eq3A_914, %broadcast_in_dim3A_12, %broadcast_in_dim3A_14 : vector<16xi1>, vector<16xi32>
      %add3A_916 = arith.addi %add3A_908, %select_n3A_915 : vector<16xi32>
      %mul3A_917 = arith.muli %select_n3A_915, %select_n3A_28 : vector<16xi32>
      %add3A_918 = arith.addi %add3A_910, %mul3A_917 : vector<16xi32>
      %get3A_919 = arith.constant 4 : index
      %get3A_920 = tpu.vector_load %arg13[%get3A_919] {strides = array<i32>} : memref<48xi32, #tpu.memory_space<vmem>>, vector<16xi32>,
      %get3A_921 = vector.shape_cast %get3A_920 : vector<16xi32> to vector<16xi32>
      %eq3A_922 = arith.cmpi eq, %get3A_886, %get3A_921 : vector<16xi32>
      %select_n3A_923 = arith.select %eq3A_922, %broadcast_in_dim3A_12, %broadcast_in_dim3A_14 : vector<16xi1>, vector<16xi32>
      %add3A_924 = arith.addi %add3A_916, %select_n3A_923 : vector<16xi32>
      %mul3A_925 = arith.muli %select_n3A_923, %select_n3A_32 : vector<16xi32>
      %add3A_926 = arith.addi %add3A_918, %mul3A_925 : vector<16xi32>
      %get3A_927 = arith.constant 5 : index
      %get3A_928 = tpu.vector_load %arg13[%get3A_927] {strides = array<i32>} : memref<48xi32, #tpu.memory_space<vmem>>, vector<16xi32>,
      %get3A_929 = vector.shape_cast %get3A_928 : vector<16xi32> to vector<16xi32>
      %eq3A_930 = arith.cmpi eq, %get3A_886, %get3A_929 : vector<16xi32>
      %select_n3A_931 = arith.select %eq3A_930, %broadcast_in_dim3A_12, %broadcast_in_dim3A_14 : vector<16xi1>, vector<16xi32>
      %add3A_932 = arith.addi %add3A_924, %select_n3A_931 : vector<16xi32>
      %mul3A_933 = arith.muli %select_n3A_931, %select_n3A_36 : vector<16xi32>
      %add3A_934 = arith.addi %add3A_926, %mul3A_933 : vector<16xi32>
      %get3A_935 = arith.constant 6 : index
      %get3A_936 = tpu.vector_load %arg13[%get3A_935] {strides = array<i32>} : memref<48xi32, #tpu.memory_space<vmem>>, vector<16xi32>,
      %get3A_937 = vector.shape_cast %get3A_936 : vector<16xi32> to vector<16xi32>
      %eq3A_938 = arith.cmpi eq, %get3A_886, %get3A_937 : vector<16xi32>
      %select_n3A_939 = arith.select %eq3A_938, %broadcast_in_dim3A_12, %broadcast_in_dim3A_14 : vector<16xi1>, vector<16xi32>
      %add3A_940 = arith.addi %add3A_932, %select_n3A_939 : vector<16xi32>
      %mul3A_941 = arith.muli %select_n3A_939, %select_n3A_40 : vector<16xi32>
      %add3A_942 = arith.addi %add3A_934, %mul3A_941 : vector<16xi32>
      %get3A_943 = arith.constant 7 : index
      %get3A_944 = tpu.vector_load %arg13[%get3A_943] {strides = array<i32>} : memref<48xi32, #tpu.memory_space<vmem>>, vector<16xi32>,
      %get3A_945 = vector.shape_cast %get3A_944 : vector<16xi32> to vector<16xi32>
      %eq3A_946 = arith.cmpi eq, %get3A_886, %get3A_945 : vector<16xi32>
      %select_n3A_947 = arith.select %eq3A_946, %broadcast_in_dim3A_12, %broadcast_in_dim3A_14 : vector<16xi1>, vector<16xi32>
      %add3A_948 = arith.addi %add3A_940, %select_n3A_947 : vector<16xi32>
      %mul3A_949 = arith.muli %select_n3A_947, %select_n3A_44 : vector<16xi32>
      %add3A_950 = arith.addi %add3A_942, %mul3A_949 : vector<16xi32>
      %get3A_951 = arith.constant 8 : index
      %get3A_952 = tpu.vector_load %arg13[%get3A_951] {strides = array<i32>} : memref<48xi32, #tpu.memory_space<vmem>>, vector<16xi32>,
      %get3A_953 = vector.shape_cast %get3A_952 : vector<16xi32> to vector<16xi32>
      %eq3A_954 = arith.cmpi eq, %get3A_886, %get3A_953 : vector<16xi32>
      %select_n3A_955 = arith.select %eq3A_954, %broadcast_in_dim3A_12, %broadcast_in_dim3A_14 : vector<16xi1>, vector<16xi32>
      %add3A_956 = arith.addi %add3A_948, %select_n3A_955 : vector<16xi32>
      %mul3A_957 = arith.muli %select_n3A_955, %select_n3A_48 : vector<16xi32>
      %add3A_958 = arith.addi %add3A_950, %mul3A_957 : vector<16xi32>
      %get3A_959 = arith.constant 9 : index
      %get3A_960 = tpu.vector_load %arg13[%get3A_959] {strides = array<i32>} : memref<48xi32, #tpu.memory_space<vmem>>, vector<16xi32>,
      %get3A_961 = vector.shape_cast %get3A_960 : vector<16xi32> to vector<16xi32>
      %eq3A_962 = arith.cmpi eq, %get3A_886, %get3A_961 : vector<16xi32>
      %select_n3A_963 = arith.select %eq3A_962, %broadcast_in_dim3A_12, %broadcast_in_dim3A_14 : vector<16xi1>, vector<16xi32>
      %add3A_964 = arith.addi %add3A_956, %select_n3A_963 : vector<16xi32>
      %mul3A_965 = arith.muli %select_n3A_963, %select_n3A_52 : vector<16xi32>
      %add3A_966 = arith.addi %add3A_958, %mul3A_965 : vector<16xi32>
      %get3A_967 = arith.constant 10 : index
      %get3A_968 = tpu.vector_load %arg13[%get3A_967] {strides = array<i32>} : memref<48xi32, #tpu.memory_space<vmem>>, vector<16xi32>,
      %get3A_969 = vector.shape_cast %get3A_968 : vector<16xi32> to vector<16xi32>
      %eq3A_970 = arith.cmpi eq, %get3A_886, %get3A_969 : vector<16xi32>
      %select_n3A_971 = arith.select %eq3A_970, %broadcast_in_dim3A_12, %broadcast_in_dim3A_14 : vector<16xi1>, vector<16xi32>
      %add3A_972 = arith.addi %add3A_964, %select_n3A_971 : vector<16xi32>
      %mul3A_973 = arith.muli %select_n3A_971, %select_n3A_56 : vector<16xi32>
      %add3A_974 = arith.addi %add3A_966, %mul3A_973 : vector<16xi32>
      %get3A_975 = arith.constant 11 : index
      %get3A_976 = tpu.vector_load %arg13[%get3A_975] {strides = array<i32>} : memref<48xi32, #tpu.memory_space<vmem>>, vector<16xi32>,
      %get3A_977 = vector.shape_cast %get3A_976 : vector<16xi32> to vector<16xi32>
      %eq3A_978 = arith.cmpi eq, %get3A_886, %get3A_977 : vector<16xi32>
      %select_n3A_979 = arith.select %eq3A_978, %broadcast_in_dim3A_12, %broadcast_in_dim3A_14 : vector<16xi1>, vector<16xi32>
      %add3A_980 = arith.addi %add3A_972, %select_n3A_979 : vector<16xi32>
      %mul3A_981 = arith.muli %select_n3A_979, %select_n3A_60 : vector<16xi32>
      %add3A_982 = arith.addi %add3A_974, %mul3A_981 : vector<16xi32>
      %get3A_983 = arith.constant 12 : index
      %get3A_984 = tpu.vector_load %arg13[%get3A_983] {strides = array<i32>} : memref<48xi32, #tpu.memory_space<vmem>>, vector<16xi32>,
      %get3A_985 = vector.shape_cast %get3A_984 : vector<16xi32> to vector<16xi32>
      %eq3A_986 = arith.cmpi eq, %get3A_886, %get3A_985 : vector<16xi32>
      %select_n3A_987 = arith.select %eq3A_986, %broadcast_in_dim3A_12, %broadcast_in_dim3A_14 : vector<16xi1>, vector<16xi32>
      %add3A_988 = arith.addi %add3A_980, %select_n3A_987 : vector<16xi32>
      %mul3A_989 = arith.muli %select_n3A_987, %select_n3A_64 : vector<16xi32>
      %add3A_990 = arith.addi %add3A_982, %mul3A_989 : vector<16xi32>
      %get3A_991 = arith.constant 13 : index
      %get3A_992 = tpu.vector_load %arg13[%get3A_991] {strides = array<i32>} : memref<48xi32, #tpu.memory_space<vmem>>, vector<16xi32>,
      %get3A_993 = vector.shape_cast %get3A_992 : vector<16xi32> to vector<16xi32>
      %eq3A_994 = arith.cmpi eq, %get3A_886, %get3A_993 : vector<16xi32>
      %select_n3A_995 = arith.select %eq3A_994, %broadcast_in_dim3A_12, %broadcast_in_dim3A_14 : vector<16xi1>, vector<16xi32>
      %add3A_996 = arith.addi %add3A_988, %select_n3A_995 : vector<16xi32>
      %mul3A_997 = arith.muli %select_n3A_995, %select_n3A_68 : vector<16xi32>
      %add3A_998 = arith.addi %add3A_990, %mul3A_997 : vector<16xi32>
      %get3A_999 = arith.constant 14 : index
      %get3A_1000 = tpu.vector_load %arg13[%get3A_999] {strides = array<i32>} : memref<48xi32, #tpu.memory_space<vmem>>, vector<16xi32>,
      %get3A_1001 = vector.shape_cast %get3A_1000 : vector<16xi32> to vector<16xi32>
      %eq3A_1002 = arith.cmpi eq, %get3A_886, %get3A_1001 : vector<16xi32>
      %select_n3A_1003 = arith.select %eq3A_1002, %broadcast_in_dim3A_12, %broadcast_in_dim3A_14 : vector<16xi1>, vector<16xi32>
      %add3A_1004 = arith.addi %add3A_996, %select_n3A_1003 : vector<16xi32>
      %mul3A_1005 = arith.muli %select_n3A_1003, %select_n3A_72 : vector<16xi32>
      %add3A_1006 = arith.addi %add3A_998, %mul3A_1005 : vector<16xi32>
      %get3A_1007 = arith.constant 15 : index
      %get3A_1008 = tpu.vector_load %arg13[%get3A_1007] {strides = array<i32>} : memref<48xi32, #tpu.memory_space<vmem>>, vector<16xi32>,
      %get3A_1009 = vector.shape_cast %get3A_1008 : vector<16xi32> to vector<16xi32>
      %eq3A_1010 = arith.cmpi eq, %get3A_886, %get3A_1009 : vector<16xi32>
      %select_n3A_1011 = arith.select %eq3A_1010, %broadcast_in_dim3A_12, %broadcast_in_dim3A_14 : vector<16xi1>, vector<16xi32>
      %add3A_1012 = arith.addi %add3A_1004, %select_n3A_1011 : vector<16xi32>
      %mul3A_1013 = arith.muli %select_n3A_1011, %select_n3A_76 : vector<16xi32>
      %add3A_1014 = arith.addi %add3A_1006, %mul3A_1013 : vector<16xi32>
      %ge3A_1015 = vector.broadcast %mul3A_2 : i32 to vector<16xi32>
      %ge3A_1016 = arith.cmpi sge, %get3A_886, %ge3A_1015 : vector<16xi32>
      %select_n3A_1017 = arith.select %ge3A_1016, %broadcast_in_dim3A_14, %broadcast_in_dim3A_12 : vector<16xi1>, vector<16xi32>
      %add3A_1018 = arith.constant 500224 : i32
      %add3A_1019 = arith.addi %mul3A_2, %add3A_1018 : i32
      %lt3A_1020 = vector.broadcast %add3A_1019 : i32 to vector<16xi32>
      %lt3A_1021 = arith.cmpi slt, %get3A_886, %lt3A_1020 : vector<16xi32>
      %select_n3A_1022 = arith.select %lt3A_1021, %broadcast_in_dim3A_14, %broadcast_in_dim3A_12 : vector<16xi1>, vector<16xi32>
      %add3A_1023 = arith.addi %add3A_1014, %select_n3A_1017 : vector<16xi32>
      %add3A_1024 = arith.addi %add3A_1023, %select_n3A_1022 : vector<16xi32>
      %eq3A_1025 = arith.cmpi eq, %add3A_1024, %broadcast_in_dim3A_14 : vector<16xi32>
      %sub3A_1026 = vector.broadcast %mul3A_2 : i32 to vector<16xi32>
      %sub3A_1027 = arith.subi %get3A_886, %sub3A_1026 : vector<16xi32>
      %select_n3A_1028 = arith.select %eq3A_1025, %sub3A_1027, %broadcast_in_dim3A_16 : vector<16xi1>, vector<16xi32>
      %swap3A_1029 = arith.constant 80 : index
      %swap3A_1030 = tpu.vector_load %arg9[%swap3A_1029] {strides = array<i32>} : memref<128xi32, #tpu.memory_space<vmem>>, vector<16xi32>,
      %swap3A_1031 = vector.shape_cast %swap3A_1030 : vector<16xi32> to vector<16xi32>
      %swap3A_1032 = vector.shape_cast %select_n3A_1028 : vector<16xi32> to vector<16xi32>
      tpu.vector_store %arg9[%swap3A_1029], %swap3A_1032 {strides = array<i32>} : memref<128xi32, #tpu.memory_space<vmem>>, vector<16xi32>,
      %eq3A_1033 = arith.cmpi eq, %add3A_1014, %broadcast_in_dim3A_14 : vector<16xi32>
      %convert_element_type3A_1034 = arith.sitofp %add3A_1012 : vector<16xi32> to vector<16xf32>
      %select_n3A_1035 = arith.select %eq3A_1033, %convert_element_type3A_1034, %broadcast_in_dim3A_18 : vector<16xi1>, vector<16xf32>
      %swap3A_1036 = arith.constant 80 : index
      %swap3A_1037 = tpu.vector_load %arg11[%swap3A_1036] {strides = array<i32>} : memref<128xf32, #tpu.memory_space<vmem>>, vector<16xf32>,
      %swap3A_1038 = vector.shape_cast %swap3A_1037 : vector<16xf32> to vector<16xf32>
      %swap3A_1039 = vector.shape_cast %select_n3A_1035 : vector<16xf32> to vector<16xf32>
      tpu.vector_store %arg11[%swap3A_1036], %swap3A_1039 {strides = array<i32>} : memref<128xf32, #tpu.memory_space<vmem>>, vector<16xf32>,
      %get3A_1040 = arith.constant 96 : index
      %get3A_1041 = tpu.vector_load %arg9[%get3A_1040] {strides = array<i32>} : memref<128xi32, #tpu.memory_space<vmem>>, vector<16xi32>,
      %get3A_1042 = vector.shape_cast %get3A_1041 : vector<16xi32> to vector<16xi32>
      %swap3A_1043 = arith.constant 0 : index
      %swap3A_1044 = tpu.vector_load %arg13[%swap3A_1043] {strides = array<i32>} : memref<48xi32, #tpu.memory_space<vmem>>, vector<16xi32>,
      %swap3A_1045 = vector.shape_cast %swap3A_1044 : vector<16xi32> to vector<16xi32>
      %swap3A_1046 = vector.shape_cast %get3A_1042 : vector<16xi32> to vector<16xi32>
      tpu.vector_store %arg13[%swap3A_1043], %swap3A_1046 {strides = array<i32>} : memref<48xi32, #tpu.memory_space<vmem>>, vector<16xi32>,
      %swap3A_1047 = arith.constant 16 : index
      %swap3A_1048 = tpu.vector_load %arg13[%swap3A_1047] {strides = array<i32>} : memref<48xi32, #tpu.memory_space<vmem>>, vector<16xi32>,
      %swap3A_1049 = vector.shape_cast %swap3A_1048 : vector<16xi32> to vector<16xi32>
      %swap3A_1050 = vector.shape_cast %get3A_1042 : vector<16xi32> to vector<16xi32>
      tpu.vector_store %arg13[%swap3A_1047], %swap3A_1050 {strides = array<i32>} : memref<48xi32, #tpu.memory_space<vmem>>, vector<16xi32>,
      %get3A_1051 = arith.constant 1 : index
      %get3A_1052 = tpu.vector_load %arg13[%get3A_1051] {strides = array<i32>} : memref<48xi32, #tpu.memory_space<vmem>>, vector<16xi32>,
      %get3A_1053 = vector.shape_cast %get3A_1052 : vector<16xi32> to vector<16xi32>
      %eq3A_1054 = arith.cmpi eq, %get3A_1042, %get3A_1053 : vector<16xi32>
      %select_n3A_1055 = arith.select %eq3A_1054, %broadcast_in_dim3A_12, %broadcast_in_dim3A_14 : vector<16xi1>, vector<16xi32>
      %add3A_1056 = arith.addi %broadcast_in_dim3A_12, %select_n3A_1055 : vector<16xi32>
      %mul3A_1057 = arith.muli %select_n3A_1055, %select_n3A : vector<16xi32>
      %add3A_1058 = arith.addi %broadcast_in_dim3A_14, %mul3A_1057 : vector<16xi32>
      %get3A_1059 = arith.constant 2 : index
      %get3A_1060 = tpu.vector_load %arg13[%get3A_1059] {strides = array<i32>} : memref<48xi32, #tpu.memory_space<vmem>>, vector<16xi32>,
      %get3A_1061 = vector.shape_cast %get3A_1060 : vector<16xi32> to vector<16xi32>
      %eq3A_1062 = arith.cmpi eq, %get3A_1042, %get3A_1061 : vector<16xi32>
      %select_n3A_1063 = arith.select %eq3A_1062, %broadcast_in_dim3A_12, %broadcast_in_dim3A_14 : vector<16xi1>, vector<16xi32>
      %add3A_1064 = arith.addi %add3A_1056, %select_n3A_1063 : vector<16xi32>
      %mul3A_1065 = arith.muli %select_n3A_1063, %select_n3A_24 : vector<16xi32>
      %add3A_1066 = arith.addi %add3A_1058, %mul3A_1065 : vector<16xi32>
      %get3A_1067 = arith.constant 3 : index
      %get3A_1068 = tpu.vector_load %arg13[%get3A_1067] {strides = array<i32>} : memref<48xi32, #tpu.memory_space<vmem>>, vector<16xi32>,
      %get3A_1069 = vector.shape_cast %get3A_1068 : vector<16xi32> to vector<16xi32>
      %eq3A_1070 = arith.cmpi eq, %get3A_1042, %get3A_1069 : vector<16xi32>
      %select_n3A_1071 = arith.select %eq3A_1070, %broadcast_in_dim3A_12, %broadcast_in_dim3A_14 : vector<16xi1>, vector<16xi32>
      %add3A_1072 = arith.addi %add3A_1064, %select_n3A_1071 : vector<16xi32>
      %mul3A_1073 = arith.muli %select_n3A_1071, %select_n3A_28 : vector<16xi32>
      %add3A_1074 = arith.addi %add3A_1066, %mul3A_1073 : vector<16xi32>
      %get3A_1075 = arith.constant 4 : index
      %get3A_1076 = tpu.vector_load %arg13[%get3A_1075] {strides = array<i32>} : memref<48xi32, #tpu.memory_space<vmem>>, vector<16xi32>,
      %get3A_1077 = vector.shape_cast %get3A_1076 : vector<16xi32> to vector<16xi32>
      %eq3A_1078 = arith.cmpi eq, %get3A_1042, %get3A_1077 : vector<16xi32>
      %select_n3A_1079 = arith.select %eq3A_1078, %broadcast_in_dim3A_12, %broadcast_in_dim3A_14 : vector<16xi1>, vector<16xi32>
      %add3A_1080 = arith.addi %add3A_1072, %select_n3A_1079 : vector<16xi32>
      %mul3A_1081 = arith.muli %select_n3A_1079, %select_n3A_32 : vector<16xi32>
      %add3A_1082 = arith.addi %add3A_1074, %mul3A_1081 : vector<16xi32>
      %get3A_1083 = arith.constant 5 : index
      %get3A_1084 = tpu.vector_load %arg13[%get3A_1083] {strides = array<i32>} : memref<48xi32, #tpu.memory_space<vmem>>, vector<16xi32>,
      %get3A_1085 = vector.shape_cast %get3A_1084 : vector<16xi32> to vector<16xi32>
      %eq3A_1086 = arith.cmpi eq, %get3A_1042, %get3A_1085 : vector<16xi32>
      %select_n3A_1087 = arith.select %eq3A_1086, %broadcast_in_dim3A_12, %broadcast_in_dim3A_14 : vector<16xi1>, vector<16xi32>
      %add3A_1088 = arith.addi %add3A_1080, %select_n3A_1087 : vector<16xi32>
      %mul3A_1089 = arith.muli %select_n3A_1087, %select_n3A_36 : vector<16xi32>
      %add3A_1090 = arith.addi %add3A_1082, %mul3A_1089 : vector<16xi32>
      %get3A_1091 = arith.constant 6 : index
      %get3A_1092 = tpu.vector_load %arg13[%get3A_1091] {strides = array<i32>} : memref<48xi32, #tpu.memory_space<vmem>>, vector<16xi32>,
      %get3A_1093 = vector.shape_cast %get3A_1092 : vector<16xi32> to vector<16xi32>
      %eq3A_1094 = arith.cmpi eq, %get3A_1042, %get3A_1093 : vector<16xi32>
      %select_n3A_1095 = arith.select %eq3A_1094, %broadcast_in_dim3A_12, %broadcast_in_dim3A_14 : vector<16xi1>, vector<16xi32>
      %add3A_1096 = arith.addi %add3A_1088, %select_n3A_1095 : vector<16xi32>
      %mul3A_1097 = arith.muli %select_n3A_1095, %select_n3A_40 : vector<16xi32>
      %add3A_1098 = arith.addi %add3A_1090, %mul3A_1097 : vector<16xi32>
      %get3A_1099 = arith.constant 7 : index
      %get3A_1100 = tpu.vector_load %arg13[%get3A_1099] {strides = array<i32>} : memref<48xi32, #tpu.memory_space<vmem>>, vector<16xi32>,
      %get3A_1101 = vector.shape_cast %get3A_1100 : vector<16xi32> to vector<16xi32>
      %eq3A_1102 = arith.cmpi eq, %get3A_1042, %get3A_1101 : vector<16xi32>
      %select_n3A_1103 = arith.select %eq3A_1102, %broadcast_in_dim3A_12, %broadcast_in_dim3A_14 : vector<16xi1>, vector<16xi32>
      %add3A_1104 = arith.addi %add3A_1096, %select_n3A_1103 : vector<16xi32>
      %mul3A_1105 = arith.muli %select_n3A_1103, %select_n3A_44 : vector<16xi32>
      %add3A_1106 = arith.addi %add3A_1098, %mul3A_1105 : vector<16xi32>
      %get3A_1107 = arith.constant 8 : index
      %get3A_1108 = tpu.vector_load %arg13[%get3A_1107] {strides = array<i32>} : memref<48xi32, #tpu.memory_space<vmem>>, vector<16xi32>,
      %get3A_1109 = vector.shape_cast %get3A_1108 : vector<16xi32> to vector<16xi32>
      %eq3A_1110 = arith.cmpi eq, %get3A_1042, %get3A_1109 : vector<16xi32>
      %select_n3A_1111 = arith.select %eq3A_1110, %broadcast_in_dim3A_12, %broadcast_in_dim3A_14 : vector<16xi1>, vector<16xi32>
      %add3A_1112 = arith.addi %add3A_1104, %select_n3A_1111 : vector<16xi32>
      %mul3A_1113 = arith.muli %select_n3A_1111, %select_n3A_48 : vector<16xi32>
      %add3A_1114 = arith.addi %add3A_1106, %mul3A_1113 : vector<16xi32>
      %get3A_1115 = arith.constant 9 : index
      %get3A_1116 = tpu.vector_load %arg13[%get3A_1115] {strides = array<i32>} : memref<48xi32, #tpu.memory_space<vmem>>, vector<16xi32>,
      %get3A_1117 = vector.shape_cast %get3A_1116 : vector<16xi32> to vector<16xi32>
      %eq3A_1118 = arith.cmpi eq, %get3A_1042, %get3A_1117 : vector<16xi32>
      %select_n3A_1119 = arith.select %eq3A_1118, %broadcast_in_dim3A_12, %broadcast_in_dim3A_14 : vector<16xi1>, vector<16xi32>
      %add3A_1120 = arith.addi %add3A_1112, %select_n3A_1119 : vector<16xi32>
      %mul3A_1121 = arith.muli %select_n3A_1119, %select_n3A_52 : vector<16xi32>
      %add3A_1122 = arith.addi %add3A_1114, %mul3A_1121 : vector<16xi32>
      %get3A_1123 = arith.constant 10 : index
      %get3A_1124 = tpu.vector_load %arg13[%get3A_1123] {strides = array<i32>} : memref<48xi32, #tpu.memory_space<vmem>>, vector<16xi32>,
      %get3A_1125 = vector.shape_cast %get3A_1124 : vector<16xi32> to vector<16xi32>
      %eq3A_1126 = arith.cmpi eq, %get3A_1042, %get3A_1125 : vector<16xi32>
      %select_n3A_1127 = arith.select %eq3A_1126, %broadcast_in_dim3A_12, %broadcast_in_dim3A_14 : vector<16xi1>, vector<16xi32>
      %add3A_1128 = arith.addi %add3A_1120, %select_n3A_1127 : vector<16xi32>
      %mul3A_1129 = arith.muli %select_n3A_1127, %select_n3A_56 : vector<16xi32>
      %add3A_1130 = arith.addi %add3A_1122, %mul3A_1129 : vector<16xi32>
      %get3A_1131 = arith.constant 11 : index
      %get3A_1132 = tpu.vector_load %arg13[%get3A_1131] {strides = array<i32>} : memref<48xi32, #tpu.memory_space<vmem>>, vector<16xi32>,
      %get3A_1133 = vector.shape_cast %get3A_1132 : vector<16xi32> to vector<16xi32>
      %eq3A_1134 = arith.cmpi eq, %get3A_1042, %get3A_1133 : vector<16xi32>
      %select_n3A_1135 = arith.select %eq3A_1134, %broadcast_in_dim3A_12, %broadcast_in_dim3A_14 : vector<16xi1>, vector<16xi32>
      %add3A_1136 = arith.addi %add3A_1128, %select_n3A_1135 : vector<16xi32>
      %mul3A_1137 = arith.muli %select_n3A_1135, %select_n3A_60 : vector<16xi32>
      %add3A_1138 = arith.addi %add3A_1130, %mul3A_1137 : vector<16xi32>
      %get3A_1139 = arith.constant 12 : index
      %get3A_1140 = tpu.vector_load %arg13[%get3A_1139] {strides = array<i32>} : memref<48xi32, #tpu.memory_space<vmem>>, vector<16xi32>,
      %get3A_1141 = vector.shape_cast %get3A_1140 : vector<16xi32> to vector<16xi32>
      %eq3A_1142 = arith.cmpi eq, %get3A_1042, %get3A_1141 : vector<16xi32>
      %select_n3A_1143 = arith.select %eq3A_1142, %broadcast_in_dim3A_12, %broadcast_in_dim3A_14 : vector<16xi1>, vector<16xi32>
      %add3A_1144 = arith.addi %add3A_1136, %select_n3A_1143 : vector<16xi32>
      %mul3A_1145 = arith.muli %select_n3A_1143, %select_n3A_64 : vector<16xi32>
      %add3A_1146 = arith.addi %add3A_1138, %mul3A_1145 : vector<16xi32>
      %get3A_1147 = arith.constant 13 : index
      %get3A_1148 = tpu.vector_load %arg13[%get3A_1147] {strides = array<i32>} : memref<48xi32, #tpu.memory_space<vmem>>, vector<16xi32>,
      %get3A_1149 = vector.shape_cast %get3A_1148 : vector<16xi32> to vector<16xi32>
      %eq3A_1150 = arith.cmpi eq, %get3A_1042, %get3A_1149 : vector<16xi32>
      %select_n3A_1151 = arith.select %eq3A_1150, %broadcast_in_dim3A_12, %broadcast_in_dim3A_14 : vector<16xi1>, vector<16xi32>
      %add3A_1152 = arith.addi %add3A_1144, %select_n3A_1151 : vector<16xi32>
      %mul3A_1153 = arith.muli %select_n3A_1151, %select_n3A_68 : vector<16xi32>
      %add3A_1154 = arith.addi %add3A_1146, %mul3A_1153 : vector<16xi32>
      %get3A_1155 = arith.constant 14 : index
      %get3A_1156 = tpu.vector_load %arg13[%get3A_1155] {strides = array<i32>} : memref<48xi32, #tpu.memory_space<vmem>>, vector<16xi32>,
      %get3A_1157 = vector.shape_cast %get3A_1156 : vector<16xi32> to vector<16xi32>
      %eq3A_1158 = arith.cmpi eq, %get3A_1042, %get3A_1157 : vector<16xi32>
      %select_n3A_1159 = arith.select %eq3A_1158, %broadcast_in_dim3A_12, %broadcast_in_dim3A_14 : vector<16xi1>, vector<16xi32>
      %add3A_1160 = arith.addi %add3A_1152, %select_n3A_1159 : vector<16xi32>
      %mul3A_1161 = arith.muli %select_n3A_1159, %select_n3A_72 : vector<16xi32>
      %add3A_1162 = arith.addi %add3A_1154, %mul3A_1161 : vector<16xi32>
      %get3A_1163 = arith.constant 15 : index
      %get3A_1164 = tpu.vector_load %arg13[%get3A_1163] {strides = array<i32>} : memref<48xi32, #tpu.memory_space<vmem>>, vector<16xi32>,
      %get3A_1165 = vector.shape_cast %get3A_1164 : vector<16xi32> to vector<16xi32>
      %eq3A_1166 = arith.cmpi eq, %get3A_1042, %get3A_1165 : vector<16xi32>
      %select_n3A_1167 = arith.select %eq3A_1166, %broadcast_in_dim3A_12, %broadcast_in_dim3A_14 : vector<16xi1>, vector<16xi32>
      %add3A_1168 = arith.addi %add3A_1160, %select_n3A_1167 : vector<16xi32>
      %mul3A_1169 = arith.muli %select_n3A_1167, %select_n3A_76 : vector<16xi32>
      %add3A_1170 = arith.addi %add3A_1162, %mul3A_1169 : vector<16xi32>
      %ge3A_1171 = vector.broadcast %mul3A_2 : i32 to vector<16xi32>
      %ge3A_1172 = arith.cmpi sge, %get3A_1042, %ge3A_1171 : vector<16xi32>
      %select_n3A_1173 = arith.select %ge3A_1172, %broadcast_in_dim3A_14, %broadcast_in_dim3A_12 : vector<16xi1>, vector<16xi32>
      %add3A_1174 = arith.constant 500224 : i32
      %add3A_1175 = arith.addi %mul3A_2, %add3A_1174 : i32
      %lt3A_1176 = vector.broadcast %add3A_1175 : i32 to vector<16xi32>
      %lt3A_1177 = arith.cmpi slt, %get3A_1042, %lt3A_1176 : vector<16xi32>
      %select_n3A_1178 = arith.select %lt3A_1177, %broadcast_in_dim3A_14, %broadcast_in_dim3A_12 : vector<16xi1>, vector<16xi32>
      %add3A_1179 = arith.addi %add3A_1170, %select_n3A_1173 : vector<16xi32>
      %add3A_1180 = arith.addi %add3A_1179, %select_n3A_1178 : vector<16xi32>
      %eq3A_1181 = arith.cmpi eq, %add3A_1180, %broadcast_in_dim3A_14 : vector<16xi32>
      %sub3A_1182 = vector.broadcast %mul3A_2 : i32 to vector<16xi32>
      %sub3A_1183 = arith.subi %get3A_1042, %sub3A_1182 : vector<16xi32>
      %select_n3A_1184 = arith.select %eq3A_1181, %sub3A_1183, %broadcast_in_dim3A_16 : vector<16xi1>, vector<16xi32>
      %swap3A_1185 = arith.constant 96 : index
      %swap3A_1186 = tpu.vector_load %arg9[%swap3A_1185] {strides = array<i32>} : memref<128xi32, #tpu.memory_space<vmem>>, vector<16xi32>,
      %swap3A_1187 = vector.shape_cast %swap3A_1186 : vector<16xi32> to vector<16xi32>
      %swap3A_1188 = vector.shape_cast %select_n3A_1184 : vector<16xi32> to vector<16xi32>
      tpu.vector_store %arg9[%swap3A_1185], %swap3A_1188 {strides = array<i32>} : memref<128xi32, #tpu.memory_space<vmem>>, vector<16xi32>,
      %eq3A_1189 = arith.cmpi eq, %add3A_1170, %broadcast_in_dim3A_14 : vector<16xi32>
      %convert_element_type3A_1190 = arith.sitofp %add3A_1168 : vector<16xi32> to vector<16xf32>
      %select_n3A_1191 = arith.select %eq3A_1189, %convert_element_type3A_1190, %broadcast_in_dim3A_18 : vector<16xi1>, vector<16xf32>
      %swap3A_1192 = arith.constant 96 : index
      %swap3A_1193 = tpu.vector_load %arg11[%swap3A_1192] {strides = array<i32>} : memref<128xf32, #tpu.memory_space<vmem>>, vector<16xf32>,
      %swap3A_1194 = vector.shape_cast %swap3A_1193 : vector<16xf32> to vector<16xf32>
      %swap3A_1195 = vector.shape_cast %select_n3A_1191 : vector<16xf32> to vector<16xf32>
      tpu.vector_store %arg11[%swap3A_1192], %swap3A_1195 {strides = array<i32>} : memref<128xf32, #tpu.memory_space<vmem>>, vector<16xf32>,
      %get3A_1196 = arith.constant 112 : index
      %get3A_1197 = tpu.vector_load %arg9[%get3A_1196] {strides = array<i32>} : memref<128xi32, #tpu.memory_space<vmem>>, vector<16xi32>,
      %get3A_1198 = vector.shape_cast %get3A_1197 : vector<16xi32> to vector<16xi32>
      %swap3A_1199 = arith.constant 0 : index
      %swap3A_1200 = tpu.vector_load %arg13[%swap3A_1199] {strides = array<i32>} : memref<48xi32, #tpu.memory_space<vmem>>, vector<16xi32>,
      %swap3A_1201 = vector.shape_cast %swap3A_1200 : vector<16xi32> to vector<16xi32>
      %swap3A_1202 = vector.shape_cast %get3A_1198 : vector<16xi32> to vector<16xi32>
      tpu.vector_store %arg13[%swap3A_1199], %swap3A_1202 {strides = array<i32>} : memref<48xi32, #tpu.memory_space<vmem>>, vector<16xi32>,
      %swap3A_1203 = arith.constant 16 : index
      %swap3A_1204 = tpu.vector_load %arg13[%swap3A_1203] {strides = array<i32>} : memref<48xi32, #tpu.memory_space<vmem>>, vector<16xi32>,
      %swap3A_1205 = vector.shape_cast %swap3A_1204 : vector<16xi32> to vector<16xi32>
      %swap3A_1206 = vector.shape_cast %get3A_1198 : vector<16xi32> to vector<16xi32>
      tpu.vector_store %arg13[%swap3A_1203], %swap3A_1206 {strides = array<i32>} : memref<48xi32, #tpu.memory_space<vmem>>, vector<16xi32>,
      %get3A_1207 = arith.constant 1 : index
      %get3A_1208 = tpu.vector_load %arg13[%get3A_1207] {strides = array<i32>} : memref<48xi32, #tpu.memory_space<vmem>>, vector<16xi32>,
      %get3A_1209 = vector.shape_cast %get3A_1208 : vector<16xi32> to vector<16xi32>
      %eq3A_1210 = arith.cmpi eq, %get3A_1198, %get3A_1209 : vector<16xi32>
      %select_n3A_1211 = arith.select %eq3A_1210, %broadcast_in_dim3A_12, %broadcast_in_dim3A_14 : vector<16xi1>, vector<16xi32>
      %add3A_1212 = arith.addi %broadcast_in_dim3A_12, %select_n3A_1211 : vector<16xi32>
      %mul3A_1213 = arith.muli %select_n3A_1211, %select_n3A : vector<16xi32>
      %add3A_1214 = arith.addi %broadcast_in_dim3A_14, %mul3A_1213 : vector<16xi32>
      %get3A_1215 = arith.constant 2 : index
      %get3A_1216 = tpu.vector_load %arg13[%get3A_1215] {strides = array<i32>} : memref<48xi32, #tpu.memory_space<vmem>>, vector<16xi32>,
      %get3A_1217 = vector.shape_cast %get3A_1216 : vector<16xi32> to vector<16xi32>
      %eq3A_1218 = arith.cmpi eq, %get3A_1198, %get3A_1217 : vector<16xi32>
      %select_n3A_1219 = arith.select %eq3A_1218, %broadcast_in_dim3A_12, %broadcast_in_dim3A_14 : vector<16xi1>, vector<16xi32>
      %add3A_1220 = arith.addi %add3A_1212, %select_n3A_1219 : vector<16xi32>
      %mul3A_1221 = arith.muli %select_n3A_1219, %select_n3A_24 : vector<16xi32>
      %add3A_1222 = arith.addi %add3A_1214, %mul3A_1221 : vector<16xi32>
      %get3A_1223 = arith.constant 3 : index
      %get3A_1224 = tpu.vector_load %arg13[%get3A_1223] {strides = array<i32>} : memref<48xi32, #tpu.memory_space<vmem>>, vector<16xi32>,
      %get3A_1225 = vector.shape_cast %get3A_1224 : vector<16xi32> to vector<16xi32>
      %eq3A_1226 = arith.cmpi eq, %get3A_1198, %get3A_1225 : vector<16xi32>
      %select_n3A_1227 = arith.select %eq3A_1226, %broadcast_in_dim3A_12, %broadcast_in_dim3A_14 : vector<16xi1>, vector<16xi32>
      %add3A_1228 = arith.addi %add3A_1220, %select_n3A_1227 : vector<16xi32>
      %mul3A_1229 = arith.muli %select_n3A_1227, %select_n3A_28 : vector<16xi32>
      %add3A_1230 = arith.addi %add3A_1222, %mul3A_1229 : vector<16xi32>
      %get3A_1231 = arith.constant 4 : index
      %get3A_1232 = tpu.vector_load %arg13[%get3A_1231] {strides = array<i32>} : memref<48xi32, #tpu.memory_space<vmem>>, vector<16xi32>,
      %get3A_1233 = vector.shape_cast %get3A_1232 : vector<16xi32> to vector<16xi32>
      %eq3A_1234 = arith.cmpi eq, %get3A_1198, %get3A_1233 : vector<16xi32>
      %select_n3A_1235 = arith.select %eq3A_1234, %broadcast_in_dim3A_12, %broadcast_in_dim3A_14 : vector<16xi1>, vector<16xi32>
      %add3A_1236 = arith.addi %add3A_1228, %select_n3A_1235 : vector<16xi32>
      %mul3A_1237 = arith.muli %select_n3A_1235, %select_n3A_32 : vector<16xi32>
      %add3A_1238 = arith.addi %add3A_1230, %mul3A_1237 : vector<16xi32>
      %get3A_1239 = arith.constant 5 : index
      %get3A_1240 = tpu.vector_load %arg13[%get3A_1239] {strides = array<i32>} : memref<48xi32, #tpu.memory_space<vmem>>, vector<16xi32>,
      %get3A_1241 = vector.shape_cast %get3A_1240 : vector<16xi32> to vector<16xi32>
      %eq3A_1242 = arith.cmpi eq, %get3A_1198, %get3A_1241 : vector<16xi32>
      %select_n3A_1243 = arith.select %eq3A_1242, %broadcast_in_dim3A_12, %broadcast_in_dim3A_14 : vector<16xi1>, vector<16xi32>
      %add3A_1244 = arith.addi %add3A_1236, %select_n3A_1243 : vector<16xi32>
      %mul3A_1245 = arith.muli %select_n3A_1243, %select_n3A_36 : vector<16xi32>
      %add3A_1246 = arith.addi %add3A_1238, %mul3A_1245 : vector<16xi32>
      %get3A_1247 = arith.constant 6 : index
      %get3A_1248 = tpu.vector_load %arg13[%get3A_1247] {strides = array<i32>} : memref<48xi32, #tpu.memory_space<vmem>>, vector<16xi32>,
      %get3A_1249 = vector.shape_cast %get3A_1248 : vector<16xi32> to vector<16xi32>
      %eq3A_1250 = arith.cmpi eq, %get3A_1198, %get3A_1249 : vector<16xi32>
      %select_n3A_1251 = arith.select %eq3A_1250, %broadcast_in_dim3A_12, %broadcast_in_dim3A_14 : vector<16xi1>, vector<16xi32>
      %add3A_1252 = arith.addi %add3A_1244, %select_n3A_1251 : vector<16xi32>
      %mul3A_1253 = arith.muli %select_n3A_1251, %select_n3A_40 : vector<16xi32>
      %add3A_1254 = arith.addi %add3A_1246, %mul3A_1253 : vector<16xi32>
      %get3A_1255 = arith.constant 7 : index
      %get3A_1256 = tpu.vector_load %arg13[%get3A_1255] {strides = array<i32>} : memref<48xi32, #tpu.memory_space<vmem>>, vector<16xi32>,
      %get3A_1257 = vector.shape_cast %get3A_1256 : vector<16xi32> to vector<16xi32>
      %eq3A_1258 = arith.cmpi eq, %get3A_1198, %get3A_1257 : vector<16xi32>
      %select_n3A_1259 = arith.select %eq3A_1258, %broadcast_in_dim3A_12, %broadcast_in_dim3A_14 : vector<16xi1>, vector<16xi32>
      %add3A_1260 = arith.addi %add3A_1252, %select_n3A_1259 : vector<16xi32>
      %mul3A_1261 = arith.muli %select_n3A_1259, %select_n3A_44 : vector<16xi32>
      %add3A_1262 = arith.addi %add3A_1254, %mul3A_1261 : vector<16xi32>
      %get3A_1263 = arith.constant 8 : index
      %get3A_1264 = tpu.vector_load %arg13[%get3A_1263] {strides = array<i32>} : memref<48xi32, #tpu.memory_space<vmem>>, vector<16xi32>,
      %get3A_1265 = vector.shape_cast %get3A_1264 : vector<16xi32> to vector<16xi32>
      %eq3A_1266 = arith.cmpi eq, %get3A_1198, %get3A_1265 : vector<16xi32>
      %select_n3A_1267 = arith.select %eq3A_1266, %broadcast_in_dim3A_12, %broadcast_in_dim3A_14 : vector<16xi1>, vector<16xi32>
      %add3A_1268 = arith.addi %add3A_1260, %select_n3A_1267 : vector<16xi32>
      %mul3A_1269 = arith.muli %select_n3A_1267, %select_n3A_48 : vector<16xi32>
      %add3A_1270 = arith.addi %add3A_1262, %mul3A_1269 : vector<16xi32>
      %get3A_1271 = arith.constant 9 : index
      %get3A_1272 = tpu.vector_load %arg13[%get3A_1271] {strides = array<i32>} : memref<48xi32, #tpu.memory_space<vmem>>, vector<16xi32>,
      %get3A_1273 = vector.shape_cast %get3A_1272 : vector<16xi32> to vector<16xi32>
      %eq3A_1274 = arith.cmpi eq, %get3A_1198, %get3A_1273 : vector<16xi32>
      %select_n3A_1275 = arith.select %eq3A_1274, %broadcast_in_dim3A_12, %broadcast_in_dim3A_14 : vector<16xi1>, vector<16xi32>
      %add3A_1276 = arith.addi %add3A_1268, %select_n3A_1275 : vector<16xi32>
      %mul3A_1277 = arith.muli %select_n3A_1275, %select_n3A_52 : vector<16xi32>
      %add3A_1278 = arith.addi %add3A_1270, %mul3A_1277 : vector<16xi32>
      %get3A_1279 = arith.constant 10 : index
      %get3A_1280 = tpu.vector_load %arg13[%get3A_1279] {strides = array<i32>} : memref<48xi32, #tpu.memory_space<vmem>>, vector<16xi32>,
      %get3A_1281 = vector.shape_cast %get3A_1280 : vector<16xi32> to vector<16xi32>
      %eq3A_1282 = arith.cmpi eq, %get3A_1198, %get3A_1281 : vector<16xi32>
      %select_n3A_1283 = arith.select %eq3A_1282, %broadcast_in_dim3A_12, %broadcast_in_dim3A_14 : vector<16xi1>, vector<16xi32>
      %add3A_1284 = arith.addi %add3A_1276, %select_n3A_1283 : vector<16xi32>
      %mul3A_1285 = arith.muli %select_n3A_1283, %select_n3A_56 : vector<16xi32>
      %add3A_1286 = arith.addi %add3A_1278, %mul3A_1285 : vector<16xi32>
      %get3A_1287 = arith.constant 11 : index
      %get3A_1288 = tpu.vector_load %arg13[%get3A_1287] {strides = array<i32>} : memref<48xi32, #tpu.memory_space<vmem>>, vector<16xi32>,
      %get3A_1289 = vector.shape_cast %get3A_1288 : vector<16xi32> to vector<16xi32>
      %eq3A_1290 = arith.cmpi eq, %get3A_1198, %get3A_1289 : vector<16xi32>
      %select_n3A_1291 = arith.select %eq3A_1290, %broadcast_in_dim3A_12, %broadcast_in_dim3A_14 : vector<16xi1>, vector<16xi32>
      %add3A_1292 = arith.addi %add3A_1284, %select_n3A_1291 : vector<16xi32>
      %mul3A_1293 = arith.muli %select_n3A_1291, %select_n3A_60 : vector<16xi32>
      %add3A_1294 = arith.addi %add3A_1286, %mul3A_1293 : vector<16xi32>
      %get3A_1295 = arith.constant 12 : index
      %get3A_1296 = tpu.vector_load %arg13[%get3A_1295] {strides = array<i32>} : memref<48xi32, #tpu.memory_space<vmem>>, vector<16xi32>,
      %get3A_1297 = vector.shape_cast %get3A_1296 : vector<16xi32> to vector<16xi32>
      %eq3A_1298 = arith.cmpi eq, %get3A_1198, %get3A_1297 : vector<16xi32>
      %select_n3A_1299 = arith.select %eq3A_1298, %broadcast_in_dim3A_12, %broadcast_in_dim3A_14 : vector<16xi1>, vector<16xi32>
      %add3A_1300 = arith.addi %add3A_1292, %select_n3A_1299 : vector<16xi32>
      %mul3A_1301 = arith.muli %select_n3A_1299, %select_n3A_64 : vector<16xi32>
      %add3A_1302 = arith.addi %add3A_1294, %mul3A_1301 : vector<16xi32>
      %get3A_1303 = arith.constant 13 : index
      %get3A_1304 = tpu.vector_load %arg13[%get3A_1303] {strides = array<i32>} : memref<48xi32, #tpu.memory_space<vmem>>, vector<16xi32>,
      %get3A_1305 = vector.shape_cast %get3A_1304 : vector<16xi32> to vector<16xi32>
      %eq3A_1306 = arith.cmpi eq, %get3A_1198, %get3A_1305 : vector<16xi32>
      %select_n3A_1307 = arith.select %eq3A_1306, %broadcast_in_dim3A_12, %broadcast_in_dim3A_14 : vector<16xi1>, vector<16xi32>
      %add3A_1308 = arith.addi %add3A_1300, %select_n3A_1307 : vector<16xi32>
      %mul3A_1309 = arith.muli %select_n3A_1307, %select_n3A_68 : vector<16xi32>
      %add3A_1310 = arith.addi %add3A_1302, %mul3A_1309 : vector<16xi32>
      %get3A_1311 = arith.constant 14 : index
      %get3A_1312 = tpu.vector_load %arg13[%get3A_1311] {strides = array<i32>} : memref<48xi32, #tpu.memory_space<vmem>>, vector<16xi32>,
      %get3A_1313 = vector.shape_cast %get3A_1312 : vector<16xi32> to vector<16xi32>
      %eq3A_1314 = arith.cmpi eq, %get3A_1198, %get3A_1313 : vector<16xi32>
      %select_n3A_1315 = arith.select %eq3A_1314, %broadcast_in_dim3A_12, %broadcast_in_dim3A_14 : vector<16xi1>, vector<16xi32>
      %add3A_1316 = arith.addi %add3A_1308, %select_n3A_1315 : vector<16xi32>
      %mul3A_1317 = arith.muli %select_n3A_1315, %select_n3A_72 : vector<16xi32>
      %add3A_1318 = arith.addi %add3A_1310, %mul3A_1317 : vector<16xi32>
      %get3A_1319 = arith.constant 15 : index
      %get3A_1320 = tpu.vector_load %arg13[%get3A_1319] {strides = array<i32>} : memref<48xi32, #tpu.memory_space<vmem>>, vector<16xi32>,
      %get3A_1321 = vector.shape_cast %get3A_1320 : vector<16xi32> to vector<16xi32>
      %eq3A_1322 = arith.cmpi eq, %get3A_1198, %get3A_1321 : vector<16xi32>
      %select_n3A_1323 = arith.select %eq3A_1322, %broadcast_in_dim3A_12, %broadcast_in_dim3A_14 : vector<16xi1>, vector<16xi32>
      %add3A_1324 = arith.addi %add3A_1316, %select_n3A_1323 : vector<16xi32>
      %mul3A_1325 = arith.muli %select_n3A_1323, %select_n3A_76 : vector<16xi32>
      %add3A_1326 = arith.addi %add3A_1318, %mul3A_1325 : vector<16xi32>
      %ge3A_1327 = vector.broadcast %mul3A_2 : i32 to vector<16xi32>
      %ge3A_1328 = arith.cmpi sge, %get3A_1198, %ge3A_1327 : vector<16xi32>
      %select_n3A_1329 = arith.select %ge3A_1328, %broadcast_in_dim3A_14, %broadcast_in_dim3A_12 : vector<16xi1>, vector<16xi32>
      %add3A_1330 = arith.constant 500224 : i32
      %add3A_1331 = arith.addi %mul3A_2, %add3A_1330 : i32
      %lt3A_1332 = vector.broadcast %add3A_1331 : i32 to vector<16xi32>
      %lt3A_1333 = arith.cmpi slt, %get3A_1198, %lt3A_1332 : vector<16xi32>
      %select_n3A_1334 = arith.select %lt3A_1333, %broadcast_in_dim3A_14, %broadcast_in_dim3A_12 : vector<16xi1>, vector<16xi32>
      %add3A_1335 = arith.addi %add3A_1326, %select_n3A_1329 : vector<16xi32>
      %add3A_1336 = arith.addi %add3A_1335, %select_n3A_1334 : vector<16xi32>
      %eq3A_1337 = arith.cmpi eq, %add3A_1336, %broadcast_in_dim3A_14 : vector<16xi32>
      %sub3A_1338 = vector.broadcast %mul3A_2 : i32 to vector<16xi32>
      %sub3A_1339 = arith.subi %get3A_1198, %sub3A_1338 : vector<16xi32>
      %select_n3A_1340 = arith.select %eq3A_1337, %sub3A_1339, %broadcast_in_dim3A_16 : vector<16xi1>, vector<16xi32>
      %swap3A_1341 = arith.constant 112 : index
      %swap3A_1342 = tpu.vector_load %arg9[%swap3A_1341] {strides = array<i32>} : memref<128xi32, #tpu.memory_space<vmem>>, vector<16xi32>,
      %swap3A_1343 = vector.shape_cast %swap3A_1342 : vector<16xi32> to vector<16xi32>
      %swap3A_1344 = vector.shape_cast %select_n3A_1340 : vector<16xi32> to vector<16xi32>
      tpu.vector_store %arg9[%swap3A_1341], %swap3A_1344 {strides = array<i32>} : memref<128xi32, #tpu.memory_space<vmem>>, vector<16xi32>,
      %eq3A_1345 = arith.cmpi eq, %add3A_1326, %broadcast_in_dim3A_14 : vector<16xi32>
      %convert_element_type3A_1346 = arith.sitofp %add3A_1324 : vector<16xi32> to vector<16xf32>
      %select_n3A_1347 = arith.select %eq3A_1345, %convert_element_type3A_1346, %broadcast_in_dim3A_18 : vector<16xi1>, vector<16xf32>
      %swap3A_1348 = arith.constant 112 : index
      %swap3A_1349 = tpu.vector_load %arg11[%swap3A_1348] {strides = array<i32>} : memref<128xf32, #tpu.memory_space<vmem>>, vector<16xf32>,
      %swap3A_1350 = vector.shape_cast %swap3A_1349 : vector<16xf32> to vector<16xf32>
      %swap3A_1351 = vector.shape_cast %select_n3A_1347 : vector<16xf32> to vector<16xf32>
      tpu.vector_store %arg11[%swap3A_1348], %swap3A_1351 {strides = array<i32>} : memref<128xf32, #tpu.memory_space<vmem>>, vector<16xf32>,
      "tpu.region"() ({
        %run_scoped3A = tpu.sem_alloc : memref<!tpu.dma_semaphore, #tpu.memory_space<semaphore_mem>>
        %dma_start3A_2612 = arith.constant 0 : i32
        %dma_start3A_2613 = tpu.memref_slice %arg15[%dma_start3A_2612] : memref<500240xf32, #tpu.memory_space<vmem_shared>> -> memref<500240xf32, #tpu.memory_space<vmem_shared>>
        tpu.enqueue_indirect_dma source(%arg11 : memref<128xf32, #tpu.memory_space<vmem>>) target(%dma_start3A_2613 : memref<500240xf32, #tpu.memory_space<vmem_shared>>) offsets(%arg9 : memref<128xi32, #tpu.memory_space<vmem>>) semaphore(%run_scoped3A : memref<!tpu.dma_semaphore, #tpu.memory_space<semaphore_mem>>) {add = true}
        %dma_wait3A_2614 = arith.constant 0 : i32
        %dma_wait3A_2615 = tpu.memref_slice %arg15[%dma_wait3A_2614] : memref<500240xf32, #tpu.memory_space<vmem_shared>> -> memref<500240xf32, #tpu.memory_space<vmem_shared>>
        tpu.wait_indirect_dma semaphore(%run_scoped3A : memref<!tpu.dma_semaphore, #tpu.memory_space<semaphore_mem>>) src(%arg11 : memref<128xf32, #tpu.memory_space<vmem>>) dst(%dma_wait3A_2615 : memref<500240xf32, #tpu.memory_space<vmem_shared>>)
        tpu.yield
      }) : () -> ()
      %add3A_1352 = arith.constant 256 : i32
      %add3A_1353 = arith.addi %add3A_107, %add3A_1352 : i32
      %dma_start3A_1354 = tpu.memref_slice %arg4[%add3A_1353] : memref<323840xi32, #tpu.memory_space<hbm>> -> memref<128xi32, #tpu.memory_space<hbm>>
      %dma_start3A_1355 = tpu.memref_slice %arg4[%add3A_1353] : memref<323840xi32, #tpu.memory_space<hbm>> -> memref<128xi32, #tpu.memory_space<hbm>>
      tpu.enqueue_dma source(%dma_start3A_1355 : memref<128xi32, #tpu.memory_space<hbm>>) target(%arg9 : memref<128xi32, #tpu.memory_space<vmem>>) target_semaphore(%arg17 : memref<!tpu.dma_semaphore, #tpu.memory_space<semaphore_mem>>)
      %add3A_1356 = arith.constant 128 : i32
      %add3A_1357 = arith.addi %add3A_107, %add3A_1356 : i32
      %dma_wait3A_1358 = tpu.memref_slice %arg4[%add3A_1357] : memref<323840xi32, #tpu.memory_space<hbm>> -> memref<128xi32, #tpu.memory_space<hbm>>
      %dma_wait3A_1359 = tpu.memref_slice %arg4[%add3A_1357] : memref<323840xi32, #tpu.memory_space<hbm>> -> memref<128xi32, #tpu.memory_space<hbm>>
      tpu.wait_dma2 semaphore(%arg18 : memref<!tpu.dma_semaphore, #tpu.memory_space<semaphore_mem>>) src(%dma_wait3A_1359 : memref<128xi32, #tpu.memory_space<hbm>>) dst(%arg10 : memref<128xi32, #tpu.memory_space<vmem>>)
      %get3A_1360 = arith.constant 0 : index
      %get3A_1361 = tpu.vector_load %arg10[%get3A_1360] {strides = array<i32>} : memref<128xi32, #tpu.memory_space<vmem>>, vector<16xi32>,
      %get3A_1362 = vector.shape_cast %get3A_1361 : vector<16xi32> to vector<16xi32>
      %swap3A_1363 = arith.constant 0 : index
      %swap3A_1364 = tpu.vector_load %arg13[%swap3A_1363] {strides = array<i32>} : memref<48xi32, #tpu.memory_space<vmem>>, vector<16xi32>,
      %swap3A_1365 = vector.shape_cast %swap3A_1364 : vector<16xi32> to vector<16xi32>
      %swap3A_1366 = vector.shape_cast %get3A_1362 : vector<16xi32> to vector<16xi32>
      tpu.vector_store %arg13[%swap3A_1363], %swap3A_1366 {strides = array<i32>} : memref<48xi32, #tpu.memory_space<vmem>>, vector<16xi32>,
      %swap3A_1367 = arith.constant 16 : index
      %swap3A_1368 = tpu.vector_load %arg13[%swap3A_1367] {strides = array<i32>} : memref<48xi32, #tpu.memory_space<vmem>>, vector<16xi32>,
      %swap3A_1369 = vector.shape_cast %swap3A_1368 : vector<16xi32> to vector<16xi32>
      %swap3A_1370 = vector.shape_cast %get3A_1362 : vector<16xi32> to vector<16xi32>
      tpu.vector_store %arg13[%swap3A_1367], %swap3A_1370 {strides = array<i32>} : memref<48xi32, #tpu.memory_space<vmem>>, vector<16xi32>,
      %get3A_1371 = arith.constant 1 : index
      %get3A_1372 = tpu.vector_load %arg13[%get3A_1371] {strides = array<i32>} : memref<48xi32, #tpu.memory_space<vmem>>, vector<16xi32>,
      %get3A_1373 = vector.shape_cast %get3A_1372 : vector<16xi32> to vector<16xi32>
      %eq3A_1374 = arith.cmpi eq, %get3A_1362, %get3A_1373 : vector<16xi32>
      %select_n3A_1375 = arith.select %eq3A_1374, %broadcast_in_dim3A_12, %broadcast_in_dim3A_14 : vector<16xi1>, vector<16xi32>
      %add3A_1376 = arith.addi %broadcast_in_dim3A_12, %select_n3A_1375 : vector<16xi32>
      %mul3A_1377 = arith.muli %select_n3A_1375, %select_n3A : vector<16xi32>
      %add3A_1378 = arith.addi %broadcast_in_dim3A_14, %mul3A_1377 : vector<16xi32>
      %get3A_1379 = arith.constant 2 : index
      %get3A_1380 = tpu.vector_load %arg13[%get3A_1379] {strides = array<i32>} : memref<48xi32, #tpu.memory_space<vmem>>, vector<16xi32>,
      %get3A_1381 = vector.shape_cast %get3A_1380 : vector<16xi32> to vector<16xi32>
      %eq3A_1382 = arith.cmpi eq, %get3A_1362, %get3A_1381 : vector<16xi32>
      %select_n3A_1383 = arith.select %eq3A_1382, %broadcast_in_dim3A_12, %broadcast_in_dim3A_14 : vector<16xi1>, vector<16xi32>
      %add3A_1384 = arith.addi %add3A_1376, %select_n3A_1383 : vector<16xi32>
      %mul3A_1385 = arith.muli %select_n3A_1383, %select_n3A_24 : vector<16xi32>
      %add3A_1386 = arith.addi %add3A_1378, %mul3A_1385 : vector<16xi32>
      %get3A_1387 = arith.constant 3 : index
      %get3A_1388 = tpu.vector_load %arg13[%get3A_1387] {strides = array<i32>} : memref<48xi32, #tpu.memory_space<vmem>>, vector<16xi32>,
      %get3A_1389 = vector.shape_cast %get3A_1388 : vector<16xi32> to vector<16xi32>
      %eq3A_1390 = arith.cmpi eq, %get3A_1362, %get3A_1389 : vector<16xi32>
      %select_n3A_1391 = arith.select %eq3A_1390, %broadcast_in_dim3A_12, %broadcast_in_dim3A_14 : vector<16xi1>, vector<16xi32>
      %add3A_1392 = arith.addi %add3A_1384, %select_n3A_1391 : vector<16xi32>
      %mul3A_1393 = arith.muli %select_n3A_1391, %select_n3A_28 : vector<16xi32>
      %add3A_1394 = arith.addi %add3A_1386, %mul3A_1393 : vector<16xi32>
      %get3A_1395 = arith.constant 4 : index
      %get3A_1396 = tpu.vector_load %arg13[%get3A_1395] {strides = array<i32>} : memref<48xi32, #tpu.memory_space<vmem>>, vector<16xi32>,
      %get3A_1397 = vector.shape_cast %get3A_1396 : vector<16xi32> to vector<16xi32>
      %eq3A_1398 = arith.cmpi eq, %get3A_1362, %get3A_1397 : vector<16xi32>
      %select_n3A_1399 = arith.select %eq3A_1398, %broadcast_in_dim3A_12, %broadcast_in_dim3A_14 : vector<16xi1>, vector<16xi32>
      %add3A_1400 = arith.addi %add3A_1392, %select_n3A_1399 : vector<16xi32>
      %mul3A_1401 = arith.muli %select_n3A_1399, %select_n3A_32 : vector<16xi32>
      %add3A_1402 = arith.addi %add3A_1394, %mul3A_1401 : vector<16xi32>
      %get3A_1403 = arith.constant 5 : index
      %get3A_1404 = tpu.vector_load %arg13[%get3A_1403] {strides = array<i32>} : memref<48xi32, #tpu.memory_space<vmem>>, vector<16xi32>,
      %get3A_1405 = vector.shape_cast %get3A_1404 : vector<16xi32> to vector<16xi32>
      %eq3A_1406 = arith.cmpi eq, %get3A_1362, %get3A_1405 : vector<16xi32>
      %select_n3A_1407 = arith.select %eq3A_1406, %broadcast_in_dim3A_12, %broadcast_in_dim3A_14 : vector<16xi1>, vector<16xi32>
      %add3A_1408 = arith.addi %add3A_1400, %select_n3A_1407 : vector<16xi32>
      %mul3A_1409 = arith.muli %select_n3A_1407, %select_n3A_36 : vector<16xi32>
      %add3A_1410 = arith.addi %add3A_1402, %mul3A_1409 : vector<16xi32>
      %get3A_1411 = arith.constant 6 : index
      %get3A_1412 = tpu.vector_load %arg13[%get3A_1411] {strides = array<i32>} : memref<48xi32, #tpu.memory_space<vmem>>, vector<16xi32>,
      %get3A_1413 = vector.shape_cast %get3A_1412 : vector<16xi32> to vector<16xi32>
      %eq3A_1414 = arith.cmpi eq, %get3A_1362, %get3A_1413 : vector<16xi32>
      %select_n3A_1415 = arith.select %eq3A_1414, %broadcast_in_dim3A_12, %broadcast_in_dim3A_14 : vector<16xi1>, vector<16xi32>
      %add3A_1416 = arith.addi %add3A_1408, %select_n3A_1415 : vector<16xi32>
      %mul3A_1417 = arith.muli %select_n3A_1415, %select_n3A_40 : vector<16xi32>
      %add3A_1418 = arith.addi %add3A_1410, %mul3A_1417 : vector<16xi32>
      %get3A_1419 = arith.constant 7 : index
      %get3A_1420 = tpu.vector_load %arg13[%get3A_1419] {strides = array<i32>} : memref<48xi32, #tpu.memory_space<vmem>>, vector<16xi32>,
      %get3A_1421 = vector.shape_cast %get3A_1420 : vector<16xi32> to vector<16xi32>
      %eq3A_1422 = arith.cmpi eq, %get3A_1362, %get3A_1421 : vector<16xi32>
      %select_n3A_1423 = arith.select %eq3A_1422, %broadcast_in_dim3A_12, %broadcast_in_dim3A_14 : vector<16xi1>, vector<16xi32>
      %add3A_1424 = arith.addi %add3A_1416, %select_n3A_1423 : vector<16xi32>
      %mul3A_1425 = arith.muli %select_n3A_1423, %select_n3A_44 : vector<16xi32>
      %add3A_1426 = arith.addi %add3A_1418, %mul3A_1425 : vector<16xi32>
      %get3A_1427 = arith.constant 8 : index
      %get3A_1428 = tpu.vector_load %arg13[%get3A_1427] {strides = array<i32>} : memref<48xi32, #tpu.memory_space<vmem>>, vector<16xi32>,
      %get3A_1429 = vector.shape_cast %get3A_1428 : vector<16xi32> to vector<16xi32>
      %eq3A_1430 = arith.cmpi eq, %get3A_1362, %get3A_1429 : vector<16xi32>
      %select_n3A_1431 = arith.select %eq3A_1430, %broadcast_in_dim3A_12, %broadcast_in_dim3A_14 : vector<16xi1>, vector<16xi32>
      %add3A_1432 = arith.addi %add3A_1424, %select_n3A_1431 : vector<16xi32>
      %mul3A_1433 = arith.muli %select_n3A_1431, %select_n3A_48 : vector<16xi32>
      %add3A_1434 = arith.addi %add3A_1426, %mul3A_1433 : vector<16xi32>
      %get3A_1435 = arith.constant 9 : index
      %get3A_1436 = tpu.vector_load %arg13[%get3A_1435] {strides = array<i32>} : memref<48xi32, #tpu.memory_space<vmem>>, vector<16xi32>,
      %get3A_1437 = vector.shape_cast %get3A_1436 : vector<16xi32> to vector<16xi32>
      %eq3A_1438 = arith.cmpi eq, %get3A_1362, %get3A_1437 : vector<16xi32>
      %select_n3A_1439 = arith.select %eq3A_1438, %broadcast_in_dim3A_12, %broadcast_in_dim3A_14 : vector<16xi1>, vector<16xi32>
      %add3A_1440 = arith.addi %add3A_1432, %select_n3A_1439 : vector<16xi32>
      %mul3A_1441 = arith.muli %select_n3A_1439, %select_n3A_52 : vector<16xi32>
      %add3A_1442 = arith.addi %add3A_1434, %mul3A_1441 : vector<16xi32>
      %get3A_1443 = arith.constant 10 : index
      %get3A_1444 = tpu.vector_load %arg13[%get3A_1443] {strides = array<i32>} : memref<48xi32, #tpu.memory_space<vmem>>, vector<16xi32>,
      %get3A_1445 = vector.shape_cast %get3A_1444 : vector<16xi32> to vector<16xi32>
      %eq3A_1446 = arith.cmpi eq, %get3A_1362, %get3A_1445 : vector<16xi32>
      %select_n3A_1447 = arith.select %eq3A_1446, %broadcast_in_dim3A_12, %broadcast_in_dim3A_14 : vector<16xi1>, vector<16xi32>
      %add3A_1448 = arith.addi %add3A_1440, %select_n3A_1447 : vector<16xi32>
      %mul3A_1449 = arith.muli %select_n3A_1447, %select_n3A_56 : vector<16xi32>
      %add3A_1450 = arith.addi %add3A_1442, %mul3A_1449 : vector<16xi32>
      %get3A_1451 = arith.constant 11 : index
      %get3A_1452 = tpu.vector_load %arg13[%get3A_1451] {strides = array<i32>} : memref<48xi32, #tpu.memory_space<vmem>>, vector<16xi32>,
      %get3A_1453 = vector.shape_cast %get3A_1452 : vector<16xi32> to vector<16xi32>
      %eq3A_1454 = arith.cmpi eq, %get3A_1362, %get3A_1453 : vector<16xi32>
      %select_n3A_1455 = arith.select %eq3A_1454, %broadcast_in_dim3A_12, %broadcast_in_dim3A_14 : vector<16xi1>, vector<16xi32>
      %add3A_1456 = arith.addi %add3A_1448, %select_n3A_1455 : vector<16xi32>
      %mul3A_1457 = arith.muli %select_n3A_1455, %select_n3A_60 : vector<16xi32>
      %add3A_1458 = arith.addi %add3A_1450, %mul3A_1457 : vector<16xi32>
      %get3A_1459 = arith.constant 12 : index
      %get3A_1460 = tpu.vector_load %arg13[%get3A_1459] {strides = array<i32>} : memref<48xi32, #tpu.memory_space<vmem>>, vector<16xi32>,
      %get3A_1461 = vector.shape_cast %get3A_1460 : vector<16xi32> to vector<16xi32>
      %eq3A_1462 = arith.cmpi eq, %get3A_1362, %get3A_1461 : vector<16xi32>
      %select_n3A_1463 = arith.select %eq3A_1462, %broadcast_in_dim3A_12, %broadcast_in_dim3A_14 : vector<16xi1>, vector<16xi32>
      %add3A_1464 = arith.addi %add3A_1456, %select_n3A_1463 : vector<16xi32>
      %mul3A_1465 = arith.muli %select_n3A_1463, %select_n3A_64 : vector<16xi32>
      %add3A_1466 = arith.addi %add3A_1458, %mul3A_1465 : vector<16xi32>
      %get3A_1467 = arith.constant 13 : index
      %get3A_1468 = tpu.vector_load %arg13[%get3A_1467] {strides = array<i32>} : memref<48xi32, #tpu.memory_space<vmem>>, vector<16xi32>,
      %get3A_1469 = vector.shape_cast %get3A_1468 : vector<16xi32> to vector<16xi32>
      %eq3A_1470 = arith.cmpi eq, %get3A_1362, %get3A_1469 : vector<16xi32>
      %select_n3A_1471 = arith.select %eq3A_1470, %broadcast_in_dim3A_12, %broadcast_in_dim3A_14 : vector<16xi1>, vector<16xi32>
      %add3A_1472 = arith.addi %add3A_1464, %select_n3A_1471 : vector<16xi32>
      %mul3A_1473 = arith.muli %select_n3A_1471, %select_n3A_68 : vector<16xi32>
      %add3A_1474 = arith.addi %add3A_1466, %mul3A_1473 : vector<16xi32>
      %get3A_1475 = arith.constant 14 : index
      %get3A_1476 = tpu.vector_load %arg13[%get3A_1475] {strides = array<i32>} : memref<48xi32, #tpu.memory_space<vmem>>, vector<16xi32>,
      %get3A_1477 = vector.shape_cast %get3A_1476 : vector<16xi32> to vector<16xi32>
      %eq3A_1478 = arith.cmpi eq, %get3A_1362, %get3A_1477 : vector<16xi32>
      %select_n3A_1479 = arith.select %eq3A_1478, %broadcast_in_dim3A_12, %broadcast_in_dim3A_14 : vector<16xi1>, vector<16xi32>
      %add3A_1480 = arith.addi %add3A_1472, %select_n3A_1479 : vector<16xi32>
      %mul3A_1481 = arith.muli %select_n3A_1479, %select_n3A_72 : vector<16xi32>
      %add3A_1482 = arith.addi %add3A_1474, %mul3A_1481 : vector<16xi32>
      %get3A_1483 = arith.constant 15 : index
      %get3A_1484 = tpu.vector_load %arg13[%get3A_1483] {strides = array<i32>} : memref<48xi32, #tpu.memory_space<vmem>>, vector<16xi32>,
      %get3A_1485 = vector.shape_cast %get3A_1484 : vector<16xi32> to vector<16xi32>
      %eq3A_1486 = arith.cmpi eq, %get3A_1362, %get3A_1485 : vector<16xi32>
      %select_n3A_1487 = arith.select %eq3A_1486, %broadcast_in_dim3A_12, %broadcast_in_dim3A_14 : vector<16xi1>, vector<16xi32>
      %add3A_1488 = arith.addi %add3A_1480, %select_n3A_1487 : vector<16xi32>
      %mul3A_1489 = arith.muli %select_n3A_1487, %select_n3A_76 : vector<16xi32>
      %add3A_1490 = arith.addi %add3A_1482, %mul3A_1489 : vector<16xi32>
      %ge3A_1491 = vector.broadcast %mul3A_2 : i32 to vector<16xi32>
      %ge3A_1492 = arith.cmpi sge, %get3A_1362, %ge3A_1491 : vector<16xi32>
      %select_n3A_1493 = arith.select %ge3A_1492, %broadcast_in_dim3A_14, %broadcast_in_dim3A_12 : vector<16xi1>, vector<16xi32>
      %add3A_1494 = arith.constant 500224 : i32
      %add3A_1495 = arith.addi %mul3A_2, %add3A_1494 : i32
      %lt3A_1496 = vector.broadcast %add3A_1495 : i32 to vector<16xi32>
      %lt3A_1497 = arith.cmpi slt, %get3A_1362, %lt3A_1496 : vector<16xi32>
      %select_n3A_1498 = arith.select %lt3A_1497, %broadcast_in_dim3A_14, %broadcast_in_dim3A_12 : vector<16xi1>, vector<16xi32>
      %add3A_1499 = arith.addi %add3A_1490, %select_n3A_1493 : vector<16xi32>
      %add3A_1500 = arith.addi %add3A_1499, %select_n3A_1498 : vector<16xi32>
      %eq3A_1501 = arith.cmpi eq, %add3A_1500, %broadcast_in_dim3A_14 : vector<16xi32>
      %sub3A_1502 = vector.broadcast %mul3A_2 : i32 to vector<16xi32>
      %sub3A_1503 = arith.subi %get3A_1362, %sub3A_1502 : vector<16xi32>
      %select_n3A_1504 = arith.select %eq3A_1501, %sub3A_1503, %broadcast_in_dim3A_16 : vector<16xi1>, vector<16xi32>
      %swap3A_1505 = arith.constant 0 : index
      %swap3A_1506 = tpu.vector_load %arg10[%swap3A_1505] {strides = array<i32>} : memref<128xi32, #tpu.memory_space<vmem>>, vector<16xi32>,
      %swap3A_1507 = vector.shape_cast %swap3A_1506 : vector<16xi32> to vector<16xi32>
      %swap3A_1508 = vector.shape_cast %select_n3A_1504 : vector<16xi32> to vector<16xi32>
      tpu.vector_store %arg10[%swap3A_1505], %swap3A_1508 {strides = array<i32>} : memref<128xi32, #tpu.memory_space<vmem>>, vector<16xi32>,
      %eq3A_1509 = arith.cmpi eq, %add3A_1490, %broadcast_in_dim3A_14 : vector<16xi32>
      %convert_element_type3A_1510 = arith.sitofp %add3A_1488 : vector<16xi32> to vector<16xf32>
      %select_n3A_1511 = arith.select %eq3A_1509, %convert_element_type3A_1510, %broadcast_in_dim3A_18 : vector<16xi1>, vector<16xf32>
      %swap3A_1512 = arith.constant 0 : index
      %swap3A_1513 = tpu.vector_load %arg11[%swap3A_1512] {strides = array<i32>} : memref<128xf32, #tpu.memory_space<vmem>>, vector<16xf32>,
      %swap3A_1514 = vector.shape_cast %swap3A_1513 : vector<16xf32> to vector<16xf32>
      %swap3A_1515 = vector.shape_cast %select_n3A_1511 : vector<16xf32> to vector<16xf32>
      tpu.vector_store %arg11[%swap3A_1512], %swap3A_1515 {strides = array<i32>} : memref<128xf32, #tpu.memory_space<vmem>>, vector<16xf32>,
      %get3A_1516 = arith.constant 16 : index
      %get3A_1517 = tpu.vector_load %arg10[%get3A_1516] {strides = array<i32>} : memref<128xi32, #tpu.memory_space<vmem>>, vector<16xi32>,
      %get3A_1518 = vector.shape_cast %get3A_1517 : vector<16xi32> to vector<16xi32>
      %swap3A_1519 = arith.constant 0 : index
      %swap3A_1520 = tpu.vector_load %arg13[%swap3A_1519] {strides = array<i32>} : memref<48xi32, #tpu.memory_space<vmem>>, vector<16xi32>,
      %swap3A_1521 = vector.shape_cast %swap3A_1520 : vector<16xi32> to vector<16xi32>
      %swap3A_1522 = vector.shape_cast %get3A_1518 : vector<16xi32> to vector<16xi32>
      tpu.vector_store %arg13[%swap3A_1519], %swap3A_1522 {strides = array<i32>} : memref<48xi32, #tpu.memory_space<vmem>>, vector<16xi32>,
      %swap3A_1523 = arith.constant 16 : index
      %swap3A_1524 = tpu.vector_load %arg13[%swap3A_1523] {strides = array<i32>} : memref<48xi32, #tpu.memory_space<vmem>>, vector<16xi32>,
      %swap3A_1525 = vector.shape_cast %swap3A_1524 : vector<16xi32> to vector<16xi32>
      %swap3A_1526 = vector.shape_cast %get3A_1518 : vector<16xi32> to vector<16xi32>
      tpu.vector_store %arg13[%swap3A_1523], %swap3A_1526 {strides = array<i32>} : memref<48xi32, #tpu.memory_space<vmem>>, vector<16xi32>,
      %get3A_1527 = arith.constant 1 : index
      %get3A_1528 = tpu.vector_load %arg13[%get3A_1527] {strides = array<i32>} : memref<48xi32, #tpu.memory_space<vmem>>, vector<16xi32>,
      %get3A_1529 = vector.shape_cast %get3A_1528 : vector<16xi32> to vector<16xi32>
      %eq3A_1530 = arith.cmpi eq, %get3A_1518, %get3A_1529 : vector<16xi32>
      %select_n3A_1531 = arith.select %eq3A_1530, %broadcast_in_dim3A_12, %broadcast_in_dim3A_14 : vector<16xi1>, vector<16xi32>
      %add3A_1532 = arith.addi %broadcast_in_dim3A_12, %select_n3A_1531 : vector<16xi32>
      %mul3A_1533 = arith.muli %select_n3A_1531, %select_n3A : vector<16xi32>
      %add3A_1534 = arith.addi %broadcast_in_dim3A_14, %mul3A_1533 : vector<16xi32>
      %get3A_1535 = arith.constant 2 : index
      %get3A_1536 = tpu.vector_load %arg13[%get3A_1535] {strides = array<i32>} : memref<48xi32, #tpu.memory_space<vmem>>, vector<16xi32>,
      %get3A_1537 = vector.shape_cast %get3A_1536 : vector<16xi32> to vector<16xi32>
      %eq3A_1538 = arith.cmpi eq, %get3A_1518, %get3A_1537 : vector<16xi32>
      %select_n3A_1539 = arith.select %eq3A_1538, %broadcast_in_dim3A_12, %broadcast_in_dim3A_14 : vector<16xi1>, vector<16xi32>
      %add3A_1540 = arith.addi %add3A_1532, %select_n3A_1539 : vector<16xi32>
      %mul3A_1541 = arith.muli %select_n3A_1539, %select_n3A_24 : vector<16xi32>
      %add3A_1542 = arith.addi %add3A_1534, %mul3A_1541 : vector<16xi32>
      %get3A_1543 = arith.constant 3 : index
      %get3A_1544 = tpu.vector_load %arg13[%get3A_1543] {strides = array<i32>} : memref<48xi32, #tpu.memory_space<vmem>>, vector<16xi32>,
      %get3A_1545 = vector.shape_cast %get3A_1544 : vector<16xi32> to vector<16xi32>
      %eq3A_1546 = arith.cmpi eq, %get3A_1518, %get3A_1545 : vector<16xi32>
      %select_n3A_1547 = arith.select %eq3A_1546, %broadcast_in_dim3A_12, %broadcast_in_dim3A_14 : vector<16xi1>, vector<16xi32>
      %add3A_1548 = arith.addi %add3A_1540, %select_n3A_1547 : vector<16xi32>
      %mul3A_1549 = arith.muli %select_n3A_1547, %select_n3A_28 : vector<16xi32>
      %add3A_1550 = arith.addi %add3A_1542, %mul3A_1549 : vector<16xi32>
      %get3A_1551 = arith.constant 4 : index
      %get3A_1552 = tpu.vector_load %arg13[%get3A_1551] {strides = array<i32>} : memref<48xi32, #tpu.memory_space<vmem>>, vector<16xi32>,
      %get3A_1553 = vector.shape_cast %get3A_1552 : vector<16xi32> to vector<16xi32>
      %eq3A_1554 = arith.cmpi eq, %get3A_1518, %get3A_1553 : vector<16xi32>
      %select_n3A_1555 = arith.select %eq3A_1554, %broadcast_in_dim3A_12, %broadcast_in_dim3A_14 : vector<16xi1>, vector<16xi32>
      %add3A_1556 = arith.addi %add3A_1548, %select_n3A_1555 : vector<16xi32>
      %mul3A_1557 = arith.muli %select_n3A_1555, %select_n3A_32 : vector<16xi32>
      %add3A_1558 = arith.addi %add3A_1550, %mul3A_1557 : vector<16xi32>
      %get3A_1559 = arith.constant 5 : index
      %get3A_1560 = tpu.vector_load %arg13[%get3A_1559] {strides = array<i32>} : memref<48xi32, #tpu.memory_space<vmem>>, vector<16xi32>,
      %get3A_1561 = vector.shape_cast %get3A_1560 : vector<16xi32> to vector<16xi32>
      %eq3A_1562 = arith.cmpi eq, %get3A_1518, %get3A_1561 : vector<16xi32>
      %select_n3A_1563 = arith.select %eq3A_1562, %broadcast_in_dim3A_12, %broadcast_in_dim3A_14 : vector<16xi1>, vector<16xi32>
      %add3A_1564 = arith.addi %add3A_1556, %select_n3A_1563 : vector<16xi32>
      %mul3A_1565 = arith.muli %select_n3A_1563, %select_n3A_36 : vector<16xi32>
      %add3A_1566 = arith.addi %add3A_1558, %mul3A_1565 : vector<16xi32>
      %get3A_1567 = arith.constant 6 : index
      %get3A_1568 = tpu.vector_load %arg13[%get3A_1567] {strides = array<i32>} : memref<48xi32, #tpu.memory_space<vmem>>, vector<16xi32>,
      %get3A_1569 = vector.shape_cast %get3A_1568 : vector<16xi32> to vector<16xi32>
      %eq3A_1570 = arith.cmpi eq, %get3A_1518, %get3A_1569 : vector<16xi32>
      %select_n3A_1571 = arith.select %eq3A_1570, %broadcast_in_dim3A_12, %broadcast_in_dim3A_14 : vector<16xi1>, vector<16xi32>
      %add3A_1572 = arith.addi %add3A_1564, %select_n3A_1571 : vector<16xi32>
      %mul3A_1573 = arith.muli %select_n3A_1571, %select_n3A_40 : vector<16xi32>
      %add3A_1574 = arith.addi %add3A_1566, %mul3A_1573 : vector<16xi32>
      %get3A_1575 = arith.constant 7 : index
      %get3A_1576 = tpu.vector_load %arg13[%get3A_1575] {strides = array<i32>} : memref<48xi32, #tpu.memory_space<vmem>>, vector<16xi32>,
      %get3A_1577 = vector.shape_cast %get3A_1576 : vector<16xi32> to vector<16xi32>
      %eq3A_1578 = arith.cmpi eq, %get3A_1518, %get3A_1577 : vector<16xi32>
      %select_n3A_1579 = arith.select %eq3A_1578, %broadcast_in_dim3A_12, %broadcast_in_dim3A_14 : vector<16xi1>, vector<16xi32>
      %add3A_1580 = arith.addi %add3A_1572, %select_n3A_1579 : vector<16xi32>
      %mul3A_1581 = arith.muli %select_n3A_1579, %select_n3A_44 : vector<16xi32>
      %add3A_1582 = arith.addi %add3A_1574, %mul3A_1581 : vector<16xi32>
      %get3A_1583 = arith.constant 8 : index
      %get3A_1584 = tpu.vector_load %arg13[%get3A_1583] {strides = array<i32>} : memref<48xi32, #tpu.memory_space<vmem>>, vector<16xi32>,
      %get3A_1585 = vector.shape_cast %get3A_1584 : vector<16xi32> to vector<16xi32>
      %eq3A_1586 = arith.cmpi eq, %get3A_1518, %get3A_1585 : vector<16xi32>
      %select_n3A_1587 = arith.select %eq3A_1586, %broadcast_in_dim3A_12, %broadcast_in_dim3A_14 : vector<16xi1>, vector<16xi32>
      %add3A_1588 = arith.addi %add3A_1580, %select_n3A_1587 : vector<16xi32>
      %mul3A_1589 = arith.muli %select_n3A_1587, %select_n3A_48 : vector<16xi32>
      %add3A_1590 = arith.addi %add3A_1582, %mul3A_1589 : vector<16xi32>
      %get3A_1591 = arith.constant 9 : index
      %get3A_1592 = tpu.vector_load %arg13[%get3A_1591] {strides = array<i32>} : memref<48xi32, #tpu.memory_space<vmem>>, vector<16xi32>,
      %get3A_1593 = vector.shape_cast %get3A_1592 : vector<16xi32> to vector<16xi32>
      %eq3A_1594 = arith.cmpi eq, %get3A_1518, %get3A_1593 : vector<16xi32>
      %select_n3A_1595 = arith.select %eq3A_1594, %broadcast_in_dim3A_12, %broadcast_in_dim3A_14 : vector<16xi1>, vector<16xi32>
      %add3A_1596 = arith.addi %add3A_1588, %select_n3A_1595 : vector<16xi32>
      %mul3A_1597 = arith.muli %select_n3A_1595, %select_n3A_52 : vector<16xi32>
      %add3A_1598 = arith.addi %add3A_1590, %mul3A_1597 : vector<16xi32>
      %get3A_1599 = arith.constant 10 : index
      %get3A_1600 = tpu.vector_load %arg13[%get3A_1599] {strides = array<i32>} : memref<48xi32, #tpu.memory_space<vmem>>, vector<16xi32>,
      %get3A_1601 = vector.shape_cast %get3A_1600 : vector<16xi32> to vector<16xi32>
      %eq3A_1602 = arith.cmpi eq, %get3A_1518, %get3A_1601 : vector<16xi32>
      %select_n3A_1603 = arith.select %eq3A_1602, %broadcast_in_dim3A_12, %broadcast_in_dim3A_14 : vector<16xi1>, vector<16xi32>
      %add3A_1604 = arith.addi %add3A_1596, %select_n3A_1603 : vector<16xi32>
      %mul3A_1605 = arith.muli %select_n3A_1603, %select_n3A_56 : vector<16xi32>
      %add3A_1606 = arith.addi %add3A_1598, %mul3A_1605 : vector<16xi32>
      %get3A_1607 = arith.constant 11 : index
      %get3A_1608 = tpu.vector_load %arg13[%get3A_1607] {strides = array<i32>} : memref<48xi32, #tpu.memory_space<vmem>>, vector<16xi32>,
      %get3A_1609 = vector.shape_cast %get3A_1608 : vector<16xi32> to vector<16xi32>
      %eq3A_1610 = arith.cmpi eq, %get3A_1518, %get3A_1609 : vector<16xi32>
      %select_n3A_1611 = arith.select %eq3A_1610, %broadcast_in_dim3A_12, %broadcast_in_dim3A_14 : vector<16xi1>, vector<16xi32>
      %add3A_1612 = arith.addi %add3A_1604, %select_n3A_1611 : vector<16xi32>
      %mul3A_1613 = arith.muli %select_n3A_1611, %select_n3A_60 : vector<16xi32>
      %add3A_1614 = arith.addi %add3A_1606, %mul3A_1613 : vector<16xi32>
      %get3A_1615 = arith.constant 12 : index
      %get3A_1616 = tpu.vector_load %arg13[%get3A_1615] {strides = array<i32>} : memref<48xi32, #tpu.memory_space<vmem>>, vector<16xi32>,
      %get3A_1617 = vector.shape_cast %get3A_1616 : vector<16xi32> to vector<16xi32>
      %eq3A_1618 = arith.cmpi eq, %get3A_1518, %get3A_1617 : vector<16xi32>
      %select_n3A_1619 = arith.select %eq3A_1618, %broadcast_in_dim3A_12, %broadcast_in_dim3A_14 : vector<16xi1>, vector<16xi32>
      %add3A_1620 = arith.addi %add3A_1612, %select_n3A_1619 : vector<16xi32>
      %mul3A_1621 = arith.muli %select_n3A_1619, %select_n3A_64 : vector<16xi32>
      %add3A_1622 = arith.addi %add3A_1614, %mul3A_1621 : vector<16xi32>
      %get3A_1623 = arith.constant 13 : index
      %get3A_1624 = tpu.vector_load %arg13[%get3A_1623] {strides = array<i32>} : memref<48xi32, #tpu.memory_space<vmem>>, vector<16xi32>,
      %get3A_1625 = vector.shape_cast %get3A_1624 : vector<16xi32> to vector<16xi32>
      %eq3A_1626 = arith.cmpi eq, %get3A_1518, %get3A_1625 : vector<16xi32>
      %select_n3A_1627 = arith.select %eq3A_1626, %broadcast_in_dim3A_12, %broadcast_in_dim3A_14 : vector<16xi1>, vector<16xi32>
      %add3A_1628 = arith.addi %add3A_1620, %select_n3A_1627 : vector<16xi32>
      %mul3A_1629 = arith.muli %select_n3A_1627, %select_n3A_68 : vector<16xi32>
      %add3A_1630 = arith.addi %add3A_1622, %mul3A_1629 : vector<16xi32>
      %get3A_1631 = arith.constant 14 : index
      %get3A_1632 = tpu.vector_load %arg13[%get3A_1631] {strides = array<i32>} : memref<48xi32, #tpu.memory_space<vmem>>, vector<16xi32>,
      %get3A_1633 = vector.shape_cast %get3A_1632 : vector<16xi32> to vector<16xi32>
      %eq3A_1634 = arith.cmpi eq, %get3A_1518, %get3A_1633 : vector<16xi32>
      %select_n3A_1635 = arith.select %eq3A_1634, %broadcast_in_dim3A_12, %broadcast_in_dim3A_14 : vector<16xi1>, vector<16xi32>
      %add3A_1636 = arith.addi %add3A_1628, %select_n3A_1635 : vector<16xi32>
      %mul3A_1637 = arith.muli %select_n3A_1635, %select_n3A_72 : vector<16xi32>
      %add3A_1638 = arith.addi %add3A_1630, %mul3A_1637 : vector<16xi32>
      %get3A_1639 = arith.constant 15 : index
      %get3A_1640 = tpu.vector_load %arg13[%get3A_1639] {strides = array<i32>} : memref<48xi32, #tpu.memory_space<vmem>>, vector<16xi32>,
      %get3A_1641 = vector.shape_cast %get3A_1640 : vector<16xi32> to vector<16xi32>
      %eq3A_1642 = arith.cmpi eq, %get3A_1518, %get3A_1641 : vector<16xi32>
      %select_n3A_1643 = arith.select %eq3A_1642, %broadcast_in_dim3A_12, %broadcast_in_dim3A_14 : vector<16xi1>, vector<16xi32>
      %add3A_1644 = arith.addi %add3A_1636, %select_n3A_1643 : vector<16xi32>
      %mul3A_1645 = arith.muli %select_n3A_1643, %select_n3A_76 : vector<16xi32>
      %add3A_1646 = arith.addi %add3A_1638, %mul3A_1645 : vector<16xi32>
      %ge3A_1647 = vector.broadcast %mul3A_2 : i32 to vector<16xi32>
      %ge3A_1648 = arith.cmpi sge, %get3A_1518, %ge3A_1647 : vector<16xi32>
      %select_n3A_1649 = arith.select %ge3A_1648, %broadcast_in_dim3A_14, %broadcast_in_dim3A_12 : vector<16xi1>, vector<16xi32>
      %add3A_1650 = arith.constant 500224 : i32
      %add3A_1651 = arith.addi %mul3A_2, %add3A_1650 : i32
      %lt3A_1652 = vector.broadcast %add3A_1651 : i32 to vector<16xi32>
      %lt3A_1653 = arith.cmpi slt, %get3A_1518, %lt3A_1652 : vector<16xi32>
      %select_n3A_1654 = arith.select %lt3A_1653, %broadcast_in_dim3A_14, %broadcast_in_dim3A_12 : vector<16xi1>, vector<16xi32>
      %add3A_1655 = arith.addi %add3A_1646, %select_n3A_1649 : vector<16xi32>
      %add3A_1656 = arith.addi %add3A_1655, %select_n3A_1654 : vector<16xi32>
      %eq3A_1657 = arith.cmpi eq, %add3A_1656, %broadcast_in_dim3A_14 : vector<16xi32>
      %sub3A_1658 = vector.broadcast %mul3A_2 : i32 to vector<16xi32>
      %sub3A_1659 = arith.subi %get3A_1518, %sub3A_1658 : vector<16xi32>
      %select_n3A_1660 = arith.select %eq3A_1657, %sub3A_1659, %broadcast_in_dim3A_16 : vector<16xi1>, vector<16xi32>
      %swap3A_1661 = arith.constant 16 : index
      %swap3A_1662 = tpu.vector_load %arg10[%swap3A_1661] {strides = array<i32>} : memref<128xi32, #tpu.memory_space<vmem>>, vector<16xi32>,
      %swap3A_1663 = vector.shape_cast %swap3A_1662 : vector<16xi32> to vector<16xi32>
      %swap3A_1664 = vector.shape_cast %select_n3A_1660 : vector<16xi32> to vector<16xi32>
      tpu.vector_store %arg10[%swap3A_1661], %swap3A_1664 {strides = array<i32>} : memref<128xi32, #tpu.memory_space<vmem>>, vector<16xi32>,
      %eq3A_1665 = arith.cmpi eq, %add3A_1646, %broadcast_in_dim3A_14 : vector<16xi32>
      %convert_element_type3A_1666 = arith.sitofp %add3A_1644 : vector<16xi32> to vector<16xf32>
      %select_n3A_1667 = arith.select %eq3A_1665, %convert_element_type3A_1666, %broadcast_in_dim3A_18 : vector<16xi1>, vector<16xf32>
      %swap3A_1668 = arith.constant 16 : index
      %swap3A_1669 = tpu.vector_load %arg11[%swap3A_1668] {strides = array<i32>} : memref<128xf32, #tpu.memory_space<vmem>>, vector<16xf32>,
      %swap3A_1670 = vector.shape_cast %swap3A_1669 : vector<16xf32> to vector<16xf32>
      %swap3A_1671 = vector.shape_cast %select_n3A_1667 : vector<16xf32> to vector<16xf32>
      tpu.vector_store %arg11[%swap3A_1668], %swap3A_1671 {strides = array<i32>} : memref<128xf32, #tpu.memory_space<vmem>>, vector<16xf32>,
      %get3A_1672 = arith.constant 32 : index
      %get3A_1673 = tpu.vector_load %arg10[%get3A_1672] {strides = array<i32>} : memref<128xi32, #tpu.memory_space<vmem>>, vector<16xi32>,
      %get3A_1674 = vector.shape_cast %get3A_1673 : vector<16xi32> to vector<16xi32>
      %swap3A_1675 = arith.constant 0 : index
      %swap3A_1676 = tpu.vector_load %arg13[%swap3A_1675] {strides = array<i32>} : memref<48xi32, #tpu.memory_space<vmem>>, vector<16xi32>,
      %swap3A_1677 = vector.shape_cast %swap3A_1676 : vector<16xi32> to vector<16xi32>
      %swap3A_1678 = vector.shape_cast %get3A_1674 : vector<16xi32> to vector<16xi32>
      tpu.vector_store %arg13[%swap3A_1675], %swap3A_1678 {strides = array<i32>} : memref<48xi32, #tpu.memory_space<vmem>>, vector<16xi32>,
      %swap3A_1679 = arith.constant 16 : index
      %swap3A_1680 = tpu.vector_load %arg13[%swap3A_1679] {strides = array<i32>} : memref<48xi32, #tpu.memory_space<vmem>>, vector<16xi32>,
      %swap3A_1681 = vector.shape_cast %swap3A_1680 : vector<16xi32> to vector<16xi32>
      %swap3A_1682 = vector.shape_cast %get3A_1674 : vector<16xi32> to vector<16xi32>
      tpu.vector_store %arg13[%swap3A_1679], %swap3A_1682 {strides = array<i32>} : memref<48xi32, #tpu.memory_space<vmem>>, vector<16xi32>,
      %get3A_1683 = arith.constant 1 : index
      %get3A_1684 = tpu.vector_load %arg13[%get3A_1683] {strides = array<i32>} : memref<48xi32, #tpu.memory_space<vmem>>, vector<16xi32>,
      %get3A_1685 = vector.shape_cast %get3A_1684 : vector<16xi32> to vector<16xi32>
      %eq3A_1686 = arith.cmpi eq, %get3A_1674, %get3A_1685 : vector<16xi32>
      %select_n3A_1687 = arith.select %eq3A_1686, %broadcast_in_dim3A_12, %broadcast_in_dim3A_14 : vector<16xi1>, vector<16xi32>
      %add3A_1688 = arith.addi %broadcast_in_dim3A_12, %select_n3A_1687 : vector<16xi32>
      %mul3A_1689 = arith.muli %select_n3A_1687, %select_n3A : vector<16xi32>
      %add3A_1690 = arith.addi %broadcast_in_dim3A_14, %mul3A_1689 : vector<16xi32>
      %get3A_1691 = arith.constant 2 : index
      %get3A_1692 = tpu.vector_load %arg13[%get3A_1691] {strides = array<i32>} : memref<48xi32, #tpu.memory_space<vmem>>, vector<16xi32>,
      %get3A_1693 = vector.shape_cast %get3A_1692 : vector<16xi32> to vector<16xi32>
      %eq3A_1694 = arith.cmpi eq, %get3A_1674, %get3A_1693 : vector<16xi32>
      %select_n3A_1695 = arith.select %eq3A_1694, %broadcast_in_dim3A_12, %broadcast_in_dim3A_14 : vector<16xi1>, vector<16xi32>
      %add3A_1696 = arith.addi %add3A_1688, %select_n3A_1695 : vector<16xi32>
      %mul3A_1697 = arith.muli %select_n3A_1695, %select_n3A_24 : vector<16xi32>
      %add3A_1698 = arith.addi %add3A_1690, %mul3A_1697 : vector<16xi32>
      %get3A_1699 = arith.constant 3 : index
      %get3A_1700 = tpu.vector_load %arg13[%get3A_1699] {strides = array<i32>} : memref<48xi32, #tpu.memory_space<vmem>>, vector<16xi32>,
      %get3A_1701 = vector.shape_cast %get3A_1700 : vector<16xi32> to vector<16xi32>
      %eq3A_1702 = arith.cmpi eq, %get3A_1674, %get3A_1701 : vector<16xi32>
      %select_n3A_1703 = arith.select %eq3A_1702, %broadcast_in_dim3A_12, %broadcast_in_dim3A_14 : vector<16xi1>, vector<16xi32>
      %add3A_1704 = arith.addi %add3A_1696, %select_n3A_1703 : vector<16xi32>
      %mul3A_1705 = arith.muli %select_n3A_1703, %select_n3A_28 : vector<16xi32>
      %add3A_1706 = arith.addi %add3A_1698, %mul3A_1705 : vector<16xi32>
      %get3A_1707 = arith.constant 4 : index
      %get3A_1708 = tpu.vector_load %arg13[%get3A_1707] {strides = array<i32>} : memref<48xi32, #tpu.memory_space<vmem>>, vector<16xi32>,
      %get3A_1709 = vector.shape_cast %get3A_1708 : vector<16xi32> to vector<16xi32>
      %eq3A_1710 = arith.cmpi eq, %get3A_1674, %get3A_1709 : vector<16xi32>
      %select_n3A_1711 = arith.select %eq3A_1710, %broadcast_in_dim3A_12, %broadcast_in_dim3A_14 : vector<16xi1>, vector<16xi32>
      %add3A_1712 = arith.addi %add3A_1704, %select_n3A_1711 : vector<16xi32>
      %mul3A_1713 = arith.muli %select_n3A_1711, %select_n3A_32 : vector<16xi32>
      %add3A_1714 = arith.addi %add3A_1706, %mul3A_1713 : vector<16xi32>
      %get3A_1715 = arith.constant 5 : index
      %get3A_1716 = tpu.vector_load %arg13[%get3A_1715] {strides = array<i32>} : memref<48xi32, #tpu.memory_space<vmem>>, vector<16xi32>,
      %get3A_1717 = vector.shape_cast %get3A_1716 : vector<16xi32> to vector<16xi32>
      %eq3A_1718 = arith.cmpi eq, %get3A_1674, %get3A_1717 : vector<16xi32>
      %select_n3A_1719 = arith.select %eq3A_1718, %broadcast_in_dim3A_12, %broadcast_in_dim3A_14 : vector<16xi1>, vector<16xi32>
      %add3A_1720 = arith.addi %add3A_1712, %select_n3A_1719 : vector<16xi32>
      %mul3A_1721 = arith.muli %select_n3A_1719, %select_n3A_36 : vector<16xi32>
      %add3A_1722 = arith.addi %add3A_1714, %mul3A_1721 : vector<16xi32>
      %get3A_1723 = arith.constant 6 : index
      %get3A_1724 = tpu.vector_load %arg13[%get3A_1723] {strides = array<i32>} : memref<48xi32, #tpu.memory_space<vmem>>, vector<16xi32>,
      %get3A_1725 = vector.shape_cast %get3A_1724 : vector<16xi32> to vector<16xi32>
      %eq3A_1726 = arith.cmpi eq, %get3A_1674, %get3A_1725 : vector<16xi32>
      %select_n3A_1727 = arith.select %eq3A_1726, %broadcast_in_dim3A_12, %broadcast_in_dim3A_14 : vector<16xi1>, vector<16xi32>
      %add3A_1728 = arith.addi %add3A_1720, %select_n3A_1727 : vector<16xi32>
      %mul3A_1729 = arith.muli %select_n3A_1727, %select_n3A_40 : vector<16xi32>
      %add3A_1730 = arith.addi %add3A_1722, %mul3A_1729 : vector<16xi32>
      %get3A_1731 = arith.constant 7 : index
      %get3A_1732 = tpu.vector_load %arg13[%get3A_1731] {strides = array<i32>} : memref<48xi32, #tpu.memory_space<vmem>>, vector<16xi32>,
      %get3A_1733 = vector.shape_cast %get3A_1732 : vector<16xi32> to vector<16xi32>
      %eq3A_1734 = arith.cmpi eq, %get3A_1674, %get3A_1733 : vector<16xi32>
      %select_n3A_1735 = arith.select %eq3A_1734, %broadcast_in_dim3A_12, %broadcast_in_dim3A_14 : vector<16xi1>, vector<16xi32>
      %add3A_1736 = arith.addi %add3A_1728, %select_n3A_1735 : vector<16xi32>
      %mul3A_1737 = arith.muli %select_n3A_1735, %select_n3A_44 : vector<16xi32>
      %add3A_1738 = arith.addi %add3A_1730, %mul3A_1737 : vector<16xi32>
      %get3A_1739 = arith.constant 8 : index
      %get3A_1740 = tpu.vector_load %arg13[%get3A_1739] {strides = array<i32>} : memref<48xi32, #tpu.memory_space<vmem>>, vector<16xi32>,
      %get3A_1741 = vector.shape_cast %get3A_1740 : vector<16xi32> to vector<16xi32>
      %eq3A_1742 = arith.cmpi eq, %get3A_1674, %get3A_1741 : vector<16xi32>
      %select_n3A_1743 = arith.select %eq3A_1742, %broadcast_in_dim3A_12, %broadcast_in_dim3A_14 : vector<16xi1>, vector<16xi32>
      %add3A_1744 = arith.addi %add3A_1736, %select_n3A_1743 : vector<16xi32>
      %mul3A_1745 = arith.muli %select_n3A_1743, %select_n3A_48 : vector<16xi32>
      %add3A_1746 = arith.addi %add3A_1738, %mul3A_1745 : vector<16xi32>
      %get3A_1747 = arith.constant 9 : index
      %get3A_1748 = tpu.vector_load %arg13[%get3A_1747] {strides = array<i32>} : memref<48xi32, #tpu.memory_space<vmem>>, vector<16xi32>,
      %get3A_1749 = vector.shape_cast %get3A_1748 : vector<16xi32> to vector<16xi32>
      %eq3A_1750 = arith.cmpi eq, %get3A_1674, %get3A_1749 : vector<16xi32>
      %select_n3A_1751 = arith.select %eq3A_1750, %broadcast_in_dim3A_12, %broadcast_in_dim3A_14 : vector<16xi1>, vector<16xi32>
      %add3A_1752 = arith.addi %add3A_1744, %select_n3A_1751 : vector<16xi32>
      %mul3A_1753 = arith.muli %select_n3A_1751, %select_n3A_52 : vector<16xi32>
      %add3A_1754 = arith.addi %add3A_1746, %mul3A_1753 : vector<16xi32>
      %get3A_1755 = arith.constant 10 : index
      %get3A_1756 = tpu.vector_load %arg13[%get3A_1755] {strides = array<i32>} : memref<48xi32, #tpu.memory_space<vmem>>, vector<16xi32>,
      %get3A_1757 = vector.shape_cast %get3A_1756 : vector<16xi32> to vector<16xi32>
      %eq3A_1758 = arith.cmpi eq, %get3A_1674, %get3A_1757 : vector<16xi32>
      %select_n3A_1759 = arith.select %eq3A_1758, %broadcast_in_dim3A_12, %broadcast_in_dim3A_14 : vector<16xi1>, vector<16xi32>
      %add3A_1760 = arith.addi %add3A_1752, %select_n3A_1759 : vector<16xi32>
      %mul3A_1761 = arith.muli %select_n3A_1759, %select_n3A_56 : vector<16xi32>
      %add3A_1762 = arith.addi %add3A_1754, %mul3A_1761 : vector<16xi32>
      %get3A_1763 = arith.constant 11 : index
      %get3A_1764 = tpu.vector_load %arg13[%get3A_1763] {strides = array<i32>} : memref<48xi32, #tpu.memory_space<vmem>>, vector<16xi32>,
      %get3A_1765 = vector.shape_cast %get3A_1764 : vector<16xi32> to vector<16xi32>
      %eq3A_1766 = arith.cmpi eq, %get3A_1674, %get3A_1765 : vector<16xi32>
      %select_n3A_1767 = arith.select %eq3A_1766, %broadcast_in_dim3A_12, %broadcast_in_dim3A_14 : vector<16xi1>, vector<16xi32>
      %add3A_1768 = arith.addi %add3A_1760, %select_n3A_1767 : vector<16xi32>
      %mul3A_1769 = arith.muli %select_n3A_1767, %select_n3A_60 : vector<16xi32>
      %add3A_1770 = arith.addi %add3A_1762, %mul3A_1769 : vector<16xi32>
      %get3A_1771 = arith.constant 12 : index
      %get3A_1772 = tpu.vector_load %arg13[%get3A_1771] {strides = array<i32>} : memref<48xi32, #tpu.memory_space<vmem>>, vector<16xi32>,
      %get3A_1773 = vector.shape_cast %get3A_1772 : vector<16xi32> to vector<16xi32>
      %eq3A_1774 = arith.cmpi eq, %get3A_1674, %get3A_1773 : vector<16xi32>
      %select_n3A_1775 = arith.select %eq3A_1774, %broadcast_in_dim3A_12, %broadcast_in_dim3A_14 : vector<16xi1>, vector<16xi32>
      %add3A_1776 = arith.addi %add3A_1768, %select_n3A_1775 : vector<16xi32>
      %mul3A_1777 = arith.muli %select_n3A_1775, %select_n3A_64 : vector<16xi32>
      %add3A_1778 = arith.addi %add3A_1770, %mul3A_1777 : vector<16xi32>
      %get3A_1779 = arith.constant 13 : index
      %get3A_1780 = tpu.vector_load %arg13[%get3A_1779] {strides = array<i32>} : memref<48xi32, #tpu.memory_space<vmem>>, vector<16xi32>,
      %get3A_1781 = vector.shape_cast %get3A_1780 : vector<16xi32> to vector<16xi32>
      %eq3A_1782 = arith.cmpi eq, %get3A_1674, %get3A_1781 : vector<16xi32>
      %select_n3A_1783 = arith.select %eq3A_1782, %broadcast_in_dim3A_12, %broadcast_in_dim3A_14 : vector<16xi1>, vector<16xi32>
      %add3A_1784 = arith.addi %add3A_1776, %select_n3A_1783 : vector<16xi32>
      %mul3A_1785 = arith.muli %select_n3A_1783, %select_n3A_68 : vector<16xi32>
      %add3A_1786 = arith.addi %add3A_1778, %mul3A_1785 : vector<16xi32>
      %get3A_1787 = arith.constant 14 : index
      %get3A_1788 = tpu.vector_load %arg13[%get3A_1787] {strides = array<i32>} : memref<48xi32, #tpu.memory_space<vmem>>, vector<16xi32>,
      %get3A_1789 = vector.shape_cast %get3A_1788 : vector<16xi32> to vector<16xi32>
      %eq3A_1790 = arith.cmpi eq, %get3A_1674, %get3A_1789 : vector<16xi32>
      %select_n3A_1791 = arith.select %eq3A_1790, %broadcast_in_dim3A_12, %broadcast_in_dim3A_14 : vector<16xi1>, vector<16xi32>
      %add3A_1792 = arith.addi %add3A_1784, %select_n3A_1791 : vector<16xi32>
      %mul3A_1793 = arith.muli %select_n3A_1791, %select_n3A_72 : vector<16xi32>
      %add3A_1794 = arith.addi %add3A_1786, %mul3A_1793 : vector<16xi32>
      %get3A_1795 = arith.constant 15 : index
      %get3A_1796 = tpu.vector_load %arg13[%get3A_1795] {strides = array<i32>} : memref<48xi32, #tpu.memory_space<vmem>>, vector<16xi32>,
      %get3A_1797 = vector.shape_cast %get3A_1796 : vector<16xi32> to vector<16xi32>
      %eq3A_1798 = arith.cmpi eq, %get3A_1674, %get3A_1797 : vector<16xi32>
      %select_n3A_1799 = arith.select %eq3A_1798, %broadcast_in_dim3A_12, %broadcast_in_dim3A_14 : vector<16xi1>, vector<16xi32>
      %add3A_1800 = arith.addi %add3A_1792, %select_n3A_1799 : vector<16xi32>
      %mul3A_1801 = arith.muli %select_n3A_1799, %select_n3A_76 : vector<16xi32>
      %add3A_1802 = arith.addi %add3A_1794, %mul3A_1801 : vector<16xi32>
      %ge3A_1803 = vector.broadcast %mul3A_2 : i32 to vector<16xi32>
      %ge3A_1804 = arith.cmpi sge, %get3A_1674, %ge3A_1803 : vector<16xi32>
      %select_n3A_1805 = arith.select %ge3A_1804, %broadcast_in_dim3A_14, %broadcast_in_dim3A_12 : vector<16xi1>, vector<16xi32>
      %add3A_1806 = arith.constant 500224 : i32
      %add3A_1807 = arith.addi %mul3A_2, %add3A_1806 : i32
      %lt3A_1808 = vector.broadcast %add3A_1807 : i32 to vector<16xi32>
      %lt3A_1809 = arith.cmpi slt, %get3A_1674, %lt3A_1808 : vector<16xi32>
      %select_n3A_1810 = arith.select %lt3A_1809, %broadcast_in_dim3A_14, %broadcast_in_dim3A_12 : vector<16xi1>, vector<16xi32>
      %add3A_1811 = arith.addi %add3A_1802, %select_n3A_1805 : vector<16xi32>
      %add3A_1812 = arith.addi %add3A_1811, %select_n3A_1810 : vector<16xi32>
      %eq3A_1813 = arith.cmpi eq, %add3A_1812, %broadcast_in_dim3A_14 : vector<16xi32>
      %sub3A_1814 = vector.broadcast %mul3A_2 : i32 to vector<16xi32>
      %sub3A_1815 = arith.subi %get3A_1674, %sub3A_1814 : vector<16xi32>
      %select_n3A_1816 = arith.select %eq3A_1813, %sub3A_1815, %broadcast_in_dim3A_16 : vector<16xi1>, vector<16xi32>
      %swap3A_1817 = arith.constant 32 : index
      %swap3A_1818 = tpu.vector_load %arg10[%swap3A_1817] {strides = array<i32>} : memref<128xi32, #tpu.memory_space<vmem>>, vector<16xi32>,
      %swap3A_1819 = vector.shape_cast %swap3A_1818 : vector<16xi32> to vector<16xi32>
      %swap3A_1820 = vector.shape_cast %select_n3A_1816 : vector<16xi32> to vector<16xi32>
      tpu.vector_store %arg10[%swap3A_1817], %swap3A_1820 {strides = array<i32>} : memref<128xi32, #tpu.memory_space<vmem>>, vector<16xi32>,
      %eq3A_1821 = arith.cmpi eq, %add3A_1802, %broadcast_in_dim3A_14 : vector<16xi32>
      %convert_element_type3A_1822 = arith.sitofp %add3A_1800 : vector<16xi32> to vector<16xf32>
      %select_n3A_1823 = arith.select %eq3A_1821, %convert_element_type3A_1822, %broadcast_in_dim3A_18 : vector<16xi1>, vector<16xf32>
      %swap3A_1824 = arith.constant 32 : index
      %swap3A_1825 = tpu.vector_load %arg11[%swap3A_1824] {strides = array<i32>} : memref<128xf32, #tpu.memory_space<vmem>>, vector<16xf32>,
      %swap3A_1826 = vector.shape_cast %swap3A_1825 : vector<16xf32> to vector<16xf32>
      %swap3A_1827 = vector.shape_cast %select_n3A_1823 : vector<16xf32> to vector<16xf32>
      tpu.vector_store %arg11[%swap3A_1824], %swap3A_1827 {strides = array<i32>} : memref<128xf32, #tpu.memory_space<vmem>>, vector<16xf32>,
      %get3A_1828 = arith.constant 48 : index
      %get3A_1829 = tpu.vector_load %arg10[%get3A_1828] {strides = array<i32>} : memref<128xi32, #tpu.memory_space<vmem>>, vector<16xi32>,
      %get3A_1830 = vector.shape_cast %get3A_1829 : vector<16xi32> to vector<16xi32>
      %swap3A_1831 = arith.constant 0 : index
      %swap3A_1832 = tpu.vector_load %arg13[%swap3A_1831] {strides = array<i32>} : memref<48xi32, #tpu.memory_space<vmem>>, vector<16xi32>,
      %swap3A_1833 = vector.shape_cast %swap3A_1832 : vector<16xi32> to vector<16xi32>
      %swap3A_1834 = vector.shape_cast %get3A_1830 : vector<16xi32> to vector<16xi32>
      tpu.vector_store %arg13[%swap3A_1831], %swap3A_1834 {strides = array<i32>} : memref<48xi32, #tpu.memory_space<vmem>>, vector<16xi32>,
      %swap3A_1835 = arith.constant 16 : index
      %swap3A_1836 = tpu.vector_load %arg13[%swap3A_1835] {strides = array<i32>} : memref<48xi32, #tpu.memory_space<vmem>>, vector<16xi32>,
      %swap3A_1837 = vector.shape_cast %swap3A_1836 : vector<16xi32> to vector<16xi32>
      %swap3A_1838 = vector.shape_cast %get3A_1830 : vector<16xi32> to vector<16xi32>
      tpu.vector_store %arg13[%swap3A_1835], %swap3A_1838 {strides = array<i32>} : memref<48xi32, #tpu.memory_space<vmem>>, vector<16xi32>,
      %get3A_1839 = arith.constant 1 : index
      %get3A_1840 = tpu.vector_load %arg13[%get3A_1839] {strides = array<i32>} : memref<48xi32, #tpu.memory_space<vmem>>, vector<16xi32>,
      %get3A_1841 = vector.shape_cast %get3A_1840 : vector<16xi32> to vector<16xi32>
      %eq3A_1842 = arith.cmpi eq, %get3A_1830, %get3A_1841 : vector<16xi32>
      %select_n3A_1843 = arith.select %eq3A_1842, %broadcast_in_dim3A_12, %broadcast_in_dim3A_14 : vector<16xi1>, vector<16xi32>
      %add3A_1844 = arith.addi %broadcast_in_dim3A_12, %select_n3A_1843 : vector<16xi32>
      %mul3A_1845 = arith.muli %select_n3A_1843, %select_n3A : vector<16xi32>
      %add3A_1846 = arith.addi %broadcast_in_dim3A_14, %mul3A_1845 : vector<16xi32>
      %get3A_1847 = arith.constant 2 : index
      %get3A_1848 = tpu.vector_load %arg13[%get3A_1847] {strides = array<i32>} : memref<48xi32, #tpu.memory_space<vmem>>, vector<16xi32>,
      %get3A_1849 = vector.shape_cast %get3A_1848 : vector<16xi32> to vector<16xi32>
      %eq3A_1850 = arith.cmpi eq, %get3A_1830, %get3A_1849 : vector<16xi32>
      %select_n3A_1851 = arith.select %eq3A_1850, %broadcast_in_dim3A_12, %broadcast_in_dim3A_14 : vector<16xi1>, vector<16xi32>
      %add3A_1852 = arith.addi %add3A_1844, %select_n3A_1851 : vector<16xi32>
      %mul3A_1853 = arith.muli %select_n3A_1851, %select_n3A_24 : vector<16xi32>
      %add3A_1854 = arith.addi %add3A_1846, %mul3A_1853 : vector<16xi32>
      %get3A_1855 = arith.constant 3 : index
      %get3A_1856 = tpu.vector_load %arg13[%get3A_1855] {strides = array<i32>} : memref<48xi32, #tpu.memory_space<vmem>>, vector<16xi32>,
      %get3A_1857 = vector.shape_cast %get3A_1856 : vector<16xi32> to vector<16xi32>
      %eq3A_1858 = arith.cmpi eq, %get3A_1830, %get3A_1857 : vector<16xi32>
      %select_n3A_1859 = arith.select %eq3A_1858, %broadcast_in_dim3A_12, %broadcast_in_dim3A_14 : vector<16xi1>, vector<16xi32>
      %add3A_1860 = arith.addi %add3A_1852, %select_n3A_1859 : vector<16xi32>
      %mul3A_1861 = arith.muli %select_n3A_1859, %select_n3A_28 : vector<16xi32>
      %add3A_1862 = arith.addi %add3A_1854, %mul3A_1861 : vector<16xi32>
      %get3A_1863 = arith.constant 4 : index
      %get3A_1864 = tpu.vector_load %arg13[%get3A_1863] {strides = array<i32>} : memref<48xi32, #tpu.memory_space<vmem>>, vector<16xi32>,
      %get3A_1865 = vector.shape_cast %get3A_1864 : vector<16xi32> to vector<16xi32>
      %eq3A_1866 = arith.cmpi eq, %get3A_1830, %get3A_1865 : vector<16xi32>
      %select_n3A_1867 = arith.select %eq3A_1866, %broadcast_in_dim3A_12, %broadcast_in_dim3A_14 : vector<16xi1>, vector<16xi32>
      %add3A_1868 = arith.addi %add3A_1860, %select_n3A_1867 : vector<16xi32>
      %mul3A_1869 = arith.muli %select_n3A_1867, %select_n3A_32 : vector<16xi32>
      %add3A_1870 = arith.addi %add3A_1862, %mul3A_1869 : vector<16xi32>
      %get3A_1871 = arith.constant 5 : index
      %get3A_1872 = tpu.vector_load %arg13[%get3A_1871] {strides = array<i32>} : memref<48xi32, #tpu.memory_space<vmem>>, vector<16xi32>,
      %get3A_1873 = vector.shape_cast %get3A_1872 : vector<16xi32> to vector<16xi32>
      %eq3A_1874 = arith.cmpi eq, %get3A_1830, %get3A_1873 : vector<16xi32>
      %select_n3A_1875 = arith.select %eq3A_1874, %broadcast_in_dim3A_12, %broadcast_in_dim3A_14 : vector<16xi1>, vector<16xi32>
      %add3A_1876 = arith.addi %add3A_1868, %select_n3A_1875 : vector<16xi32>
      %mul3A_1877 = arith.muli %select_n3A_1875, %select_n3A_36 : vector<16xi32>
      %add3A_1878 = arith.addi %add3A_1870, %mul3A_1877 : vector<16xi32>
      %get3A_1879 = arith.constant 6 : index
      %get3A_1880 = tpu.vector_load %arg13[%get3A_1879] {strides = array<i32>} : memref<48xi32, #tpu.memory_space<vmem>>, vector<16xi32>,
      %get3A_1881 = vector.shape_cast %get3A_1880 : vector<16xi32> to vector<16xi32>
      %eq3A_1882 = arith.cmpi eq, %get3A_1830, %get3A_1881 : vector<16xi32>
      %select_n3A_1883 = arith.select %eq3A_1882, %broadcast_in_dim3A_12, %broadcast_in_dim3A_14 : vector<16xi1>, vector<16xi32>
      %add3A_1884 = arith.addi %add3A_1876, %select_n3A_1883 : vector<16xi32>
      %mul3A_1885 = arith.muli %select_n3A_1883, %select_n3A_40 : vector<16xi32>
      %add3A_1886 = arith.addi %add3A_1878, %mul3A_1885 : vector<16xi32>
      %get3A_1887 = arith.constant 7 : index
      %get3A_1888 = tpu.vector_load %arg13[%get3A_1887] {strides = array<i32>} : memref<48xi32, #tpu.memory_space<vmem>>, vector<16xi32>,
      %get3A_1889 = vector.shape_cast %get3A_1888 : vector<16xi32> to vector<16xi32>
      %eq3A_1890 = arith.cmpi eq, %get3A_1830, %get3A_1889 : vector<16xi32>
      %select_n3A_1891 = arith.select %eq3A_1890, %broadcast_in_dim3A_12, %broadcast_in_dim3A_14 : vector<16xi1>, vector<16xi32>
      %add3A_1892 = arith.addi %add3A_1884, %select_n3A_1891 : vector<16xi32>
      %mul3A_1893 = arith.muli %select_n3A_1891, %select_n3A_44 : vector<16xi32>
      %add3A_1894 = arith.addi %add3A_1886, %mul3A_1893 : vector<16xi32>
      %get3A_1895 = arith.constant 8 : index
      %get3A_1896 = tpu.vector_load %arg13[%get3A_1895] {strides = array<i32>} : memref<48xi32, #tpu.memory_space<vmem>>, vector<16xi32>,
      %get3A_1897 = vector.shape_cast %get3A_1896 : vector<16xi32> to vector<16xi32>
      %eq3A_1898 = arith.cmpi eq, %get3A_1830, %get3A_1897 : vector<16xi32>
      %select_n3A_1899 = arith.select %eq3A_1898, %broadcast_in_dim3A_12, %broadcast_in_dim3A_14 : vector<16xi1>, vector<16xi32>
      %add3A_1900 = arith.addi %add3A_1892, %select_n3A_1899 : vector<16xi32>
      %mul3A_1901 = arith.muli %select_n3A_1899, %select_n3A_48 : vector<16xi32>
      %add3A_1902 = arith.addi %add3A_1894, %mul3A_1901 : vector<16xi32>
      %get3A_1903 = arith.constant 9 : index
      %get3A_1904 = tpu.vector_load %arg13[%get3A_1903] {strides = array<i32>} : memref<48xi32, #tpu.memory_space<vmem>>, vector<16xi32>,
      %get3A_1905 = vector.shape_cast %get3A_1904 : vector<16xi32> to vector<16xi32>
      %eq3A_1906 = arith.cmpi eq, %get3A_1830, %get3A_1905 : vector<16xi32>
      %select_n3A_1907 = arith.select %eq3A_1906, %broadcast_in_dim3A_12, %broadcast_in_dim3A_14 : vector<16xi1>, vector<16xi32>
      %add3A_1908 = arith.addi %add3A_1900, %select_n3A_1907 : vector<16xi32>
      %mul3A_1909 = arith.muli %select_n3A_1907, %select_n3A_52 : vector<16xi32>
      %add3A_1910 = arith.addi %add3A_1902, %mul3A_1909 : vector<16xi32>
      %get3A_1911 = arith.constant 10 : index
      %get3A_1912 = tpu.vector_load %arg13[%get3A_1911] {strides = array<i32>} : memref<48xi32, #tpu.memory_space<vmem>>, vector<16xi32>,
      %get3A_1913 = vector.shape_cast %get3A_1912 : vector<16xi32> to vector<16xi32>
      %eq3A_1914 = arith.cmpi eq, %get3A_1830, %get3A_1913 : vector<16xi32>
      %select_n3A_1915 = arith.select %eq3A_1914, %broadcast_in_dim3A_12, %broadcast_in_dim3A_14 : vector<16xi1>, vector<16xi32>
      %add3A_1916 = arith.addi %add3A_1908, %select_n3A_1915 : vector<16xi32>
      %mul3A_1917 = arith.muli %select_n3A_1915, %select_n3A_56 : vector<16xi32>
      %add3A_1918 = arith.addi %add3A_1910, %mul3A_1917 : vector<16xi32>
      %get3A_1919 = arith.constant 11 : index
      %get3A_1920 = tpu.vector_load %arg13[%get3A_1919] {strides = array<i32>} : memref<48xi32, #tpu.memory_space<vmem>>, vector<16xi32>,
      %get3A_1921 = vector.shape_cast %get3A_1920 : vector<16xi32> to vector<16xi32>
      %eq3A_1922 = arith.cmpi eq, %get3A_1830, %get3A_1921 : vector<16xi32>
      %select_n3A_1923 = arith.select %eq3A_1922, %broadcast_in_dim3A_12, %broadcast_in_dim3A_14 : vector<16xi1>, vector<16xi32>
      %add3A_1924 = arith.addi %add3A_1916, %select_n3A_1923 : vector<16xi32>
      %mul3A_1925 = arith.muli %select_n3A_1923, %select_n3A_60 : vector<16xi32>
      %add3A_1926 = arith.addi %add3A_1918, %mul3A_1925 : vector<16xi32>
      %get3A_1927 = arith.constant 12 : index
      %get3A_1928 = tpu.vector_load %arg13[%get3A_1927] {strides = array<i32>} : memref<48xi32, #tpu.memory_space<vmem>>, vector<16xi32>,
      %get3A_1929 = vector.shape_cast %get3A_1928 : vector<16xi32> to vector<16xi32>
      %eq3A_1930 = arith.cmpi eq, %get3A_1830, %get3A_1929 : vector<16xi32>
      %select_n3A_1931 = arith.select %eq3A_1930, %broadcast_in_dim3A_12, %broadcast_in_dim3A_14 : vector<16xi1>, vector<16xi32>
      %add3A_1932 = arith.addi %add3A_1924, %select_n3A_1931 : vector<16xi32>
      %mul3A_1933 = arith.muli %select_n3A_1931, %select_n3A_64 : vector<16xi32>
      %add3A_1934 = arith.addi %add3A_1926, %mul3A_1933 : vector<16xi32>
      %get3A_1935 = arith.constant 13 : index
      %get3A_1936 = tpu.vector_load %arg13[%get3A_1935] {strides = array<i32>} : memref<48xi32, #tpu.memory_space<vmem>>, vector<16xi32>,
      %get3A_1937 = vector.shape_cast %get3A_1936 : vector<16xi32> to vector<16xi32>
      %eq3A_1938 = arith.cmpi eq, %get3A_1830, %get3A_1937 : vector<16xi32>
      %select_n3A_1939 = arith.select %eq3A_1938, %broadcast_in_dim3A_12, %broadcast_in_dim3A_14 : vector<16xi1>, vector<16xi32>
      %add3A_1940 = arith.addi %add3A_1932, %select_n3A_1939 : vector<16xi32>
      %mul3A_1941 = arith.muli %select_n3A_1939, %select_n3A_68 : vector<16xi32>
      %add3A_1942 = arith.addi %add3A_1934, %mul3A_1941 : vector<16xi32>
      %get3A_1943 = arith.constant 14 : index
      %get3A_1944 = tpu.vector_load %arg13[%get3A_1943] {strides = array<i32>} : memref<48xi32, #tpu.memory_space<vmem>>, vector<16xi32>,
      %get3A_1945 = vector.shape_cast %get3A_1944 : vector<16xi32> to vector<16xi32>
      %eq3A_1946 = arith.cmpi eq, %get3A_1830, %get3A_1945 : vector<16xi32>
      %select_n3A_1947 = arith.select %eq3A_1946, %broadcast_in_dim3A_12, %broadcast_in_dim3A_14 : vector<16xi1>, vector<16xi32>
      %add3A_1948 = arith.addi %add3A_1940, %select_n3A_1947 : vector<16xi32>
      %mul3A_1949 = arith.muli %select_n3A_1947, %select_n3A_72 : vector<16xi32>
      %add3A_1950 = arith.addi %add3A_1942, %mul3A_1949 : vector<16xi32>
      %get3A_1951 = arith.constant 15 : index
      %get3A_1952 = tpu.vector_load %arg13[%get3A_1951] {strides = array<i32>} : memref<48xi32, #tpu.memory_space<vmem>>, vector<16xi32>,
      %get3A_1953 = vector.shape_cast %get3A_1952 : vector<16xi32> to vector<16xi32>
      %eq3A_1954 = arith.cmpi eq, %get3A_1830, %get3A_1953 : vector<16xi32>
      %select_n3A_1955 = arith.select %eq3A_1954, %broadcast_in_dim3A_12, %broadcast_in_dim3A_14 : vector<16xi1>, vector<16xi32>
      %add3A_1956 = arith.addi %add3A_1948, %select_n3A_1955 : vector<16xi32>
      %mul3A_1957 = arith.muli %select_n3A_1955, %select_n3A_76 : vector<16xi32>
      %add3A_1958 = arith.addi %add3A_1950, %mul3A_1957 : vector<16xi32>
      %ge3A_1959 = vector.broadcast %mul3A_2 : i32 to vector<16xi32>
      %ge3A_1960 = arith.cmpi sge, %get3A_1830, %ge3A_1959 : vector<16xi32>
      %select_n3A_1961 = arith.select %ge3A_1960, %broadcast_in_dim3A_14, %broadcast_in_dim3A_12 : vector<16xi1>, vector<16xi32>
      %add3A_1962 = arith.constant 500224 : i32
      %add3A_1963 = arith.addi %mul3A_2, %add3A_1962 : i32
      %lt3A_1964 = vector.broadcast %add3A_1963 : i32 to vector<16xi32>
      %lt3A_1965 = arith.cmpi slt, %get3A_1830, %lt3A_1964 : vector<16xi32>
      %select_n3A_1966 = arith.select %lt3A_1965, %broadcast_in_dim3A_14, %broadcast_in_dim3A_12 : vector<16xi1>, vector<16xi32>
      %add3A_1967 = arith.addi %add3A_1958, %select_n3A_1961 : vector<16xi32>
      %add3A_1968 = arith.addi %add3A_1967, %select_n3A_1966 : vector<16xi32>
      %eq3A_1969 = arith.cmpi eq, %add3A_1968, %broadcast_in_dim3A_14 : vector<16xi32>
      %sub3A_1970 = vector.broadcast %mul3A_2 : i32 to vector<16xi32>
      %sub3A_1971 = arith.subi %get3A_1830, %sub3A_1970 : vector<16xi32>
      %select_n3A_1972 = arith.select %eq3A_1969, %sub3A_1971, %broadcast_in_dim3A_16 : vector<16xi1>, vector<16xi32>
      %swap3A_1973 = arith.constant 48 : index
      %swap3A_1974 = tpu.vector_load %arg10[%swap3A_1973] {strides = array<i32>} : memref<128xi32, #tpu.memory_space<vmem>>, vector<16xi32>,
      %swap3A_1975 = vector.shape_cast %swap3A_1974 : vector<16xi32> to vector<16xi32>
      %swap3A_1976 = vector.shape_cast %select_n3A_1972 : vector<16xi32> to vector<16xi32>
      tpu.vector_store %arg10[%swap3A_1973], %swap3A_1976 {strides = array<i32>} : memref<128xi32, #tpu.memory_space<vmem>>, vector<16xi32>,
      %eq3A_1977 = arith.cmpi eq, %add3A_1958, %broadcast_in_dim3A_14 : vector<16xi32>
      %convert_element_type3A_1978 = arith.sitofp %add3A_1956 : vector<16xi32> to vector<16xf32>
      %select_n3A_1979 = arith.select %eq3A_1977, %convert_element_type3A_1978, %broadcast_in_dim3A_18 : vector<16xi1>, vector<16xf32>
      %swap3A_1980 = arith.constant 48 : index
      %swap3A_1981 = tpu.vector_load %arg11[%swap3A_1980] {strides = array<i32>} : memref<128xf32, #tpu.memory_space<vmem>>, vector<16xf32>,
      %swap3A_1982 = vector.shape_cast %swap3A_1981 : vector<16xf32> to vector<16xf32>
      %swap3A_1983 = vector.shape_cast %select_n3A_1979 : vector<16xf32> to vector<16xf32>
      tpu.vector_store %arg11[%swap3A_1980], %swap3A_1983 {strides = array<i32>} : memref<128xf32, #tpu.memory_space<vmem>>, vector<16xf32>,
      %get3A_1984 = arith.constant 64 : index
      %get3A_1985 = tpu.vector_load %arg10[%get3A_1984] {strides = array<i32>} : memref<128xi32, #tpu.memory_space<vmem>>, vector<16xi32>,
      %get3A_1986 = vector.shape_cast %get3A_1985 : vector<16xi32> to vector<16xi32>
      %swap3A_1987 = arith.constant 0 : index
      %swap3A_1988 = tpu.vector_load %arg13[%swap3A_1987] {strides = array<i32>} : memref<48xi32, #tpu.memory_space<vmem>>, vector<16xi32>,
      %swap3A_1989 = vector.shape_cast %swap3A_1988 : vector<16xi32> to vector<16xi32>
      %swap3A_1990 = vector.shape_cast %get3A_1986 : vector<16xi32> to vector<16xi32>
      tpu.vector_store %arg13[%swap3A_1987], %swap3A_1990 {strides = array<i32>} : memref<48xi32, #tpu.memory_space<vmem>>, vector<16xi32>,
      %swap3A_1991 = arith.constant 16 : index
      %swap3A_1992 = tpu.vector_load %arg13[%swap3A_1991] {strides = array<i32>} : memref<48xi32, #tpu.memory_space<vmem>>, vector<16xi32>,
      %swap3A_1993 = vector.shape_cast %swap3A_1992 : vector<16xi32> to vector<16xi32>
      %swap3A_1994 = vector.shape_cast %get3A_1986 : vector<16xi32> to vector<16xi32>
      tpu.vector_store %arg13[%swap3A_1991], %swap3A_1994 {strides = array<i32>} : memref<48xi32, #tpu.memory_space<vmem>>, vector<16xi32>,
      %get3A_1995 = arith.constant 1 : index
      %get3A_1996 = tpu.vector_load %arg13[%get3A_1995] {strides = array<i32>} : memref<48xi32, #tpu.memory_space<vmem>>, vector<16xi32>,
      %get3A_1997 = vector.shape_cast %get3A_1996 : vector<16xi32> to vector<16xi32>
      %eq3A_1998 = arith.cmpi eq, %get3A_1986, %get3A_1997 : vector<16xi32>
      %select_n3A_1999 = arith.select %eq3A_1998, %broadcast_in_dim3A_12, %broadcast_in_dim3A_14 : vector<16xi1>, vector<16xi32>
      %add3A_2000 = arith.addi %broadcast_in_dim3A_12, %select_n3A_1999 : vector<16xi32>
      %mul3A_2001 = arith.muli %select_n3A_1999, %select_n3A : vector<16xi32>
      %add3A_2002 = arith.addi %broadcast_in_dim3A_14, %mul3A_2001 : vector<16xi32>
      %get3A_2003 = arith.constant 2 : index
      %get3A_2004 = tpu.vector_load %arg13[%get3A_2003] {strides = array<i32>} : memref<48xi32, #tpu.memory_space<vmem>>, vector<16xi32>,
      %get3A_2005 = vector.shape_cast %get3A_2004 : vector<16xi32> to vector<16xi32>
      %eq3A_2006 = arith.cmpi eq, %get3A_1986, %get3A_2005 : vector<16xi32>
      %select_n3A_2007 = arith.select %eq3A_2006, %broadcast_in_dim3A_12, %broadcast_in_dim3A_14 : vector<16xi1>, vector<16xi32>
      %add3A_2008 = arith.addi %add3A_2000, %select_n3A_2007 : vector<16xi32>
      %mul3A_2009 = arith.muli %select_n3A_2007, %select_n3A_24 : vector<16xi32>
      %add3A_2010 = arith.addi %add3A_2002, %mul3A_2009 : vector<16xi32>
      %get3A_2011 = arith.constant 3 : index
      %get3A_2012 = tpu.vector_load %arg13[%get3A_2011] {strides = array<i32>} : memref<48xi32, #tpu.memory_space<vmem>>, vector<16xi32>,
      %get3A_2013 = vector.shape_cast %get3A_2012 : vector<16xi32> to vector<16xi32>
      %eq3A_2014 = arith.cmpi eq, %get3A_1986, %get3A_2013 : vector<16xi32>
      %select_n3A_2015 = arith.select %eq3A_2014, %broadcast_in_dim3A_12, %broadcast_in_dim3A_14 : vector<16xi1>, vector<16xi32>
      %add3A_2016 = arith.addi %add3A_2008, %select_n3A_2015 : vector<16xi32>
      %mul3A_2017 = arith.muli %select_n3A_2015, %select_n3A_28 : vector<16xi32>
      %add3A_2018 = arith.addi %add3A_2010, %mul3A_2017 : vector<16xi32>
      %get3A_2019 = arith.constant 4 : index
      %get3A_2020 = tpu.vector_load %arg13[%get3A_2019] {strides = array<i32>} : memref<48xi32, #tpu.memory_space<vmem>>, vector<16xi32>,
      %get3A_2021 = vector.shape_cast %get3A_2020 : vector<16xi32> to vector<16xi32>
      %eq3A_2022 = arith.cmpi eq, %get3A_1986, %get3A_2021 : vector<16xi32>
      %select_n3A_2023 = arith.select %eq3A_2022, %broadcast_in_dim3A_12, %broadcast_in_dim3A_14 : vector<16xi1>, vector<16xi32>
      %add3A_2024 = arith.addi %add3A_2016, %select_n3A_2023 : vector<16xi32>
      %mul3A_2025 = arith.muli %select_n3A_2023, %select_n3A_32 : vector<16xi32>
      %add3A_2026 = arith.addi %add3A_2018, %mul3A_2025 : vector<16xi32>
      %get3A_2027 = arith.constant 5 : index
      %get3A_2028 = tpu.vector_load %arg13[%get3A_2027] {strides = array<i32>} : memref<48xi32, #tpu.memory_space<vmem>>, vector<16xi32>,
      %get3A_2029 = vector.shape_cast %get3A_2028 : vector<16xi32> to vector<16xi32>
      %eq3A_2030 = arith.cmpi eq, %get3A_1986, %get3A_2029 : vector<16xi32>
      %select_n3A_2031 = arith.select %eq3A_2030, %broadcast_in_dim3A_12, %broadcast_in_dim3A_14 : vector<16xi1>, vector<16xi32>
      %add3A_2032 = arith.addi %add3A_2024, %select_n3A_2031 : vector<16xi32>
      %mul3A_2033 = arith.muli %select_n3A_2031, %select_n3A_36 : vector<16xi32>
      %add3A_2034 = arith.addi %add3A_2026, %mul3A_2033 : vector<16xi32>
      %get3A_2035 = arith.constant 6 : index
      %get3A_2036 = tpu.vector_load %arg13[%get3A_2035] {strides = array<i32>} : memref<48xi32, #tpu.memory_space<vmem>>, vector<16xi32>,
      %get3A_2037 = vector.shape_cast %get3A_2036 : vector<16xi32> to vector<16xi32>
      %eq3A_2038 = arith.cmpi eq, %get3A_1986, %get3A_2037 : vector<16xi32>
      %select_n3A_2039 = arith.select %eq3A_2038, %broadcast_in_dim3A_12, %broadcast_in_dim3A_14 : vector<16xi1>, vector<16xi32>
      %add3A_2040 = arith.addi %add3A_2032, %select_n3A_2039 : vector<16xi32>
      %mul3A_2041 = arith.muli %select_n3A_2039, %select_n3A_40 : vector<16xi32>
      %add3A_2042 = arith.addi %add3A_2034, %mul3A_2041 : vector<16xi32>
      %get3A_2043 = arith.constant 7 : index
      %get3A_2044 = tpu.vector_load %arg13[%get3A_2043] {strides = array<i32>} : memref<48xi32, #tpu.memory_space<vmem>>, vector<16xi32>,
      %get3A_2045 = vector.shape_cast %get3A_2044 : vector<16xi32> to vector<16xi32>
      %eq3A_2046 = arith.cmpi eq, %get3A_1986, %get3A_2045 : vector<16xi32>
      %select_n3A_2047 = arith.select %eq3A_2046, %broadcast_in_dim3A_12, %broadcast_in_dim3A_14 : vector<16xi1>, vector<16xi32>
      %add3A_2048 = arith.addi %add3A_2040, %select_n3A_2047 : vector<16xi32>
      %mul3A_2049 = arith.muli %select_n3A_2047, %select_n3A_44 : vector<16xi32>
      %add3A_2050 = arith.addi %add3A_2042, %mul3A_2049 : vector<16xi32>
      %get3A_2051 = arith.constant 8 : index
      %get3A_2052 = tpu.vector_load %arg13[%get3A_2051] {strides = array<i32>} : memref<48xi32, #tpu.memory_space<vmem>>, vector<16xi32>,
      %get3A_2053 = vector.shape_cast %get3A_2052 : vector<16xi32> to vector<16xi32>
      %eq3A_2054 = arith.cmpi eq, %get3A_1986, %get3A_2053 : vector<16xi32>
      %select_n3A_2055 = arith.select %eq3A_2054, %broadcast_in_dim3A_12, %broadcast_in_dim3A_14 : vector<16xi1>, vector<16xi32>
      %add3A_2056 = arith.addi %add3A_2048, %select_n3A_2055 : vector<16xi32>
      %mul3A_2057 = arith.muli %select_n3A_2055, %select_n3A_48 : vector<16xi32>
      %add3A_2058 = arith.addi %add3A_2050, %mul3A_2057 : vector<16xi32>
      %get3A_2059 = arith.constant 9 : index
      %get3A_2060 = tpu.vector_load %arg13[%get3A_2059] {strides = array<i32>} : memref<48xi32, #tpu.memory_space<vmem>>, vector<16xi32>,
      %get3A_2061 = vector.shape_cast %get3A_2060 : vector<16xi32> to vector<16xi32>
      %eq3A_2062 = arith.cmpi eq, %get3A_1986, %get3A_2061 : vector<16xi32>
      %select_n3A_2063 = arith.select %eq3A_2062, %broadcast_in_dim3A_12, %broadcast_in_dim3A_14 : vector<16xi1>, vector<16xi32>
      %add3A_2064 = arith.addi %add3A_2056, %select_n3A_2063 : vector<16xi32>
      %mul3A_2065 = arith.muli %select_n3A_2063, %select_n3A_52 : vector<16xi32>
      %add3A_2066 = arith.addi %add3A_2058, %mul3A_2065 : vector<16xi32>
      %get3A_2067 = arith.constant 10 : index
      %get3A_2068 = tpu.vector_load %arg13[%get3A_2067] {strides = array<i32>} : memref<48xi32, #tpu.memory_space<vmem>>, vector<16xi32>,
      %get3A_2069 = vector.shape_cast %get3A_2068 : vector<16xi32> to vector<16xi32>
      %eq3A_2070 = arith.cmpi eq, %get3A_1986, %get3A_2069 : vector<16xi32>
      %select_n3A_2071 = arith.select %eq3A_2070, %broadcast_in_dim3A_12, %broadcast_in_dim3A_14 : vector<16xi1>, vector<16xi32>
      %add3A_2072 = arith.addi %add3A_2064, %select_n3A_2071 : vector<16xi32>
      %mul3A_2073 = arith.muli %select_n3A_2071, %select_n3A_56 : vector<16xi32>
      %add3A_2074 = arith.addi %add3A_2066, %mul3A_2073 : vector<16xi32>
      %get3A_2075 = arith.constant 11 : index
      %get3A_2076 = tpu.vector_load %arg13[%get3A_2075] {strides = array<i32>} : memref<48xi32, #tpu.memory_space<vmem>>, vector<16xi32>,
      %get3A_2077 = vector.shape_cast %get3A_2076 : vector<16xi32> to vector<16xi32>
      %eq3A_2078 = arith.cmpi eq, %get3A_1986, %get3A_2077 : vector<16xi32>
      %select_n3A_2079 = arith.select %eq3A_2078, %broadcast_in_dim3A_12, %broadcast_in_dim3A_14 : vector<16xi1>, vector<16xi32>
      %add3A_2080 = arith.addi %add3A_2072, %select_n3A_2079 : vector<16xi32>
      %mul3A_2081 = arith.muli %select_n3A_2079, %select_n3A_60 : vector<16xi32>
      %add3A_2082 = arith.addi %add3A_2074, %mul3A_2081 : vector<16xi32>
      %get3A_2083 = arith.constant 12 : index
      %get3A_2084 = tpu.vector_load %arg13[%get3A_2083] {strides = array<i32>} : memref<48xi32, #tpu.memory_space<vmem>>, vector<16xi32>,
      %get3A_2085 = vector.shape_cast %get3A_2084 : vector<16xi32> to vector<16xi32>
      %eq3A_2086 = arith.cmpi eq, %get3A_1986, %get3A_2085 : vector<16xi32>
      %select_n3A_2087 = arith.select %eq3A_2086, %broadcast_in_dim3A_12, %broadcast_in_dim3A_14 : vector<16xi1>, vector<16xi32>
      %add3A_2088 = arith.addi %add3A_2080, %select_n3A_2087 : vector<16xi32>
      %mul3A_2089 = arith.muli %select_n3A_2087, %select_n3A_64 : vector<16xi32>
      %add3A_2090 = arith.addi %add3A_2082, %mul3A_2089 : vector<16xi32>
      %get3A_2091 = arith.constant 13 : index
      %get3A_2092 = tpu.vector_load %arg13[%get3A_2091] {strides = array<i32>} : memref<48xi32, #tpu.memory_space<vmem>>, vector<16xi32>,
      %get3A_2093 = vector.shape_cast %get3A_2092 : vector<16xi32> to vector<16xi32>
      %eq3A_2094 = arith.cmpi eq, %get3A_1986, %get3A_2093 : vector<16xi32>
      %select_n3A_2095 = arith.select %eq3A_2094, %broadcast_in_dim3A_12, %broadcast_in_dim3A_14 : vector<16xi1>, vector<16xi32>
      %add3A_2096 = arith.addi %add3A_2088, %select_n3A_2095 : vector<16xi32>
      %mul3A_2097 = arith.muli %select_n3A_2095, %select_n3A_68 : vector<16xi32>
      %add3A_2098 = arith.addi %add3A_2090, %mul3A_2097 : vector<16xi32>
      %get3A_2099 = arith.constant 14 : index
      %get3A_2100 = tpu.vector_load %arg13[%get3A_2099] {strides = array<i32>} : memref<48xi32, #tpu.memory_space<vmem>>, vector<16xi32>,
      %get3A_2101 = vector.shape_cast %get3A_2100 : vector<16xi32> to vector<16xi32>
      %eq3A_2102 = arith.cmpi eq, %get3A_1986, %get3A_2101 : vector<16xi32>
      %select_n3A_2103 = arith.select %eq3A_2102, %broadcast_in_dim3A_12, %broadcast_in_dim3A_14 : vector<16xi1>, vector<16xi32>
      %add3A_2104 = arith.addi %add3A_2096, %select_n3A_2103 : vector<16xi32>
      %mul3A_2105 = arith.muli %select_n3A_2103, %select_n3A_72 : vector<16xi32>
      %add3A_2106 = arith.addi %add3A_2098, %mul3A_2105 : vector<16xi32>
      %get3A_2107 = arith.constant 15 : index
      %get3A_2108 = tpu.vector_load %arg13[%get3A_2107] {strides = array<i32>} : memref<48xi32, #tpu.memory_space<vmem>>, vector<16xi32>,
      %get3A_2109 = vector.shape_cast %get3A_2108 : vector<16xi32> to vector<16xi32>
      %eq3A_2110 = arith.cmpi eq, %get3A_1986, %get3A_2109 : vector<16xi32>
      %select_n3A_2111 = arith.select %eq3A_2110, %broadcast_in_dim3A_12, %broadcast_in_dim3A_14 : vector<16xi1>, vector<16xi32>
      %add3A_2112 = arith.addi %add3A_2104, %select_n3A_2111 : vector<16xi32>
      %mul3A_2113 = arith.muli %select_n3A_2111, %select_n3A_76 : vector<16xi32>
      %add3A_2114 = arith.addi %add3A_2106, %mul3A_2113 : vector<16xi32>
      %ge3A_2115 = vector.broadcast %mul3A_2 : i32 to vector<16xi32>
      %ge3A_2116 = arith.cmpi sge, %get3A_1986, %ge3A_2115 : vector<16xi32>
      %select_n3A_2117 = arith.select %ge3A_2116, %broadcast_in_dim3A_14, %broadcast_in_dim3A_12 : vector<16xi1>, vector<16xi32>
      %add3A_2118 = arith.constant 500224 : i32
      %add3A_2119 = arith.addi %mul3A_2, %add3A_2118 : i32
      %lt3A_2120 = vector.broadcast %add3A_2119 : i32 to vector<16xi32>
      %lt3A_2121 = arith.cmpi slt, %get3A_1986, %lt3A_2120 : vector<16xi32>
      %select_n3A_2122 = arith.select %lt3A_2121, %broadcast_in_dim3A_14, %broadcast_in_dim3A_12 : vector<16xi1>, vector<16xi32>
      %add3A_2123 = arith.addi %add3A_2114, %select_n3A_2117 : vector<16xi32>
      %add3A_2124 = arith.addi %add3A_2123, %select_n3A_2122 : vector<16xi32>
      %eq3A_2125 = arith.cmpi eq, %add3A_2124, %broadcast_in_dim3A_14 : vector<16xi32>
      %sub3A_2126 = vector.broadcast %mul3A_2 : i32 to vector<16xi32>
      %sub3A_2127 = arith.subi %get3A_1986, %sub3A_2126 : vector<16xi32>
      %select_n3A_2128 = arith.select %eq3A_2125, %sub3A_2127, %broadcast_in_dim3A_16 : vector<16xi1>, vector<16xi32>
      %swap3A_2129 = arith.constant 64 : index
      %swap3A_2130 = tpu.vector_load %arg10[%swap3A_2129] {strides = array<i32>} : memref<128xi32, #tpu.memory_space<vmem>>, vector<16xi32>,
      %swap3A_2131 = vector.shape_cast %swap3A_2130 : vector<16xi32> to vector<16xi32>
      %swap3A_2132 = vector.shape_cast %select_n3A_2128 : vector<16xi32> to vector<16xi32>
      tpu.vector_store %arg10[%swap3A_2129], %swap3A_2132 {strides = array<i32>} : memref<128xi32, #tpu.memory_space<vmem>>, vector<16xi32>,
      %eq3A_2133 = arith.cmpi eq, %add3A_2114, %broadcast_in_dim3A_14 : vector<16xi32>
      %convert_element_type3A_2134 = arith.sitofp %add3A_2112 : vector<16xi32> to vector<16xf32>
      %select_n3A_2135 = arith.select %eq3A_2133, %convert_element_type3A_2134, %broadcast_in_dim3A_18 : vector<16xi1>, vector<16xf32>
      %swap3A_2136 = arith.constant 64 : index
      %swap3A_2137 = tpu.vector_load %arg11[%swap3A_2136] {strides = array<i32>} : memref<128xf32, #tpu.memory_space<vmem>>, vector<16xf32>,
      %swap3A_2138 = vector.shape_cast %swap3A_2137 : vector<16xf32> to vector<16xf32>
      %swap3A_2139 = vector.shape_cast %select_n3A_2135 : vector<16xf32> to vector<16xf32>
      tpu.vector_store %arg11[%swap3A_2136], %swap3A_2139 {strides = array<i32>} : memref<128xf32, #tpu.memory_space<vmem>>, vector<16xf32>,
      %get3A_2140 = arith.constant 80 : index
      %get3A_2141 = tpu.vector_load %arg10[%get3A_2140] {strides = array<i32>} : memref<128xi32, #tpu.memory_space<vmem>>, vector<16xi32>,
      %get3A_2142 = vector.shape_cast %get3A_2141 : vector<16xi32> to vector<16xi32>
      %swap3A_2143 = arith.constant 0 : index
      %swap3A_2144 = tpu.vector_load %arg13[%swap3A_2143] {strides = array<i32>} : memref<48xi32, #tpu.memory_space<vmem>>, vector<16xi32>,
      %swap3A_2145 = vector.shape_cast %swap3A_2144 : vector<16xi32> to vector<16xi32>
      %swap3A_2146 = vector.shape_cast %get3A_2142 : vector<16xi32> to vector<16xi32>
      tpu.vector_store %arg13[%swap3A_2143], %swap3A_2146 {strides = array<i32>} : memref<48xi32, #tpu.memory_space<vmem>>, vector<16xi32>,
      %swap3A_2147 = arith.constant 16 : index
      %swap3A_2148 = tpu.vector_load %arg13[%swap3A_2147] {strides = array<i32>} : memref<48xi32, #tpu.memory_space<vmem>>, vector<16xi32>,
      %swap3A_2149 = vector.shape_cast %swap3A_2148 : vector<16xi32> to vector<16xi32>
      %swap3A_2150 = vector.shape_cast %get3A_2142 : vector<16xi32> to vector<16xi32>
      tpu.vector_store %arg13[%swap3A_2147], %swap3A_2150 {strides = array<i32>} : memref<48xi32, #tpu.memory_space<vmem>>, vector<16xi32>,
      %get3A_2151 = arith.constant 1 : index
      %get3A_2152 = tpu.vector_load %arg13[%get3A_2151] {strides = array<i32>} : memref<48xi32, #tpu.memory_space<vmem>>, vector<16xi32>,
      %get3A_2153 = vector.shape_cast %get3A_2152 : vector<16xi32> to vector<16xi32>
      %eq3A_2154 = arith.cmpi eq, %get3A_2142, %get3A_2153 : vector<16xi32>
      %select_n3A_2155 = arith.select %eq3A_2154, %broadcast_in_dim3A_12, %broadcast_in_dim3A_14 : vector<16xi1>, vector<16xi32>
      %add3A_2156 = arith.addi %broadcast_in_dim3A_12, %select_n3A_2155 : vector<16xi32>
      %mul3A_2157 = arith.muli %select_n3A_2155, %select_n3A : vector<16xi32>
      %add3A_2158 = arith.addi %broadcast_in_dim3A_14, %mul3A_2157 : vector<16xi32>
      %get3A_2159 = arith.constant 2 : index
      %get3A_2160 = tpu.vector_load %arg13[%get3A_2159] {strides = array<i32>} : memref<48xi32, #tpu.memory_space<vmem>>, vector<16xi32>,
      %get3A_2161 = vector.shape_cast %get3A_2160 : vector<16xi32> to vector<16xi32>
      %eq3A_2162 = arith.cmpi eq, %get3A_2142, %get3A_2161 : vector<16xi32>
      %select_n3A_2163 = arith.select %eq3A_2162, %broadcast_in_dim3A_12, %broadcast_in_dim3A_14 : vector<16xi1>, vector<16xi32>
      %add3A_2164 = arith.addi %add3A_2156, %select_n3A_2163 : vector<16xi32>
      %mul3A_2165 = arith.muli %select_n3A_2163, %select_n3A_24 : vector<16xi32>
      %add3A_2166 = arith.addi %add3A_2158, %mul3A_2165 : vector<16xi32>
      %get3A_2167 = arith.constant 3 : index
      %get3A_2168 = tpu.vector_load %arg13[%get3A_2167] {strides = array<i32>} : memref<48xi32, #tpu.memory_space<vmem>>, vector<16xi32>,
      %get3A_2169 = vector.shape_cast %get3A_2168 : vector<16xi32> to vector<16xi32>
      %eq3A_2170 = arith.cmpi eq, %get3A_2142, %get3A_2169 : vector<16xi32>
      %select_n3A_2171 = arith.select %eq3A_2170, %broadcast_in_dim3A_12, %broadcast_in_dim3A_14 : vector<16xi1>, vector<16xi32>
      %add3A_2172 = arith.addi %add3A_2164, %select_n3A_2171 : vector<16xi32>
      %mul3A_2173 = arith.muli %select_n3A_2171, %select_n3A_28 : vector<16xi32>
      %add3A_2174 = arith.addi %add3A_2166, %mul3A_2173 : vector<16xi32>
      %get3A_2175 = arith.constant 4 : index
      %get3A_2176 = tpu.vector_load %arg13[%get3A_2175] {strides = array<i32>} : memref<48xi32, #tpu.memory_space<vmem>>, vector<16xi32>,
      %get3A_2177 = vector.shape_cast %get3A_2176 : vector<16xi32> to vector<16xi32>
      %eq3A_2178 = arith.cmpi eq, %get3A_2142, %get3A_2177 : vector<16xi32>
      %select_n3A_2179 = arith.select %eq3A_2178, %broadcast_in_dim3A_12, %broadcast_in_dim3A_14 : vector<16xi1>, vector<16xi32>
      %add3A_2180 = arith.addi %add3A_2172, %select_n3A_2179 : vector<16xi32>
      %mul3A_2181 = arith.muli %select_n3A_2179, %select_n3A_32 : vector<16xi32>
      %add3A_2182 = arith.addi %add3A_2174, %mul3A_2181 : vector<16xi32>
      %get3A_2183 = arith.constant 5 : index
      %get3A_2184 = tpu.vector_load %arg13[%get3A_2183] {strides = array<i32>} : memref<48xi32, #tpu.memory_space<vmem>>, vector<16xi32>,
      %get3A_2185 = vector.shape_cast %get3A_2184 : vector<16xi32> to vector<16xi32>
      %eq3A_2186 = arith.cmpi eq, %get3A_2142, %get3A_2185 : vector<16xi32>
      %select_n3A_2187 = arith.select %eq3A_2186, %broadcast_in_dim3A_12, %broadcast_in_dim3A_14 : vector<16xi1>, vector<16xi32>
      %add3A_2188 = arith.addi %add3A_2180, %select_n3A_2187 : vector<16xi32>
      %mul3A_2189 = arith.muli %select_n3A_2187, %select_n3A_36 : vector<16xi32>
      %add3A_2190 = arith.addi %add3A_2182, %mul3A_2189 : vector<16xi32>
      %get3A_2191 = arith.constant 6 : index
      %get3A_2192 = tpu.vector_load %arg13[%get3A_2191] {strides = array<i32>} : memref<48xi32, #tpu.memory_space<vmem>>, vector<16xi32>,
      %get3A_2193 = vector.shape_cast %get3A_2192 : vector<16xi32> to vector<16xi32>
      %eq3A_2194 = arith.cmpi eq, %get3A_2142, %get3A_2193 : vector<16xi32>
      %select_n3A_2195 = arith.select %eq3A_2194, %broadcast_in_dim3A_12, %broadcast_in_dim3A_14 : vector<16xi1>, vector<16xi32>
      %add3A_2196 = arith.addi %add3A_2188, %select_n3A_2195 : vector<16xi32>
      %mul3A_2197 = arith.muli %select_n3A_2195, %select_n3A_40 : vector<16xi32>
      %add3A_2198 = arith.addi %add3A_2190, %mul3A_2197 : vector<16xi32>
      %get3A_2199 = arith.constant 7 : index
      %get3A_2200 = tpu.vector_load %arg13[%get3A_2199] {strides = array<i32>} : memref<48xi32, #tpu.memory_space<vmem>>, vector<16xi32>,
      %get3A_2201 = vector.shape_cast %get3A_2200 : vector<16xi32> to vector<16xi32>
      %eq3A_2202 = arith.cmpi eq, %get3A_2142, %get3A_2201 : vector<16xi32>
      %select_n3A_2203 = arith.select %eq3A_2202, %broadcast_in_dim3A_12, %broadcast_in_dim3A_14 : vector<16xi1>, vector<16xi32>
      %add3A_2204 = arith.addi %add3A_2196, %select_n3A_2203 : vector<16xi32>
      %mul3A_2205 = arith.muli %select_n3A_2203, %select_n3A_44 : vector<16xi32>
      %add3A_2206 = arith.addi %add3A_2198, %mul3A_2205 : vector<16xi32>
      %get3A_2207 = arith.constant 8 : index
      %get3A_2208 = tpu.vector_load %arg13[%get3A_2207] {strides = array<i32>} : memref<48xi32, #tpu.memory_space<vmem>>, vector<16xi32>,
      %get3A_2209 = vector.shape_cast %get3A_2208 : vector<16xi32> to vector<16xi32>
      %eq3A_2210 = arith.cmpi eq, %get3A_2142, %get3A_2209 : vector<16xi32>
      %select_n3A_2211 = arith.select %eq3A_2210, %broadcast_in_dim3A_12, %broadcast_in_dim3A_14 : vector<16xi1>, vector<16xi32>
      %add3A_2212 = arith.addi %add3A_2204, %select_n3A_2211 : vector<16xi32>
      %mul3A_2213 = arith.muli %select_n3A_2211, %select_n3A_48 : vector<16xi32>
      %add3A_2214 = arith.addi %add3A_2206, %mul3A_2213 : vector<16xi32>
      %get3A_2215 = arith.constant 9 : index
      %get3A_2216 = tpu.vector_load %arg13[%get3A_2215] {strides = array<i32>} : memref<48xi32, #tpu.memory_space<vmem>>, vector<16xi32>,
      %get3A_2217 = vector.shape_cast %get3A_2216 : vector<16xi32> to vector<16xi32>
      %eq3A_2218 = arith.cmpi eq, %get3A_2142, %get3A_2217 : vector<16xi32>
      %select_n3A_2219 = arith.select %eq3A_2218, %broadcast_in_dim3A_12, %broadcast_in_dim3A_14 : vector<16xi1>, vector<16xi32>
      %add3A_2220 = arith.addi %add3A_2212, %select_n3A_2219 : vector<16xi32>
      %mul3A_2221 = arith.muli %select_n3A_2219, %select_n3A_52 : vector<16xi32>
      %add3A_2222 = arith.addi %add3A_2214, %mul3A_2221 : vector<16xi32>
      %get3A_2223 = arith.constant 10 : index
      %get3A_2224 = tpu.vector_load %arg13[%get3A_2223] {strides = array<i32>} : memref<48xi32, #tpu.memory_space<vmem>>, vector<16xi32>,
      %get3A_2225 = vector.shape_cast %get3A_2224 : vector<16xi32> to vector<16xi32>
      %eq3A_2226 = arith.cmpi eq, %get3A_2142, %get3A_2225 : vector<16xi32>
      %select_n3A_2227 = arith.select %eq3A_2226, %broadcast_in_dim3A_12, %broadcast_in_dim3A_14 : vector<16xi1>, vector<16xi32>
      %add3A_2228 = arith.addi %add3A_2220, %select_n3A_2227 : vector<16xi32>
      %mul3A_2229 = arith.muli %select_n3A_2227, %select_n3A_56 : vector<16xi32>
      %add3A_2230 = arith.addi %add3A_2222, %mul3A_2229 : vector<16xi32>
      %get3A_2231 = arith.constant 11 : index
      %get3A_2232 = tpu.vector_load %arg13[%get3A_2231] {strides = array<i32>} : memref<48xi32, #tpu.memory_space<vmem>>, vector<16xi32>,
      %get3A_2233 = vector.shape_cast %get3A_2232 : vector<16xi32> to vector<16xi32>
      %eq3A_2234 = arith.cmpi eq, %get3A_2142, %get3A_2233 : vector<16xi32>
      %select_n3A_2235 = arith.select %eq3A_2234, %broadcast_in_dim3A_12, %broadcast_in_dim3A_14 : vector<16xi1>, vector<16xi32>
      %add3A_2236 = arith.addi %add3A_2228, %select_n3A_2235 : vector<16xi32>
      %mul3A_2237 = arith.muli %select_n3A_2235, %select_n3A_60 : vector<16xi32>
      %add3A_2238 = arith.addi %add3A_2230, %mul3A_2237 : vector<16xi32>
      %get3A_2239 = arith.constant 12 : index
      %get3A_2240 = tpu.vector_load %arg13[%get3A_2239] {strides = array<i32>} : memref<48xi32, #tpu.memory_space<vmem>>, vector<16xi32>,
      %get3A_2241 = vector.shape_cast %get3A_2240 : vector<16xi32> to vector<16xi32>
      %eq3A_2242 = arith.cmpi eq, %get3A_2142, %get3A_2241 : vector<16xi32>
      %select_n3A_2243 = arith.select %eq3A_2242, %broadcast_in_dim3A_12, %broadcast_in_dim3A_14 : vector<16xi1>, vector<16xi32>
      %add3A_2244 = arith.addi %add3A_2236, %select_n3A_2243 : vector<16xi32>
      %mul3A_2245 = arith.muli %select_n3A_2243, %select_n3A_64 : vector<16xi32>
      %add3A_2246 = arith.addi %add3A_2238, %mul3A_2245 : vector<16xi32>
      %get3A_2247 = arith.constant 13 : index
      %get3A_2248 = tpu.vector_load %arg13[%get3A_2247] {strides = array<i32>} : memref<48xi32, #tpu.memory_space<vmem>>, vector<16xi32>,
      %get3A_2249 = vector.shape_cast %get3A_2248 : vector<16xi32> to vector<16xi32>
      %eq3A_2250 = arith.cmpi eq, %get3A_2142, %get3A_2249 : vector<16xi32>
      %select_n3A_2251 = arith.select %eq3A_2250, %broadcast_in_dim3A_12, %broadcast_in_dim3A_14 : vector<16xi1>, vector<16xi32>
      %add3A_2252 = arith.addi %add3A_2244, %select_n3A_2251 : vector<16xi32>
      %mul3A_2253 = arith.muli %select_n3A_2251, %select_n3A_68 : vector<16xi32>
      %add3A_2254 = arith.addi %add3A_2246, %mul3A_2253 : vector<16xi32>
      %get3A_2255 = arith.constant 14 : index
      %get3A_2256 = tpu.vector_load %arg13[%get3A_2255] {strides = array<i32>} : memref<48xi32, #tpu.memory_space<vmem>>, vector<16xi32>,
      %get3A_2257 = vector.shape_cast %get3A_2256 : vector<16xi32> to vector<16xi32>
      %eq3A_2258 = arith.cmpi eq, %get3A_2142, %get3A_2257 : vector<16xi32>
      %select_n3A_2259 = arith.select %eq3A_2258, %broadcast_in_dim3A_12, %broadcast_in_dim3A_14 : vector<16xi1>, vector<16xi32>
      %add3A_2260 = arith.addi %add3A_2252, %select_n3A_2259 : vector<16xi32>
      %mul3A_2261 = arith.muli %select_n3A_2259, %select_n3A_72 : vector<16xi32>
      %add3A_2262 = arith.addi %add3A_2254, %mul3A_2261 : vector<16xi32>
      %get3A_2263 = arith.constant 15 : index
      %get3A_2264 = tpu.vector_load %arg13[%get3A_2263] {strides = array<i32>} : memref<48xi32, #tpu.memory_space<vmem>>, vector<16xi32>,
      %get3A_2265 = vector.shape_cast %get3A_2264 : vector<16xi32> to vector<16xi32>
      %eq3A_2266 = arith.cmpi eq, %get3A_2142, %get3A_2265 : vector<16xi32>
      %select_n3A_2267 = arith.select %eq3A_2266, %broadcast_in_dim3A_12, %broadcast_in_dim3A_14 : vector<16xi1>, vector<16xi32>
      %add3A_2268 = arith.addi %add3A_2260, %select_n3A_2267 : vector<16xi32>
      %mul3A_2269 = arith.muli %select_n3A_2267, %select_n3A_76 : vector<16xi32>
      %add3A_2270 = arith.addi %add3A_2262, %mul3A_2269 : vector<16xi32>
      %ge3A_2271 = vector.broadcast %mul3A_2 : i32 to vector<16xi32>
      %ge3A_2272 = arith.cmpi sge, %get3A_2142, %ge3A_2271 : vector<16xi32>
      %select_n3A_2273 = arith.select %ge3A_2272, %broadcast_in_dim3A_14, %broadcast_in_dim3A_12 : vector<16xi1>, vector<16xi32>
      %add3A_2274 = arith.constant 500224 : i32
      %add3A_2275 = arith.addi %mul3A_2, %add3A_2274 : i32
      %lt3A_2276 = vector.broadcast %add3A_2275 : i32 to vector<16xi32>
      %lt3A_2277 = arith.cmpi slt, %get3A_2142, %lt3A_2276 : vector<16xi32>
      %select_n3A_2278 = arith.select %lt3A_2277, %broadcast_in_dim3A_14, %broadcast_in_dim3A_12 : vector<16xi1>, vector<16xi32>
      %add3A_2279 = arith.addi %add3A_2270, %select_n3A_2273 : vector<16xi32>
      %add3A_2280 = arith.addi %add3A_2279, %select_n3A_2278 : vector<16xi32>
      %eq3A_2281 = arith.cmpi eq, %add3A_2280, %broadcast_in_dim3A_14 : vector<16xi32>
      %sub3A_2282 = vector.broadcast %mul3A_2 : i32 to vector<16xi32>
      %sub3A_2283 = arith.subi %get3A_2142, %sub3A_2282 : vector<16xi32>
      %select_n3A_2284 = arith.select %eq3A_2281, %sub3A_2283, %broadcast_in_dim3A_16 : vector<16xi1>, vector<16xi32>
      %swap3A_2285 = arith.constant 80 : index
      %swap3A_2286 = tpu.vector_load %arg10[%swap3A_2285] {strides = array<i32>} : memref<128xi32, #tpu.memory_space<vmem>>, vector<16xi32>,
      %swap3A_2287 = vector.shape_cast %swap3A_2286 : vector<16xi32> to vector<16xi32>
      %swap3A_2288 = vector.shape_cast %select_n3A_2284 : vector<16xi32> to vector<16xi32>
      tpu.vector_store %arg10[%swap3A_2285], %swap3A_2288 {strides = array<i32>} : memref<128xi32, #tpu.memory_space<vmem>>, vector<16xi32>,
      %eq3A_2289 = arith.cmpi eq, %add3A_2270, %broadcast_in_dim3A_14 : vector<16xi32>
      %convert_element_type3A_2290 = arith.sitofp %add3A_2268 : vector<16xi32> to vector<16xf32>
      %select_n3A_2291 = arith.select %eq3A_2289, %convert_element_type3A_2290, %broadcast_in_dim3A_18 : vector<16xi1>, vector<16xf32>
      %swap3A_2292 = arith.constant 80 : index
      %swap3A_2293 = tpu.vector_load %arg11[%swap3A_2292] {strides = array<i32>} : memref<128xf32, #tpu.memory_space<vmem>>, vector<16xf32>,
      %swap3A_2294 = vector.shape_cast %swap3A_2293 : vector<16xf32> to vector<16xf32>
      %swap3A_2295 = vector.shape_cast %select_n3A_2291 : vector<16xf32> to vector<16xf32>
      tpu.vector_store %arg11[%swap3A_2292], %swap3A_2295 {strides = array<i32>} : memref<128xf32, #tpu.memory_space<vmem>>, vector<16xf32>,
      %get3A_2296 = arith.constant 96 : index
      %get3A_2297 = tpu.vector_load %arg10[%get3A_2296] {strides = array<i32>} : memref<128xi32, #tpu.memory_space<vmem>>, vector<16xi32>,
      %get3A_2298 = vector.shape_cast %get3A_2297 : vector<16xi32> to vector<16xi32>
      %swap3A_2299 = arith.constant 0 : index
      %swap3A_2300 = tpu.vector_load %arg13[%swap3A_2299] {strides = array<i32>} : memref<48xi32, #tpu.memory_space<vmem>>, vector<16xi32>,
      %swap3A_2301 = vector.shape_cast %swap3A_2300 : vector<16xi32> to vector<16xi32>
      %swap3A_2302 = vector.shape_cast %get3A_2298 : vector<16xi32> to vector<16xi32>
      tpu.vector_store %arg13[%swap3A_2299], %swap3A_2302 {strides = array<i32>} : memref<48xi32, #tpu.memory_space<vmem>>, vector<16xi32>,
      %swap3A_2303 = arith.constant 16 : index
      %swap3A_2304 = tpu.vector_load %arg13[%swap3A_2303] {strides = array<i32>} : memref<48xi32, #tpu.memory_space<vmem>>, vector<16xi32>,
      %swap3A_2305 = vector.shape_cast %swap3A_2304 : vector<16xi32> to vector<16xi32>
      %swap3A_2306 = vector.shape_cast %get3A_2298 : vector<16xi32> to vector<16xi32>
      tpu.vector_store %arg13[%swap3A_2303], %swap3A_2306 {strides = array<i32>} : memref<48xi32, #tpu.memory_space<vmem>>, vector<16xi32>,
      %get3A_2307 = arith.constant 1 : index
      %get3A_2308 = tpu.vector_load %arg13[%get3A_2307] {strides = array<i32>} : memref<48xi32, #tpu.memory_space<vmem>>, vector<16xi32>,
      %get3A_2309 = vector.shape_cast %get3A_2308 : vector<16xi32> to vector<16xi32>
      %eq3A_2310 = arith.cmpi eq, %get3A_2298, %get3A_2309 : vector<16xi32>
      %select_n3A_2311 = arith.select %eq3A_2310, %broadcast_in_dim3A_12, %broadcast_in_dim3A_14 : vector<16xi1>, vector<16xi32>
      %add3A_2312 = arith.addi %broadcast_in_dim3A_12, %select_n3A_2311 : vector<16xi32>
      %mul3A_2313 = arith.muli %select_n3A_2311, %select_n3A : vector<16xi32>
      %add3A_2314 = arith.addi %broadcast_in_dim3A_14, %mul3A_2313 : vector<16xi32>
      %get3A_2315 = arith.constant 2 : index
      %get3A_2316 = tpu.vector_load %arg13[%get3A_2315] {strides = array<i32>} : memref<48xi32, #tpu.memory_space<vmem>>, vector<16xi32>,
      %get3A_2317 = vector.shape_cast %get3A_2316 : vector<16xi32> to vector<16xi32>
      %eq3A_2318 = arith.cmpi eq, %get3A_2298, %get3A_2317 : vector<16xi32>
      %select_n3A_2319 = arith.select %eq3A_2318, %broadcast_in_dim3A_12, %broadcast_in_dim3A_14 : vector<16xi1>, vector<16xi32>
      %add3A_2320 = arith.addi %add3A_2312, %select_n3A_2319 : vector<16xi32>
      %mul3A_2321 = arith.muli %select_n3A_2319, %select_n3A_24 : vector<16xi32>
      %add3A_2322 = arith.addi %add3A_2314, %mul3A_2321 : vector<16xi32>
      %get3A_2323 = arith.constant 3 : index
      %get3A_2324 = tpu.vector_load %arg13[%get3A_2323] {strides = array<i32>} : memref<48xi32, #tpu.memory_space<vmem>>, vector<16xi32>,
      %get3A_2325 = vector.shape_cast %get3A_2324 : vector<16xi32> to vector<16xi32>
      %eq3A_2326 = arith.cmpi eq, %get3A_2298, %get3A_2325 : vector<16xi32>
      %select_n3A_2327 = arith.select %eq3A_2326, %broadcast_in_dim3A_12, %broadcast_in_dim3A_14 : vector<16xi1>, vector<16xi32>
      %add3A_2328 = arith.addi %add3A_2320, %select_n3A_2327 : vector<16xi32>
      %mul3A_2329 = arith.muli %select_n3A_2327, %select_n3A_28 : vector<16xi32>
      %add3A_2330 = arith.addi %add3A_2322, %mul3A_2329 : vector<16xi32>
      %get3A_2331 = arith.constant 4 : index
      %get3A_2332 = tpu.vector_load %arg13[%get3A_2331] {strides = array<i32>} : memref<48xi32, #tpu.memory_space<vmem>>, vector<16xi32>,
      %get3A_2333 = vector.shape_cast %get3A_2332 : vector<16xi32> to vector<16xi32>
      %eq3A_2334 = arith.cmpi eq, %get3A_2298, %get3A_2333 : vector<16xi32>
      %select_n3A_2335 = arith.select %eq3A_2334, %broadcast_in_dim3A_12, %broadcast_in_dim3A_14 : vector<16xi1>, vector<16xi32>
      %add3A_2336 = arith.addi %add3A_2328, %select_n3A_2335 : vector<16xi32>
      %mul3A_2337 = arith.muli %select_n3A_2335, %select_n3A_32 : vector<16xi32>
      %add3A_2338 = arith.addi %add3A_2330, %mul3A_2337 : vector<16xi32>
      %get3A_2339 = arith.constant 5 : index
      %get3A_2340 = tpu.vector_load %arg13[%get3A_2339] {strides = array<i32>} : memref<48xi32, #tpu.memory_space<vmem>>, vector<16xi32>,
      %get3A_2341 = vector.shape_cast %get3A_2340 : vector<16xi32> to vector<16xi32>
      %eq3A_2342 = arith.cmpi eq, %get3A_2298, %get3A_2341 : vector<16xi32>
      %select_n3A_2343 = arith.select %eq3A_2342, %broadcast_in_dim3A_12, %broadcast_in_dim3A_14 : vector<16xi1>, vector<16xi32>
      %add3A_2344 = arith.addi %add3A_2336, %select_n3A_2343 : vector<16xi32>
      %mul3A_2345 = arith.muli %select_n3A_2343, %select_n3A_36 : vector<16xi32>
      %add3A_2346 = arith.addi %add3A_2338, %mul3A_2345 : vector<16xi32>
      %get3A_2347 = arith.constant 6 : index
      %get3A_2348 = tpu.vector_load %arg13[%get3A_2347] {strides = array<i32>} : memref<48xi32, #tpu.memory_space<vmem>>, vector<16xi32>,
      %get3A_2349 = vector.shape_cast %get3A_2348 : vector<16xi32> to vector<16xi32>
      %eq3A_2350 = arith.cmpi eq, %get3A_2298, %get3A_2349 : vector<16xi32>
      %select_n3A_2351 = arith.select %eq3A_2350, %broadcast_in_dim3A_12, %broadcast_in_dim3A_14 : vector<16xi1>, vector<16xi32>
      %add3A_2352 = arith.addi %add3A_2344, %select_n3A_2351 : vector<16xi32>
      %mul3A_2353 = arith.muli %select_n3A_2351, %select_n3A_40 : vector<16xi32>
      %add3A_2354 = arith.addi %add3A_2346, %mul3A_2353 : vector<16xi32>
      %get3A_2355 = arith.constant 7 : index
      %get3A_2356 = tpu.vector_load %arg13[%get3A_2355] {strides = array<i32>} : memref<48xi32, #tpu.memory_space<vmem>>, vector<16xi32>,
      %get3A_2357 = vector.shape_cast %get3A_2356 : vector<16xi32> to vector<16xi32>
      %eq3A_2358 = arith.cmpi eq, %get3A_2298, %get3A_2357 : vector<16xi32>
      %select_n3A_2359 = arith.select %eq3A_2358, %broadcast_in_dim3A_12, %broadcast_in_dim3A_14 : vector<16xi1>, vector<16xi32>
      %add3A_2360 = arith.addi %add3A_2352, %select_n3A_2359 : vector<16xi32>
      %mul3A_2361 = arith.muli %select_n3A_2359, %select_n3A_44 : vector<16xi32>
      %add3A_2362 = arith.addi %add3A_2354, %mul3A_2361 : vector<16xi32>
      %get3A_2363 = arith.constant 8 : index
      %get3A_2364 = tpu.vector_load %arg13[%get3A_2363] {strides = array<i32>} : memref<48xi32, #tpu.memory_space<vmem>>, vector<16xi32>,
      %get3A_2365 = vector.shape_cast %get3A_2364 : vector<16xi32> to vector<16xi32>
      %eq3A_2366 = arith.cmpi eq, %get3A_2298, %get3A_2365 : vector<16xi32>
      %select_n3A_2367 = arith.select %eq3A_2366, %broadcast_in_dim3A_12, %broadcast_in_dim3A_14 : vector<16xi1>, vector<16xi32>
      %add3A_2368 = arith.addi %add3A_2360, %select_n3A_2367 : vector<16xi32>
      %mul3A_2369 = arith.muli %select_n3A_2367, %select_n3A_48 : vector<16xi32>
      %add3A_2370 = arith.addi %add3A_2362, %mul3A_2369 : vector<16xi32>
      %get3A_2371 = arith.constant 9 : index
      %get3A_2372 = tpu.vector_load %arg13[%get3A_2371] {strides = array<i32>} : memref<48xi32, #tpu.memory_space<vmem>>, vector<16xi32>,
      %get3A_2373 = vector.shape_cast %get3A_2372 : vector<16xi32> to vector<16xi32>
      %eq3A_2374 = arith.cmpi eq, %get3A_2298, %get3A_2373 : vector<16xi32>
      %select_n3A_2375 = arith.select %eq3A_2374, %broadcast_in_dim3A_12, %broadcast_in_dim3A_14 : vector<16xi1>, vector<16xi32>
      %add3A_2376 = arith.addi %add3A_2368, %select_n3A_2375 : vector<16xi32>
      %mul3A_2377 = arith.muli %select_n3A_2375, %select_n3A_52 : vector<16xi32>
      %add3A_2378 = arith.addi %add3A_2370, %mul3A_2377 : vector<16xi32>
      %get3A_2379 = arith.constant 10 : index
      %get3A_2380 = tpu.vector_load %arg13[%get3A_2379] {strides = array<i32>} : memref<48xi32, #tpu.memory_space<vmem>>, vector<16xi32>,
      %get3A_2381 = vector.shape_cast %get3A_2380 : vector<16xi32> to vector<16xi32>
      %eq3A_2382 = arith.cmpi eq, %get3A_2298, %get3A_2381 : vector<16xi32>
      %select_n3A_2383 = arith.select %eq3A_2382, %broadcast_in_dim3A_12, %broadcast_in_dim3A_14 : vector<16xi1>, vector<16xi32>
      %add3A_2384 = arith.addi %add3A_2376, %select_n3A_2383 : vector<16xi32>
      %mul3A_2385 = arith.muli %select_n3A_2383, %select_n3A_56 : vector<16xi32>
      %add3A_2386 = arith.addi %add3A_2378, %mul3A_2385 : vector<16xi32>
      %get3A_2387 = arith.constant 11 : index
      %get3A_2388 = tpu.vector_load %arg13[%get3A_2387] {strides = array<i32>} : memref<48xi32, #tpu.memory_space<vmem>>, vector<16xi32>,
      %get3A_2389 = vector.shape_cast %get3A_2388 : vector<16xi32> to vector<16xi32>
      %eq3A_2390 = arith.cmpi eq, %get3A_2298, %get3A_2389 : vector<16xi32>
      %select_n3A_2391 = arith.select %eq3A_2390, %broadcast_in_dim3A_12, %broadcast_in_dim3A_14 : vector<16xi1>, vector<16xi32>
      %add3A_2392 = arith.addi %add3A_2384, %select_n3A_2391 : vector<16xi32>
      %mul3A_2393 = arith.muli %select_n3A_2391, %select_n3A_60 : vector<16xi32>
      %add3A_2394 = arith.addi %add3A_2386, %mul3A_2393 : vector<16xi32>
      %get3A_2395 = arith.constant 12 : index
      %get3A_2396 = tpu.vector_load %arg13[%get3A_2395] {strides = array<i32>} : memref<48xi32, #tpu.memory_space<vmem>>, vector<16xi32>,
      %get3A_2397 = vector.shape_cast %get3A_2396 : vector<16xi32> to vector<16xi32>
      %eq3A_2398 = arith.cmpi eq, %get3A_2298, %get3A_2397 : vector<16xi32>
      %select_n3A_2399 = arith.select %eq3A_2398, %broadcast_in_dim3A_12, %broadcast_in_dim3A_14 : vector<16xi1>, vector<16xi32>
      %add3A_2400 = arith.addi %add3A_2392, %select_n3A_2399 : vector<16xi32>
      %mul3A_2401 = arith.muli %select_n3A_2399, %select_n3A_64 : vector<16xi32>
      %add3A_2402 = arith.addi %add3A_2394, %mul3A_2401 : vector<16xi32>
      %get3A_2403 = arith.constant 13 : index
      %get3A_2404 = tpu.vector_load %arg13[%get3A_2403] {strides = array<i32>} : memref<48xi32, #tpu.memory_space<vmem>>, vector<16xi32>,
      %get3A_2405 = vector.shape_cast %get3A_2404 : vector<16xi32> to vector<16xi32>
      %eq3A_2406 = arith.cmpi eq, %get3A_2298, %get3A_2405 : vector<16xi32>
      %select_n3A_2407 = arith.select %eq3A_2406, %broadcast_in_dim3A_12, %broadcast_in_dim3A_14 : vector<16xi1>, vector<16xi32>
      %add3A_2408 = arith.addi %add3A_2400, %select_n3A_2407 : vector<16xi32>
      %mul3A_2409 = arith.muli %select_n3A_2407, %select_n3A_68 : vector<16xi32>
      %add3A_2410 = arith.addi %add3A_2402, %mul3A_2409 : vector<16xi32>
      %get3A_2411 = arith.constant 14 : index
      %get3A_2412 = tpu.vector_load %arg13[%get3A_2411] {strides = array<i32>} : memref<48xi32, #tpu.memory_space<vmem>>, vector<16xi32>,
      %get3A_2413 = vector.shape_cast %get3A_2412 : vector<16xi32> to vector<16xi32>
      %eq3A_2414 = arith.cmpi eq, %get3A_2298, %get3A_2413 : vector<16xi32>
      %select_n3A_2415 = arith.select %eq3A_2414, %broadcast_in_dim3A_12, %broadcast_in_dim3A_14 : vector<16xi1>, vector<16xi32>
      %add3A_2416 = arith.addi %add3A_2408, %select_n3A_2415 : vector<16xi32>
      %mul3A_2417 = arith.muli %select_n3A_2415, %select_n3A_72 : vector<16xi32>
      %add3A_2418 = arith.addi %add3A_2410, %mul3A_2417 : vector<16xi32>
      %get3A_2419 = arith.constant 15 : index
      %get3A_2420 = tpu.vector_load %arg13[%get3A_2419] {strides = array<i32>} : memref<48xi32, #tpu.memory_space<vmem>>, vector<16xi32>,
      %get3A_2421 = vector.shape_cast %get3A_2420 : vector<16xi32> to vector<16xi32>
      %eq3A_2422 = arith.cmpi eq, %get3A_2298, %get3A_2421 : vector<16xi32>
      %select_n3A_2423 = arith.select %eq3A_2422, %broadcast_in_dim3A_12, %broadcast_in_dim3A_14 : vector<16xi1>, vector<16xi32>
      %add3A_2424 = arith.addi %add3A_2416, %select_n3A_2423 : vector<16xi32>
      %mul3A_2425 = arith.muli %select_n3A_2423, %select_n3A_76 : vector<16xi32>
      %add3A_2426 = arith.addi %add3A_2418, %mul3A_2425 : vector<16xi32>
      %ge3A_2427 = vector.broadcast %mul3A_2 : i32 to vector<16xi32>
      %ge3A_2428 = arith.cmpi sge, %get3A_2298, %ge3A_2427 : vector<16xi32>
      %select_n3A_2429 = arith.select %ge3A_2428, %broadcast_in_dim3A_14, %broadcast_in_dim3A_12 : vector<16xi1>, vector<16xi32>
      %add3A_2430 = arith.constant 500224 : i32
      %add3A_2431 = arith.addi %mul3A_2, %add3A_2430 : i32
      %lt3A_2432 = vector.broadcast %add3A_2431 : i32 to vector<16xi32>
      %lt3A_2433 = arith.cmpi slt, %get3A_2298, %lt3A_2432 : vector<16xi32>
      %select_n3A_2434 = arith.select %lt3A_2433, %broadcast_in_dim3A_14, %broadcast_in_dim3A_12 : vector<16xi1>, vector<16xi32>
      %add3A_2435 = arith.addi %add3A_2426, %select_n3A_2429 : vector<16xi32>
      %add3A_2436 = arith.addi %add3A_2435, %select_n3A_2434 : vector<16xi32>
      %eq3A_2437 = arith.cmpi eq, %add3A_2436, %broadcast_in_dim3A_14 : vector<16xi32>
      %sub3A_2438 = vector.broadcast %mul3A_2 : i32 to vector<16xi32>
      %sub3A_2439 = arith.subi %get3A_2298, %sub3A_2438 : vector<16xi32>
      %select_n3A_2440 = arith.select %eq3A_2437, %sub3A_2439, %broadcast_in_dim3A_16 : vector<16xi1>, vector<16xi32>
      %swap3A_2441 = arith.constant 96 : index
      %swap3A_2442 = tpu.vector_load %arg10[%swap3A_2441] {strides = array<i32>} : memref<128xi32, #tpu.memory_space<vmem>>, vector<16xi32>,
      %swap3A_2443 = vector.shape_cast %swap3A_2442 : vector<16xi32> to vector<16xi32>
      %swap3A_2444 = vector.shape_cast %select_n3A_2440 : vector<16xi32> to vector<16xi32>
      tpu.vector_store %arg10[%swap3A_2441], %swap3A_2444 {strides = array<i32>} : memref<128xi32, #tpu.memory_space<vmem>>, vector<16xi32>,
      %eq3A_2445 = arith.cmpi eq, %add3A_2426, %broadcast_in_dim3A_14 : vector<16xi32>
      %convert_element_type3A_2446 = arith.sitofp %add3A_2424 : vector<16xi32> to vector<16xf32>
      %select_n3A_2447 = arith.select %eq3A_2445, %convert_element_type3A_2446, %broadcast_in_dim3A_18 : vector<16xi1>, vector<16xf32>
      %swap3A_2448 = arith.constant 96 : index
      %swap3A_2449 = tpu.vector_load %arg11[%swap3A_2448] {strides = array<i32>} : memref<128xf32, #tpu.memory_space<vmem>>, vector<16xf32>,
      %swap3A_2450 = vector.shape_cast %swap3A_2449 : vector<16xf32> to vector<16xf32>
      %swap3A_2451 = vector.shape_cast %select_n3A_2447 : vector<16xf32> to vector<16xf32>
      tpu.vector_store %arg11[%swap3A_2448], %swap3A_2451 {strides = array<i32>} : memref<128xf32, #tpu.memory_space<vmem>>, vector<16xf32>,
      %get3A_2452 = arith.constant 112 : index
      %get3A_2453 = tpu.vector_load %arg10[%get3A_2452] {strides = array<i32>} : memref<128xi32, #tpu.memory_space<vmem>>, vector<16xi32>,
      %get3A_2454 = vector.shape_cast %get3A_2453 : vector<16xi32> to vector<16xi32>
      %swap3A_2455 = arith.constant 0 : index
      %swap3A_2456 = tpu.vector_load %arg13[%swap3A_2455] {strides = array<i32>} : memref<48xi32, #tpu.memory_space<vmem>>, vector<16xi32>,
      %swap3A_2457 = vector.shape_cast %swap3A_2456 : vector<16xi32> to vector<16xi32>
      %swap3A_2458 = vector.shape_cast %get3A_2454 : vector<16xi32> to vector<16xi32>
      tpu.vector_store %arg13[%swap3A_2455], %swap3A_2458 {strides = array<i32>} : memref<48xi32, #tpu.memory_space<vmem>>, vector<16xi32>,
      %swap3A_2459 = arith.constant 16 : index
      %swap3A_2460 = tpu.vector_load %arg13[%swap3A_2459] {strides = array<i32>} : memref<48xi32, #tpu.memory_space<vmem>>, vector<16xi32>,
      %swap3A_2461 = vector.shape_cast %swap3A_2460 : vector<16xi32> to vector<16xi32>
      %swap3A_2462 = vector.shape_cast %get3A_2454 : vector<16xi32> to vector<16xi32>
      tpu.vector_store %arg13[%swap3A_2459], %swap3A_2462 {strides = array<i32>} : memref<48xi32, #tpu.memory_space<vmem>>, vector<16xi32>,
      %get3A_2463 = arith.constant 1 : index
      %get3A_2464 = tpu.vector_load %arg13[%get3A_2463] {strides = array<i32>} : memref<48xi32, #tpu.memory_space<vmem>>, vector<16xi32>,
      %get3A_2465 = vector.shape_cast %get3A_2464 : vector<16xi32> to vector<16xi32>
      %eq3A_2466 = arith.cmpi eq, %get3A_2454, %get3A_2465 : vector<16xi32>
      %select_n3A_2467 = arith.select %eq3A_2466, %broadcast_in_dim3A_12, %broadcast_in_dim3A_14 : vector<16xi1>, vector<16xi32>
      %add3A_2468 = arith.addi %broadcast_in_dim3A_12, %select_n3A_2467 : vector<16xi32>
      %mul3A_2469 = arith.muli %select_n3A_2467, %select_n3A : vector<16xi32>
      %add3A_2470 = arith.addi %broadcast_in_dim3A_14, %mul3A_2469 : vector<16xi32>
      %get3A_2471 = arith.constant 2 : index
      %get3A_2472 = tpu.vector_load %arg13[%get3A_2471] {strides = array<i32>} : memref<48xi32, #tpu.memory_space<vmem>>, vector<16xi32>,
      %get3A_2473 = vector.shape_cast %get3A_2472 : vector<16xi32> to vector<16xi32>
      %eq3A_2474 = arith.cmpi eq, %get3A_2454, %get3A_2473 : vector<16xi32>
      %select_n3A_2475 = arith.select %eq3A_2474, %broadcast_in_dim3A_12, %broadcast_in_dim3A_14 : vector<16xi1>, vector<16xi32>
      %add3A_2476 = arith.addi %add3A_2468, %select_n3A_2475 : vector<16xi32>
      %mul3A_2477 = arith.muli %select_n3A_2475, %select_n3A_24 : vector<16xi32>
      %add3A_2478 = arith.addi %add3A_2470, %mul3A_2477 : vector<16xi32>
      %get3A_2479 = arith.constant 3 : index
      %get3A_2480 = tpu.vector_load %arg13[%get3A_2479] {strides = array<i32>} : memref<48xi32, #tpu.memory_space<vmem>>, vector<16xi32>,
      %get3A_2481 = vector.shape_cast %get3A_2480 : vector<16xi32> to vector<16xi32>
      %eq3A_2482 = arith.cmpi eq, %get3A_2454, %get3A_2481 : vector<16xi32>
      %select_n3A_2483 = arith.select %eq3A_2482, %broadcast_in_dim3A_12, %broadcast_in_dim3A_14 : vector<16xi1>, vector<16xi32>
      %add3A_2484 = arith.addi %add3A_2476, %select_n3A_2483 : vector<16xi32>
      %mul3A_2485 = arith.muli %select_n3A_2483, %select_n3A_28 : vector<16xi32>
      %add3A_2486 = arith.addi %add3A_2478, %mul3A_2485 : vector<16xi32>
      %get3A_2487 = arith.constant 4 : index
      %get3A_2488 = tpu.vector_load %arg13[%get3A_2487] {strides = array<i32>} : memref<48xi32, #tpu.memory_space<vmem>>, vector<16xi32>,
      %get3A_2489 = vector.shape_cast %get3A_2488 : vector<16xi32> to vector<16xi32>
      %eq3A_2490 = arith.cmpi eq, %get3A_2454, %get3A_2489 : vector<16xi32>
      %select_n3A_2491 = arith.select %eq3A_2490, %broadcast_in_dim3A_12, %broadcast_in_dim3A_14 : vector<16xi1>, vector<16xi32>
      %add3A_2492 = arith.addi %add3A_2484, %select_n3A_2491 : vector<16xi32>
      %mul3A_2493 = arith.muli %select_n3A_2491, %select_n3A_32 : vector<16xi32>
      %add3A_2494 = arith.addi %add3A_2486, %mul3A_2493 : vector<16xi32>
      %get3A_2495 = arith.constant 5 : index
      %get3A_2496 = tpu.vector_load %arg13[%get3A_2495] {strides = array<i32>} : memref<48xi32, #tpu.memory_space<vmem>>, vector<16xi32>,
      %get3A_2497 = vector.shape_cast %get3A_2496 : vector<16xi32> to vector<16xi32>
      %eq3A_2498 = arith.cmpi eq, %get3A_2454, %get3A_2497 : vector<16xi32>
      %select_n3A_2499 = arith.select %eq3A_2498, %broadcast_in_dim3A_12, %broadcast_in_dim3A_14 : vector<16xi1>, vector<16xi32>
      %add3A_2500 = arith.addi %add3A_2492, %select_n3A_2499 : vector<16xi32>
      %mul3A_2501 = arith.muli %select_n3A_2499, %select_n3A_36 : vector<16xi32>
      %add3A_2502 = arith.addi %add3A_2494, %mul3A_2501 : vector<16xi32>
      %get3A_2503 = arith.constant 6 : index
      %get3A_2504 = tpu.vector_load %arg13[%get3A_2503] {strides = array<i32>} : memref<48xi32, #tpu.memory_space<vmem>>, vector<16xi32>,
      %get3A_2505 = vector.shape_cast %get3A_2504 : vector<16xi32> to vector<16xi32>
      %eq3A_2506 = arith.cmpi eq, %get3A_2454, %get3A_2505 : vector<16xi32>
      %select_n3A_2507 = arith.select %eq3A_2506, %broadcast_in_dim3A_12, %broadcast_in_dim3A_14 : vector<16xi1>, vector<16xi32>
      %add3A_2508 = arith.addi %add3A_2500, %select_n3A_2507 : vector<16xi32>
      %mul3A_2509 = arith.muli %select_n3A_2507, %select_n3A_40 : vector<16xi32>
      %add3A_2510 = arith.addi %add3A_2502, %mul3A_2509 : vector<16xi32>
      %get3A_2511 = arith.constant 7 : index
      %get3A_2512 = tpu.vector_load %arg13[%get3A_2511] {strides = array<i32>} : memref<48xi32, #tpu.memory_space<vmem>>, vector<16xi32>,
      %get3A_2513 = vector.shape_cast %get3A_2512 : vector<16xi32> to vector<16xi32>
      %eq3A_2514 = arith.cmpi eq, %get3A_2454, %get3A_2513 : vector<16xi32>
      %select_n3A_2515 = arith.select %eq3A_2514, %broadcast_in_dim3A_12, %broadcast_in_dim3A_14 : vector<16xi1>, vector<16xi32>
      %add3A_2516 = arith.addi %add3A_2508, %select_n3A_2515 : vector<16xi32>
      %mul3A_2517 = arith.muli %select_n3A_2515, %select_n3A_44 : vector<16xi32>
      %add3A_2518 = arith.addi %add3A_2510, %mul3A_2517 : vector<16xi32>
      %get3A_2519 = arith.constant 8 : index
      %get3A_2520 = tpu.vector_load %arg13[%get3A_2519] {strides = array<i32>} : memref<48xi32, #tpu.memory_space<vmem>>, vector<16xi32>,
      %get3A_2521 = vector.shape_cast %get3A_2520 : vector<16xi32> to vector<16xi32>
      %eq3A_2522 = arith.cmpi eq, %get3A_2454, %get3A_2521 : vector<16xi32>
      %select_n3A_2523 = arith.select %eq3A_2522, %broadcast_in_dim3A_12, %broadcast_in_dim3A_14 : vector<16xi1>, vector<16xi32>
      %add3A_2524 = arith.addi %add3A_2516, %select_n3A_2523 : vector<16xi32>
      %mul3A_2525 = arith.muli %select_n3A_2523, %select_n3A_48 : vector<16xi32>
      %add3A_2526 = arith.addi %add3A_2518, %mul3A_2525 : vector<16xi32>
      %get3A_2527 = arith.constant 9 : index
      %get3A_2528 = tpu.vector_load %arg13[%get3A_2527] {strides = array<i32>} : memref<48xi32, #tpu.memory_space<vmem>>, vector<16xi32>,
      %get3A_2529 = vector.shape_cast %get3A_2528 : vector<16xi32> to vector<16xi32>
      %eq3A_2530 = arith.cmpi eq, %get3A_2454, %get3A_2529 : vector<16xi32>
      %select_n3A_2531 = arith.select %eq3A_2530, %broadcast_in_dim3A_12, %broadcast_in_dim3A_14 : vector<16xi1>, vector<16xi32>
      %add3A_2532 = arith.addi %add3A_2524, %select_n3A_2531 : vector<16xi32>
      %mul3A_2533 = arith.muli %select_n3A_2531, %select_n3A_52 : vector<16xi32>
      %add3A_2534 = arith.addi %add3A_2526, %mul3A_2533 : vector<16xi32>
      %get3A_2535 = arith.constant 10 : index
      %get3A_2536 = tpu.vector_load %arg13[%get3A_2535] {strides = array<i32>} : memref<48xi32, #tpu.memory_space<vmem>>, vector<16xi32>,
      %get3A_2537 = vector.shape_cast %get3A_2536 : vector<16xi32> to vector<16xi32>
      %eq3A_2538 = arith.cmpi eq, %get3A_2454, %get3A_2537 : vector<16xi32>
      %select_n3A_2539 = arith.select %eq3A_2538, %broadcast_in_dim3A_12, %broadcast_in_dim3A_14 : vector<16xi1>, vector<16xi32>
      %add3A_2540 = arith.addi %add3A_2532, %select_n3A_2539 : vector<16xi32>
      %mul3A_2541 = arith.muli %select_n3A_2539, %select_n3A_56 : vector<16xi32>
      %add3A_2542 = arith.addi %add3A_2534, %mul3A_2541 : vector<16xi32>
      %get3A_2543 = arith.constant 11 : index
      %get3A_2544 = tpu.vector_load %arg13[%get3A_2543] {strides = array<i32>} : memref<48xi32, #tpu.memory_space<vmem>>, vector<16xi32>,
      %get3A_2545 = vector.shape_cast %get3A_2544 : vector<16xi32> to vector<16xi32>
      %eq3A_2546 = arith.cmpi eq, %get3A_2454, %get3A_2545 : vector<16xi32>
      %select_n3A_2547 = arith.select %eq3A_2546, %broadcast_in_dim3A_12, %broadcast_in_dim3A_14 : vector<16xi1>, vector<16xi32>
      %add3A_2548 = arith.addi %add3A_2540, %select_n3A_2547 : vector<16xi32>
      %mul3A_2549 = arith.muli %select_n3A_2547, %select_n3A_60 : vector<16xi32>
      %add3A_2550 = arith.addi %add3A_2542, %mul3A_2549 : vector<16xi32>
      %get3A_2551 = arith.constant 12 : index
      %get3A_2552 = tpu.vector_load %arg13[%get3A_2551] {strides = array<i32>} : memref<48xi32, #tpu.memory_space<vmem>>, vector<16xi32>,
      %get3A_2553 = vector.shape_cast %get3A_2552 : vector<16xi32> to vector<16xi32>
      %eq3A_2554 = arith.cmpi eq, %get3A_2454, %get3A_2553 : vector<16xi32>
      %select_n3A_2555 = arith.select %eq3A_2554, %broadcast_in_dim3A_12, %broadcast_in_dim3A_14 : vector<16xi1>, vector<16xi32>
      %add3A_2556 = arith.addi %add3A_2548, %select_n3A_2555 : vector<16xi32>
      %mul3A_2557 = arith.muli %select_n3A_2555, %select_n3A_64 : vector<16xi32>
      %add3A_2558 = arith.addi %add3A_2550, %mul3A_2557 : vector<16xi32>
      %get3A_2559 = arith.constant 13 : index
      %get3A_2560 = tpu.vector_load %arg13[%get3A_2559] {strides = array<i32>} : memref<48xi32, #tpu.memory_space<vmem>>, vector<16xi32>,
      %get3A_2561 = vector.shape_cast %get3A_2560 : vector<16xi32> to vector<16xi32>
      %eq3A_2562 = arith.cmpi eq, %get3A_2454, %get3A_2561 : vector<16xi32>
      %select_n3A_2563 = arith.select %eq3A_2562, %broadcast_in_dim3A_12, %broadcast_in_dim3A_14 : vector<16xi1>, vector<16xi32>
      %add3A_2564 = arith.addi %add3A_2556, %select_n3A_2563 : vector<16xi32>
      %mul3A_2565 = arith.muli %select_n3A_2563, %select_n3A_68 : vector<16xi32>
      %add3A_2566 = arith.addi %add3A_2558, %mul3A_2565 : vector<16xi32>
      %get3A_2567 = arith.constant 14 : index
      %get3A_2568 = tpu.vector_load %arg13[%get3A_2567] {strides = array<i32>} : memref<48xi32, #tpu.memory_space<vmem>>, vector<16xi32>,
      %get3A_2569 = vector.shape_cast %get3A_2568 : vector<16xi32> to vector<16xi32>
      %eq3A_2570 = arith.cmpi eq, %get3A_2454, %get3A_2569 : vector<16xi32>
      %select_n3A_2571 = arith.select %eq3A_2570, %broadcast_in_dim3A_12, %broadcast_in_dim3A_14 : vector<16xi1>, vector<16xi32>
      %add3A_2572 = arith.addi %add3A_2564, %select_n3A_2571 : vector<16xi32>
      %mul3A_2573 = arith.muli %select_n3A_2571, %select_n3A_72 : vector<16xi32>
      %add3A_2574 = arith.addi %add3A_2566, %mul3A_2573 : vector<16xi32>
      %get3A_2575 = arith.constant 15 : index
      %get3A_2576 = tpu.vector_load %arg13[%get3A_2575] {strides = array<i32>} : memref<48xi32, #tpu.memory_space<vmem>>, vector<16xi32>,
      %get3A_2577 = vector.shape_cast %get3A_2576 : vector<16xi32> to vector<16xi32>
      %eq3A_2578 = arith.cmpi eq, %get3A_2454, %get3A_2577 : vector<16xi32>
      %select_n3A_2579 = arith.select %eq3A_2578, %broadcast_in_dim3A_12, %broadcast_in_dim3A_14 : vector<16xi1>, vector<16xi32>
      %add3A_2580 = arith.addi %add3A_2572, %select_n3A_2579 : vector<16xi32>
      %mul3A_2581 = arith.muli %select_n3A_2579, %select_n3A_76 : vector<16xi32>
      %add3A_2582 = arith.addi %add3A_2574, %mul3A_2581 : vector<16xi32>
      %ge3A_2583 = vector.broadcast %mul3A_2 : i32 to vector<16xi32>
      %ge3A_2584 = arith.cmpi sge, %get3A_2454, %ge3A_2583 : vector<16xi32>
      %select_n3A_2585 = arith.select %ge3A_2584, %broadcast_in_dim3A_14, %broadcast_in_dim3A_12 : vector<16xi1>, vector<16xi32>
      %add3A_2586 = arith.constant 500224 : i32
      %add3A_2587 = arith.addi %mul3A_2, %add3A_2586 : i32
      %lt3A_2588 = vector.broadcast %add3A_2587 : i32 to vector<16xi32>
      %lt3A_2589 = arith.cmpi slt, %get3A_2454, %lt3A_2588 : vector<16xi32>
      %select_n3A_2590 = arith.select %lt3A_2589, %broadcast_in_dim3A_14, %broadcast_in_dim3A_12 : vector<16xi1>, vector<16xi32>
      %add3A_2591 = arith.addi %add3A_2582, %select_n3A_2585 : vector<16xi32>
      %add3A_2592 = arith.addi %add3A_2591, %select_n3A_2590 : vector<16xi32>
      %eq3A_2593 = arith.cmpi eq, %add3A_2592, %broadcast_in_dim3A_14 : vector<16xi32>
      %sub3A_2594 = vector.broadcast %mul3A_2 : i32 to vector<16xi32>
      %sub3A_2595 = arith.subi %get3A_2454, %sub3A_2594 : vector<16xi32>
      %select_n3A_2596 = arith.select %eq3A_2593, %sub3A_2595, %broadcast_in_dim3A_16 : vector<16xi1>, vector<16xi32>
      %swap3A_2597 = arith.constant 112 : index
      %swap3A_2598 = tpu.vector_load %arg10[%swap3A_2597] {strides = array<i32>} : memref<128xi32, #tpu.memory_space<vmem>>, vector<16xi32>,
      %swap3A_2599 = vector.shape_cast %swap3A_2598 : vector<16xi32> to vector<16xi32>
      %swap3A_2600 = vector.shape_cast %select_n3A_2596 : vector<16xi32> to vector<16xi32>
      tpu.vector_store %arg10[%swap3A_2597], %swap3A_2600 {strides = array<i32>} : memref<128xi32, #tpu.memory_space<vmem>>, vector<16xi32>,
      %eq3A_2601 = arith.cmpi eq, %add3A_2582, %broadcast_in_dim3A_14 : vector<16xi32>
      %convert_element_type3A_2602 = arith.sitofp %add3A_2580 : vector<16xi32> to vector<16xf32>
      %select_n3A_2603 = arith.select %eq3A_2601, %convert_element_type3A_2602, %broadcast_in_dim3A_18 : vector<16xi1>, vector<16xf32>
      %swap3A_2604 = arith.constant 112 : index
      %swap3A_2605 = tpu.vector_load %arg11[%swap3A_2604] {strides = array<i32>} : memref<128xf32, #tpu.memory_space<vmem>>, vector<16xf32>,
      %swap3A_2606 = vector.shape_cast %swap3A_2605 : vector<16xf32> to vector<16xf32>
      %swap3A_2607 = vector.shape_cast %select_n3A_2603 : vector<16xf32> to vector<16xf32>
      tpu.vector_store %arg11[%swap3A_2604], %swap3A_2607 {strides = array<i32>} : memref<128xf32, #tpu.memory_space<vmem>>, vector<16xf32>,
      "tpu.region"() ({
        %run_scoped3A = tpu.sem_alloc : memref<!tpu.dma_semaphore, #tpu.memory_space<semaphore_mem>>
        %dma_start3A_2612 = arith.constant 0 : i32
        %dma_start3A_2613 = tpu.memref_slice %arg15[%dma_start3A_2612] : memref<500240xf32, #tpu.memory_space<vmem_shared>> -> memref<500240xf32, #tpu.memory_space<vmem_shared>>
        tpu.enqueue_indirect_dma source(%arg11 : memref<128xf32, #tpu.memory_space<vmem>>) target(%dma_start3A_2613 : memref<500240xf32, #tpu.memory_space<vmem_shared>>) offsets(%arg10 : memref<128xi32, #tpu.memory_space<vmem>>) semaphore(%run_scoped3A : memref<!tpu.dma_semaphore, #tpu.memory_space<semaphore_mem>>) {add = true}
        %dma_wait3A_2614 = arith.constant 0 : i32
        %dma_wait3A_2615 = tpu.memref_slice %arg15[%dma_wait3A_2614] : memref<500240xf32, #tpu.memory_space<vmem_shared>> -> memref<500240xf32, #tpu.memory_space<vmem_shared>>
        tpu.wait_indirect_dma semaphore(%run_scoped3A : memref<!tpu.dma_semaphore, #tpu.memory_space<semaphore_mem>>) src(%arg11 : memref<128xf32, #tpu.memory_space<vmem>>) dst(%dma_wait3A_2615 : memref<500240xf32, #tpu.memory_space<vmem_shared>>)
        tpu.yield
      }) : () -> ()
      %add3A_2608 = arith.constant 384 : i32
      %add3A_2609 = arith.addi %add3A_107, %add3A_2608 : i32
      %dma_start3A_2610 = tpu.memref_slice %arg4[%add3A_2609] : memref<323840xi32, #tpu.memory_space<hbm>> -> memref<128xi32, #tpu.memory_space<hbm>>
      %dma_start3A_2611 = tpu.memref_slice %arg4[%add3A_2609] : memref<323840xi32, #tpu.memory_space<hbm>> -> memref<128xi32, #tpu.memory_space<hbm>>
      tpu.enqueue_dma source(%dma_start3A_2611 : memref<128xi32, #tpu.memory_space<hbm>>) target(%arg10 : memref<128xi32, #tpu.memory_space<vmem>>) target_semaphore(%arg18 : memref<!tpu.dma_semaphore, #tpu.memory_space<semaphore_mem>>)
    }
    %scan3A_89 = arith.constant 79 : i32
    %dma_wait3A = tpu.memref_slice %arg4[%mul3A_78] : memref<323840xi32, #tpu.memory_space<hbm>> -> memref<128xi32, #tpu.memory_space<hbm>>
    %dma_wait3A_90 = tpu.memref_slice %arg4[%mul3A_78] : memref<323840xi32, #tpu.memory_space<hbm>> -> memref<128xi32, #tpu.memory_space<hbm>>
    tpu.wait_dma2 semaphore(%arg17 : memref<!tpu.dma_semaphore, #tpu.memory_space<semaphore_mem>>) src(%dma_wait3A_90 : memref<128xi32, #tpu.memory_space<hbm>>) dst(%arg9 : memref<128xi32, #tpu.memory_space<vmem>>)
    %dma_wait3A_91 = tpu.memref_slice %arg4[%mul3A_78] : memref<323840xi32, #tpu.memory_space<hbm>> -> memref<128xi32, #tpu.memory_space<hbm>>
    %dma_wait3A_92 = tpu.memref_slice %arg4[%mul3A_78] : memref<323840xi32, #tpu.memory_space<hbm>> -> memref<128xi32, #tpu.memory_space<hbm>>
    tpu.wait_dma2 semaphore(%arg18 : memref<!tpu.dma_semaphore, #tpu.memory_space<semaphore_mem>>) src(%dma_wait3A_92 : memref<128xi32, #tpu.memory_space<hbm>>) dst(%arg10 : memref<128xi32, #tpu.memory_space<vmem>>)
    %barrier3A_93 = arith.constant 0 : index
    tpu.barrier barrier_id(%barrier3A_93)
    %mul3A_94 = arith.constant 31264 : i32
    %mul3A_95 = arith.muli %arg1, %mul3A_94 : i32
    "tpu.region"() ({
      %run_scoped3A = tpu.sem_alloc : memref<!tpu.dma_semaphore, #tpu.memory_space<semaphore_mem>>
      %dma_start3A_102 = tpu.memref_slice %arg15[%mul3A_95] : memref<500240xf32, #tpu.memory_space<vmem_shared>> -> memref<31264xf32, #tpu.memory_space<vmem_shared>>
      %dma_start3A_103 = tpu.memref_slice %arg15[%mul3A_95] : memref<500240xf32, #tpu.memory_space<vmem_shared>> -> memref<31264xf32, #tpu.memory_space<vmem_shared>>
      tpu.enqueue_dma source(%dma_start3A_103 : memref<31264xf32, #tpu.memory_space<vmem_shared>>) target(%arg12 : memref<31264xf32, #tpu.memory_space<vmem>>) target_semaphore(%run_scoped3A : memref<!tpu.dma_semaphore, #tpu.memory_space<semaphore_mem>>)
      %dma_wait3A_104 = tpu.memref_slice %arg15[%mul3A_95] : memref<500240xf32, #tpu.memory_space<vmem_shared>> -> memref<31264xf32, #tpu.memory_space<vmem_shared>>
      %dma_wait3A_105 = tpu.memref_slice %arg15[%mul3A_95] : memref<500240xf32, #tpu.memory_space<vmem_shared>> -> memref<31264xf32, #tpu.memory_space<vmem_shared>>
      tpu.wait_dma2 semaphore(%run_scoped3A : memref<!tpu.dma_semaphore, #tpu.memory_space<semaphore_mem>>) src(%dma_wait3A_105 : memref<31264xf32, #tpu.memory_space<vmem_shared>>) dst(%arg12 : memref<31264xf32, #tpu.memory_space<vmem>>)
      tpu.yield
    }) : () -> ()
    "tpu.region"() ({
      %run_scoped3A = tpu.sem_alloc : memref<!tpu.dma_semaphore, #tpu.memory_space<semaphore_mem>>
      %dma_start3A_102 = arith.constant 0 : i32
      %dma_start3A_103 = tpu.memref_slice %arg6[%arg0, %arg1, %dma_start3A_102] : memref<2x16x31264xf32, #tpu.memory_space<hbm>> -> memref<1x1x31264xf32, #tpu.memory_space<hbm>>
      %dma_start3A_104 = tpu.memref_squeeze %dma_start3A_103 : memref<1x1x31264xf32, #tpu.memory_space<hbm>> -> memref<31264xf32, #tpu.memory_space<hbm>>
      %dma_start3A_105 = arith.constant 0 : i32
      %dma_start3A_106 = tpu.memref_slice %arg6[%arg0, %arg1, %dma_start3A_105] : memref<2x16x31264xf32, #tpu.memory_space<hbm>> -> memref<1x1x31264xf32, #tpu.memory_space<hbm>>
      %dma_start3A_107 = tpu.memref_squeeze %dma_start3A_106 : memref<1x1x31264xf32, #tpu.memory_space<hbm>> -> memref<31264xf32, #tpu.memory_space<hbm>>
      tpu.enqueue_dma source(%arg12 : memref<31264xf32, #tpu.memory_space<vmem>>) target(%dma_start3A_107 : memref<31264xf32, #tpu.memory_space<hbm>>) target_semaphore(%run_scoped3A : memref<!tpu.dma_semaphore, #tpu.memory_space<semaphore_mem>>)
      %dma_wait3A_108 = arith.constant 0 : i32
      %dma_wait3A_109 = tpu.memref_slice %arg6[%arg0, %arg1, %dma_wait3A_108] : memref<2x16x31264xf32, #tpu.memory_space<hbm>> -> memref<1x1x31264xf32, #tpu.memory_space<hbm>>
      %dma_wait3A_110 = tpu.memref_squeeze %dma_wait3A_109 : memref<1x1x31264xf32, #tpu.memory_space<hbm>> -> memref<31264xf32, #tpu.memory_space<hbm>>
      %dma_wait3A_111 = arith.constant 0 : i32
      %dma_wait3A_112 = tpu.memref_slice %arg6[%arg0, %arg1, %dma_wait3A_111] : memref<2x16x31264xf32, #tpu.memory_space<hbm>> -> memref<1x1x31264xf32, #tpu.memory_space<hbm>>
      %dma_wait3A_113 = tpu.memref_squeeze %dma_wait3A_112 : memref<1x1x31264xf32, #tpu.memory_space<hbm>> -> memref<31264xf32, #tpu.memory_space<hbm>>
      tpu.wait_dma2 semaphore(%run_scoped3A : memref<!tpu.dma_semaphore, #tpu.memory_space<semaphore_mem>>) src(%arg12 : memref<31264xf32, #tpu.memory_space<vmem>>) dst(%dma_wait3A_113 : memref<31264xf32, #tpu.memory_space<hbm>>)
      tpu.yield
    }) : () -> ()
    %scan3A_96 = arith.constant 0 : i32
    %scan3A_97 = arith.constant 0 : i32
    %scan3A_98 = arith.constant 15 : i32
    %scan3A_99 = arith.addi %scan3A_97, %scan3A_98 : i32
    %scan3A_100 = arith.constant 1 : i32
    scf.for %scan3A_102 = %scan3A_97 to %scan3A_99 step %scan3A_100  : i32 {
      %mul3A_103 = arith.constant 960 : i32
      %mul3A_104 = arith.muli %add3A, %mul3A_103 : i32
      %mul3A_105 = arith.constant 64 : i32
      %mul3A_106 = arith.muli %scan3A_102, %mul3A_105 : i32
      %add3A_107 = arith.addi %mul3A_104, %mul3A_106 : i32
      "tpu.region"() ({
        %run_scoped3A = tpu.sem_alloc : memref<!tpu.dma_semaphore, #tpu.memory_space<semaphore_mem>>
        %dma_start3A_114 = tpu.memref_slice %arg3[%add3A_107] : memref<30720xi32, #tpu.memory_space<hbm>> -> memref<64xi32, #tpu.memory_space<hbm>>
        %dma_start3A_115 = tpu.memref_slice %arg3[%add3A_107] : memref<30720xi32, #tpu.memory_space<hbm>> -> memref<64xi32, #tpu.memory_space<hbm>>
        tpu.enqueue_dma source(%dma_start3A_115 : memref<64xi32, #tpu.memory_space<hbm>>) target(%arg7 : memref<64xi32, #tpu.memory_space<vmem>>) target_semaphore(%run_scoped3A : memref<!tpu.dma_semaphore, #tpu.memory_space<semaphore_mem>>)
        %dma_wait3A_116 = tpu.memref_slice %arg3[%add3A_107] : memref<30720xi32, #tpu.memory_space<hbm>> -> memref<64xi32, #tpu.memory_space<hbm>>
        %dma_wait3A_117 = tpu.memref_slice %arg3[%add3A_107] : memref<30720xi32, #tpu.memory_space<hbm>> -> memref<64xi32, #tpu.memory_space<hbm>>
        tpu.wait_dma2 semaphore(%run_scoped3A : memref<!tpu.dma_semaphore, #tpu.memory_space<semaphore_mem>>) src(%dma_wait3A_117 : memref<64xi32, #tpu.memory_space<hbm>>) dst(%arg7 : memref<64xi32, #tpu.memory_space<vmem>>)
        tpu.yield
      }) : () -> ()
      %dma_start3A_108 = arith.constant 0 : i32
      %dma_start3A_109 = arith.constant 0 : i32
      %dma_start3A_110 = tpu.memref_slice %arg2[%dma_start3A_108, %dma_start3A_109] : memref<10119x128xf32, #tpu.memory_space<hbm>> -> memref<10119x128xf32, #tpu.memory_space<hbm>>
      tpu.enqueue_indirect_dma source(%dma_start3A_110 : memref<10119x128xf32, #tpu.memory_space<hbm>>) target(%arg8 : memref<64x128xf32, #tpu.memory_space<vmem>>) offsets(%arg7 : memref<64xi32, #tpu.memory_space<vmem>>) semaphore(%arg16 : memref<!tpu.dma_semaphore, #tpu.memory_space<semaphore_mem>>)
      %dma_wait3A_111 = arith.constant 0 : i32
      %dma_wait3A_112 = arith.constant 0 : i32
      %dma_wait3A_113 = tpu.memref_slice %arg2[%dma_wait3A_111, %dma_wait3A_112] : memref<10119x128xf32, #tpu.memory_space<hbm>> -> memref<10119x128xf32, #tpu.memory_space<hbm>>
      tpu.wait_indirect_dma semaphore(%arg16 : memref<!tpu.dma_semaphore, #tpu.memory_space<semaphore_mem>>) src(%dma_wait3A_113 : memref<10119x128xf32, #tpu.memory_space<hbm>>) dst(%arg8 : memref<64x128xf32, #tpu.memory_space<vmem>>)
      "tpu.region"() ({
        %run_scoped3A = tpu.sem_alloc : memref<!tpu.dma_semaphore, #tpu.memory_space<semaphore_mem>>
        %dma_start3A_114 = arith.constant 0 : i32
        %dma_start3A_115 = tpu.memref_slice %arg5[%add3A_107, %dma_start3A_114] : memref<30720x128xf32, #tpu.memory_space<hbm>> -> memref<64x128xf32, #tpu.memory_space<hbm>>
        %dma_start3A_116 = arith.constant 0 : i32
        %dma_start3A_117 = tpu.memref_slice %arg5[%add3A_107, %dma_start3A_116] : memref<30720x128xf32, #tpu.memory_space<hbm>> -> memref<64x128xf32, #tpu.memory_space<hbm>>
        tpu.enqueue_dma source(%arg8 : memref<64x128xf32, #tpu.memory_space<vmem>>) target(%dma_start3A_117 : memref<64x128xf32, #tpu.memory_space<hbm>>) target_semaphore(%run_scoped3A : memref<!tpu.dma_semaphore, #tpu.memory_space<semaphore_mem>>)
        %dma_wait3A_118 = arith.constant 0 : i32
        %dma_wait3A_119 = tpu.memref_slice %arg5[%add3A_107, %dma_wait3A_118] : memref<30720x128xf32, #tpu.memory_space<hbm>> -> memref<64x128xf32, #tpu.memory_space<hbm>>
        %dma_wait3A_120 = arith.constant 0 : i32
        %dma_wait3A_121 = tpu.memref_slice %arg5[%add3A_107, %dma_wait3A_120] : memref<30720x128xf32, #tpu.memory_space<hbm>> -> memref<64x128xf32, #tpu.memory_space<hbm>>
        tpu.wait_dma2 semaphore(%run_scoped3A : memref<!tpu.dma_semaphore, #tpu.memory_space<semaphore_mem>>) src(%arg8 : memref<64x128xf32, #tpu.memory_space<vmem>>) dst(%dma_wait3A_121 : memref<64x128xf32, #tpu.memory_space<hbm>>)
        tpu.yield
      }) : () -> ()
    }
    %scan3A_101 = arith.constant 15 : i32
    return
  }
}

module attributes {stable_mosaic.version = 14 : i64} {
  func.func @_gnn_body(%arg0: i32, %arg1: memref<4x100x128xf32, #tpu.memory_space<vmem>>, %arg2: memref<4x100x128xf32, #tpu.memory_space<vmem>>, %arg3: memref<4x100x128xf32, #tpu.memory_space<vmem>>, %arg4: memref<4x100x100xf32, #tpu.memory_space<vmem>>, %arg5: memref<128x128xf32, #tpu.memory_space<vmem>>, %arg6: memref<1x128xf32, #tpu.memory_space<vmem>>, %arg7: memref<128x1xf32, #tpu.memory_space<vmem>>, %arg8: memref<1x1xf32, #tpu.memory_space<vmem>>, %arg9: memref<128x128xf32, #tpu.memory_space<vmem>>, %arg10: memref<1x128xf32, #tpu.memory_space<vmem>>, %arg11: memref<128x1xf32, #tpu.memory_space<vmem>>, %arg12: memref<1x1xf32, #tpu.memory_space<vmem>>, %arg13: memref<128x128xf32, #tpu.memory_space<vmem>>, %arg14: memref<1x128xf32, #tpu.memory_space<vmem>>, %arg15: memref<128x1xf32, #tpu.memory_space<vmem>>, %arg16: memref<1x1xf32, #tpu.memory_space<vmem>>, %arg17: memref<4x1x256xf32, #tpu.memory_space<vmem>>) attributes {dimension_semantics = [#tpu.dimension_semantics<arbitrary>], iteration_bounds = array<i64: 25>, scalar_prefetch = 0 : i64, scratch_operands = 0 : i64, tpu.core_type = #tpu.core_type<tc>, window_params = [{transform_indices = @transform_0, window_bounds = array<i64: 4, 100, 128>}, {transform_indices = @transform_1, window_bounds = array<i64: 4, 100, 128>}, {transform_indices = @transform_2, window_bounds = array<i64: 4, 100, 128>}, {transform_indices = @transform_3, window_bounds = array<i64: 4, 100, 100>}, {pipeline_mode = #tpu.pipeline_mode<synchronous>, transform_indices = @transform_4, window_bounds = array<i64: 128, 128>}, {pipeline_mode = #tpu.pipeline_mode<synchronous>, transform_indices = @transform_5, window_bounds = array<i64: 1, 128>}, {pipeline_mode = #tpu.pipeline_mode<synchronous>, transform_indices = @transform_6, window_bounds = array<i64: 128, 1>}, {pipeline_mode = #tpu.pipeline_mode<synchronous>, transform_indices = @transform_7, window_bounds = array<i64: 1, 1>}, {pipeline_mode = #tpu.pipeline_mode<synchronous>, transform_indices = @transform_8, window_bounds = array<i64: 128, 128>}, {pipeline_mode = #tpu.pipeline_mode<synchronous>, transform_indices = @transform_9, window_bounds = array<i64: 1, 128>}, {pipeline_mode = #tpu.pipeline_mode<synchronous>, transform_indices = @transform_10, window_bounds = array<i64: 128, 1>}, {pipeline_mode = #tpu.pipeline_mode<synchronous>, transform_indices = @transform_11, window_bounds = array<i64: 1, 1>}, {pipeline_mode = #tpu.pipeline_mode<synchronous>, transform_indices = @transform_12, window_bounds = array<i64: 128, 128>}, {pipeline_mode = #tpu.pipeline_mode<synchronous>, transform_indices = @transform_13, window_bounds = array<i64: 1, 128>}, {pipeline_mode = #tpu.pipeline_mode<synchronous>, transform_indices = @transform_14, window_bounds = array<i64: 128, 1>}, {pipeline_mode = #tpu.pipeline_mode<synchronous>, transform_indices = @transform_15, window_bounds = array<i64: 1, 1>}, {transform_indices = @transform_16, window_bounds = array<i64: 4, 1, 256>}]} {
    %get3A = arith.constant 0 : index
    %get3A_0 = arith.constant 0 : index
    %get3A_1 = vector.load %arg5[%get3A, %get3A_0] : memref<128x128xf32, #tpu.memory_space<vmem>>, vector<128x128xf32>
    %get3A_2 = arith.constant 0 : index
    %get3A_3 = arith.constant 0 : index
    %get3A_4 = vector.load %arg6[%get3A_2, %get3A_3] : memref<1x128xf32, #tpu.memory_space<vmem>>, vector<1x128xf32>
    %get3A_5 = arith.constant 0 : index
    %get3A_6 = arith.constant 0 : index
    %get3A_7 = vector.load %arg7[%get3A_5, %get3A_6] : memref<128x1xf32, #tpu.memory_space<vmem>>, vector<128x1xf32>
    %get3A_8 = arith.constant 0 : index
    %get3A_9 = arith.constant 0 : index
    %get3A_10 = vector.load %arg8[%get3A_8, %get3A_9] : memref<1x1xf32, #tpu.memory_space<vmem>>, vector<1x1xf32>
    %get3A_11 = arith.constant 0 : index
    %get3A_12 = arith.constant 0 : index
    %get3A_13 = vector.load %arg9[%get3A_11, %get3A_12] : memref<128x128xf32, #tpu.memory_space<vmem>>, vector<128x128xf32>
    %get3A_14 = arith.constant 0 : index
    %get3A_15 = arith.constant 0 : index
    %get3A_16 = vector.load %arg10[%get3A_14, %get3A_15] : memref<1x128xf32, #tpu.memory_space<vmem>>, vector<1x128xf32>
    %get3A_17 = arith.constant 0 : index
    %get3A_18 = arith.constant 0 : index
    %get3A_19 = vector.load %arg11[%get3A_17, %get3A_18] : memref<128x1xf32, #tpu.memory_space<vmem>>, vector<128x1xf32>
    %get3A_20 = arith.constant 0 : index
    %get3A_21 = arith.constant 0 : index
    %get3A_22 = vector.load %arg12[%get3A_20, %get3A_21] : memref<1x1xf32, #tpu.memory_space<vmem>>, vector<1x1xf32>
    %get3A_23 = arith.constant 0 : index
    %get3A_24 = arith.constant 0 : index
    %get3A_25 = vector.load %arg13[%get3A_23, %get3A_24] : memref<128x128xf32, #tpu.memory_space<vmem>>, vector<128x128xf32>
    %get3A_26 = arith.constant 0 : index
    %get3A_27 = arith.constant 0 : index
    %get3A_28 = vector.load %arg14[%get3A_26, %get3A_27] : memref<1x128xf32, #tpu.memory_space<vmem>>, vector<1x128xf32>
    %get3A_29 = arith.constant 0 : index
    %get3A_30 = arith.constant 0 : index
    %get3A_31 = vector.load %arg15[%get3A_29, %get3A_30] : memref<128x1xf32, #tpu.memory_space<vmem>>, vector<128x1xf32>
    %get3A_32 = arith.constant 0 : index
    %get3A_33 = arith.constant 0 : index
    %get3A_34 = vector.load %arg16[%get3A_32, %get3A_33] : memref<1x1xf32, #tpu.memory_space<vmem>>, vector<1x1xf32>
    %get3A_35 = arith.constant 0 : index
    %get3A_36 = arith.constant 0 : index
    %get3A_37 = arith.constant 0 : index
    %get3A_38 = vector.load %arg1[%get3A_35, %get3A_36, %get3A_37] : memref<4x100x128xf32, #tpu.memory_space<vmem>>, vector<1x100x128xf32>
    %get3A_39 = vector.shape_cast %get3A_38 : vector<1x100x128xf32> to vector<100x128xf32>
    %get3A_40 = arith.constant 0 : index
    %get3A_41 = arith.constant 0 : index
    %get3A_42 = arith.constant 0 : index
    %get3A_43 = vector.load %arg2[%get3A_40, %get3A_41, %get3A_42] : memref<4x100x128xf32, #tpu.memory_space<vmem>>, vector<1x100x128xf32>
    %get3A_44 = vector.shape_cast %get3A_43 : vector<1x100x128xf32> to vector<100x128xf32>
    %add3A = arith.addf %get3A_39, %get3A_44 : vector<100x128xf32>
    %get3A_45 = arith.constant 0 : index
    %get3A_46 = arith.constant 0 : index
    %get3A_47 = arith.constant 0 : index
    %get3A_48 = vector.load %arg3[%get3A_45, %get3A_46, %get3A_47] : memref<4x100x128xf32, #tpu.memory_space<vmem>>, vector<1x100x128xf32>
    %get3A_49 = vector.shape_cast %get3A_48 : vector<1x100x128xf32> to vector<100x128xf32>
    %add3A_50 = arith.addf %add3A, %get3A_49 : vector<100x128xf32>
    %get3A_51 = arith.constant 0 : index
    %get3A_52 = arith.constant 0 : index
    %get3A_53 = arith.constant 0 : index
    %get3A_54 = vector.load %arg4[%get3A_51, %get3A_52, %get3A_53] : memref<4x100x100xf32, #tpu.memory_space<vmem>>, vector<1x100x100xf32>
    %get3A_55 = vector.shape_cast %get3A_54 : vector<1x100x100xf32> to vector<100x100xf32>
    %reduce_sum3A = arith.constant dense<0.000000e+00> : vector<100xf32>
    %reduce_sum3A_56 = vector.multi_reduction <add>, %get3A_55, %reduce_sum3A [1] : vector<100x100xf32> to vector<100xf32>
    %broadcast_in_dim3A = vector.shape_cast %reduce_sum3A_56 : vector<100xf32> to vector<100x1xf32>
    %add3A_57 = arith.constant 1.000000e+00 : f32
    %add3A_58 = vector.broadcast %add3A_57 : f32 to vector<100x1xf32>
    %add3A_59 = arith.addf %broadcast_in_dim3A, %add3A_58 : vector<100x1xf32>
    %sqrt3A = math.sqrt %add3A_59 : vector<100x1xf32>
    %div3A = arith.constant 1.000000e+00 : f32
    %div3A_60 = vector.broadcast %div3A : f32 to vector<100x1xf32>
    %div3A_61 = arith.divf %div3A_60, %sqrt3A : vector<100x1xf32>
    %div3A_62 = arith.constant 1.000000e+00 : f32
    %div3A_63 = vector.broadcast %div3A_62 : f32 to vector<100x1xf32>
    %div3A_64 = arith.divf %div3A_63, %add3A_59 : vector<100x1xf32>
    %dot_general3A = arith.constant dense<0.000000e+00> : vector<100x128xf32>
    %dot_general3A_65 = tpu.matmul %add3A_50, %get3A_1, %dot_general3A {dimension_numbers = #tpu.dot_dimension_numbers<[1], [0], [0], [1], [0, 0, 1, 1], [], []>, transpose_lhs_hint = false} : vector<100x128xf32>, vector<128x128xf32>, vector<100x128xf32> -> vector<100x128xf32>
    %mul3A = vector.broadcast %div3A_61 : vector<100x1xf32> to vector<100x128xf32>
    %mul3A_66 = arith.mulf %mul3A, %dot_general3A_65 : vector<100x128xf32>
    %dot_general3A_67 = arith.constant dense<0.000000e+00> : vector<100x128xf32>
    %dot_general3A_68 = tpu.matmul %get3A_55, %mul3A_66, %dot_general3A_67 {dimension_numbers = #tpu.dot_dimension_numbers<[1], [0], [0], [1], [0, 0, 1, 1], [], []>, precision = #tpu.contract_precision<fp32>, transpose_lhs_hint = false} : vector<100x100xf32>, vector<100x128xf32>, vector<100x128xf32> -> vector<100x128xf32>
    %mul3A_69 = vector.broadcast %div3A_61 : vector<100x1xf32> to vector<100x128xf32>
    %mul3A_70 = arith.mulf %mul3A_69, %dot_general3A_68 : vector<100x128xf32>
    %mul3A_71 = vector.broadcast %div3A_64 : vector<100x1xf32> to vector<100x128xf32>
    %mul3A_72 = arith.mulf %dot_general3A_65, %mul3A_71 : vector<100x128xf32>
    %add3A_73 = arith.addf %mul3A_70, %mul3A_72 : vector<100x128xf32>
    %add3A_74 = vector.broadcast %get3A_4 : vector<1x128xf32> to vector<100x128xf32>
    %add3A_75 = arith.addf %add3A_73, %add3A_74 : vector<100x128xf32>
    %max3A = arith.constant 0.000000e+00 : f32
    %max3A_76 = vector.broadcast %max3A : f32 to vector<100x128xf32>
    %max3A_77 = arith.maximumf %add3A_75, %max3A_76 : vector<100x128xf32>
    %dot_general3A_78 = arith.constant dense<0.000000e+00> : vector<100x1xf32>
    %dot_general3A_79 = tpu.matmul %max3A_77, %get3A_7, %dot_general3A_78 {dimension_numbers = #tpu.dot_dimension_numbers<[1], [0], [0], [1], [0, 0, 1, 1], [], []>, transpose_lhs_hint = false} : vector<100x128xf32>, vector<128x1xf32>, vector<100x1xf32> -> vector<100x1xf32>
    %mul3A_80 = arith.mulf %div3A_61, %dot_general3A_79 : vector<100x1xf32>
    %dot_general3A_81 = arith.constant dense<0.000000e+00> : vector<100x1xf32>
    %dot_general3A_82 = tpu.matmul %get3A_55, %mul3A_80, %dot_general3A_81 {dimension_numbers = #tpu.dot_dimension_numbers<[1], [0], [0], [1], [0, 0, 1, 1], [], []>, precision = #tpu.contract_precision<fp32>, transpose_lhs_hint = false} : vector<100x100xf32>, vector<100x1xf32>, vector<100x1xf32> -> vector<100x1xf32>
    %mul3A_83 = arith.mulf %div3A_61, %dot_general3A_82 : vector<100x1xf32>
    %mul3A_84 = arith.mulf %dot_general3A_79, %div3A_64 : vector<100x1xf32>
    %add3A_85 = arith.addf %mul3A_83, %mul3A_84 : vector<100x1xf32>
    %add3A_86 = vector.broadcast %get3A_10 : vector<1x1xf32> to vector<100x1xf32>
    %add3A_87 = arith.addf %add3A_85, %add3A_86 : vector<100x1xf32>
    %iota3A = tpu.iota {dimensions = array<i32: 0>} : vector<100x100xi32>
    %iota3A_88 = tpu.iota {dimensions = array<i32: 1>} : vector<100x100xi32>
    %eq3A = arith.cmpi eq, %iota3A, %iota3A_88 : vector<100x100xi32>
    %convert_element_type3A = arith.extui %eq3A : vector<100x100xi1> to vector<100x100xi32>
    %convert_element_type3A_89 = arith.sitofp %convert_element_type3A : vector<100x100xi32> to vector<100x100xf32>
    %dot_general3A_90 = arith.constant dense<0.000000e+00> : vector<1x100xf32>
    %dot_general3A_91 = tpu.matmul %add3A_87, %convert_element_type3A_89, %dot_general3A_90 {dimension_numbers = #tpu.dot_dimension_numbers<[0], [0], [1], [1], [0, 1, 1, 1], [], []>, precision = #tpu.contract_precision<fp32>, transpose_lhs_hint = false} : vector<100x1xf32>, vector<100x100xf32>, vector<1x100xf32> -> vector<1x100xf32>
    %broadcast_in_dim3A_92 = arith.constant 1.000000e+00 : f32
    %broadcast_in_dim3A_93 = vector.broadcast %broadcast_in_dim3A_92 : f32 to vector<100x100xf32>
    %mul3A_94 = vector.broadcast %add3A_87 : vector<100x1xf32> to vector<100x100xf32>
    %mul3A_95 = arith.mulf %mul3A_94, %broadcast_in_dim3A_93 : vector<100x100xf32>
    %broadcast_in_dim3A_96 = arith.constant 1.000000e+00 : f32
    %broadcast_in_dim3A_97 = vector.broadcast %broadcast_in_dim3A_96 : f32 to vector<100x100xf32>
    %mul3A_98 = vector.broadcast %dot_general3A_91 : vector<1x100xf32> to vector<100x100xf32>
    %mul3A_99 = arith.mulf %mul3A_98, %broadcast_in_dim3A_97 : vector<100x100xf32>
    %iota3A_100 = tpu.iota {dimensions = array<i32: 0>} : vector<100x100xi32>
    %iota3A_101 = tpu.iota {dimensions = array<i32: 1>} : vector<100x100xi32>
    %gt3A = arith.cmpf ogt, %mul3A_95, %mul3A_99 : vector<100x100xf32>
    %eq3A_102 = arith.cmpf oeq, %mul3A_95, %mul3A_99 : vector<100x100xf32>
    %lt3A = arith.cmpi slt, %iota3A_100, %iota3A_101 : vector<100x100xi32>
    %and3A = arith.andi %eq3A_102, %lt3A : vector<100x100xi1>
    %or3A = arith.ori %gt3A, %and3A : vector<100x100xi1>
    %convert_element_type3A_103 = arith.extui %or3A : vector<100x100xi1> to vector<100x100xi32>
    %convert_element_type3A_104 = arith.sitofp %convert_element_type3A_103 : vector<100x100xi32> to vector<100x100xf32>
    %reduce_sum3A_105 = arith.constant dense<0.000000e+00> : vector<100xf32>
    %reduce_sum3A_106 = vector.multi_reduction <add>, %convert_element_type3A_104, %reduce_sum3A_105 [0] : vector<100x100xf32> to vector<100xf32>
    %broadcast_in_dim3A_107 = vector.shape_cast %reduce_sum3A_106 : vector<100xf32> to vector<1x100xf32>
    %iota3A_108 = tpu.iota {dimensions = array<i32: 0>} : vector<50x100xi32>
    %convert_element_type3A_109 = arith.sitofp %iota3A_108 : vector<50x100xi32> to vector<50x100xf32>
    %broadcast_in_dim3A_110 = arith.constant 1.000000e+00 : f32
    %broadcast_in_dim3A_111 = vector.broadcast %broadcast_in_dim3A_110 : f32 to vector<50x1xf32>
    %mul3A_112 = vector.broadcast %broadcast_in_dim3A_111 : vector<50x1xf32> to vector<50x100xf32>
    %mul3A_113 = vector.broadcast %broadcast_in_dim3A_107 : vector<1x100xf32> to vector<50x100xf32>
    %mul3A_114 = arith.mulf %mul3A_112, %mul3A_113 : vector<50x100xf32>
    %eq3A_115 = arith.cmpf oeq, %convert_element_type3A_109, %mul3A_114 : vector<50x100xf32>
    %convert_element_type3A_116 = arith.extui %eq3A_115 : vector<50x100xi1> to vector<50x100xi32>
    %convert_element_type3A_117 = arith.sitofp %convert_element_type3A_116 : vector<50x100xi32> to vector<50x100xf32>
    %dot_general3A_118 = arith.constant dense<0.000000e+00> : vector<50x1xf32>
    %dot_general3A_119 = tpu.matmul %convert_element_type3A_117, %add3A_87, %dot_general3A_118 {dimension_numbers = #tpu.dot_dimension_numbers<[1], [0], [0], [1], [0, 0, 1, 1], [], []>, precision = #tpu.contract_precision<fp32>, transpose_lhs_hint = false} : vector<50x100xf32>, vector<100x1xf32>, vector<50x1xf32> -> vector<50x1xf32>
    %dot_general3A_120 = arith.constant dense<0.000000e+00> : vector<50x128xf32>
    %dot_general3A_121 = tpu.matmul %convert_element_type3A_117, %max3A_77, %dot_general3A_120 {dimension_numbers = #tpu.dot_dimension_numbers<[1], [0], [0], [1], [0, 0, 1, 1], [], []>, precision = #tpu.contract_precision<fp32>, transpose_lhs_hint = false} : vector<50x100xf32>, vector<100x128xf32>, vector<50x128xf32> -> vector<50x128xf32>
    %tanh3A = math.tanh %dot_general3A_119 : vector<50x1xf32>
    %mul3A_122 = vector.broadcast %tanh3A : vector<50x1xf32> to vector<50x128xf32>
    %mul3A_123 = arith.mulf %dot_general3A_121, %mul3A_122 : vector<50x128xf32>
    %dot_general3A_124 = arith.constant dense<0.000000e+00> : vector<100x50xf32>
    %dot_general3A_125 = tpu.matmul %get3A_55, %convert_element_type3A_117, %dot_general3A_124 {dimension_numbers = #tpu.dot_dimension_numbers<[1], [1], [0], [0], [0, 0, 1, 0], [], []>, precision = #tpu.contract_precision<fp32>, transpose_lhs_hint = false} : vector<100x100xf32>, vector<50x100xf32>, vector<100x50xf32> -> vector<100x50xf32>
    %dot_general3A_126 = arith.constant dense<0.000000e+00> : vector<50x50xf32>
    %dot_general3A_127 = tpu.matmul %convert_element_type3A_117, %dot_general3A_125, %dot_general3A_126 {dimension_numbers = #tpu.dot_dimension_numbers<[1], [0], [0], [1], [0, 0, 1, 1], [], []>, precision = #tpu.contract_precision<fp32>, transpose_lhs_hint = false} : vector<50x100xf32>, vector<100x50xf32>, vector<50x50xf32> -> vector<50x50xf32>
    %reduce_max3A = arith.constant dense<0xFF800000> : vector<128xf32>
    %reduce_max3A_128 = vector.multi_reduction <maximumf>, %mul3A_123, %reduce_max3A [0] : vector<50x128xf32> to vector<128xf32>
    %broadcast_in_dim3A_129 = vector.shape_cast %reduce_max3A_128 : vector<128xf32> to vector<1x128xf32>
    %reduce_sum3A_130 = arith.constant dense<0.000000e+00> : vector<128xf32>
    %reduce_sum3A_131 = vector.multi_reduction <add>, %mul3A_123, %reduce_sum3A_130 [0] : vector<50x128xf32> to vector<128xf32>
    %broadcast_in_dim3A_132 = vector.shape_cast %reduce_sum3A_131 : vector<128xf32> to vector<1x128xf32>
    %div3A_133 = arith.constant 5.000000e+01 : f32
    %div3A_134 = vector.broadcast %div3A_133 : f32 to vector<1x128xf32>
    %div3A_135 = arith.divf %broadcast_in_dim3A_132, %div3A_134 : vector<1x128xf32>
    %concatenate3A = tpu.concatenate %broadcast_in_dim3A_129, %div3A_135 in 1 : vector<1x128xf32>, vector<1x128xf32> -> vector<1x256xf32>
    %reduce_sum3A_136 = arith.constant dense<0.000000e+00> : vector<50xf32>
    %reduce_sum3A_137 = vector.multi_reduction <add>, %dot_general3A_127, %reduce_sum3A_136 [1] : vector<50x50xf32> to vector<50xf32>
    %broadcast_in_dim3A_138 = vector.shape_cast %reduce_sum3A_137 : vector<50xf32> to vector<50x1xf32>
    %add3A_139 = arith.constant 1.000000e+00 : f32
    %add3A_140 = vector.broadcast %add3A_139 : f32 to vector<50x1xf32>
    %add3A_141 = arith.addf %broadcast_in_dim3A_138, %add3A_140 : vector<50x1xf32>
    %sqrt3A_142 = math.sqrt %add3A_141 : vector<50x1xf32>
    %div3A_143 = arith.constant 1.000000e+00 : f32
    %div3A_144 = vector.broadcast %div3A_143 : f32 to vector<50x1xf32>
    %div3A_145 = arith.divf %div3A_144, %sqrt3A_142 : vector<50x1xf32>
    %div3A_146 = arith.constant 1.000000e+00 : f32
    %div3A_147 = vector.broadcast %div3A_146 : f32 to vector<50x1xf32>
    %div3A_148 = arith.divf %div3A_147, %add3A_141 : vector<50x1xf32>
    %dot_general3A_149 = arith.constant dense<0.000000e+00> : vector<50x128xf32>
    %dot_general3A_150 = tpu.matmul %mul3A_123, %get3A_13, %dot_general3A_149 {dimension_numbers = #tpu.dot_dimension_numbers<[1], [0], [0], [1], [0, 0, 1, 1], [], []>, transpose_lhs_hint = false} : vector<50x128xf32>, vector<128x128xf32>, vector<50x128xf32> -> vector<50x128xf32>
    %mul3A_151 = vector.broadcast %div3A_145 : vector<50x1xf32> to vector<50x128xf32>
    %mul3A_152 = arith.mulf %mul3A_151, %dot_general3A_150 : vector<50x128xf32>
    %dot_general3A_153 = arith.constant dense<0.000000e+00> : vector<50x128xf32>
    %dot_general3A_154 = tpu.matmul %dot_general3A_127, %mul3A_152, %dot_general3A_153 {dimension_numbers = #tpu.dot_dimension_numbers<[1], [0], [0], [1], [0, 0, 1, 1], [], []>, precision = #tpu.contract_precision<fp32>, transpose_lhs_hint = false} : vector<50x50xf32>, vector<50x128xf32>, vector<50x128xf32> -> vector<50x128xf32>
    %mul3A_155 = vector.broadcast %div3A_145 : vector<50x1xf32> to vector<50x128xf32>
    %mul3A_156 = arith.mulf %mul3A_155, %dot_general3A_154 : vector<50x128xf32>
    %mul3A_157 = vector.broadcast %div3A_148 : vector<50x1xf32> to vector<50x128xf32>
    %mul3A_158 = arith.mulf %dot_general3A_150, %mul3A_157 : vector<50x128xf32>
    %add3A_159 = arith.addf %mul3A_156, %mul3A_158 : vector<50x128xf32>
    %add3A_160 = vector.broadcast %get3A_16 : vector<1x128xf32> to vector<50x128xf32>
    %add3A_161 = arith.addf %add3A_159, %add3A_160 : vector<50x128xf32>
    %max3A_162 = arith.constant 0.000000e+00 : f32
    %max3A_163 = vector.broadcast %max3A_162 : f32 to vector<50x128xf32>
    %max3A_164 = arith.maximumf %add3A_161, %max3A_163 : vector<50x128xf32>
    %dot_general3A_165 = arith.constant dense<0.000000e+00> : vector<50x1xf32>
    %dot_general3A_166 = tpu.matmul %max3A_164, %get3A_19, %dot_general3A_165 {dimension_numbers = #tpu.dot_dimension_numbers<[1], [0], [0], [1], [0, 0, 1, 1], [], []>, transpose_lhs_hint = false} : vector<50x128xf32>, vector<128x1xf32>, vector<50x1xf32> -> vector<50x1xf32>
    %mul3A_167 = arith.mulf %div3A_145, %dot_general3A_166 : vector<50x1xf32>
    %dot_general3A_168 = arith.constant dense<0.000000e+00> : vector<50x1xf32>
    %dot_general3A_169 = tpu.matmul %dot_general3A_127, %mul3A_167, %dot_general3A_168 {dimension_numbers = #tpu.dot_dimension_numbers<[1], [0], [0], [1], [0, 0, 1, 1], [], []>, precision = #tpu.contract_precision<fp32>, transpose_lhs_hint = false} : vector<50x50xf32>, vector<50x1xf32>, vector<50x1xf32> -> vector<50x1xf32>
    %mul3A_170 = arith.mulf %div3A_145, %dot_general3A_169 : vector<50x1xf32>
    %mul3A_171 = arith.mulf %dot_general3A_166, %div3A_148 : vector<50x1xf32>
    %add3A_172 = arith.addf %mul3A_170, %mul3A_171 : vector<50x1xf32>
    %add3A_173 = vector.broadcast %get3A_22 : vector<1x1xf32> to vector<50x1xf32>
    %add3A_174 = arith.addf %add3A_172, %add3A_173 : vector<50x1xf32>
    %iota3A_175 = tpu.iota {dimensions = array<i32: 0>} : vector<50x50xi32>
    %iota3A_176 = tpu.iota {dimensions = array<i32: 1>} : vector<50x50xi32>
    %eq3A_177 = arith.cmpi eq, %iota3A_175, %iota3A_176 : vector<50x50xi32>
    %convert_element_type3A_178 = arith.extui %eq3A_177 : vector<50x50xi1> to vector<50x50xi32>
    %convert_element_type3A_179 = arith.sitofp %convert_element_type3A_178 : vector<50x50xi32> to vector<50x50xf32>
    %dot_general3A_180 = arith.constant dense<0.000000e+00> : vector<1x50xf32>
    %dot_general3A_181 = tpu.matmul %add3A_174, %convert_element_type3A_179, %dot_general3A_180 {dimension_numbers = #tpu.dot_dimension_numbers<[0], [0], [1], [1], [0, 1, 1, 1], [], []>, precision = #tpu.contract_precision<fp32>, transpose_lhs_hint = false} : vector<50x1xf32>, vector<50x50xf32>, vector<1x50xf32> -> vector<1x50xf32>
    %broadcast_in_dim3A_182 = arith.constant 1.000000e+00 : f32
    %broadcast_in_dim3A_183 = vector.broadcast %broadcast_in_dim3A_182 : f32 to vector<50x50xf32>
    %mul3A_184 = vector.broadcast %add3A_174 : vector<50x1xf32> to vector<50x50xf32>
    %mul3A_185 = arith.mulf %mul3A_184, %broadcast_in_dim3A_183 : vector<50x50xf32>
    %broadcast_in_dim3A_186 = arith.constant 1.000000e+00 : f32
    %broadcast_in_dim3A_187 = vector.broadcast %broadcast_in_dim3A_186 : f32 to vector<50x50xf32>
    %mul3A_188 = vector.broadcast %dot_general3A_181 : vector<1x50xf32> to vector<50x50xf32>
    %mul3A_189 = arith.mulf %mul3A_188, %broadcast_in_dim3A_187 : vector<50x50xf32>
    %iota3A_190 = tpu.iota {dimensions = array<i32: 0>} : vector<50x50xi32>
    %iota3A_191 = tpu.iota {dimensions = array<i32: 1>} : vector<50x50xi32>
    %gt3A_192 = arith.cmpf ogt, %mul3A_185, %mul3A_189 : vector<50x50xf32>
    %eq3A_193 = arith.cmpf oeq, %mul3A_185, %mul3A_189 : vector<50x50xf32>
    %lt3A_194 = arith.cmpi slt, %iota3A_190, %iota3A_191 : vector<50x50xi32>
    %and3A_195 = arith.andi %eq3A_193, %lt3A_194 : vector<50x50xi1>
    %or3A_196 = arith.ori %gt3A_192, %and3A_195 : vector<50x50xi1>
    %convert_element_type3A_197 = arith.extui %or3A_196 : vector<50x50xi1> to vector<50x50xi32>
    %convert_element_type3A_198 = arith.sitofp %convert_element_type3A_197 : vector<50x50xi32> to vector<50x50xf32>
    %reduce_sum3A_199 = arith.constant dense<0.000000e+00> : vector<50xf32>
    %reduce_sum3A_200 = vector.multi_reduction <add>, %convert_element_type3A_198, %reduce_sum3A_199 [0] : vector<50x50xf32> to vector<50xf32>
    %broadcast_in_dim3A_201 = vector.shape_cast %reduce_sum3A_200 : vector<50xf32> to vector<1x50xf32>
    %iota3A_202 = tpu.iota {dimensions = array<i32: 0>} : vector<25x50xi32>
    %convert_element_type3A_203 = arith.sitofp %iota3A_202 : vector<25x50xi32> to vector<25x50xf32>
    %broadcast_in_dim3A_204 = arith.constant 1.000000e+00 : f32
    %broadcast_in_dim3A_205 = vector.broadcast %broadcast_in_dim3A_204 : f32 to vector<25x1xf32>
    %mul3A_206 = vector.broadcast %broadcast_in_dim3A_205 : vector<25x1xf32> to vector<25x50xf32>
    %mul3A_207 = vector.broadcast %broadcast_in_dim3A_201 : vector<1x50xf32> to vector<25x50xf32>
    %mul3A_208 = arith.mulf %mul3A_206, %mul3A_207 : vector<25x50xf32>
    %eq3A_209 = arith.cmpf oeq, %convert_element_type3A_203, %mul3A_208 : vector<25x50xf32>
    %convert_element_type3A_210 = arith.extui %eq3A_209 : vector<25x50xi1> to vector<25x50xi32>
    %convert_element_type3A_211 = arith.sitofp %convert_element_type3A_210 : vector<25x50xi32> to vector<25x50xf32>
    %dot_general3A_212 = arith.constant dense<0.000000e+00> : vector<25x1xf32>
    %dot_general3A_213 = tpu.matmul %convert_element_type3A_211, %add3A_174, %dot_general3A_212 {dimension_numbers = #tpu.dot_dimension_numbers<[1], [0], [0], [1], [0, 0, 1, 1], [], []>, precision = #tpu.contract_precision<fp32>, transpose_lhs_hint = false} : vector<25x50xf32>, vector<50x1xf32>, vector<25x1xf32> -> vector<25x1xf32>
    %dot_general3A_214 = arith.constant dense<0.000000e+00> : vector<25x128xf32>
    %dot_general3A_215 = tpu.matmul %convert_element_type3A_211, %max3A_164, %dot_general3A_214 {dimension_numbers = #tpu.dot_dimension_numbers<[1], [0], [0], [1], [0, 0, 1, 1], [], []>, precision = #tpu.contract_precision<fp32>, transpose_lhs_hint = false} : vector<25x50xf32>, vector<50x128xf32>, vector<25x128xf32> -> vector<25x128xf32>
    %tanh3A_216 = math.tanh %dot_general3A_213 : vector<25x1xf32>
    %mul3A_217 = vector.broadcast %tanh3A_216 : vector<25x1xf32> to vector<25x128xf32>
    %mul3A_218 = arith.mulf %dot_general3A_215, %mul3A_217 : vector<25x128xf32>
    %dot_general3A_219 = arith.constant dense<0.000000e+00> : vector<50x25xf32>
    %dot_general3A_220 = tpu.matmul %dot_general3A_127, %convert_element_type3A_211, %dot_general3A_219 {dimension_numbers = #tpu.dot_dimension_numbers<[1], [1], [0], [0], [0, 0, 1, 0], [], []>, precision = #tpu.contract_precision<fp32>, transpose_lhs_hint = false} : vector<50x50xf32>, vector<25x50xf32>, vector<50x25xf32> -> vector<50x25xf32>
    %dot_general3A_221 = arith.constant dense<0.000000e+00> : vector<25x25xf32>
    %dot_general3A_222 = tpu.matmul %convert_element_type3A_211, %dot_general3A_220, %dot_general3A_221 {dimension_numbers = #tpu.dot_dimension_numbers<[1], [0], [0], [1], [0, 0, 1, 1], [], []>, precision = #tpu.contract_precision<fp32>, transpose_lhs_hint = false} : vector<25x50xf32>, vector<50x25xf32>, vector<25x25xf32> -> vector<25x25xf32>
    %reduce_max3A_223 = arith.constant dense<0xFF800000> : vector<128xf32>
    %reduce_max3A_224 = vector.multi_reduction <maximumf>, %mul3A_218, %reduce_max3A_223 [0] : vector<25x128xf32> to vector<128xf32>
    %broadcast_in_dim3A_225 = vector.shape_cast %reduce_max3A_224 : vector<128xf32> to vector<1x128xf32>
    %reduce_sum3A_226 = arith.constant dense<0.000000e+00> : vector<128xf32>
    %reduce_sum3A_227 = vector.multi_reduction <add>, %mul3A_218, %reduce_sum3A_226 [0] : vector<25x128xf32> to vector<128xf32>
    %broadcast_in_dim3A_228 = vector.shape_cast %reduce_sum3A_227 : vector<128xf32> to vector<1x128xf32>
    %div3A_229 = arith.constant 2.500000e+01 : f32
    %div3A_230 = vector.broadcast %div3A_229 : f32 to vector<1x128xf32>
    %div3A_231 = arith.divf %broadcast_in_dim3A_228, %div3A_230 : vector<1x128xf32>
    %concatenate3A_232 = tpu.concatenate %broadcast_in_dim3A_225, %div3A_231 in 1 : vector<1x128xf32>, vector<1x128xf32> -> vector<1x256xf32>
    %add3A_233 = arith.addf %concatenate3A, %concatenate3A_232 : vector<1x256xf32>
    %reduce_sum3A_234 = arith.constant dense<0.000000e+00> : vector<25xf32>
    %reduce_sum3A_235 = vector.multi_reduction <add>, %dot_general3A_222, %reduce_sum3A_234 [1] : vector<25x25xf32> to vector<25xf32>
    %broadcast_in_dim3A_236 = vector.shape_cast %reduce_sum3A_235 : vector<25xf32> to vector<25x1xf32>
    %add3A_237 = arith.constant 1.000000e+00 : f32
    %add3A_238 = vector.broadcast %add3A_237 : f32 to vector<25x1xf32>
    %add3A_239 = arith.addf %broadcast_in_dim3A_236, %add3A_238 : vector<25x1xf32>
    %sqrt3A_240 = math.sqrt %add3A_239 : vector<25x1xf32>
    %div3A_241 = arith.constant 1.000000e+00 : f32
    %div3A_242 = vector.broadcast %div3A_241 : f32 to vector<25x1xf32>
    %div3A_243 = arith.divf %div3A_242, %sqrt3A_240 : vector<25x1xf32>
    %div3A_244 = arith.constant 1.000000e+00 : f32
    %div3A_245 = vector.broadcast %div3A_244 : f32 to vector<25x1xf32>
    %div3A_246 = arith.divf %div3A_245, %add3A_239 : vector<25x1xf32>
    %dot_general3A_247 = arith.constant dense<0.000000e+00> : vector<25x128xf32>
    %dot_general3A_248 = tpu.matmul %mul3A_218, %get3A_25, %dot_general3A_247 {dimension_numbers = #tpu.dot_dimension_numbers<[1], [0], [0], [1], [0, 0, 1, 1], [], []>, transpose_lhs_hint = false} : vector<25x128xf32>, vector<128x128xf32>, vector<25x128xf32> -> vector<25x128xf32>
    %mul3A_249 = vector.broadcast %div3A_243 : vector<25x1xf32> to vector<25x128xf32>
    %mul3A_250 = arith.mulf %mul3A_249, %dot_general3A_248 : vector<25x128xf32>
    %dot_general3A_251 = arith.constant dense<0.000000e+00> : vector<25x128xf32>
    %dot_general3A_252 = tpu.matmul %dot_general3A_222, %mul3A_250, %dot_general3A_251 {dimension_numbers = #tpu.dot_dimension_numbers<[1], [0], [0], [1], [0, 0, 1, 1], [], []>, precision = #tpu.contract_precision<fp32>, transpose_lhs_hint = false} : vector<25x25xf32>, vector<25x128xf32>, vector<25x128xf32> -> vector<25x128xf32>
    %mul3A_253 = vector.broadcast %div3A_243 : vector<25x1xf32> to vector<25x128xf32>
    %mul3A_254 = arith.mulf %mul3A_253, %dot_general3A_252 : vector<25x128xf32>
    %mul3A_255 = vector.broadcast %div3A_246 : vector<25x1xf32> to vector<25x128xf32>
    %mul3A_256 = arith.mulf %dot_general3A_248, %mul3A_255 : vector<25x128xf32>
    %add3A_257 = arith.addf %mul3A_254, %mul3A_256 : vector<25x128xf32>
    %add3A_258 = vector.broadcast %get3A_28 : vector<1x128xf32> to vector<25x128xf32>
    %add3A_259 = arith.addf %add3A_257, %add3A_258 : vector<25x128xf32>
    %max3A_260 = arith.constant 0.000000e+00 : f32
    %max3A_261 = vector.broadcast %max3A_260 : f32 to vector<25x128xf32>
    %max3A_262 = arith.maximumf %add3A_259, %max3A_261 : vector<25x128xf32>
    %dot_general3A_263 = arith.constant dense<0.000000e+00> : vector<25x1xf32>
    %dot_general3A_264 = tpu.matmul %max3A_262, %get3A_31, %dot_general3A_263 {dimension_numbers = #tpu.dot_dimension_numbers<[1], [0], [0], [1], [0, 0, 1, 1], [], []>, transpose_lhs_hint = false} : vector<25x128xf32>, vector<128x1xf32>, vector<25x1xf32> -> vector<25x1xf32>
    %mul3A_265 = arith.mulf %div3A_243, %dot_general3A_264 : vector<25x1xf32>
    %dot_general3A_266 = arith.constant dense<0.000000e+00> : vector<25x1xf32>
    %dot_general3A_267 = tpu.matmul %dot_general3A_222, %mul3A_265, %dot_general3A_266 {dimension_numbers = #tpu.dot_dimension_numbers<[1], [0], [0], [1], [0, 0, 1, 1], [], []>, precision = #tpu.contract_precision<fp32>, transpose_lhs_hint = false} : vector<25x25xf32>, vector<25x1xf32>, vector<25x1xf32> -> vector<25x1xf32>
    %mul3A_268 = arith.mulf %div3A_243, %dot_general3A_267 : vector<25x1xf32>
    %mul3A_269 = arith.mulf %dot_general3A_264, %div3A_246 : vector<25x1xf32>
    %add3A_270 = arith.addf %mul3A_268, %mul3A_269 : vector<25x1xf32>
    %add3A_271 = vector.broadcast %get3A_34 : vector<1x1xf32> to vector<25x1xf32>
    %add3A_272 = arith.addf %add3A_270, %add3A_271 : vector<25x1xf32>
    %iota3A_273 = tpu.iota {dimensions = array<i32: 0>} : vector<25x25xi32>
    %iota3A_274 = tpu.iota {dimensions = array<i32: 1>} : vector<25x25xi32>
    %eq3A_275 = arith.cmpi eq, %iota3A_273, %iota3A_274 : vector<25x25xi32>
    %convert_element_type3A_276 = arith.extui %eq3A_275 : vector<25x25xi1> to vector<25x25xi32>
    %convert_element_type3A_277 = arith.sitofp %convert_element_type3A_276 : vector<25x25xi32> to vector<25x25xf32>
    %dot_general3A_278 = arith.constant dense<0.000000e+00> : vector<1x25xf32>
    %dot_general3A_279 = tpu.matmul %add3A_272, %convert_element_type3A_277, %dot_general3A_278 {dimension_numbers = #tpu.dot_dimension_numbers<[0], [0], [1], [1], [0, 1, 1, 1], [], []>, precision = #tpu.contract_precision<fp32>, transpose_lhs_hint = false} : vector<25x1xf32>, vector<25x25xf32>, vector<1x25xf32> -> vector<1x25xf32>
    %broadcast_in_dim3A_280 = arith.constant 1.000000e+00 : f32
    %broadcast_in_dim3A_281 = vector.broadcast %broadcast_in_dim3A_280 : f32 to vector<25x25xf32>
    %mul3A_282 = vector.broadcast %add3A_272 : vector<25x1xf32> to vector<25x25xf32>
    %mul3A_283 = arith.mulf %mul3A_282, %broadcast_in_dim3A_281 : vector<25x25xf32>
    %broadcast_in_dim3A_284 = arith.constant 1.000000e+00 : f32
    %broadcast_in_dim3A_285 = vector.broadcast %broadcast_in_dim3A_284 : f32 to vector<25x25xf32>
    %mul3A_286 = vector.broadcast %dot_general3A_279 : vector<1x25xf32> to vector<25x25xf32>
    %mul3A_287 = arith.mulf %mul3A_286, %broadcast_in_dim3A_285 : vector<25x25xf32>
    %iota3A_288 = tpu.iota {dimensions = array<i32: 0>} : vector<25x25xi32>
    %iota3A_289 = tpu.iota {dimensions = array<i32: 1>} : vector<25x25xi32>
    %gt3A_290 = arith.cmpf ogt, %mul3A_283, %mul3A_287 : vector<25x25xf32>
    %eq3A_291 = arith.cmpf oeq, %mul3A_283, %mul3A_287 : vector<25x25xf32>
    %lt3A_292 = arith.cmpi slt, %iota3A_288, %iota3A_289 : vector<25x25xi32>
    %and3A_293 = arith.andi %eq3A_291, %lt3A_292 : vector<25x25xi1>
    %or3A_294 = arith.ori %gt3A_290, %and3A_293 : vector<25x25xi1>
    %convert_element_type3A_295 = arith.extui %or3A_294 : vector<25x25xi1> to vector<25x25xi32>
    %convert_element_type3A_296 = arith.sitofp %convert_element_type3A_295 : vector<25x25xi32> to vector<25x25xf32>
    %reduce_sum3A_297 = arith.constant dense<0.000000e+00> : vector<25xf32>
    %reduce_sum3A_298 = vector.multi_reduction <add>, %convert_element_type3A_296, %reduce_sum3A_297 [0] : vector<25x25xf32> to vector<25xf32>
    %broadcast_in_dim3A_299 = vector.shape_cast %reduce_sum3A_298 : vector<25xf32> to vector<1x25xf32>
    %iota3A_300 = tpu.iota {dimensions = array<i32: 0>} : vector<13x25xi32>
    %convert_element_type3A_301 = arith.sitofp %iota3A_300 : vector<13x25xi32> to vector<13x25xf32>
    %broadcast_in_dim3A_302 = arith.constant 1.000000e+00 : f32
    %broadcast_in_dim3A_303 = vector.broadcast %broadcast_in_dim3A_302 : f32 to vector<13x1xf32>
    %mul3A_304 = vector.broadcast %broadcast_in_dim3A_303 : vector<13x1xf32> to vector<13x25xf32>
    %mul3A_305 = vector.broadcast %broadcast_in_dim3A_299 : vector<1x25xf32> to vector<13x25xf32>
    %mul3A_306 = arith.mulf %mul3A_304, %mul3A_305 : vector<13x25xf32>
    %eq3A_307 = arith.cmpf oeq, %convert_element_type3A_301, %mul3A_306 : vector<13x25xf32>
    %convert_element_type3A_308 = arith.extui %eq3A_307 : vector<13x25xi1> to vector<13x25xi32>
    %convert_element_type3A_309 = arith.sitofp %convert_element_type3A_308 : vector<13x25xi32> to vector<13x25xf32>
    %dot_general3A_310 = arith.constant dense<0.000000e+00> : vector<13x1xf32>
    %dot_general3A_311 = tpu.matmul %convert_element_type3A_309, %add3A_272, %dot_general3A_310 {dimension_numbers = #tpu.dot_dimension_numbers<[1], [0], [0], [1], [0, 0, 1, 1], [], []>, precision = #tpu.contract_precision<fp32>, transpose_lhs_hint = false} : vector<13x25xf32>, vector<25x1xf32>, vector<13x1xf32> -> vector<13x1xf32>
    %dot_general3A_312 = arith.constant dense<0.000000e+00> : vector<13x128xf32>
    %dot_general3A_313 = tpu.matmul %convert_element_type3A_309, %max3A_262, %dot_general3A_312 {dimension_numbers = #tpu.dot_dimension_numbers<[1], [0], [0], [1], [0, 0, 1, 1], [], []>, precision = #tpu.contract_precision<fp32>, transpose_lhs_hint = false} : vector<13x25xf32>, vector<25x128xf32>, vector<13x128xf32> -> vector<13x128xf32>
    %tanh3A_314 = math.tanh %dot_general3A_311 : vector<13x1xf32>
    %mul3A_315 = vector.broadcast %tanh3A_314 : vector<13x1xf32> to vector<13x128xf32>
    %mul3A_316 = arith.mulf %dot_general3A_313, %mul3A_315 : vector<13x128xf32>
    %reduce_max3A_317 = arith.constant dense<0xFF800000> : vector<128xf32>
    %reduce_max3A_318 = vector.multi_reduction <maximumf>, %mul3A_316, %reduce_max3A_317 [0] : vector<13x128xf32> to vector<128xf32>
    %broadcast_in_dim3A_319 = vector.shape_cast %reduce_max3A_318 : vector<128xf32> to vector<1x128xf32>
    %reduce_sum3A_320 = arith.constant dense<0.000000e+00> : vector<128xf32>
    %reduce_sum3A_321 = vector.multi_reduction <add>, %mul3A_316, %reduce_sum3A_320 [0] : vector<13x128xf32> to vector<128xf32>
    %broadcast_in_dim3A_322 = vector.shape_cast %reduce_sum3A_321 : vector<128xf32> to vector<1x128xf32>
    %div3A_323 = arith.constant 1.300000e+01 : f32
    %div3A_324 = vector.broadcast %div3A_323 : f32 to vector<1x128xf32>
    %div3A_325 = arith.divf %broadcast_in_dim3A_322, %div3A_324 : vector<1x128xf32>
    %concatenate3A_326 = tpu.concatenate %broadcast_in_dim3A_319, %div3A_325 in 1 : vector<1x128xf32>, vector<1x128xf32> -> vector<1x256xf32>
    %add3A_327 = arith.addf %add3A_233, %concatenate3A_326 : vector<1x256xf32>
    %swap3A = arith.constant 0 : index
    %swap3A_328 = arith.constant 0 : index
    %swap3A_329 = arith.constant 0 : index
    %swap3A_330 = vector.load %arg17[%swap3A, %swap3A_328, %swap3A_329] : memref<4x1x256xf32, #tpu.memory_space<vmem>>, vector<1x1x256xf32>
    %swap3A_331 = vector.shape_cast %swap3A_330 : vector<1x1x256xf32> to vector<1x256xf32>
    %swap3A_332 = vector.shape_cast %add3A_327 : vector<1x256xf32> to vector<1x1x256xf32>
    tpu.vector_store %arg17[%swap3A, %swap3A_328, %swap3A_329], %swap3A_332 {strides = array<i32>} : memref<4x1x256xf32, #tpu.memory_space<vmem>>, vector<1x1x256xf32>,
    %get3A_333 = arith.constant 1 : index
    %get3A_334 = arith.constant 0 : index
    %get3A_335 = arith.constant 0 : index
    %get3A_336 = vector.load %arg1[%get3A_333, %get3A_334, %get3A_335] : memref<4x100x128xf32, #tpu.memory_space<vmem>>, vector<1x100x128xf32>
    %get3A_337 = vector.shape_cast %get3A_336 : vector<1x100x128xf32> to vector<100x128xf32>
    %get3A_338 = arith.constant 1 : index
    %get3A_339 = arith.constant 0 : index
    %get3A_340 = arith.constant 0 : index
    %get3A_341 = vector.load %arg2[%get3A_338, %get3A_339, %get3A_340] : memref<4x100x128xf32, #tpu.memory_space<vmem>>, vector<1x100x128xf32>
    %get3A_342 = vector.shape_cast %get3A_341 : vector<1x100x128xf32> to vector<100x128xf32>
    %add3A_343 = arith.addf %get3A_337, %get3A_342 : vector<100x128xf32>
    %get3A_344 = arith.constant 1 : index
    %get3A_345 = arith.constant 0 : index
    %get3A_346 = arith.constant 0 : index
    %get3A_347 = vector.load %arg3[%get3A_344, %get3A_345, %get3A_346] : memref<4x100x128xf32, #tpu.memory_space<vmem>>, vector<1x100x128xf32>
    %get3A_348 = vector.shape_cast %get3A_347 : vector<1x100x128xf32> to vector<100x128xf32>
    %add3A_349 = arith.addf %add3A_343, %get3A_348 : vector<100x128xf32>
    %get3A_350 = arith.constant 1 : index
    %get3A_351 = arith.constant 0 : index
    %get3A_352 = arith.constant 0 : index
    %get3A_353 = vector.load %arg4[%get3A_350, %get3A_351, %get3A_352] : memref<4x100x100xf32, #tpu.memory_space<vmem>>, vector<1x100x100xf32>
    %get3A_354 = vector.shape_cast %get3A_353 : vector<1x100x100xf32> to vector<100x100xf32>
    %reduce_sum3A_355 = arith.constant dense<0.000000e+00> : vector<100xf32>
    %reduce_sum3A_356 = vector.multi_reduction <add>, %get3A_354, %reduce_sum3A_355 [1] : vector<100x100xf32> to vector<100xf32>
    %broadcast_in_dim3A_357 = vector.shape_cast %reduce_sum3A_356 : vector<100xf32> to vector<100x1xf32>
    %add3A_358 = arith.constant 1.000000e+00 : f32
    %add3A_359 = vector.broadcast %add3A_358 : f32 to vector<100x1xf32>
    %add3A_360 = arith.addf %broadcast_in_dim3A_357, %add3A_359 : vector<100x1xf32>
    %sqrt3A_361 = math.sqrt %add3A_360 : vector<100x1xf32>
    %div3A_362 = arith.constant 1.000000e+00 : f32
    %div3A_363 = vector.broadcast %div3A_362 : f32 to vector<100x1xf32>
    %div3A_364 = arith.divf %div3A_363, %sqrt3A_361 : vector<100x1xf32>
    %div3A_365 = arith.constant 1.000000e+00 : f32
    %div3A_366 = vector.broadcast %div3A_365 : f32 to vector<100x1xf32>
    %div3A_367 = arith.divf %div3A_366, %add3A_360 : vector<100x1xf32>
    %dot_general3A_368 = arith.constant dense<0.000000e+00> : vector<100x128xf32>
    %dot_general3A_369 = tpu.matmul %add3A_349, %get3A_1, %dot_general3A_368 {dimension_numbers = #tpu.dot_dimension_numbers<[1], [0], [0], [1], [0, 0, 1, 1], [], []>, transpose_lhs_hint = false} : vector<100x128xf32>, vector<128x128xf32>, vector<100x128xf32> -> vector<100x128xf32>
    %mul3A_370 = vector.broadcast %div3A_364 : vector<100x1xf32> to vector<100x128xf32>
    %mul3A_371 = arith.mulf %mul3A_370, %dot_general3A_369 : vector<100x128xf32>
    %dot_general3A_372 = arith.constant dense<0.000000e+00> : vector<100x128xf32>
    %dot_general3A_373 = tpu.matmul %get3A_354, %mul3A_371, %dot_general3A_372 {dimension_numbers = #tpu.dot_dimension_numbers<[1], [0], [0], [1], [0, 0, 1, 1], [], []>, precision = #tpu.contract_precision<fp32>, transpose_lhs_hint = false} : vector<100x100xf32>, vector<100x128xf32>, vector<100x128xf32> -> vector<100x128xf32>
    %mul3A_374 = vector.broadcast %div3A_364 : vector<100x1xf32> to vector<100x128xf32>
    %mul3A_375 = arith.mulf %mul3A_374, %dot_general3A_373 : vector<100x128xf32>
    %mul3A_376 = vector.broadcast %div3A_367 : vector<100x1xf32> to vector<100x128xf32>
    %mul3A_377 = arith.mulf %dot_general3A_369, %mul3A_376 : vector<100x128xf32>
    %add3A_378 = arith.addf %mul3A_375, %mul3A_377 : vector<100x128xf32>
    %add3A_379 = vector.broadcast %get3A_4 : vector<1x128xf32> to vector<100x128xf32>
    %add3A_380 = arith.addf %add3A_378, %add3A_379 : vector<100x128xf32>
    %max3A_381 = arith.constant 0.000000e+00 : f32
    %max3A_382 = vector.broadcast %max3A_381 : f32 to vector<100x128xf32>
    %max3A_383 = arith.maximumf %add3A_380, %max3A_382 : vector<100x128xf32>
    %dot_general3A_384 = arith.constant dense<0.000000e+00> : vector<100x1xf32>
    %dot_general3A_385 = tpu.matmul %max3A_383, %get3A_7, %dot_general3A_384 {dimension_numbers = #tpu.dot_dimension_numbers<[1], [0], [0], [1], [0, 0, 1, 1], [], []>, transpose_lhs_hint = false} : vector<100x128xf32>, vector<128x1xf32>, vector<100x1xf32> -> vector<100x1xf32>
    %mul3A_386 = arith.mulf %div3A_364, %dot_general3A_385 : vector<100x1xf32>
    %dot_general3A_387 = arith.constant dense<0.000000e+00> : vector<100x1xf32>
    %dot_general3A_388 = tpu.matmul %get3A_354, %mul3A_386, %dot_general3A_387 {dimension_numbers = #tpu.dot_dimension_numbers<[1], [0], [0], [1], [0, 0, 1, 1], [], []>, precision = #tpu.contract_precision<fp32>, transpose_lhs_hint = false} : vector<100x100xf32>, vector<100x1xf32>, vector<100x1xf32> -> vector<100x1xf32>
    %mul3A_389 = arith.mulf %div3A_364, %dot_general3A_388 : vector<100x1xf32>
    %mul3A_390 = arith.mulf %dot_general3A_385, %div3A_367 : vector<100x1xf32>
    %add3A_391 = arith.addf %mul3A_389, %mul3A_390 : vector<100x1xf32>
    %add3A_392 = vector.broadcast %get3A_10 : vector<1x1xf32> to vector<100x1xf32>
    %add3A_393 = arith.addf %add3A_391, %add3A_392 : vector<100x1xf32>
    %iota3A_394 = tpu.iota {dimensions = array<i32: 0>} : vector<100x100xi32>
    %iota3A_395 = tpu.iota {dimensions = array<i32: 1>} : vector<100x100xi32>
    %eq3A_396 = arith.cmpi eq, %iota3A_394, %iota3A_395 : vector<100x100xi32>
    %convert_element_type3A_397 = arith.extui %eq3A_396 : vector<100x100xi1> to vector<100x100xi32>
    %convert_element_type3A_398 = arith.sitofp %convert_element_type3A_397 : vector<100x100xi32> to vector<100x100xf32>
    %dot_general3A_399 = arith.constant dense<0.000000e+00> : vector<1x100xf32>
    %dot_general3A_400 = tpu.matmul %add3A_393, %convert_element_type3A_398, %dot_general3A_399 {dimension_numbers = #tpu.dot_dimension_numbers<[0], [0], [1], [1], [0, 1, 1, 1], [], []>, precision = #tpu.contract_precision<fp32>, transpose_lhs_hint = false} : vector<100x1xf32>, vector<100x100xf32>, vector<1x100xf32> -> vector<1x100xf32>
    %broadcast_in_dim3A_401 = arith.constant 1.000000e+00 : f32
    %broadcast_in_dim3A_402 = vector.broadcast %broadcast_in_dim3A_401 : f32 to vector<100x100xf32>
    %mul3A_403 = vector.broadcast %add3A_393 : vector<100x1xf32> to vector<100x100xf32>
    %mul3A_404 = arith.mulf %mul3A_403, %broadcast_in_dim3A_402 : vector<100x100xf32>
    %broadcast_in_dim3A_405 = arith.constant 1.000000e+00 : f32
    %broadcast_in_dim3A_406 = vector.broadcast %broadcast_in_dim3A_405 : f32 to vector<100x100xf32>
    %mul3A_407 = vector.broadcast %dot_general3A_400 : vector<1x100xf32> to vector<100x100xf32>
    %mul3A_408 = arith.mulf %mul3A_407, %broadcast_in_dim3A_406 : vector<100x100xf32>
    %iota3A_409 = tpu.iota {dimensions = array<i32: 0>} : vector<100x100xi32>
    %iota3A_410 = tpu.iota {dimensions = array<i32: 1>} : vector<100x100xi32>
    %gt3A_411 = arith.cmpf ogt, %mul3A_404, %mul3A_408 : vector<100x100xf32>
    %eq3A_412 = arith.cmpf oeq, %mul3A_404, %mul3A_408 : vector<100x100xf32>
    %lt3A_413 = arith.cmpi slt, %iota3A_409, %iota3A_410 : vector<100x100xi32>
    %and3A_414 = arith.andi %eq3A_412, %lt3A_413 : vector<100x100xi1>
    %or3A_415 = arith.ori %gt3A_411, %and3A_414 : vector<100x100xi1>
    %convert_element_type3A_416 = arith.extui %or3A_415 : vector<100x100xi1> to vector<100x100xi32>
    %convert_element_type3A_417 = arith.sitofp %convert_element_type3A_416 : vector<100x100xi32> to vector<100x100xf32>
    %reduce_sum3A_418 = arith.constant dense<0.000000e+00> : vector<100xf32>
    %reduce_sum3A_419 = vector.multi_reduction <add>, %convert_element_type3A_417, %reduce_sum3A_418 [0] : vector<100x100xf32> to vector<100xf32>
    %broadcast_in_dim3A_420 = vector.shape_cast %reduce_sum3A_419 : vector<100xf32> to vector<1x100xf32>
    %iota3A_421 = tpu.iota {dimensions = array<i32: 0>} : vector<50x100xi32>
    %convert_element_type3A_422 = arith.sitofp %iota3A_421 : vector<50x100xi32> to vector<50x100xf32>
    %broadcast_in_dim3A_423 = arith.constant 1.000000e+00 : f32
    %broadcast_in_dim3A_424 = vector.broadcast %broadcast_in_dim3A_423 : f32 to vector<50x1xf32>
    %mul3A_425 = vector.broadcast %broadcast_in_dim3A_424 : vector<50x1xf32> to vector<50x100xf32>
    %mul3A_426 = vector.broadcast %broadcast_in_dim3A_420 : vector<1x100xf32> to vector<50x100xf32>
    %mul3A_427 = arith.mulf %mul3A_425, %mul3A_426 : vector<50x100xf32>
    %eq3A_428 = arith.cmpf oeq, %convert_element_type3A_422, %mul3A_427 : vector<50x100xf32>
    %convert_element_type3A_429 = arith.extui %eq3A_428 : vector<50x100xi1> to vector<50x100xi32>
    %convert_element_type3A_430 = arith.sitofp %convert_element_type3A_429 : vector<50x100xi32> to vector<50x100xf32>
    %dot_general3A_431 = arith.constant dense<0.000000e+00> : vector<50x1xf32>
    %dot_general3A_432 = tpu.matmul %convert_element_type3A_430, %add3A_393, %dot_general3A_431 {dimension_numbers = #tpu.dot_dimension_numbers<[1], [0], [0], [1], [0, 0, 1, 1], [], []>, precision = #tpu.contract_precision<fp32>, transpose_lhs_hint = false} : vector<50x100xf32>, vector<100x1xf32>, vector<50x1xf32> -> vector<50x1xf32>
    %dot_general3A_433 = arith.constant dense<0.000000e+00> : vector<50x128xf32>
    %dot_general3A_434 = tpu.matmul %convert_element_type3A_430, %max3A_383, %dot_general3A_433 {dimension_numbers = #tpu.dot_dimension_numbers<[1], [0], [0], [1], [0, 0, 1, 1], [], []>, precision = #tpu.contract_precision<fp32>, transpose_lhs_hint = false} : vector<50x100xf32>, vector<100x128xf32>, vector<50x128xf32> -> vector<50x128xf32>
    %tanh3A_435 = math.tanh %dot_general3A_432 : vector<50x1xf32>
    %mul3A_436 = vector.broadcast %tanh3A_435 : vector<50x1xf32> to vector<50x128xf32>
    %mul3A_437 = arith.mulf %dot_general3A_434, %mul3A_436 : vector<50x128xf32>
    %dot_general3A_438 = arith.constant dense<0.000000e+00> : vector<100x50xf32>
    %dot_general3A_439 = tpu.matmul %get3A_354, %convert_element_type3A_430, %dot_general3A_438 {dimension_numbers = #tpu.dot_dimension_numbers<[1], [1], [0], [0], [0, 0, 1, 0], [], []>, precision = #tpu.contract_precision<fp32>, transpose_lhs_hint = false} : vector<100x100xf32>, vector<50x100xf32>, vector<100x50xf32> -> vector<100x50xf32>
    %dot_general3A_440 = arith.constant dense<0.000000e+00> : vector<50x50xf32>
    %dot_general3A_441 = tpu.matmul %convert_element_type3A_430, %dot_general3A_439, %dot_general3A_440 {dimension_numbers = #tpu.dot_dimension_numbers<[1], [0], [0], [1], [0, 0, 1, 1], [], []>, precision = #tpu.contract_precision<fp32>, transpose_lhs_hint = false} : vector<50x100xf32>, vector<100x50xf32>, vector<50x50xf32> -> vector<50x50xf32>
    %reduce_max3A_442 = arith.constant dense<0xFF800000> : vector<128xf32>
    %reduce_max3A_443 = vector.multi_reduction <maximumf>, %mul3A_437, %reduce_max3A_442 [0] : vector<50x128xf32> to vector<128xf32>
    %broadcast_in_dim3A_444 = vector.shape_cast %reduce_max3A_443 : vector<128xf32> to vector<1x128xf32>
    %reduce_sum3A_445 = arith.constant dense<0.000000e+00> : vector<128xf32>
    %reduce_sum3A_446 = vector.multi_reduction <add>, %mul3A_437, %reduce_sum3A_445 [0] : vector<50x128xf32> to vector<128xf32>
    %broadcast_in_dim3A_447 = vector.shape_cast %reduce_sum3A_446 : vector<128xf32> to vector<1x128xf32>
    %div3A_448 = arith.constant 5.000000e+01 : f32
    %div3A_449 = vector.broadcast %div3A_448 : f32 to vector<1x128xf32>
    %div3A_450 = arith.divf %broadcast_in_dim3A_447, %div3A_449 : vector<1x128xf32>
    %concatenate3A_451 = tpu.concatenate %broadcast_in_dim3A_444, %div3A_450 in 1 : vector<1x128xf32>, vector<1x128xf32> -> vector<1x256xf32>
    %reduce_sum3A_452 = arith.constant dense<0.000000e+00> : vector<50xf32>
    %reduce_sum3A_453 = vector.multi_reduction <add>, %dot_general3A_441, %reduce_sum3A_452 [1] : vector<50x50xf32> to vector<50xf32>
    %broadcast_in_dim3A_454 = vector.shape_cast %reduce_sum3A_453 : vector<50xf32> to vector<50x1xf32>
    %add3A_455 = arith.constant 1.000000e+00 : f32
    %add3A_456 = vector.broadcast %add3A_455 : f32 to vector<50x1xf32>
    %add3A_457 = arith.addf %broadcast_in_dim3A_454, %add3A_456 : vector<50x1xf32>
    %sqrt3A_458 = math.sqrt %add3A_457 : vector<50x1xf32>
    %div3A_459 = arith.constant 1.000000e+00 : f32
    %div3A_460 = vector.broadcast %div3A_459 : f32 to vector<50x1xf32>
    %div3A_461 = arith.divf %div3A_460, %sqrt3A_458 : vector<50x1xf32>
    %div3A_462 = arith.constant 1.000000e+00 : f32
    %div3A_463 = vector.broadcast %div3A_462 : f32 to vector<50x1xf32>
    %div3A_464 = arith.divf %div3A_463, %add3A_457 : vector<50x1xf32>
    %dot_general3A_465 = arith.constant dense<0.000000e+00> : vector<50x128xf32>
    %dot_general3A_466 = tpu.matmul %mul3A_437, %get3A_13, %dot_general3A_465 {dimension_numbers = #tpu.dot_dimension_numbers<[1], [0], [0], [1], [0, 0, 1, 1], [], []>, transpose_lhs_hint = false} : vector<50x128xf32>, vector<128x128xf32>, vector<50x128xf32> -> vector<50x128xf32>
    %mul3A_467 = vector.broadcast %div3A_461 : vector<50x1xf32> to vector<50x128xf32>
    %mul3A_468 = arith.mulf %mul3A_467, %dot_general3A_466 : vector<50x128xf32>
    %dot_general3A_469 = arith.constant dense<0.000000e+00> : vector<50x128xf32>
    %dot_general3A_470 = tpu.matmul %dot_general3A_441, %mul3A_468, %dot_general3A_469 {dimension_numbers = #tpu.dot_dimension_numbers<[1], [0], [0], [1], [0, 0, 1, 1], [], []>, precision = #tpu.contract_precision<fp32>, transpose_lhs_hint = false} : vector<50x50xf32>, vector<50x128xf32>, vector<50x128xf32> -> vector<50x128xf32>
    %mul3A_471 = vector.broadcast %div3A_461 : vector<50x1xf32> to vector<50x128xf32>
    %mul3A_472 = arith.mulf %mul3A_471, %dot_general3A_470 : vector<50x128xf32>
    %mul3A_473 = vector.broadcast %div3A_464 : vector<50x1xf32> to vector<50x128xf32>
    %mul3A_474 = arith.mulf %dot_general3A_466, %mul3A_473 : vector<50x128xf32>
    %add3A_475 = arith.addf %mul3A_472, %mul3A_474 : vector<50x128xf32>
    %add3A_476 = vector.broadcast %get3A_16 : vector<1x128xf32> to vector<50x128xf32>
    %add3A_477 = arith.addf %add3A_475, %add3A_476 : vector<50x128xf32>
    %max3A_478 = arith.constant 0.000000e+00 : f32
    %max3A_479 = vector.broadcast %max3A_478 : f32 to vector<50x128xf32>
    %max3A_480 = arith.maximumf %add3A_477, %max3A_479 : vector<50x128xf32>
    %dot_general3A_481 = arith.constant dense<0.000000e+00> : vector<50x1xf32>
    %dot_general3A_482 = tpu.matmul %max3A_480, %get3A_19, %dot_general3A_481 {dimension_numbers = #tpu.dot_dimension_numbers<[1], [0], [0], [1], [0, 0, 1, 1], [], []>, transpose_lhs_hint = false} : vector<50x128xf32>, vector<128x1xf32>, vector<50x1xf32> -> vector<50x1xf32>
    %mul3A_483 = arith.mulf %div3A_461, %dot_general3A_482 : vector<50x1xf32>
    %dot_general3A_484 = arith.constant dense<0.000000e+00> : vector<50x1xf32>
    %dot_general3A_485 = tpu.matmul %dot_general3A_441, %mul3A_483, %dot_general3A_484 {dimension_numbers = #tpu.dot_dimension_numbers<[1], [0], [0], [1], [0, 0, 1, 1], [], []>, precision = #tpu.contract_precision<fp32>, transpose_lhs_hint = false} : vector<50x50xf32>, vector<50x1xf32>, vector<50x1xf32> -> vector<50x1xf32>
    %mul3A_486 = arith.mulf %div3A_461, %dot_general3A_485 : vector<50x1xf32>
    %mul3A_487 = arith.mulf %dot_general3A_482, %div3A_464 : vector<50x1xf32>
    %add3A_488 = arith.addf %mul3A_486, %mul3A_487 : vector<50x1xf32>
    %add3A_489 = vector.broadcast %get3A_22 : vector<1x1xf32> to vector<50x1xf32>
    %add3A_490 = arith.addf %add3A_488, %add3A_489 : vector<50x1xf32>
    %iota3A_491 = tpu.iota {dimensions = array<i32: 0>} : vector<50x50xi32>
    %iota3A_492 = tpu.iota {dimensions = array<i32: 1>} : vector<50x50xi32>
    %eq3A_493 = arith.cmpi eq, %iota3A_491, %iota3A_492 : vector<50x50xi32>
    %convert_element_type3A_494 = arith.extui %eq3A_493 : vector<50x50xi1> to vector<50x50xi32>
    %convert_element_type3A_495 = arith.sitofp %convert_element_type3A_494 : vector<50x50xi32> to vector<50x50xf32>
    %dot_general3A_496 = arith.constant dense<0.000000e+00> : vector<1x50xf32>
    %dot_general3A_497 = tpu.matmul %add3A_490, %convert_element_type3A_495, %dot_general3A_496 {dimension_numbers = #tpu.dot_dimension_numbers<[0], [0], [1], [1], [0, 1, 1, 1], [], []>, precision = #tpu.contract_precision<fp32>, transpose_lhs_hint = false} : vector<50x1xf32>, vector<50x50xf32>, vector<1x50xf32> -> vector<1x50xf32>
    %broadcast_in_dim3A_498 = arith.constant 1.000000e+00 : f32
    %broadcast_in_dim3A_499 = vector.broadcast %broadcast_in_dim3A_498 : f32 to vector<50x50xf32>
    %mul3A_500 = vector.broadcast %add3A_490 : vector<50x1xf32> to vector<50x50xf32>
    %mul3A_501 = arith.mulf %mul3A_500, %broadcast_in_dim3A_499 : vector<50x50xf32>
    %broadcast_in_dim3A_502 = arith.constant 1.000000e+00 : f32
    %broadcast_in_dim3A_503 = vector.broadcast %broadcast_in_dim3A_502 : f32 to vector<50x50xf32>
    %mul3A_504 = vector.broadcast %dot_general3A_497 : vector<1x50xf32> to vector<50x50xf32>
    %mul3A_505 = arith.mulf %mul3A_504, %broadcast_in_dim3A_503 : vector<50x50xf32>
    %iota3A_506 = tpu.iota {dimensions = array<i32: 0>} : vector<50x50xi32>
    %iota3A_507 = tpu.iota {dimensions = array<i32: 1>} : vector<50x50xi32>
    %gt3A_508 = arith.cmpf ogt, %mul3A_501, %mul3A_505 : vector<50x50xf32>
    %eq3A_509 = arith.cmpf oeq, %mul3A_501, %mul3A_505 : vector<50x50xf32>
    %lt3A_510 = arith.cmpi slt, %iota3A_506, %iota3A_507 : vector<50x50xi32>
    %and3A_511 = arith.andi %eq3A_509, %lt3A_510 : vector<50x50xi1>
    %or3A_512 = arith.ori %gt3A_508, %and3A_511 : vector<50x50xi1>
    %convert_element_type3A_513 = arith.extui %or3A_512 : vector<50x50xi1> to vector<50x50xi32>
    %convert_element_type3A_514 = arith.sitofp %convert_element_type3A_513 : vector<50x50xi32> to vector<50x50xf32>
    %reduce_sum3A_515 = arith.constant dense<0.000000e+00> : vector<50xf32>
    %reduce_sum3A_516 = vector.multi_reduction <add>, %convert_element_type3A_514, %reduce_sum3A_515 [0] : vector<50x50xf32> to vector<50xf32>
    %broadcast_in_dim3A_517 = vector.shape_cast %reduce_sum3A_516 : vector<50xf32> to vector<1x50xf32>
    %iota3A_518 = tpu.iota {dimensions = array<i32: 0>} : vector<25x50xi32>
    %convert_element_type3A_519 = arith.sitofp %iota3A_518 : vector<25x50xi32> to vector<25x50xf32>
    %broadcast_in_dim3A_520 = arith.constant 1.000000e+00 : f32
    %broadcast_in_dim3A_521 = vector.broadcast %broadcast_in_dim3A_520 : f32 to vector<25x1xf32>
    %mul3A_522 = vector.broadcast %broadcast_in_dim3A_521 : vector<25x1xf32> to vector<25x50xf32>
    %mul3A_523 = vector.broadcast %broadcast_in_dim3A_517 : vector<1x50xf32> to vector<25x50xf32>
    %mul3A_524 = arith.mulf %mul3A_522, %mul3A_523 : vector<25x50xf32>
    %eq3A_525 = arith.cmpf oeq, %convert_element_type3A_519, %mul3A_524 : vector<25x50xf32>
    %convert_element_type3A_526 = arith.extui %eq3A_525 : vector<25x50xi1> to vector<25x50xi32>
    %convert_element_type3A_527 = arith.sitofp %convert_element_type3A_526 : vector<25x50xi32> to vector<25x50xf32>
    %dot_general3A_528 = arith.constant dense<0.000000e+00> : vector<25x1xf32>
    %dot_general3A_529 = tpu.matmul %convert_element_type3A_527, %add3A_490, %dot_general3A_528 {dimension_numbers = #tpu.dot_dimension_numbers<[1], [0], [0], [1], [0, 0, 1, 1], [], []>, precision = #tpu.contract_precision<fp32>, transpose_lhs_hint = false} : vector<25x50xf32>, vector<50x1xf32>, vector<25x1xf32> -> vector<25x1xf32>
    %dot_general3A_530 = arith.constant dense<0.000000e+00> : vector<25x128xf32>
    %dot_general3A_531 = tpu.matmul %convert_element_type3A_527, %max3A_480, %dot_general3A_530 {dimension_numbers = #tpu.dot_dimension_numbers<[1], [0], [0], [1], [0, 0, 1, 1], [], []>, precision = #tpu.contract_precision<fp32>, transpose_lhs_hint = false} : vector<25x50xf32>, vector<50x128xf32>, vector<25x128xf32> -> vector<25x128xf32>
    %tanh3A_532 = math.tanh %dot_general3A_529 : vector<25x1xf32>
    %mul3A_533 = vector.broadcast %tanh3A_532 : vector<25x1xf32> to vector<25x128xf32>
    %mul3A_534 = arith.mulf %dot_general3A_531, %mul3A_533 : vector<25x128xf32>
    %dot_general3A_535 = arith.constant dense<0.000000e+00> : vector<50x25xf32>
    %dot_general3A_536 = tpu.matmul %dot_general3A_441, %convert_element_type3A_527, %dot_general3A_535 {dimension_numbers = #tpu.dot_dimension_numbers<[1], [1], [0], [0], [0, 0, 1, 0], [], []>, precision = #tpu.contract_precision<fp32>, transpose_lhs_hint = false} : vector<50x50xf32>, vector<25x50xf32>, vector<50x25xf32> -> vector<50x25xf32>
    %dot_general3A_537 = arith.constant dense<0.000000e+00> : vector<25x25xf32>
    %dot_general3A_538 = tpu.matmul %convert_element_type3A_527, %dot_general3A_536, %dot_general3A_537 {dimension_numbers = #tpu.dot_dimension_numbers<[1], [0], [0], [1], [0, 0, 1, 1], [], []>, precision = #tpu.contract_precision<fp32>, transpose_lhs_hint = false} : vector<25x50xf32>, vector<50x25xf32>, vector<25x25xf32> -> vector<25x25xf32>
    %reduce_max3A_539 = arith.constant dense<0xFF800000> : vector<128xf32>
    %reduce_max3A_540 = vector.multi_reduction <maximumf>, %mul3A_534, %reduce_max3A_539 [0] : vector<25x128xf32> to vector<128xf32>
    %broadcast_in_dim3A_541 = vector.shape_cast %reduce_max3A_540 : vector<128xf32> to vector<1x128xf32>
    %reduce_sum3A_542 = arith.constant dense<0.000000e+00> : vector<128xf32>
    %reduce_sum3A_543 = vector.multi_reduction <add>, %mul3A_534, %reduce_sum3A_542 [0] : vector<25x128xf32> to vector<128xf32>
    %broadcast_in_dim3A_544 = vector.shape_cast %reduce_sum3A_543 : vector<128xf32> to vector<1x128xf32>
    %div3A_545 = arith.constant 2.500000e+01 : f32
    %div3A_546 = vector.broadcast %div3A_545 : f32 to vector<1x128xf32>
    %div3A_547 = arith.divf %broadcast_in_dim3A_544, %div3A_546 : vector<1x128xf32>
    %concatenate3A_548 = tpu.concatenate %broadcast_in_dim3A_541, %div3A_547 in 1 : vector<1x128xf32>, vector<1x128xf32> -> vector<1x256xf32>
    %add3A_549 = arith.addf %concatenate3A_451, %concatenate3A_548 : vector<1x256xf32>
    %reduce_sum3A_550 = arith.constant dense<0.000000e+00> : vector<25xf32>
    %reduce_sum3A_551 = vector.multi_reduction <add>, %dot_general3A_538, %reduce_sum3A_550 [1] : vector<25x25xf32> to vector<25xf32>
    %broadcast_in_dim3A_552 = vector.shape_cast %reduce_sum3A_551 : vector<25xf32> to vector<25x1xf32>
    %add3A_553 = arith.constant 1.000000e+00 : f32
    %add3A_554 = vector.broadcast %add3A_553 : f32 to vector<25x1xf32>
    %add3A_555 = arith.addf %broadcast_in_dim3A_552, %add3A_554 : vector<25x1xf32>
    %sqrt3A_556 = math.sqrt %add3A_555 : vector<25x1xf32>
    %div3A_557 = arith.constant 1.000000e+00 : f32
    %div3A_558 = vector.broadcast %div3A_557 : f32 to vector<25x1xf32>
    %div3A_559 = arith.divf %div3A_558, %sqrt3A_556 : vector<25x1xf32>
    %div3A_560 = arith.constant 1.000000e+00 : f32
    %div3A_561 = vector.broadcast %div3A_560 : f32 to vector<25x1xf32>
    %div3A_562 = arith.divf %div3A_561, %add3A_555 : vector<25x1xf32>
    %dot_general3A_563 = arith.constant dense<0.000000e+00> : vector<25x128xf32>
    %dot_general3A_564 = tpu.matmul %mul3A_534, %get3A_25, %dot_general3A_563 {dimension_numbers = #tpu.dot_dimension_numbers<[1], [0], [0], [1], [0, 0, 1, 1], [], []>, transpose_lhs_hint = false} : vector<25x128xf32>, vector<128x128xf32>, vector<25x128xf32> -> vector<25x128xf32>
    %mul3A_565 = vector.broadcast %div3A_559 : vector<25x1xf32> to vector<25x128xf32>
    %mul3A_566 = arith.mulf %mul3A_565, %dot_general3A_564 : vector<25x128xf32>
    %dot_general3A_567 = arith.constant dense<0.000000e+00> : vector<25x128xf32>
    %dot_general3A_568 = tpu.matmul %dot_general3A_538, %mul3A_566, %dot_general3A_567 {dimension_numbers = #tpu.dot_dimension_numbers<[1], [0], [0], [1], [0, 0, 1, 1], [], []>, precision = #tpu.contract_precision<fp32>, transpose_lhs_hint = false} : vector<25x25xf32>, vector<25x128xf32>, vector<25x128xf32> -> vector<25x128xf32>
    %mul3A_569 = vector.broadcast %div3A_559 : vector<25x1xf32> to vector<25x128xf32>
    %mul3A_570 = arith.mulf %mul3A_569, %dot_general3A_568 : vector<25x128xf32>
    %mul3A_571 = vector.broadcast %div3A_562 : vector<25x1xf32> to vector<25x128xf32>
    %mul3A_572 = arith.mulf %dot_general3A_564, %mul3A_571 : vector<25x128xf32>
    %add3A_573 = arith.addf %mul3A_570, %mul3A_572 : vector<25x128xf32>
    %add3A_574 = vector.broadcast %get3A_28 : vector<1x128xf32> to vector<25x128xf32>
    %add3A_575 = arith.addf %add3A_573, %add3A_574 : vector<25x128xf32>
    %max3A_576 = arith.constant 0.000000e+00 : f32
    %max3A_577 = vector.broadcast %max3A_576 : f32 to vector<25x128xf32>
    %max3A_578 = arith.maximumf %add3A_575, %max3A_577 : vector<25x128xf32>
    %dot_general3A_579 = arith.constant dense<0.000000e+00> : vector<25x1xf32>
    %dot_general3A_580 = tpu.matmul %max3A_578, %get3A_31, %dot_general3A_579 {dimension_numbers = #tpu.dot_dimension_numbers<[1], [0], [0], [1], [0, 0, 1, 1], [], []>, transpose_lhs_hint = false} : vector<25x128xf32>, vector<128x1xf32>, vector<25x1xf32> -> vector<25x1xf32>
    %mul3A_581 = arith.mulf %div3A_559, %dot_general3A_580 : vector<25x1xf32>
    %dot_general3A_582 = arith.constant dense<0.000000e+00> : vector<25x1xf32>
    %dot_general3A_583 = tpu.matmul %dot_general3A_538, %mul3A_581, %dot_general3A_582 {dimension_numbers = #tpu.dot_dimension_numbers<[1], [0], [0], [1], [0, 0, 1, 1], [], []>, precision = #tpu.contract_precision<fp32>, transpose_lhs_hint = false} : vector<25x25xf32>, vector<25x1xf32>, vector<25x1xf32> -> vector<25x1xf32>
    %mul3A_584 = arith.mulf %div3A_559, %dot_general3A_583 : vector<25x1xf32>
    %mul3A_585 = arith.mulf %dot_general3A_580, %div3A_562 : vector<25x1xf32>
    %add3A_586 = arith.addf %mul3A_584, %mul3A_585 : vector<25x1xf32>
    %add3A_587 = vector.broadcast %get3A_34 : vector<1x1xf32> to vector<25x1xf32>
    %add3A_588 = arith.addf %add3A_586, %add3A_587 : vector<25x1xf32>
    %iota3A_589 = tpu.iota {dimensions = array<i32: 0>} : vector<25x25xi32>
    %iota3A_590 = tpu.iota {dimensions = array<i32: 1>} : vector<25x25xi32>
    %eq3A_591 = arith.cmpi eq, %iota3A_589, %iota3A_590 : vector<25x25xi32>
    %convert_element_type3A_592 = arith.extui %eq3A_591 : vector<25x25xi1> to vector<25x25xi32>
    %convert_element_type3A_593 = arith.sitofp %convert_element_type3A_592 : vector<25x25xi32> to vector<25x25xf32>
    %dot_general3A_594 = arith.constant dense<0.000000e+00> : vector<1x25xf32>
    %dot_general3A_595 = tpu.matmul %add3A_588, %convert_element_type3A_593, %dot_general3A_594 {dimension_numbers = #tpu.dot_dimension_numbers<[0], [0], [1], [1], [0, 1, 1, 1], [], []>, precision = #tpu.contract_precision<fp32>, transpose_lhs_hint = false} : vector<25x1xf32>, vector<25x25xf32>, vector<1x25xf32> -> vector<1x25xf32>
    %broadcast_in_dim3A_596 = arith.constant 1.000000e+00 : f32
    %broadcast_in_dim3A_597 = vector.broadcast %broadcast_in_dim3A_596 : f32 to vector<25x25xf32>
    %mul3A_598 = vector.broadcast %add3A_588 : vector<25x1xf32> to vector<25x25xf32>
    %mul3A_599 = arith.mulf %mul3A_598, %broadcast_in_dim3A_597 : vector<25x25xf32>
    %broadcast_in_dim3A_600 = arith.constant 1.000000e+00 : f32
    %broadcast_in_dim3A_601 = vector.broadcast %broadcast_in_dim3A_600 : f32 to vector<25x25xf32>
    %mul3A_602 = vector.broadcast %dot_general3A_595 : vector<1x25xf32> to vector<25x25xf32>
    %mul3A_603 = arith.mulf %mul3A_602, %broadcast_in_dim3A_601 : vector<25x25xf32>
    %iota3A_604 = tpu.iota {dimensions = array<i32: 0>} : vector<25x25xi32>
    %iota3A_605 = tpu.iota {dimensions = array<i32: 1>} : vector<25x25xi32>
    %gt3A_606 = arith.cmpf ogt, %mul3A_599, %mul3A_603 : vector<25x25xf32>
    %eq3A_607 = arith.cmpf oeq, %mul3A_599, %mul3A_603 : vector<25x25xf32>
    %lt3A_608 = arith.cmpi slt, %iota3A_604, %iota3A_605 : vector<25x25xi32>
    %and3A_609 = arith.andi %eq3A_607, %lt3A_608 : vector<25x25xi1>
    %or3A_610 = arith.ori %gt3A_606, %and3A_609 : vector<25x25xi1>
    %convert_element_type3A_611 = arith.extui %or3A_610 : vector<25x25xi1> to vector<25x25xi32>
    %convert_element_type3A_612 = arith.sitofp %convert_element_type3A_611 : vector<25x25xi32> to vector<25x25xf32>
    %reduce_sum3A_613 = arith.constant dense<0.000000e+00> : vector<25xf32>
    %reduce_sum3A_614 = vector.multi_reduction <add>, %convert_element_type3A_612, %reduce_sum3A_613 [0] : vector<25x25xf32> to vector<25xf32>
    %broadcast_in_dim3A_615 = vector.shape_cast %reduce_sum3A_614 : vector<25xf32> to vector<1x25xf32>
    %iota3A_616 = tpu.iota {dimensions = array<i32: 0>} : vector<13x25xi32>
    %convert_element_type3A_617 = arith.sitofp %iota3A_616 : vector<13x25xi32> to vector<13x25xf32>
    %broadcast_in_dim3A_618 = arith.constant 1.000000e+00 : f32
    %broadcast_in_dim3A_619 = vector.broadcast %broadcast_in_dim3A_618 : f32 to vector<13x1xf32>
    %mul3A_620 = vector.broadcast %broadcast_in_dim3A_619 : vector<13x1xf32> to vector<13x25xf32>
    %mul3A_621 = vector.broadcast %broadcast_in_dim3A_615 : vector<1x25xf32> to vector<13x25xf32>
    %mul3A_622 = arith.mulf %mul3A_620, %mul3A_621 : vector<13x25xf32>
    %eq3A_623 = arith.cmpf oeq, %convert_element_type3A_617, %mul3A_622 : vector<13x25xf32>
    %convert_element_type3A_624 = arith.extui %eq3A_623 : vector<13x25xi1> to vector<13x25xi32>
    %convert_element_type3A_625 = arith.sitofp %convert_element_type3A_624 : vector<13x25xi32> to vector<13x25xf32>
    %dot_general3A_626 = arith.constant dense<0.000000e+00> : vector<13x1xf32>
    %dot_general3A_627 = tpu.matmul %convert_element_type3A_625, %add3A_588, %dot_general3A_626 {dimension_numbers = #tpu.dot_dimension_numbers<[1], [0], [0], [1], [0, 0, 1, 1], [], []>, precision = #tpu.contract_precision<fp32>, transpose_lhs_hint = false} : vector<13x25xf32>, vector<25x1xf32>, vector<13x1xf32> -> vector<13x1xf32>
    %dot_general3A_628 = arith.constant dense<0.000000e+00> : vector<13x128xf32>
    %dot_general3A_629 = tpu.matmul %convert_element_type3A_625, %max3A_578, %dot_general3A_628 {dimension_numbers = #tpu.dot_dimension_numbers<[1], [0], [0], [1], [0, 0, 1, 1], [], []>, precision = #tpu.contract_precision<fp32>, transpose_lhs_hint = false} : vector<13x25xf32>, vector<25x128xf32>, vector<13x128xf32> -> vector<13x128xf32>
    %tanh3A_630 = math.tanh %dot_general3A_627 : vector<13x1xf32>
    %mul3A_631 = vector.broadcast %tanh3A_630 : vector<13x1xf32> to vector<13x128xf32>
    %mul3A_632 = arith.mulf %dot_general3A_629, %mul3A_631 : vector<13x128xf32>
    %reduce_max3A_633 = arith.constant dense<0xFF800000> : vector<128xf32>
    %reduce_max3A_634 = vector.multi_reduction <maximumf>, %mul3A_632, %reduce_max3A_633 [0] : vector<13x128xf32> to vector<128xf32>
    %broadcast_in_dim3A_635 = vector.shape_cast %reduce_max3A_634 : vector<128xf32> to vector<1x128xf32>
    %reduce_sum3A_636 = arith.constant dense<0.000000e+00> : vector<128xf32>
    %reduce_sum3A_637 = vector.multi_reduction <add>, %mul3A_632, %reduce_sum3A_636 [0] : vector<13x128xf32> to vector<128xf32>
    %broadcast_in_dim3A_638 = vector.shape_cast %reduce_sum3A_637 : vector<128xf32> to vector<1x128xf32>
    %div3A_639 = arith.constant 1.300000e+01 : f32
    %div3A_640 = vector.broadcast %div3A_639 : f32 to vector<1x128xf32>
    %div3A_641 = arith.divf %broadcast_in_dim3A_638, %div3A_640 : vector<1x128xf32>
    %concatenate3A_642 = tpu.concatenate %broadcast_in_dim3A_635, %div3A_641 in 1 : vector<1x128xf32>, vector<1x128xf32> -> vector<1x256xf32>
    %add3A_643 = arith.addf %add3A_549, %concatenate3A_642 : vector<1x256xf32>
    %swap3A_644 = arith.constant 1 : index
    %swap3A_645 = arith.constant 0 : index
    %swap3A_646 = arith.constant 0 : index
    %swap3A_647 = vector.load %arg17[%swap3A_644, %swap3A_645, %swap3A_646] : memref<4x1x256xf32, #tpu.memory_space<vmem>>, vector<1x1x256xf32>
    %swap3A_648 = vector.shape_cast %swap3A_647 : vector<1x1x256xf32> to vector<1x256xf32>
    %swap3A_649 = vector.shape_cast %add3A_643 : vector<1x256xf32> to vector<1x1x256xf32>
    tpu.vector_store %arg17[%swap3A_644, %swap3A_645, %swap3A_646], %swap3A_649 {strides = array<i32>} : memref<4x1x256xf32, #tpu.memory_space<vmem>>, vector<1x1x256xf32>,
    %get3A_650 = arith.constant 2 : index
    %get3A_651 = arith.constant 0 : index
    %get3A_652 = arith.constant 0 : index
    %get3A_653 = vector.load %arg1[%get3A_650, %get3A_651, %get3A_652] : memref<4x100x128xf32, #tpu.memory_space<vmem>>, vector<1x100x128xf32>
    %get3A_654 = vector.shape_cast %get3A_653 : vector<1x100x128xf32> to vector<100x128xf32>
    %get3A_655 = arith.constant 2 : index
    %get3A_656 = arith.constant 0 : index
    %get3A_657 = arith.constant 0 : index
    %get3A_658 = vector.load %arg2[%get3A_655, %get3A_656, %get3A_657] : memref<4x100x128xf32, #tpu.memory_space<vmem>>, vector<1x100x128xf32>
    %get3A_659 = vector.shape_cast %get3A_658 : vector<1x100x128xf32> to vector<100x128xf32>
    %add3A_660 = arith.addf %get3A_654, %get3A_659 : vector<100x128xf32>
    %get3A_661 = arith.constant 2 : index
    %get3A_662 = arith.constant 0 : index
    %get3A_663 = arith.constant 0 : index
    %get3A_664 = vector.load %arg3[%get3A_661, %get3A_662, %get3A_663] : memref<4x100x128xf32, #tpu.memory_space<vmem>>, vector<1x100x128xf32>
    %get3A_665 = vector.shape_cast %get3A_664 : vector<1x100x128xf32> to vector<100x128xf32>
    %add3A_666 = arith.addf %add3A_660, %get3A_665 : vector<100x128xf32>
    %get3A_667 = arith.constant 2 : index
    %get3A_668 = arith.constant 0 : index
    %get3A_669 = arith.constant 0 : index
    %get3A_670 = vector.load %arg4[%get3A_667, %get3A_668, %get3A_669] : memref<4x100x100xf32, #tpu.memory_space<vmem>>, vector<1x100x100xf32>
    %get3A_671 = vector.shape_cast %get3A_670 : vector<1x100x100xf32> to vector<100x100xf32>
    %reduce_sum3A_672 = arith.constant dense<0.000000e+00> : vector<100xf32>
    %reduce_sum3A_673 = vector.multi_reduction <add>, %get3A_671, %reduce_sum3A_672 [1] : vector<100x100xf32> to vector<100xf32>
    %broadcast_in_dim3A_674 = vector.shape_cast %reduce_sum3A_673 : vector<100xf32> to vector<100x1xf32>
    %add3A_675 = arith.constant 1.000000e+00 : f32
    %add3A_676 = vector.broadcast %add3A_675 : f32 to vector<100x1xf32>
    %add3A_677 = arith.addf %broadcast_in_dim3A_674, %add3A_676 : vector<100x1xf32>
    %sqrt3A_678 = math.sqrt %add3A_677 : vector<100x1xf32>
    %div3A_679 = arith.constant 1.000000e+00 : f32
    %div3A_680 = vector.broadcast %div3A_679 : f32 to vector<100x1xf32>
    %div3A_681 = arith.divf %div3A_680, %sqrt3A_678 : vector<100x1xf32>
    %div3A_682 = arith.constant 1.000000e+00 : f32
    %div3A_683 = vector.broadcast %div3A_682 : f32 to vector<100x1xf32>
    %div3A_684 = arith.divf %div3A_683, %add3A_677 : vector<100x1xf32>
    %dot_general3A_685 = arith.constant dense<0.000000e+00> : vector<100x128xf32>
    %dot_general3A_686 = tpu.matmul %add3A_666, %get3A_1, %dot_general3A_685 {dimension_numbers = #tpu.dot_dimension_numbers<[1], [0], [0], [1], [0, 0, 1, 1], [], []>, transpose_lhs_hint = false} : vector<100x128xf32>, vector<128x128xf32>, vector<100x128xf32> -> vector<100x128xf32>
    %mul3A_687 = vector.broadcast %div3A_681 : vector<100x1xf32> to vector<100x128xf32>
    %mul3A_688 = arith.mulf %mul3A_687, %dot_general3A_686 : vector<100x128xf32>
    %dot_general3A_689 = arith.constant dense<0.000000e+00> : vector<100x128xf32>
    %dot_general3A_690 = tpu.matmul %get3A_671, %mul3A_688, %dot_general3A_689 {dimension_numbers = #tpu.dot_dimension_numbers<[1], [0], [0], [1], [0, 0, 1, 1], [], []>, precision = #tpu.contract_precision<fp32>, transpose_lhs_hint = false} : vector<100x100xf32>, vector<100x128xf32>, vector<100x128xf32> -> vector<100x128xf32>
    %mul3A_691 = vector.broadcast %div3A_681 : vector<100x1xf32> to vector<100x128xf32>
    %mul3A_692 = arith.mulf %mul3A_691, %dot_general3A_690 : vector<100x128xf32>
    %mul3A_693 = vector.broadcast %div3A_684 : vector<100x1xf32> to vector<100x128xf32>
    %mul3A_694 = arith.mulf %dot_general3A_686, %mul3A_693 : vector<100x128xf32>
    %add3A_695 = arith.addf %mul3A_692, %mul3A_694 : vector<100x128xf32>
    %add3A_696 = vector.broadcast %get3A_4 : vector<1x128xf32> to vector<100x128xf32>
    %add3A_697 = arith.addf %add3A_695, %add3A_696 : vector<100x128xf32>
    %max3A_698 = arith.constant 0.000000e+00 : f32
    %max3A_699 = vector.broadcast %max3A_698 : f32 to vector<100x128xf32>
    %max3A_700 = arith.maximumf %add3A_697, %max3A_699 : vector<100x128xf32>
    %dot_general3A_701 = arith.constant dense<0.000000e+00> : vector<100x1xf32>
    %dot_general3A_702 = tpu.matmul %max3A_700, %get3A_7, %dot_general3A_701 {dimension_numbers = #tpu.dot_dimension_numbers<[1], [0], [0], [1], [0, 0, 1, 1], [], []>, transpose_lhs_hint = false} : vector<100x128xf32>, vector<128x1xf32>, vector<100x1xf32> -> vector<100x1xf32>
    %mul3A_703 = arith.mulf %div3A_681, %dot_general3A_702 : vector<100x1xf32>
    %dot_general3A_704 = arith.constant dense<0.000000e+00> : vector<100x1xf32>
    %dot_general3A_705 = tpu.matmul %get3A_671, %mul3A_703, %dot_general3A_704 {dimension_numbers = #tpu.dot_dimension_numbers<[1], [0], [0], [1], [0, 0, 1, 1], [], []>, precision = #tpu.contract_precision<fp32>, transpose_lhs_hint = false} : vector<100x100xf32>, vector<100x1xf32>, vector<100x1xf32> -> vector<100x1xf32>
    %mul3A_706 = arith.mulf %div3A_681, %dot_general3A_705 : vector<100x1xf32>
    %mul3A_707 = arith.mulf %dot_general3A_702, %div3A_684 : vector<100x1xf32>
    %add3A_708 = arith.addf %mul3A_706, %mul3A_707 : vector<100x1xf32>
    %add3A_709 = vector.broadcast %get3A_10 : vector<1x1xf32> to vector<100x1xf32>
    %add3A_710 = arith.addf %add3A_708, %add3A_709 : vector<100x1xf32>
    %iota3A_711 = tpu.iota {dimensions = array<i32: 0>} : vector<100x100xi32>
    %iota3A_712 = tpu.iota {dimensions = array<i32: 1>} : vector<100x100xi32>
    %eq3A_713 = arith.cmpi eq, %iota3A_711, %iota3A_712 : vector<100x100xi32>
    %convert_element_type3A_714 = arith.extui %eq3A_713 : vector<100x100xi1> to vector<100x100xi32>
    %convert_element_type3A_715 = arith.sitofp %convert_element_type3A_714 : vector<100x100xi32> to vector<100x100xf32>
    %dot_general3A_716 = arith.constant dense<0.000000e+00> : vector<1x100xf32>
    %dot_general3A_717 = tpu.matmul %add3A_710, %convert_element_type3A_715, %dot_general3A_716 {dimension_numbers = #tpu.dot_dimension_numbers<[0], [0], [1], [1], [0, 1, 1, 1], [], []>, precision = #tpu.contract_precision<fp32>, transpose_lhs_hint = false} : vector<100x1xf32>, vector<100x100xf32>, vector<1x100xf32> -> vector<1x100xf32>
    %broadcast_in_dim3A_718 = arith.constant 1.000000e+00 : f32
    %broadcast_in_dim3A_719 = vector.broadcast %broadcast_in_dim3A_718 : f32 to vector<100x100xf32>
    %mul3A_720 = vector.broadcast %add3A_710 : vector<100x1xf32> to vector<100x100xf32>
    %mul3A_721 = arith.mulf %mul3A_720, %broadcast_in_dim3A_719 : vector<100x100xf32>
    %broadcast_in_dim3A_722 = arith.constant 1.000000e+00 : f32
    %broadcast_in_dim3A_723 = vector.broadcast %broadcast_in_dim3A_722 : f32 to vector<100x100xf32>
    %mul3A_724 = vector.broadcast %dot_general3A_717 : vector<1x100xf32> to vector<100x100xf32>
    %mul3A_725 = arith.mulf %mul3A_724, %broadcast_in_dim3A_723 : vector<100x100xf32>
    %iota3A_726 = tpu.iota {dimensions = array<i32: 0>} : vector<100x100xi32>
    %iota3A_727 = tpu.iota {dimensions = array<i32: 1>} : vector<100x100xi32>
    %gt3A_728 = arith.cmpf ogt, %mul3A_721, %mul3A_725 : vector<100x100xf32>
    %eq3A_729 = arith.cmpf oeq, %mul3A_721, %mul3A_725 : vector<100x100xf32>
    %lt3A_730 = arith.cmpi slt, %iota3A_726, %iota3A_727 : vector<100x100xi32>
    %and3A_731 = arith.andi %eq3A_729, %lt3A_730 : vector<100x100xi1>
    %or3A_732 = arith.ori %gt3A_728, %and3A_731 : vector<100x100xi1>
    %convert_element_type3A_733 = arith.extui %or3A_732 : vector<100x100xi1> to vector<100x100xi32>
    %convert_element_type3A_734 = arith.sitofp %convert_element_type3A_733 : vector<100x100xi32> to vector<100x100xf32>
    %reduce_sum3A_735 = arith.constant dense<0.000000e+00> : vector<100xf32>
    %reduce_sum3A_736 = vector.multi_reduction <add>, %convert_element_type3A_734, %reduce_sum3A_735 [0] : vector<100x100xf32> to vector<100xf32>
    %broadcast_in_dim3A_737 = vector.shape_cast %reduce_sum3A_736 : vector<100xf32> to vector<1x100xf32>
    %iota3A_738 = tpu.iota {dimensions = array<i32: 0>} : vector<50x100xi32>
    %convert_element_type3A_739 = arith.sitofp %iota3A_738 : vector<50x100xi32> to vector<50x100xf32>
    %broadcast_in_dim3A_740 = arith.constant 1.000000e+00 : f32
    %broadcast_in_dim3A_741 = vector.broadcast %broadcast_in_dim3A_740 : f32 to vector<50x1xf32>
    %mul3A_742 = vector.broadcast %broadcast_in_dim3A_741 : vector<50x1xf32> to vector<50x100xf32>
    %mul3A_743 = vector.broadcast %broadcast_in_dim3A_737 : vector<1x100xf32> to vector<50x100xf32>
    %mul3A_744 = arith.mulf %mul3A_742, %mul3A_743 : vector<50x100xf32>
    %eq3A_745 = arith.cmpf oeq, %convert_element_type3A_739, %mul3A_744 : vector<50x100xf32>
    %convert_element_type3A_746 = arith.extui %eq3A_745 : vector<50x100xi1> to vector<50x100xi32>
    %convert_element_type3A_747 = arith.sitofp %convert_element_type3A_746 : vector<50x100xi32> to vector<50x100xf32>
    %dot_general3A_748 = arith.constant dense<0.000000e+00> : vector<50x1xf32>
    %dot_general3A_749 = tpu.matmul %convert_element_type3A_747, %add3A_710, %dot_general3A_748 {dimension_numbers = #tpu.dot_dimension_numbers<[1], [0], [0], [1], [0, 0, 1, 1], [], []>, precision = #tpu.contract_precision<fp32>, transpose_lhs_hint = false} : vector<50x100xf32>, vector<100x1xf32>, vector<50x1xf32> -> vector<50x1xf32>
    %dot_general3A_750 = arith.constant dense<0.000000e+00> : vector<50x128xf32>
    %dot_general3A_751 = tpu.matmul %convert_element_type3A_747, %max3A_700, %dot_general3A_750 {dimension_numbers = #tpu.dot_dimension_numbers<[1], [0], [0], [1], [0, 0, 1, 1], [], []>, precision = #tpu.contract_precision<fp32>, transpose_lhs_hint = false} : vector<50x100xf32>, vector<100x128xf32>, vector<50x128xf32> -> vector<50x128xf32>
    %tanh3A_752 = math.tanh %dot_general3A_749 : vector<50x1xf32>
    %mul3A_753 = vector.broadcast %tanh3A_752 : vector<50x1xf32> to vector<50x128xf32>
    %mul3A_754 = arith.mulf %dot_general3A_751, %mul3A_753 : vector<50x128xf32>
    %dot_general3A_755 = arith.constant dense<0.000000e+00> : vector<100x50xf32>
    %dot_general3A_756 = tpu.matmul %get3A_671, %convert_element_type3A_747, %dot_general3A_755 {dimension_numbers = #tpu.dot_dimension_numbers<[1], [1], [0], [0], [0, 0, 1, 0], [], []>, precision = #tpu.contract_precision<fp32>, transpose_lhs_hint = false} : vector<100x100xf32>, vector<50x100xf32>, vector<100x50xf32> -> vector<100x50xf32>
    %dot_general3A_757 = arith.constant dense<0.000000e+00> : vector<50x50xf32>
    %dot_general3A_758 = tpu.matmul %convert_element_type3A_747, %dot_general3A_756, %dot_general3A_757 {dimension_numbers = #tpu.dot_dimension_numbers<[1], [0], [0], [1], [0, 0, 1, 1], [], []>, precision = #tpu.contract_precision<fp32>, transpose_lhs_hint = false} : vector<50x100xf32>, vector<100x50xf32>, vector<50x50xf32> -> vector<50x50xf32>
    %reduce_max3A_759 = arith.constant dense<0xFF800000> : vector<128xf32>
    %reduce_max3A_760 = vector.multi_reduction <maximumf>, %mul3A_754, %reduce_max3A_759 [0] : vector<50x128xf32> to vector<128xf32>
    %broadcast_in_dim3A_761 = vector.shape_cast %reduce_max3A_760 : vector<128xf32> to vector<1x128xf32>
    %reduce_sum3A_762 = arith.constant dense<0.000000e+00> : vector<128xf32>
    %reduce_sum3A_763 = vector.multi_reduction <add>, %mul3A_754, %reduce_sum3A_762 [0] : vector<50x128xf32> to vector<128xf32>
    %broadcast_in_dim3A_764 = vector.shape_cast %reduce_sum3A_763 : vector<128xf32> to vector<1x128xf32>
    %div3A_765 = arith.constant 5.000000e+01 : f32
    %div3A_766 = vector.broadcast %div3A_765 : f32 to vector<1x128xf32>
    %div3A_767 = arith.divf %broadcast_in_dim3A_764, %div3A_766 : vector<1x128xf32>
    %concatenate3A_768 = tpu.concatenate %broadcast_in_dim3A_761, %div3A_767 in 1 : vector<1x128xf32>, vector<1x128xf32> -> vector<1x256xf32>
    %reduce_sum3A_769 = arith.constant dense<0.000000e+00> : vector<50xf32>
    %reduce_sum3A_770 = vector.multi_reduction <add>, %dot_general3A_758, %reduce_sum3A_769 [1] : vector<50x50xf32> to vector<50xf32>
    %broadcast_in_dim3A_771 = vector.shape_cast %reduce_sum3A_770 : vector<50xf32> to vector<50x1xf32>
    %add3A_772 = arith.constant 1.000000e+00 : f32
    %add3A_773 = vector.broadcast %add3A_772 : f32 to vector<50x1xf32>
    %add3A_774 = arith.addf %broadcast_in_dim3A_771, %add3A_773 : vector<50x1xf32>
    %sqrt3A_775 = math.sqrt %add3A_774 : vector<50x1xf32>
    %div3A_776 = arith.constant 1.000000e+00 : f32
    %div3A_777 = vector.broadcast %div3A_776 : f32 to vector<50x1xf32>
    %div3A_778 = arith.divf %div3A_777, %sqrt3A_775 : vector<50x1xf32>
    %div3A_779 = arith.constant 1.000000e+00 : f32
    %div3A_780 = vector.broadcast %div3A_779 : f32 to vector<50x1xf32>
    %div3A_781 = arith.divf %div3A_780, %add3A_774 : vector<50x1xf32>
    %dot_general3A_782 = arith.constant dense<0.000000e+00> : vector<50x128xf32>
    %dot_general3A_783 = tpu.matmul %mul3A_754, %get3A_13, %dot_general3A_782 {dimension_numbers = #tpu.dot_dimension_numbers<[1], [0], [0], [1], [0, 0, 1, 1], [], []>, transpose_lhs_hint = false} : vector<50x128xf32>, vector<128x128xf32>, vector<50x128xf32> -> vector<50x128xf32>
    %mul3A_784 = vector.broadcast %div3A_778 : vector<50x1xf32> to vector<50x128xf32>
    %mul3A_785 = arith.mulf %mul3A_784, %dot_general3A_783 : vector<50x128xf32>
    %dot_general3A_786 = arith.constant dense<0.000000e+00> : vector<50x128xf32>
    %dot_general3A_787 = tpu.matmul %dot_general3A_758, %mul3A_785, %dot_general3A_786 {dimension_numbers = #tpu.dot_dimension_numbers<[1], [0], [0], [1], [0, 0, 1, 1], [], []>, precision = #tpu.contract_precision<fp32>, transpose_lhs_hint = false} : vector<50x50xf32>, vector<50x128xf32>, vector<50x128xf32> -> vector<50x128xf32>
    %mul3A_788 = vector.broadcast %div3A_778 : vector<50x1xf32> to vector<50x128xf32>
    %mul3A_789 = arith.mulf %mul3A_788, %dot_general3A_787 : vector<50x128xf32>
    %mul3A_790 = vector.broadcast %div3A_781 : vector<50x1xf32> to vector<50x128xf32>
    %mul3A_791 = arith.mulf %dot_general3A_783, %mul3A_790 : vector<50x128xf32>
    %add3A_792 = arith.addf %mul3A_789, %mul3A_791 : vector<50x128xf32>
    %add3A_793 = vector.broadcast %get3A_16 : vector<1x128xf32> to vector<50x128xf32>
    %add3A_794 = arith.addf %add3A_792, %add3A_793 : vector<50x128xf32>
    %max3A_795 = arith.constant 0.000000e+00 : f32
    %max3A_796 = vector.broadcast %max3A_795 : f32 to vector<50x128xf32>
    %max3A_797 = arith.maximumf %add3A_794, %max3A_796 : vector<50x128xf32>
    %dot_general3A_798 = arith.constant dense<0.000000e+00> : vector<50x1xf32>
    %dot_general3A_799 = tpu.matmul %max3A_797, %get3A_19, %dot_general3A_798 {dimension_numbers = #tpu.dot_dimension_numbers<[1], [0], [0], [1], [0, 0, 1, 1], [], []>, transpose_lhs_hint = false} : vector<50x128xf32>, vector<128x1xf32>, vector<50x1xf32> -> vector<50x1xf32>
    %mul3A_800 = arith.mulf %div3A_778, %dot_general3A_799 : vector<50x1xf32>
    %dot_general3A_801 = arith.constant dense<0.000000e+00> : vector<50x1xf32>
    %dot_general3A_802 = tpu.matmul %dot_general3A_758, %mul3A_800, %dot_general3A_801 {dimension_numbers = #tpu.dot_dimension_numbers<[1], [0], [0], [1], [0, 0, 1, 1], [], []>, precision = #tpu.contract_precision<fp32>, transpose_lhs_hint = false} : vector<50x50xf32>, vector<50x1xf32>, vector<50x1xf32> -> vector<50x1xf32>
    %mul3A_803 = arith.mulf %div3A_778, %dot_general3A_802 : vector<50x1xf32>
    %mul3A_804 = arith.mulf %dot_general3A_799, %div3A_781 : vector<50x1xf32>
    %add3A_805 = arith.addf %mul3A_803, %mul3A_804 : vector<50x1xf32>
    %add3A_806 = vector.broadcast %get3A_22 : vector<1x1xf32> to vector<50x1xf32>
    %add3A_807 = arith.addf %add3A_805, %add3A_806 : vector<50x1xf32>
    %iota3A_808 = tpu.iota {dimensions = array<i32: 0>} : vector<50x50xi32>
    %iota3A_809 = tpu.iota {dimensions = array<i32: 1>} : vector<50x50xi32>
    %eq3A_810 = arith.cmpi eq, %iota3A_808, %iota3A_809 : vector<50x50xi32>
    %convert_element_type3A_811 = arith.extui %eq3A_810 : vector<50x50xi1> to vector<50x50xi32>
    %convert_element_type3A_812 = arith.sitofp %convert_element_type3A_811 : vector<50x50xi32> to vector<50x50xf32>
    %dot_general3A_813 = arith.constant dense<0.000000e+00> : vector<1x50xf32>
    %dot_general3A_814 = tpu.matmul %add3A_807, %convert_element_type3A_812, %dot_general3A_813 {dimension_numbers = #tpu.dot_dimension_numbers<[0], [0], [1], [1], [0, 1, 1, 1], [], []>, precision = #tpu.contract_precision<fp32>, transpose_lhs_hint = false} : vector<50x1xf32>, vector<50x50xf32>, vector<1x50xf32> -> vector<1x50xf32>
    %broadcast_in_dim3A_815 = arith.constant 1.000000e+00 : f32
    %broadcast_in_dim3A_816 = vector.broadcast %broadcast_in_dim3A_815 : f32 to vector<50x50xf32>
    %mul3A_817 = vector.broadcast %add3A_807 : vector<50x1xf32> to vector<50x50xf32>
    %mul3A_818 = arith.mulf %mul3A_817, %broadcast_in_dim3A_816 : vector<50x50xf32>
    %broadcast_in_dim3A_819 = arith.constant 1.000000e+00 : f32
    %broadcast_in_dim3A_820 = vector.broadcast %broadcast_in_dim3A_819 : f32 to vector<50x50xf32>
    %mul3A_821 = vector.broadcast %dot_general3A_814 : vector<1x50xf32> to vector<50x50xf32>
    %mul3A_822 = arith.mulf %mul3A_821, %broadcast_in_dim3A_820 : vector<50x50xf32>
    %iota3A_823 = tpu.iota {dimensions = array<i32: 0>} : vector<50x50xi32>
    %iota3A_824 = tpu.iota {dimensions = array<i32: 1>} : vector<50x50xi32>
    %gt3A_825 = arith.cmpf ogt, %mul3A_818, %mul3A_822 : vector<50x50xf32>
    %eq3A_826 = arith.cmpf oeq, %mul3A_818, %mul3A_822 : vector<50x50xf32>
    %lt3A_827 = arith.cmpi slt, %iota3A_823, %iota3A_824 : vector<50x50xi32>
    %and3A_828 = arith.andi %eq3A_826, %lt3A_827 : vector<50x50xi1>
    %or3A_829 = arith.ori %gt3A_825, %and3A_828 : vector<50x50xi1>
    %convert_element_type3A_830 = arith.extui %or3A_829 : vector<50x50xi1> to vector<50x50xi32>
    %convert_element_type3A_831 = arith.sitofp %convert_element_type3A_830 : vector<50x50xi32> to vector<50x50xf32>
    %reduce_sum3A_832 = arith.constant dense<0.000000e+00> : vector<50xf32>
    %reduce_sum3A_833 = vector.multi_reduction <add>, %convert_element_type3A_831, %reduce_sum3A_832 [0] : vector<50x50xf32> to vector<50xf32>
    %broadcast_in_dim3A_834 = vector.shape_cast %reduce_sum3A_833 : vector<50xf32> to vector<1x50xf32>
    %iota3A_835 = tpu.iota {dimensions = array<i32: 0>} : vector<25x50xi32>
    %convert_element_type3A_836 = arith.sitofp %iota3A_835 : vector<25x50xi32> to vector<25x50xf32>
    %broadcast_in_dim3A_837 = arith.constant 1.000000e+00 : f32
    %broadcast_in_dim3A_838 = vector.broadcast %broadcast_in_dim3A_837 : f32 to vector<25x1xf32>
    %mul3A_839 = vector.broadcast %broadcast_in_dim3A_838 : vector<25x1xf32> to vector<25x50xf32>
    %mul3A_840 = vector.broadcast %broadcast_in_dim3A_834 : vector<1x50xf32> to vector<25x50xf32>
    %mul3A_841 = arith.mulf %mul3A_839, %mul3A_840 : vector<25x50xf32>
    %eq3A_842 = arith.cmpf oeq, %convert_element_type3A_836, %mul3A_841 : vector<25x50xf32>
    %convert_element_type3A_843 = arith.extui %eq3A_842 : vector<25x50xi1> to vector<25x50xi32>
    %convert_element_type3A_844 = arith.sitofp %convert_element_type3A_843 : vector<25x50xi32> to vector<25x50xf32>
    %dot_general3A_845 = arith.constant dense<0.000000e+00> : vector<25x1xf32>
    %dot_general3A_846 = tpu.matmul %convert_element_type3A_844, %add3A_807, %dot_general3A_845 {dimension_numbers = #tpu.dot_dimension_numbers<[1], [0], [0], [1], [0, 0, 1, 1], [], []>, precision = #tpu.contract_precision<fp32>, transpose_lhs_hint = false} : vector<25x50xf32>, vector<50x1xf32>, vector<25x1xf32> -> vector<25x1xf32>
    %dot_general3A_847 = arith.constant dense<0.000000e+00> : vector<25x128xf32>
    %dot_general3A_848 = tpu.matmul %convert_element_type3A_844, %max3A_797, %dot_general3A_847 {dimension_numbers = #tpu.dot_dimension_numbers<[1], [0], [0], [1], [0, 0, 1, 1], [], []>, precision = #tpu.contract_precision<fp32>, transpose_lhs_hint = false} : vector<25x50xf32>, vector<50x128xf32>, vector<25x128xf32> -> vector<25x128xf32>
    %tanh3A_849 = math.tanh %dot_general3A_846 : vector<25x1xf32>
    %mul3A_850 = vector.broadcast %tanh3A_849 : vector<25x1xf32> to vector<25x128xf32>
    %mul3A_851 = arith.mulf %dot_general3A_848, %mul3A_850 : vector<25x128xf32>
    %dot_general3A_852 = arith.constant dense<0.000000e+00> : vector<50x25xf32>
    %dot_general3A_853 = tpu.matmul %dot_general3A_758, %convert_element_type3A_844, %dot_general3A_852 {dimension_numbers = #tpu.dot_dimension_numbers<[1], [1], [0], [0], [0, 0, 1, 0], [], []>, precision = #tpu.contract_precision<fp32>, transpose_lhs_hint = false} : vector<50x50xf32>, vector<25x50xf32>, vector<50x25xf32> -> vector<50x25xf32>
    %dot_general3A_854 = arith.constant dense<0.000000e+00> : vector<25x25xf32>
    %dot_general3A_855 = tpu.matmul %convert_element_type3A_844, %dot_general3A_853, %dot_general3A_854 {dimension_numbers = #tpu.dot_dimension_numbers<[1], [0], [0], [1], [0, 0, 1, 1], [], []>, precision = #tpu.contract_precision<fp32>, transpose_lhs_hint = false} : vector<25x50xf32>, vector<50x25xf32>, vector<25x25xf32> -> vector<25x25xf32>
    %reduce_max3A_856 = arith.constant dense<0xFF800000> : vector<128xf32>
    %reduce_max3A_857 = vector.multi_reduction <maximumf>, %mul3A_851, %reduce_max3A_856 [0] : vector<25x128xf32> to vector<128xf32>
    %broadcast_in_dim3A_858 = vector.shape_cast %reduce_max3A_857 : vector<128xf32> to vector<1x128xf32>
    %reduce_sum3A_859 = arith.constant dense<0.000000e+00> : vector<128xf32>
    %reduce_sum3A_860 = vector.multi_reduction <add>, %mul3A_851, %reduce_sum3A_859 [0] : vector<25x128xf32> to vector<128xf32>
    %broadcast_in_dim3A_861 = vector.shape_cast %reduce_sum3A_860 : vector<128xf32> to vector<1x128xf32>
    %div3A_862 = arith.constant 2.500000e+01 : f32
    %div3A_863 = vector.broadcast %div3A_862 : f32 to vector<1x128xf32>
    %div3A_864 = arith.divf %broadcast_in_dim3A_861, %div3A_863 : vector<1x128xf32>
    %concatenate3A_865 = tpu.concatenate %broadcast_in_dim3A_858, %div3A_864 in 1 : vector<1x128xf32>, vector<1x128xf32> -> vector<1x256xf32>
    %add3A_866 = arith.addf %concatenate3A_768, %concatenate3A_865 : vector<1x256xf32>
    %reduce_sum3A_867 = arith.constant dense<0.000000e+00> : vector<25xf32>
    %reduce_sum3A_868 = vector.multi_reduction <add>, %dot_general3A_855, %reduce_sum3A_867 [1] : vector<25x25xf32> to vector<25xf32>
    %broadcast_in_dim3A_869 = vector.shape_cast %reduce_sum3A_868 : vector<25xf32> to vector<25x1xf32>
    %add3A_870 = arith.constant 1.000000e+00 : f32
    %add3A_871 = vector.broadcast %add3A_870 : f32 to vector<25x1xf32>
    %add3A_872 = arith.addf %broadcast_in_dim3A_869, %add3A_871 : vector<25x1xf32>
    %sqrt3A_873 = math.sqrt %add3A_872 : vector<25x1xf32>
    %div3A_874 = arith.constant 1.000000e+00 : f32
    %div3A_875 = vector.broadcast %div3A_874 : f32 to vector<25x1xf32>
    %div3A_876 = arith.divf %div3A_875, %sqrt3A_873 : vector<25x1xf32>
    %div3A_877 = arith.constant 1.000000e+00 : f32
    %div3A_878 = vector.broadcast %div3A_877 : f32 to vector<25x1xf32>
    %div3A_879 = arith.divf %div3A_878, %add3A_872 : vector<25x1xf32>
    %dot_general3A_880 = arith.constant dense<0.000000e+00> : vector<25x128xf32>
    %dot_general3A_881 = tpu.matmul %mul3A_851, %get3A_25, %dot_general3A_880 {dimension_numbers = #tpu.dot_dimension_numbers<[1], [0], [0], [1], [0, 0, 1, 1], [], []>, transpose_lhs_hint = false} : vector<25x128xf32>, vector<128x128xf32>, vector<25x128xf32> -> vector<25x128xf32>
    %mul3A_882 = vector.broadcast %div3A_876 : vector<25x1xf32> to vector<25x128xf32>
    %mul3A_883 = arith.mulf %mul3A_882, %dot_general3A_881 : vector<25x128xf32>
    %dot_general3A_884 = arith.constant dense<0.000000e+00> : vector<25x128xf32>
    %dot_general3A_885 = tpu.matmul %dot_general3A_855, %mul3A_883, %dot_general3A_884 {dimension_numbers = #tpu.dot_dimension_numbers<[1], [0], [0], [1], [0, 0, 1, 1], [], []>, precision = #tpu.contract_precision<fp32>, transpose_lhs_hint = false} : vector<25x25xf32>, vector<25x128xf32>, vector<25x128xf32> -> vector<25x128xf32>
    %mul3A_886 = vector.broadcast %div3A_876 : vector<25x1xf32> to vector<25x128xf32>
    %mul3A_887 = arith.mulf %mul3A_886, %dot_general3A_885 : vector<25x128xf32>
    %mul3A_888 = vector.broadcast %div3A_879 : vector<25x1xf32> to vector<25x128xf32>
    %mul3A_889 = arith.mulf %dot_general3A_881, %mul3A_888 : vector<25x128xf32>
    %add3A_890 = arith.addf %mul3A_887, %mul3A_889 : vector<25x128xf32>
    %add3A_891 = vector.broadcast %get3A_28 : vector<1x128xf32> to vector<25x128xf32>
    %add3A_892 = arith.addf %add3A_890, %add3A_891 : vector<25x128xf32>
    %max3A_893 = arith.constant 0.000000e+00 : f32
    %max3A_894 = vector.broadcast %max3A_893 : f32 to vector<25x128xf32>
    %max3A_895 = arith.maximumf %add3A_892, %max3A_894 : vector<25x128xf32>
    %dot_general3A_896 = arith.constant dense<0.000000e+00> : vector<25x1xf32>
    %dot_general3A_897 = tpu.matmul %max3A_895, %get3A_31, %dot_general3A_896 {dimension_numbers = #tpu.dot_dimension_numbers<[1], [0], [0], [1], [0, 0, 1, 1], [], []>, transpose_lhs_hint = false} : vector<25x128xf32>, vector<128x1xf32>, vector<25x1xf32> -> vector<25x1xf32>
    %mul3A_898 = arith.mulf %div3A_876, %dot_general3A_897 : vector<25x1xf32>
    %dot_general3A_899 = arith.constant dense<0.000000e+00> : vector<25x1xf32>
    %dot_general3A_900 = tpu.matmul %dot_general3A_855, %mul3A_898, %dot_general3A_899 {dimension_numbers = #tpu.dot_dimension_numbers<[1], [0], [0], [1], [0, 0, 1, 1], [], []>, precision = #tpu.contract_precision<fp32>, transpose_lhs_hint = false} : vector<25x25xf32>, vector<25x1xf32>, vector<25x1xf32> -> vector<25x1xf32>
    %mul3A_901 = arith.mulf %div3A_876, %dot_general3A_900 : vector<25x1xf32>
    %mul3A_902 = arith.mulf %dot_general3A_897, %div3A_879 : vector<25x1xf32>
    %add3A_903 = arith.addf %mul3A_901, %mul3A_902 : vector<25x1xf32>
    %add3A_904 = vector.broadcast %get3A_34 : vector<1x1xf32> to vector<25x1xf32>
    %add3A_905 = arith.addf %add3A_903, %add3A_904 : vector<25x1xf32>
    %iota3A_906 = tpu.iota {dimensions = array<i32: 0>} : vector<25x25xi32>
    %iota3A_907 = tpu.iota {dimensions = array<i32: 1>} : vector<25x25xi32>
    %eq3A_908 = arith.cmpi eq, %iota3A_906, %iota3A_907 : vector<25x25xi32>
    %convert_element_type3A_909 = arith.extui %eq3A_908 : vector<25x25xi1> to vector<25x25xi32>
    %convert_element_type3A_910 = arith.sitofp %convert_element_type3A_909 : vector<25x25xi32> to vector<25x25xf32>
    %dot_general3A_911 = arith.constant dense<0.000000e+00> : vector<1x25xf32>
    %dot_general3A_912 = tpu.matmul %add3A_905, %convert_element_type3A_910, %dot_general3A_911 {dimension_numbers = #tpu.dot_dimension_numbers<[0], [0], [1], [1], [0, 1, 1, 1], [], []>, precision = #tpu.contract_precision<fp32>, transpose_lhs_hint = false} : vector<25x1xf32>, vector<25x25xf32>, vector<1x25xf32> -> vector<1x25xf32>
    %broadcast_in_dim3A_913 = arith.constant 1.000000e+00 : f32
    %broadcast_in_dim3A_914 = vector.broadcast %broadcast_in_dim3A_913 : f32 to vector<25x25xf32>
    %mul3A_915 = vector.broadcast %add3A_905 : vector<25x1xf32> to vector<25x25xf32>
    %mul3A_916 = arith.mulf %mul3A_915, %broadcast_in_dim3A_914 : vector<25x25xf32>
    %broadcast_in_dim3A_917 = arith.constant 1.000000e+00 : f32
    %broadcast_in_dim3A_918 = vector.broadcast %broadcast_in_dim3A_917 : f32 to vector<25x25xf32>
    %mul3A_919 = vector.broadcast %dot_general3A_912 : vector<1x25xf32> to vector<25x25xf32>
    %mul3A_920 = arith.mulf %mul3A_919, %broadcast_in_dim3A_918 : vector<25x25xf32>
    %iota3A_921 = tpu.iota {dimensions = array<i32: 0>} : vector<25x25xi32>
    %iota3A_922 = tpu.iota {dimensions = array<i32: 1>} : vector<25x25xi32>
    %gt3A_923 = arith.cmpf ogt, %mul3A_916, %mul3A_920 : vector<25x25xf32>
    %eq3A_924 = arith.cmpf oeq, %mul3A_916, %mul3A_920 : vector<25x25xf32>
    %lt3A_925 = arith.cmpi slt, %iota3A_921, %iota3A_922 : vector<25x25xi32>
    %and3A_926 = arith.andi %eq3A_924, %lt3A_925 : vector<25x25xi1>
    %or3A_927 = arith.ori %gt3A_923, %and3A_926 : vector<25x25xi1>
    %convert_element_type3A_928 = arith.extui %or3A_927 : vector<25x25xi1> to vector<25x25xi32>
    %convert_element_type3A_929 = arith.sitofp %convert_element_type3A_928 : vector<25x25xi32> to vector<25x25xf32>
    %reduce_sum3A_930 = arith.constant dense<0.000000e+00> : vector<25xf32>
    %reduce_sum3A_931 = vector.multi_reduction <add>, %convert_element_type3A_929, %reduce_sum3A_930 [0] : vector<25x25xf32> to vector<25xf32>
    %broadcast_in_dim3A_932 = vector.shape_cast %reduce_sum3A_931 : vector<25xf32> to vector<1x25xf32>
    %iota3A_933 = tpu.iota {dimensions = array<i32: 0>} : vector<13x25xi32>
    %convert_element_type3A_934 = arith.sitofp %iota3A_933 : vector<13x25xi32> to vector<13x25xf32>
    %broadcast_in_dim3A_935 = arith.constant 1.000000e+00 : f32
    %broadcast_in_dim3A_936 = vector.broadcast %broadcast_in_dim3A_935 : f32 to vector<13x1xf32>
    %mul3A_937 = vector.broadcast %broadcast_in_dim3A_936 : vector<13x1xf32> to vector<13x25xf32>
    %mul3A_938 = vector.broadcast %broadcast_in_dim3A_932 : vector<1x25xf32> to vector<13x25xf32>
    %mul3A_939 = arith.mulf %mul3A_937, %mul3A_938 : vector<13x25xf32>
    %eq3A_940 = arith.cmpf oeq, %convert_element_type3A_934, %mul3A_939 : vector<13x25xf32>
    %convert_element_type3A_941 = arith.extui %eq3A_940 : vector<13x25xi1> to vector<13x25xi32>
    %convert_element_type3A_942 = arith.sitofp %convert_element_type3A_941 : vector<13x25xi32> to vector<13x25xf32>
    %dot_general3A_943 = arith.constant dense<0.000000e+00> : vector<13x1xf32>
    %dot_general3A_944 = tpu.matmul %convert_element_type3A_942, %add3A_905, %dot_general3A_943 {dimension_numbers = #tpu.dot_dimension_numbers<[1], [0], [0], [1], [0, 0, 1, 1], [], []>, precision = #tpu.contract_precision<fp32>, transpose_lhs_hint = false} : vector<13x25xf32>, vector<25x1xf32>, vector<13x1xf32> -> vector<13x1xf32>
    %dot_general3A_945 = arith.constant dense<0.000000e+00> : vector<13x128xf32>
    %dot_general3A_946 = tpu.matmul %convert_element_type3A_942, %max3A_895, %dot_general3A_945 {dimension_numbers = #tpu.dot_dimension_numbers<[1], [0], [0], [1], [0, 0, 1, 1], [], []>, precision = #tpu.contract_precision<fp32>, transpose_lhs_hint = false} : vector<13x25xf32>, vector<25x128xf32>, vector<13x128xf32> -> vector<13x128xf32>
    %tanh3A_947 = math.tanh %dot_general3A_944 : vector<13x1xf32>
    %mul3A_948 = vector.broadcast %tanh3A_947 : vector<13x1xf32> to vector<13x128xf32>
    %mul3A_949 = arith.mulf %dot_general3A_946, %mul3A_948 : vector<13x128xf32>
    %reduce_max3A_950 = arith.constant dense<0xFF800000> : vector<128xf32>
    %reduce_max3A_951 = vector.multi_reduction <maximumf>, %mul3A_949, %reduce_max3A_950 [0] : vector<13x128xf32> to vector<128xf32>
    %broadcast_in_dim3A_952 = vector.shape_cast %reduce_max3A_951 : vector<128xf32> to vector<1x128xf32>
    %reduce_sum3A_953 = arith.constant dense<0.000000e+00> : vector<128xf32>
    %reduce_sum3A_954 = vector.multi_reduction <add>, %mul3A_949, %reduce_sum3A_953 [0] : vector<13x128xf32> to vector<128xf32>
    %broadcast_in_dim3A_955 = vector.shape_cast %reduce_sum3A_954 : vector<128xf32> to vector<1x128xf32>
    %div3A_956 = arith.constant 1.300000e+01 : f32
    %div3A_957 = vector.broadcast %div3A_956 : f32 to vector<1x128xf32>
    %div3A_958 = arith.divf %broadcast_in_dim3A_955, %div3A_957 : vector<1x128xf32>
    %concatenate3A_959 = tpu.concatenate %broadcast_in_dim3A_952, %div3A_958 in 1 : vector<1x128xf32>, vector<1x128xf32> -> vector<1x256xf32>
    %add3A_960 = arith.addf %add3A_866, %concatenate3A_959 : vector<1x256xf32>
    %swap3A_961 = arith.constant 2 : index
    %swap3A_962 = arith.constant 0 : index
    %swap3A_963 = arith.constant 0 : index
    %swap3A_964 = vector.load %arg17[%swap3A_961, %swap3A_962, %swap3A_963] : memref<4x1x256xf32, #tpu.memory_space<vmem>>, vector<1x1x256xf32>
    %swap3A_965 = vector.shape_cast %swap3A_964 : vector<1x1x256xf32> to vector<1x256xf32>
    %swap3A_966 = vector.shape_cast %add3A_960 : vector<1x256xf32> to vector<1x1x256xf32>
    tpu.vector_store %arg17[%swap3A_961, %swap3A_962, %swap3A_963], %swap3A_966 {strides = array<i32>} : memref<4x1x256xf32, #tpu.memory_space<vmem>>, vector<1x1x256xf32>,
    %get3A_967 = arith.constant 3 : index
    %get3A_968 = arith.constant 0 : index
    %get3A_969 = arith.constant 0 : index
    %get3A_970 = vector.load %arg1[%get3A_967, %get3A_968, %get3A_969] : memref<4x100x128xf32, #tpu.memory_space<vmem>>, vector<1x100x128xf32>
    %get3A_971 = vector.shape_cast %get3A_970 : vector<1x100x128xf32> to vector<100x128xf32>
    %get3A_972 = arith.constant 3 : index
    %get3A_973 = arith.constant 0 : index
    %get3A_974 = arith.constant 0 : index
    %get3A_975 = vector.load %arg2[%get3A_972, %get3A_973, %get3A_974] : memref<4x100x128xf32, #tpu.memory_space<vmem>>, vector<1x100x128xf32>
    %get3A_976 = vector.shape_cast %get3A_975 : vector<1x100x128xf32> to vector<100x128xf32>
    %add3A_977 = arith.addf %get3A_971, %get3A_976 : vector<100x128xf32>
    %get3A_978 = arith.constant 3 : index
    %get3A_979 = arith.constant 0 : index
    %get3A_980 = arith.constant 0 : index
    %get3A_981 = vector.load %arg3[%get3A_978, %get3A_979, %get3A_980] : memref<4x100x128xf32, #tpu.memory_space<vmem>>, vector<1x100x128xf32>
    %get3A_982 = vector.shape_cast %get3A_981 : vector<1x100x128xf32> to vector<100x128xf32>
    %add3A_983 = arith.addf %add3A_977, %get3A_982 : vector<100x128xf32>
    %get3A_984 = arith.constant 3 : index
    %get3A_985 = arith.constant 0 : index
    %get3A_986 = arith.constant 0 : index
    %get3A_987 = vector.load %arg4[%get3A_984, %get3A_985, %get3A_986] : memref<4x100x100xf32, #tpu.memory_space<vmem>>, vector<1x100x100xf32>
    %get3A_988 = vector.shape_cast %get3A_987 : vector<1x100x100xf32> to vector<100x100xf32>
    %reduce_sum3A_989 = arith.constant dense<0.000000e+00> : vector<100xf32>
    %reduce_sum3A_990 = vector.multi_reduction <add>, %get3A_988, %reduce_sum3A_989 [1] : vector<100x100xf32> to vector<100xf32>
    %broadcast_in_dim3A_991 = vector.shape_cast %reduce_sum3A_990 : vector<100xf32> to vector<100x1xf32>
    %add3A_992 = arith.constant 1.000000e+00 : f32
    %add3A_993 = vector.broadcast %add3A_992 : f32 to vector<100x1xf32>
    %add3A_994 = arith.addf %broadcast_in_dim3A_991, %add3A_993 : vector<100x1xf32>
    %sqrt3A_995 = math.sqrt %add3A_994 : vector<100x1xf32>
    %div3A_996 = arith.constant 1.000000e+00 : f32
    %div3A_997 = vector.broadcast %div3A_996 : f32 to vector<100x1xf32>
    %div3A_998 = arith.divf %div3A_997, %sqrt3A_995 : vector<100x1xf32>
    %div3A_999 = arith.constant 1.000000e+00 : f32
    %div3A_1000 = vector.broadcast %div3A_999 : f32 to vector<100x1xf32>
    %div3A_1001 = arith.divf %div3A_1000, %add3A_994 : vector<100x1xf32>
    %dot_general3A_1002 = arith.constant dense<0.000000e+00> : vector<100x128xf32>
    %dot_general3A_1003 = tpu.matmul %add3A_983, %get3A_1, %dot_general3A_1002 {dimension_numbers = #tpu.dot_dimension_numbers<[1], [0], [0], [1], [0, 0, 1, 1], [], []>, transpose_lhs_hint = false} : vector<100x128xf32>, vector<128x128xf32>, vector<100x128xf32> -> vector<100x128xf32>
    %mul3A_1004 = vector.broadcast %div3A_998 : vector<100x1xf32> to vector<100x128xf32>
    %mul3A_1005 = arith.mulf %mul3A_1004, %dot_general3A_1003 : vector<100x128xf32>
    %dot_general3A_1006 = arith.constant dense<0.000000e+00> : vector<100x128xf32>
    %dot_general3A_1007 = tpu.matmul %get3A_988, %mul3A_1005, %dot_general3A_1006 {dimension_numbers = #tpu.dot_dimension_numbers<[1], [0], [0], [1], [0, 0, 1, 1], [], []>, precision = #tpu.contract_precision<fp32>, transpose_lhs_hint = false} : vector<100x100xf32>, vector<100x128xf32>, vector<100x128xf32> -> vector<100x128xf32>
    %mul3A_1008 = vector.broadcast %div3A_998 : vector<100x1xf32> to vector<100x128xf32>
    %mul3A_1009 = arith.mulf %mul3A_1008, %dot_general3A_1007 : vector<100x128xf32>
    %mul3A_1010 = vector.broadcast %div3A_1001 : vector<100x1xf32> to vector<100x128xf32>
    %mul3A_1011 = arith.mulf %dot_general3A_1003, %mul3A_1010 : vector<100x128xf32>
    %add3A_1012 = arith.addf %mul3A_1009, %mul3A_1011 : vector<100x128xf32>
    %add3A_1013 = vector.broadcast %get3A_4 : vector<1x128xf32> to vector<100x128xf32>
    %add3A_1014 = arith.addf %add3A_1012, %add3A_1013 : vector<100x128xf32>
    %max3A_1015 = arith.constant 0.000000e+00 : f32
    %max3A_1016 = vector.broadcast %max3A_1015 : f32 to vector<100x128xf32>
    %max3A_1017 = arith.maximumf %add3A_1014, %max3A_1016 : vector<100x128xf32>
    %dot_general3A_1018 = arith.constant dense<0.000000e+00> : vector<100x1xf32>
    %dot_general3A_1019 = tpu.matmul %max3A_1017, %get3A_7, %dot_general3A_1018 {dimension_numbers = #tpu.dot_dimension_numbers<[1], [0], [0], [1], [0, 0, 1, 1], [], []>, transpose_lhs_hint = false} : vector<100x128xf32>, vector<128x1xf32>, vector<100x1xf32> -> vector<100x1xf32>
    %mul3A_1020 = arith.mulf %div3A_998, %dot_general3A_1019 : vector<100x1xf32>
    %dot_general3A_1021 = arith.constant dense<0.000000e+00> : vector<100x1xf32>
    %dot_general3A_1022 = tpu.matmul %get3A_988, %mul3A_1020, %dot_general3A_1021 {dimension_numbers = #tpu.dot_dimension_numbers<[1], [0], [0], [1], [0, 0, 1, 1], [], []>, precision = #tpu.contract_precision<fp32>, transpose_lhs_hint = false} : vector<100x100xf32>, vector<100x1xf32>, vector<100x1xf32> -> vector<100x1xf32>
    %mul3A_1023 = arith.mulf %div3A_998, %dot_general3A_1022 : vector<100x1xf32>
    %mul3A_1024 = arith.mulf %dot_general3A_1019, %div3A_1001 : vector<100x1xf32>
    %add3A_1025 = arith.addf %mul3A_1023, %mul3A_1024 : vector<100x1xf32>
    %add3A_1026 = vector.broadcast %get3A_10 : vector<1x1xf32> to vector<100x1xf32>
    %add3A_1027 = arith.addf %add3A_1025, %add3A_1026 : vector<100x1xf32>
    %iota3A_1028 = tpu.iota {dimensions = array<i32: 0>} : vector<100x100xi32>
    %iota3A_1029 = tpu.iota {dimensions = array<i32: 1>} : vector<100x100xi32>
    %eq3A_1030 = arith.cmpi eq, %iota3A_1028, %iota3A_1029 : vector<100x100xi32>
    %convert_element_type3A_1031 = arith.extui %eq3A_1030 : vector<100x100xi1> to vector<100x100xi32>
    %convert_element_type3A_1032 = arith.sitofp %convert_element_type3A_1031 : vector<100x100xi32> to vector<100x100xf32>
    %dot_general3A_1033 = arith.constant dense<0.000000e+00> : vector<1x100xf32>
    %dot_general3A_1034 = tpu.matmul %add3A_1027, %convert_element_type3A_1032, %dot_general3A_1033 {dimension_numbers = #tpu.dot_dimension_numbers<[0], [0], [1], [1], [0, 1, 1, 1], [], []>, precision = #tpu.contract_precision<fp32>, transpose_lhs_hint = false} : vector<100x1xf32>, vector<100x100xf32>, vector<1x100xf32> -> vector<1x100xf32>
    %broadcast_in_dim3A_1035 = arith.constant 1.000000e+00 : f32
    %broadcast_in_dim3A_1036 = vector.broadcast %broadcast_in_dim3A_1035 : f32 to vector<100x100xf32>
    %mul3A_1037 = vector.broadcast %add3A_1027 : vector<100x1xf32> to vector<100x100xf32>
    %mul3A_1038 = arith.mulf %mul3A_1037, %broadcast_in_dim3A_1036 : vector<100x100xf32>
    %broadcast_in_dim3A_1039 = arith.constant 1.000000e+00 : f32
    %broadcast_in_dim3A_1040 = vector.broadcast %broadcast_in_dim3A_1039 : f32 to vector<100x100xf32>
    %mul3A_1041 = vector.broadcast %dot_general3A_1034 : vector<1x100xf32> to vector<100x100xf32>
    %mul3A_1042 = arith.mulf %mul3A_1041, %broadcast_in_dim3A_1040 : vector<100x100xf32>
    %iota3A_1043 = tpu.iota {dimensions = array<i32: 0>} : vector<100x100xi32>
    %iota3A_1044 = tpu.iota {dimensions = array<i32: 1>} : vector<100x100xi32>
    %gt3A_1045 = arith.cmpf ogt, %mul3A_1038, %mul3A_1042 : vector<100x100xf32>
    %eq3A_1046 = arith.cmpf oeq, %mul3A_1038, %mul3A_1042 : vector<100x100xf32>
    %lt3A_1047 = arith.cmpi slt, %iota3A_1043, %iota3A_1044 : vector<100x100xi32>
    %and3A_1048 = arith.andi %eq3A_1046, %lt3A_1047 : vector<100x100xi1>
    %or3A_1049 = arith.ori %gt3A_1045, %and3A_1048 : vector<100x100xi1>
    %convert_element_type3A_1050 = arith.extui %or3A_1049 : vector<100x100xi1> to vector<100x100xi32>
    %convert_element_type3A_1051 = arith.sitofp %convert_element_type3A_1050 : vector<100x100xi32> to vector<100x100xf32>
    %reduce_sum3A_1052 = arith.constant dense<0.000000e+00> : vector<100xf32>
    %reduce_sum3A_1053 = vector.multi_reduction <add>, %convert_element_type3A_1051, %reduce_sum3A_1052 [0] : vector<100x100xf32> to vector<100xf32>
    %broadcast_in_dim3A_1054 = vector.shape_cast %reduce_sum3A_1053 : vector<100xf32> to vector<1x100xf32>
    %iota3A_1055 = tpu.iota {dimensions = array<i32: 0>} : vector<50x100xi32>
    %convert_element_type3A_1056 = arith.sitofp %iota3A_1055 : vector<50x100xi32> to vector<50x100xf32>
    %broadcast_in_dim3A_1057 = arith.constant 1.000000e+00 : f32
    %broadcast_in_dim3A_1058 = vector.broadcast %broadcast_in_dim3A_1057 : f32 to vector<50x1xf32>
    %mul3A_1059 = vector.broadcast %broadcast_in_dim3A_1058 : vector<50x1xf32> to vector<50x100xf32>
    %mul3A_1060 = vector.broadcast %broadcast_in_dim3A_1054 : vector<1x100xf32> to vector<50x100xf32>
    %mul3A_1061 = arith.mulf %mul3A_1059, %mul3A_1060 : vector<50x100xf32>
    %eq3A_1062 = arith.cmpf oeq, %convert_element_type3A_1056, %mul3A_1061 : vector<50x100xf32>
    %convert_element_type3A_1063 = arith.extui %eq3A_1062 : vector<50x100xi1> to vector<50x100xi32>
    %convert_element_type3A_1064 = arith.sitofp %convert_element_type3A_1063 : vector<50x100xi32> to vector<50x100xf32>
    %dot_general3A_1065 = arith.constant dense<0.000000e+00> : vector<50x1xf32>
    %dot_general3A_1066 = tpu.matmul %convert_element_type3A_1064, %add3A_1027, %dot_general3A_1065 {dimension_numbers = #tpu.dot_dimension_numbers<[1], [0], [0], [1], [0, 0, 1, 1], [], []>, precision = #tpu.contract_precision<fp32>, transpose_lhs_hint = false} : vector<50x100xf32>, vector<100x1xf32>, vector<50x1xf32> -> vector<50x1xf32>
    %dot_general3A_1067 = arith.constant dense<0.000000e+00> : vector<50x128xf32>
    %dot_general3A_1068 = tpu.matmul %convert_element_type3A_1064, %max3A_1017, %dot_general3A_1067 {dimension_numbers = #tpu.dot_dimension_numbers<[1], [0], [0], [1], [0, 0, 1, 1], [], []>, precision = #tpu.contract_precision<fp32>, transpose_lhs_hint = false} : vector<50x100xf32>, vector<100x128xf32>, vector<50x128xf32> -> vector<50x128xf32>
    %tanh3A_1069 = math.tanh %dot_general3A_1066 : vector<50x1xf32>
    %mul3A_1070 = vector.broadcast %tanh3A_1069 : vector<50x1xf32> to vector<50x128xf32>
    %mul3A_1071 = arith.mulf %dot_general3A_1068, %mul3A_1070 : vector<50x128xf32>
    %dot_general3A_1072 = arith.constant dense<0.000000e+00> : vector<100x50xf32>
    %dot_general3A_1073 = tpu.matmul %get3A_988, %convert_element_type3A_1064, %dot_general3A_1072 {dimension_numbers = #tpu.dot_dimension_numbers<[1], [1], [0], [0], [0, 0, 1, 0], [], []>, precision = #tpu.contract_precision<fp32>, transpose_lhs_hint = false} : vector<100x100xf32>, vector<50x100xf32>, vector<100x50xf32> -> vector<100x50xf32>
    %dot_general3A_1074 = arith.constant dense<0.000000e+00> : vector<50x50xf32>
    %dot_general3A_1075 = tpu.matmul %convert_element_type3A_1064, %dot_general3A_1073, %dot_general3A_1074 {dimension_numbers = #tpu.dot_dimension_numbers<[1], [0], [0], [1], [0, 0, 1, 1], [], []>, precision = #tpu.contract_precision<fp32>, transpose_lhs_hint = false} : vector<50x100xf32>, vector<100x50xf32>, vector<50x50xf32> -> vector<50x50xf32>
    %reduce_max3A_1076 = arith.constant dense<0xFF800000> : vector<128xf32>
    %reduce_max3A_1077 = vector.multi_reduction <maximumf>, %mul3A_1071, %reduce_max3A_1076 [0] : vector<50x128xf32> to vector<128xf32>
    %broadcast_in_dim3A_1078 = vector.shape_cast %reduce_max3A_1077 : vector<128xf32> to vector<1x128xf32>
    %reduce_sum3A_1079 = arith.constant dense<0.000000e+00> : vector<128xf32>
    %reduce_sum3A_1080 = vector.multi_reduction <add>, %mul3A_1071, %reduce_sum3A_1079 [0] : vector<50x128xf32> to vector<128xf32>
    %broadcast_in_dim3A_1081 = vector.shape_cast %reduce_sum3A_1080 : vector<128xf32> to vector<1x128xf32>
    %div3A_1082 = arith.constant 5.000000e+01 : f32
    %div3A_1083 = vector.broadcast %div3A_1082 : f32 to vector<1x128xf32>
    %div3A_1084 = arith.divf %broadcast_in_dim3A_1081, %div3A_1083 : vector<1x128xf32>
    %concatenate3A_1085 = tpu.concatenate %broadcast_in_dim3A_1078, %div3A_1084 in 1 : vector<1x128xf32>, vector<1x128xf32> -> vector<1x256xf32>
    %reduce_sum3A_1086 = arith.constant dense<0.000000e+00> : vector<50xf32>
    %reduce_sum3A_1087 = vector.multi_reduction <add>, %dot_general3A_1075, %reduce_sum3A_1086 [1] : vector<50x50xf32> to vector<50xf32>
    %broadcast_in_dim3A_1088 = vector.shape_cast %reduce_sum3A_1087 : vector<50xf32> to vector<50x1xf32>
    %add3A_1089 = arith.constant 1.000000e+00 : f32
    %add3A_1090 = vector.broadcast %add3A_1089 : f32 to vector<50x1xf32>
    %add3A_1091 = arith.addf %broadcast_in_dim3A_1088, %add3A_1090 : vector<50x1xf32>
    %sqrt3A_1092 = math.sqrt %add3A_1091 : vector<50x1xf32>
    %div3A_1093 = arith.constant 1.000000e+00 : f32
    %div3A_1094 = vector.broadcast %div3A_1093 : f32 to vector<50x1xf32>
    %div3A_1095 = arith.divf %div3A_1094, %sqrt3A_1092 : vector<50x1xf32>
    %div3A_1096 = arith.constant 1.000000e+00 : f32
    %div3A_1097 = vector.broadcast %div3A_1096 : f32 to vector<50x1xf32>
    %div3A_1098 = arith.divf %div3A_1097, %add3A_1091 : vector<50x1xf32>
    %dot_general3A_1099 = arith.constant dense<0.000000e+00> : vector<50x128xf32>
    %dot_general3A_1100 = tpu.matmul %mul3A_1071, %get3A_13, %dot_general3A_1099 {dimension_numbers = #tpu.dot_dimension_numbers<[1], [0], [0], [1], [0, 0, 1, 1], [], []>, transpose_lhs_hint = false} : vector<50x128xf32>, vector<128x128xf32>, vector<50x128xf32> -> vector<50x128xf32>
    %mul3A_1101 = vector.broadcast %div3A_1095 : vector<50x1xf32> to vector<50x128xf32>
    %mul3A_1102 = arith.mulf %mul3A_1101, %dot_general3A_1100 : vector<50x128xf32>
    %dot_general3A_1103 = arith.constant dense<0.000000e+00> : vector<50x128xf32>
    %dot_general3A_1104 = tpu.matmul %dot_general3A_1075, %mul3A_1102, %dot_general3A_1103 {dimension_numbers = #tpu.dot_dimension_numbers<[1], [0], [0], [1], [0, 0, 1, 1], [], []>, precision = #tpu.contract_precision<fp32>, transpose_lhs_hint = false} : vector<50x50xf32>, vector<50x128xf32>, vector<50x128xf32> -> vector<50x128xf32>
    %mul3A_1105 = vector.broadcast %div3A_1095 : vector<50x1xf32> to vector<50x128xf32>
    %mul3A_1106 = arith.mulf %mul3A_1105, %dot_general3A_1104 : vector<50x128xf32>
    %mul3A_1107 = vector.broadcast %div3A_1098 : vector<50x1xf32> to vector<50x128xf32>
    %mul3A_1108 = arith.mulf %dot_general3A_1100, %mul3A_1107 : vector<50x128xf32>
    %add3A_1109 = arith.addf %mul3A_1106, %mul3A_1108 : vector<50x128xf32>
    %add3A_1110 = vector.broadcast %get3A_16 : vector<1x128xf32> to vector<50x128xf32>
    %add3A_1111 = arith.addf %add3A_1109, %add3A_1110 : vector<50x128xf32>
    %max3A_1112 = arith.constant 0.000000e+00 : f32
    %max3A_1113 = vector.broadcast %max3A_1112 : f32 to vector<50x128xf32>
    %max3A_1114 = arith.maximumf %add3A_1111, %max3A_1113 : vector<50x128xf32>
    %dot_general3A_1115 = arith.constant dense<0.000000e+00> : vector<50x1xf32>
    %dot_general3A_1116 = tpu.matmul %max3A_1114, %get3A_19, %dot_general3A_1115 {dimension_numbers = #tpu.dot_dimension_numbers<[1], [0], [0], [1], [0, 0, 1, 1], [], []>, transpose_lhs_hint = false} : vector<50x128xf32>, vector<128x1xf32>, vector<50x1xf32> -> vector<50x1xf32>
    %mul3A_1117 = arith.mulf %div3A_1095, %dot_general3A_1116 : vector<50x1xf32>
    %dot_general3A_1118 = arith.constant dense<0.000000e+00> : vector<50x1xf32>
    %dot_general3A_1119 = tpu.matmul %dot_general3A_1075, %mul3A_1117, %dot_general3A_1118 {dimension_numbers = #tpu.dot_dimension_numbers<[1], [0], [0], [1], [0, 0, 1, 1], [], []>, precision = #tpu.contract_precision<fp32>, transpose_lhs_hint = false} : vector<50x50xf32>, vector<50x1xf32>, vector<50x1xf32> -> vector<50x1xf32>
    %mul3A_1120 = arith.mulf %div3A_1095, %dot_general3A_1119 : vector<50x1xf32>
    %mul3A_1121 = arith.mulf %dot_general3A_1116, %div3A_1098 : vector<50x1xf32>
    %add3A_1122 = arith.addf %mul3A_1120, %mul3A_1121 : vector<50x1xf32>
    %add3A_1123 = vector.broadcast %get3A_22 : vector<1x1xf32> to vector<50x1xf32>
    %add3A_1124 = arith.addf %add3A_1122, %add3A_1123 : vector<50x1xf32>
    %iota3A_1125 = tpu.iota {dimensions = array<i32: 0>} : vector<50x50xi32>
    %iota3A_1126 = tpu.iota {dimensions = array<i32: 1>} : vector<50x50xi32>
    %eq3A_1127 = arith.cmpi eq, %iota3A_1125, %iota3A_1126 : vector<50x50xi32>
    %convert_element_type3A_1128 = arith.extui %eq3A_1127 : vector<50x50xi1> to vector<50x50xi32>
    %convert_element_type3A_1129 = arith.sitofp %convert_element_type3A_1128 : vector<50x50xi32> to vector<50x50xf32>
    %dot_general3A_1130 = arith.constant dense<0.000000e+00> : vector<1x50xf32>
    %dot_general3A_1131 = tpu.matmul %add3A_1124, %convert_element_type3A_1129, %dot_general3A_1130 {dimension_numbers = #tpu.dot_dimension_numbers<[0], [0], [1], [1], [0, 1, 1, 1], [], []>, precision = #tpu.contract_precision<fp32>, transpose_lhs_hint = false} : vector<50x1xf32>, vector<50x50xf32>, vector<1x50xf32> -> vector<1x50xf32>
    %broadcast_in_dim3A_1132 = arith.constant 1.000000e+00 : f32
    %broadcast_in_dim3A_1133 = vector.broadcast %broadcast_in_dim3A_1132 : f32 to vector<50x50xf32>
    %mul3A_1134 = vector.broadcast %add3A_1124 : vector<50x1xf32> to vector<50x50xf32>
    %mul3A_1135 = arith.mulf %mul3A_1134, %broadcast_in_dim3A_1133 : vector<50x50xf32>
    %broadcast_in_dim3A_1136 = arith.constant 1.000000e+00 : f32
    %broadcast_in_dim3A_1137 = vector.broadcast %broadcast_in_dim3A_1136 : f32 to vector<50x50xf32>
    %mul3A_1138 = vector.broadcast %dot_general3A_1131 : vector<1x50xf32> to vector<50x50xf32>
    %mul3A_1139 = arith.mulf %mul3A_1138, %broadcast_in_dim3A_1137 : vector<50x50xf32>
    %iota3A_1140 = tpu.iota {dimensions = array<i32: 0>} : vector<50x50xi32>
    %iota3A_1141 = tpu.iota {dimensions = array<i32: 1>} : vector<50x50xi32>
    %gt3A_1142 = arith.cmpf ogt, %mul3A_1135, %mul3A_1139 : vector<50x50xf32>
    %eq3A_1143 = arith.cmpf oeq, %mul3A_1135, %mul3A_1139 : vector<50x50xf32>
    %lt3A_1144 = arith.cmpi slt, %iota3A_1140, %iota3A_1141 : vector<50x50xi32>
    %and3A_1145 = arith.andi %eq3A_1143, %lt3A_1144 : vector<50x50xi1>
    %or3A_1146 = arith.ori %gt3A_1142, %and3A_1145 : vector<50x50xi1>
    %convert_element_type3A_1147 = arith.extui %or3A_1146 : vector<50x50xi1> to vector<50x50xi32>
    %convert_element_type3A_1148 = arith.sitofp %convert_element_type3A_1147 : vector<50x50xi32> to vector<50x50xf32>
    %reduce_sum3A_1149 = arith.constant dense<0.000000e+00> : vector<50xf32>
    %reduce_sum3A_1150 = vector.multi_reduction <add>, %convert_element_type3A_1148, %reduce_sum3A_1149 [0] : vector<50x50xf32> to vector<50xf32>
    %broadcast_in_dim3A_1151 = vector.shape_cast %reduce_sum3A_1150 : vector<50xf32> to vector<1x50xf32>
    %iota3A_1152 = tpu.iota {dimensions = array<i32: 0>} : vector<25x50xi32>
    %convert_element_type3A_1153 = arith.sitofp %iota3A_1152 : vector<25x50xi32> to vector<25x50xf32>
    %broadcast_in_dim3A_1154 = arith.constant 1.000000e+00 : f32
    %broadcast_in_dim3A_1155 = vector.broadcast %broadcast_in_dim3A_1154 : f32 to vector<25x1xf32>
    %mul3A_1156 = vector.broadcast %broadcast_in_dim3A_1155 : vector<25x1xf32> to vector<25x50xf32>
    %mul3A_1157 = vector.broadcast %broadcast_in_dim3A_1151 : vector<1x50xf32> to vector<25x50xf32>
    %mul3A_1158 = arith.mulf %mul3A_1156, %mul3A_1157 : vector<25x50xf32>
    %eq3A_1159 = arith.cmpf oeq, %convert_element_type3A_1153, %mul3A_1158 : vector<25x50xf32>
    %convert_element_type3A_1160 = arith.extui %eq3A_1159 : vector<25x50xi1> to vector<25x50xi32>
    %convert_element_type3A_1161 = arith.sitofp %convert_element_type3A_1160 : vector<25x50xi32> to vector<25x50xf32>
    %dot_general3A_1162 = arith.constant dense<0.000000e+00> : vector<25x1xf32>
    %dot_general3A_1163 = tpu.matmul %convert_element_type3A_1161, %add3A_1124, %dot_general3A_1162 {dimension_numbers = #tpu.dot_dimension_numbers<[1], [0], [0], [1], [0, 0, 1, 1], [], []>, precision = #tpu.contract_precision<fp32>, transpose_lhs_hint = false} : vector<25x50xf32>, vector<50x1xf32>, vector<25x1xf32> -> vector<25x1xf32>
    %dot_general3A_1164 = arith.constant dense<0.000000e+00> : vector<25x128xf32>
    %dot_general3A_1165 = tpu.matmul %convert_element_type3A_1161, %max3A_1114, %dot_general3A_1164 {dimension_numbers = #tpu.dot_dimension_numbers<[1], [0], [0], [1], [0, 0, 1, 1], [], []>, precision = #tpu.contract_precision<fp32>, transpose_lhs_hint = false} : vector<25x50xf32>, vector<50x128xf32>, vector<25x128xf32> -> vector<25x128xf32>
    %tanh3A_1166 = math.tanh %dot_general3A_1163 : vector<25x1xf32>
    %mul3A_1167 = vector.broadcast %tanh3A_1166 : vector<25x1xf32> to vector<25x128xf32>
    %mul3A_1168 = arith.mulf %dot_general3A_1165, %mul3A_1167 : vector<25x128xf32>
    %dot_general3A_1169 = arith.constant dense<0.000000e+00> : vector<50x25xf32>
    %dot_general3A_1170 = tpu.matmul %dot_general3A_1075, %convert_element_type3A_1161, %dot_general3A_1169 {dimension_numbers = #tpu.dot_dimension_numbers<[1], [1], [0], [0], [0, 0, 1, 0], [], []>, precision = #tpu.contract_precision<fp32>, transpose_lhs_hint = false} : vector<50x50xf32>, vector<25x50xf32>, vector<50x25xf32> -> vector<50x25xf32>
    %dot_general3A_1171 = arith.constant dense<0.000000e+00> : vector<25x25xf32>
    %dot_general3A_1172 = tpu.matmul %convert_element_type3A_1161, %dot_general3A_1170, %dot_general3A_1171 {dimension_numbers = #tpu.dot_dimension_numbers<[1], [0], [0], [1], [0, 0, 1, 1], [], []>, precision = #tpu.contract_precision<fp32>, transpose_lhs_hint = false} : vector<25x50xf32>, vector<50x25xf32>, vector<25x25xf32> -> vector<25x25xf32>
    %reduce_max3A_1173 = arith.constant dense<0xFF800000> : vector<128xf32>
    %reduce_max3A_1174 = vector.multi_reduction <maximumf>, %mul3A_1168, %reduce_max3A_1173 [0] : vector<25x128xf32> to vector<128xf32>
    %broadcast_in_dim3A_1175 = vector.shape_cast %reduce_max3A_1174 : vector<128xf32> to vector<1x128xf32>
    %reduce_sum3A_1176 = arith.constant dense<0.000000e+00> : vector<128xf32>
    %reduce_sum3A_1177 = vector.multi_reduction <add>, %mul3A_1168, %reduce_sum3A_1176 [0] : vector<25x128xf32> to vector<128xf32>
    %broadcast_in_dim3A_1178 = vector.shape_cast %reduce_sum3A_1177 : vector<128xf32> to vector<1x128xf32>
    %div3A_1179 = arith.constant 2.500000e+01 : f32
    %div3A_1180 = vector.broadcast %div3A_1179 : f32 to vector<1x128xf32>
    %div3A_1181 = arith.divf %broadcast_in_dim3A_1178, %div3A_1180 : vector<1x128xf32>
    %concatenate3A_1182 = tpu.concatenate %broadcast_in_dim3A_1175, %div3A_1181 in 1 : vector<1x128xf32>, vector<1x128xf32> -> vector<1x256xf32>
    %add3A_1183 = arith.addf %concatenate3A_1085, %concatenate3A_1182 : vector<1x256xf32>
    %reduce_sum3A_1184 = arith.constant dense<0.000000e+00> : vector<25xf32>
    %reduce_sum3A_1185 = vector.multi_reduction <add>, %dot_general3A_1172, %reduce_sum3A_1184 [1] : vector<25x25xf32> to vector<25xf32>
    %broadcast_in_dim3A_1186 = vector.shape_cast %reduce_sum3A_1185 : vector<25xf32> to vector<25x1xf32>
    %add3A_1187 = arith.constant 1.000000e+00 : f32
    %add3A_1188 = vector.broadcast %add3A_1187 : f32 to vector<25x1xf32>
    %add3A_1189 = arith.addf %broadcast_in_dim3A_1186, %add3A_1188 : vector<25x1xf32>
    %sqrt3A_1190 = math.sqrt %add3A_1189 : vector<25x1xf32>
    %div3A_1191 = arith.constant 1.000000e+00 : f32
    %div3A_1192 = vector.broadcast %div3A_1191 : f32 to vector<25x1xf32>
    %div3A_1193 = arith.divf %div3A_1192, %sqrt3A_1190 : vector<25x1xf32>
    %div3A_1194 = arith.constant 1.000000e+00 : f32
    %div3A_1195 = vector.broadcast %div3A_1194 : f32 to vector<25x1xf32>
    %div3A_1196 = arith.divf %div3A_1195, %add3A_1189 : vector<25x1xf32>
    %dot_general3A_1197 = arith.constant dense<0.000000e+00> : vector<25x128xf32>
    %dot_general3A_1198 = tpu.matmul %mul3A_1168, %get3A_25, %dot_general3A_1197 {dimension_numbers = #tpu.dot_dimension_numbers<[1], [0], [0], [1], [0, 0, 1, 1], [], []>, transpose_lhs_hint = false} : vector<25x128xf32>, vector<128x128xf32>, vector<25x128xf32> -> vector<25x128xf32>
    %mul3A_1199 = vector.broadcast %div3A_1193 : vector<25x1xf32> to vector<25x128xf32>
    %mul3A_1200 = arith.mulf %mul3A_1199, %dot_general3A_1198 : vector<25x128xf32>
    %dot_general3A_1201 = arith.constant dense<0.000000e+00> : vector<25x128xf32>
    %dot_general3A_1202 = tpu.matmul %dot_general3A_1172, %mul3A_1200, %dot_general3A_1201 {dimension_numbers = #tpu.dot_dimension_numbers<[1], [0], [0], [1], [0, 0, 1, 1], [], []>, precision = #tpu.contract_precision<fp32>, transpose_lhs_hint = false} : vector<25x25xf32>, vector<25x128xf32>, vector<25x128xf32> -> vector<25x128xf32>
    %mul3A_1203 = vector.broadcast %div3A_1193 : vector<25x1xf32> to vector<25x128xf32>
    %mul3A_1204 = arith.mulf %mul3A_1203, %dot_general3A_1202 : vector<25x128xf32>
    %mul3A_1205 = vector.broadcast %div3A_1196 : vector<25x1xf32> to vector<25x128xf32>
    %mul3A_1206 = arith.mulf %dot_general3A_1198, %mul3A_1205 : vector<25x128xf32>
    %add3A_1207 = arith.addf %mul3A_1204, %mul3A_1206 : vector<25x128xf32>
    %add3A_1208 = vector.broadcast %get3A_28 : vector<1x128xf32> to vector<25x128xf32>
    %add3A_1209 = arith.addf %add3A_1207, %add3A_1208 : vector<25x128xf32>
    %max3A_1210 = arith.constant 0.000000e+00 : f32
    %max3A_1211 = vector.broadcast %max3A_1210 : f32 to vector<25x128xf32>
    %max3A_1212 = arith.maximumf %add3A_1209, %max3A_1211 : vector<25x128xf32>
    %dot_general3A_1213 = arith.constant dense<0.000000e+00> : vector<25x1xf32>
    %dot_general3A_1214 = tpu.matmul %max3A_1212, %get3A_31, %dot_general3A_1213 {dimension_numbers = #tpu.dot_dimension_numbers<[1], [0], [0], [1], [0, 0, 1, 1], [], []>, transpose_lhs_hint = false} : vector<25x128xf32>, vector<128x1xf32>, vector<25x1xf32> -> vector<25x1xf32>
    %mul3A_1215 = arith.mulf %div3A_1193, %dot_general3A_1214 : vector<25x1xf32>
    %dot_general3A_1216 = arith.constant dense<0.000000e+00> : vector<25x1xf32>
    %dot_general3A_1217 = tpu.matmul %dot_general3A_1172, %mul3A_1215, %dot_general3A_1216 {dimension_numbers = #tpu.dot_dimension_numbers<[1], [0], [0], [1], [0, 0, 1, 1], [], []>, precision = #tpu.contract_precision<fp32>, transpose_lhs_hint = false} : vector<25x25xf32>, vector<25x1xf32>, vector<25x1xf32> -> vector<25x1xf32>
    %mul3A_1218 = arith.mulf %div3A_1193, %dot_general3A_1217 : vector<25x1xf32>
    %mul3A_1219 = arith.mulf %dot_general3A_1214, %div3A_1196 : vector<25x1xf32>
    %add3A_1220 = arith.addf %mul3A_1218, %mul3A_1219 : vector<25x1xf32>
    %add3A_1221 = vector.broadcast %get3A_34 : vector<1x1xf32> to vector<25x1xf32>
    %add3A_1222 = arith.addf %add3A_1220, %add3A_1221 : vector<25x1xf32>
    %iota3A_1223 = tpu.iota {dimensions = array<i32: 0>} : vector<25x25xi32>
    %iota3A_1224 = tpu.iota {dimensions = array<i32: 1>} : vector<25x25xi32>
    %eq3A_1225 = arith.cmpi eq, %iota3A_1223, %iota3A_1224 : vector<25x25xi32>
    %convert_element_type3A_1226 = arith.extui %eq3A_1225 : vector<25x25xi1> to vector<25x25xi32>
    %convert_element_type3A_1227 = arith.sitofp %convert_element_type3A_1226 : vector<25x25xi32> to vector<25x25xf32>
    %dot_general3A_1228 = arith.constant dense<0.000000e+00> : vector<1x25xf32>
    %dot_general3A_1229 = tpu.matmul %add3A_1222, %convert_element_type3A_1227, %dot_general3A_1228 {dimension_numbers = #tpu.dot_dimension_numbers<[0], [0], [1], [1], [0, 1, 1, 1], [], []>, precision = #tpu.contract_precision<fp32>, transpose_lhs_hint = false} : vector<25x1xf32>, vector<25x25xf32>, vector<1x25xf32> -> vector<1x25xf32>
    %broadcast_in_dim3A_1230 = arith.constant 1.000000e+00 : f32
    %broadcast_in_dim3A_1231 = vector.broadcast %broadcast_in_dim3A_1230 : f32 to vector<25x25xf32>
    %mul3A_1232 = vector.broadcast %add3A_1222 : vector<25x1xf32> to vector<25x25xf32>
    %mul3A_1233 = arith.mulf %mul3A_1232, %broadcast_in_dim3A_1231 : vector<25x25xf32>
    %broadcast_in_dim3A_1234 = arith.constant 1.000000e+00 : f32
    %broadcast_in_dim3A_1235 = vector.broadcast %broadcast_in_dim3A_1234 : f32 to vector<25x25xf32>
    %mul3A_1236 = vector.broadcast %dot_general3A_1229 : vector<1x25xf32> to vector<25x25xf32>
    %mul3A_1237 = arith.mulf %mul3A_1236, %broadcast_in_dim3A_1235 : vector<25x25xf32>
    %iota3A_1238 = tpu.iota {dimensions = array<i32: 0>} : vector<25x25xi32>
    %iota3A_1239 = tpu.iota {dimensions = array<i32: 1>} : vector<25x25xi32>
    %gt3A_1240 = arith.cmpf ogt, %mul3A_1233, %mul3A_1237 : vector<25x25xf32>
    %eq3A_1241 = arith.cmpf oeq, %mul3A_1233, %mul3A_1237 : vector<25x25xf32>
    %lt3A_1242 = arith.cmpi slt, %iota3A_1238, %iota3A_1239 : vector<25x25xi32>
    %and3A_1243 = arith.andi %eq3A_1241, %lt3A_1242 : vector<25x25xi1>
    %or3A_1244 = arith.ori %gt3A_1240, %and3A_1243 : vector<25x25xi1>
    %convert_element_type3A_1245 = arith.extui %or3A_1244 : vector<25x25xi1> to vector<25x25xi32>
    %convert_element_type3A_1246 = arith.sitofp %convert_element_type3A_1245 : vector<25x25xi32> to vector<25x25xf32>
    %reduce_sum3A_1247 = arith.constant dense<0.000000e+00> : vector<25xf32>
    %reduce_sum3A_1248 = vector.multi_reduction <add>, %convert_element_type3A_1246, %reduce_sum3A_1247 [0] : vector<25x25xf32> to vector<25xf32>
    %broadcast_in_dim3A_1249 = vector.shape_cast %reduce_sum3A_1248 : vector<25xf32> to vector<1x25xf32>
    %iota3A_1250 = tpu.iota {dimensions = array<i32: 0>} : vector<13x25xi32>
    %convert_element_type3A_1251 = arith.sitofp %iota3A_1250 : vector<13x25xi32> to vector<13x25xf32>
    %broadcast_in_dim3A_1252 = arith.constant 1.000000e+00 : f32
    %broadcast_in_dim3A_1253 = vector.broadcast %broadcast_in_dim3A_1252 : f32 to vector<13x1xf32>
    %mul3A_1254 = vector.broadcast %broadcast_in_dim3A_1253 : vector<13x1xf32> to vector<13x25xf32>
    %mul3A_1255 = vector.broadcast %broadcast_in_dim3A_1249 : vector<1x25xf32> to vector<13x25xf32>
    %mul3A_1256 = arith.mulf %mul3A_1254, %mul3A_1255 : vector<13x25xf32>
    %eq3A_1257 = arith.cmpf oeq, %convert_element_type3A_1251, %mul3A_1256 : vector<13x25xf32>
    %convert_element_type3A_1258 = arith.extui %eq3A_1257 : vector<13x25xi1> to vector<13x25xi32>
    %convert_element_type3A_1259 = arith.sitofp %convert_element_type3A_1258 : vector<13x25xi32> to vector<13x25xf32>
    %dot_general3A_1260 = arith.constant dense<0.000000e+00> : vector<13x1xf32>
    %dot_general3A_1261 = tpu.matmul %convert_element_type3A_1259, %add3A_1222, %dot_general3A_1260 {dimension_numbers = #tpu.dot_dimension_numbers<[1], [0], [0], [1], [0, 0, 1, 1], [], []>, precision = #tpu.contract_precision<fp32>, transpose_lhs_hint = false} : vector<13x25xf32>, vector<25x1xf32>, vector<13x1xf32> -> vector<13x1xf32>
    %dot_general3A_1262 = arith.constant dense<0.000000e+00> : vector<13x128xf32>
    %dot_general3A_1263 = tpu.matmul %convert_element_type3A_1259, %max3A_1212, %dot_general3A_1262 {dimension_numbers = #tpu.dot_dimension_numbers<[1], [0], [0], [1], [0, 0, 1, 1], [], []>, precision = #tpu.contract_precision<fp32>, transpose_lhs_hint = false} : vector<13x25xf32>, vector<25x128xf32>, vector<13x128xf32> -> vector<13x128xf32>
    %tanh3A_1264 = math.tanh %dot_general3A_1261 : vector<13x1xf32>
    %mul3A_1265 = vector.broadcast %tanh3A_1264 : vector<13x1xf32> to vector<13x128xf32>
    %mul3A_1266 = arith.mulf %dot_general3A_1263, %mul3A_1265 : vector<13x128xf32>
    %reduce_max3A_1267 = arith.constant dense<0xFF800000> : vector<128xf32>
    %reduce_max3A_1268 = vector.multi_reduction <maximumf>, %mul3A_1266, %reduce_max3A_1267 [0] : vector<13x128xf32> to vector<128xf32>
    %broadcast_in_dim3A_1269 = vector.shape_cast %reduce_max3A_1268 : vector<128xf32> to vector<1x128xf32>
    %reduce_sum3A_1270 = arith.constant dense<0.000000e+00> : vector<128xf32>
    %reduce_sum3A_1271 = vector.multi_reduction <add>, %mul3A_1266, %reduce_sum3A_1270 [0] : vector<13x128xf32> to vector<128xf32>
    %broadcast_in_dim3A_1272 = vector.shape_cast %reduce_sum3A_1271 : vector<128xf32> to vector<1x128xf32>
    %div3A_1273 = arith.constant 1.300000e+01 : f32
    %div3A_1274 = vector.broadcast %div3A_1273 : f32 to vector<1x128xf32>
    %div3A_1275 = arith.divf %broadcast_in_dim3A_1272, %div3A_1274 : vector<1x128xf32>
    %concatenate3A_1276 = tpu.concatenate %broadcast_in_dim3A_1269, %div3A_1275 in 1 : vector<1x128xf32>, vector<1x128xf32> -> vector<1x256xf32>
    %add3A_1277 = arith.addf %add3A_1183, %concatenate3A_1276 : vector<1x256xf32>
    %swap3A_1278 = arith.constant 3 : index
    %swap3A_1279 = arith.constant 0 : index
    %swap3A_1280 = arith.constant 0 : index
    %swap3A_1281 = vector.load %arg17[%swap3A_1278, %swap3A_1279, %swap3A_1280] : memref<4x1x256xf32, #tpu.memory_space<vmem>>, vector<1x1x256xf32>
    %swap3A_1282 = vector.shape_cast %swap3A_1281 : vector<1x1x256xf32> to vector<1x256xf32>
    %swap3A_1283 = vector.shape_cast %add3A_1277 : vector<1x256xf32> to vector<1x1x256xf32>
    tpu.vector_store %arg17[%swap3A_1278, %swap3A_1279, %swap3A_1280], %swap3A_1283 {strides = array<i32>} : memref<4x1x256xf32, #tpu.memory_space<vmem>>, vector<1x1x256xf32>,
    return
  }
  func.func @transform_0(%arg0: i32) -> (i32, i32, i32) {
    %c0_i32 = arith.constant 0 : i32
    %c0_i32_0 = arith.constant 0 : i32
    %c0_i32_1 = arith.constant 0 : i32
    return %arg0, %c0_i32, %c0_i32_0 : i32, i32, i32
  }
  func.func @transform_1(%arg0: i32) -> (i32, i32, i32) {
    %c0_i32 = arith.constant 0 : i32
    %c0_i32_0 = arith.constant 0 : i32
    %c0_i32_1 = arith.constant 0 : i32
    return %arg0, %c0_i32, %c0_i32_0 : i32, i32, i32
  }
  func.func @transform_2(%arg0: i32) -> (i32, i32, i32) {
    %c0_i32 = arith.constant 0 : i32
    %c0_i32_0 = arith.constant 0 : i32
    %c0_i32_1 = arith.constant 0 : i32
    return %arg0, %c0_i32, %c0_i32_0 : i32, i32, i32
  }
  func.func @transform_3(%arg0: i32) -> (i32, i32, i32) {
    %c0_i32 = arith.constant 0 : i32
    %c0_i32_0 = arith.constant 0 : i32
    %c0_i32_1 = arith.constant 0 : i32
    return %arg0, %c0_i32, %c0_i32_0 : i32, i32, i32
  }
  func.func @transform_4(%arg0: i32) -> (i32, i32) {
    %c0_i32 = arith.constant 0 : i32
    %c0_i32_0 = arith.constant 0 : i32
    %c0_i32_1 = arith.constant 0 : i32
    return %c0_i32, %c0_i32_0 : i32, i32
  }
  func.func @transform_5(%arg0: i32) -> (i32, i32) {
    %c0_i32 = arith.constant 0 : i32
    %c0_i32_0 = arith.constant 0 : i32
    %c0_i32_1 = arith.constant 0 : i32
    return %c0_i32, %c0_i32_0 : i32, i32
  }
  func.func @transform_6(%arg0: i32) -> (i32, i32) {
    %c0_i32 = arith.constant 0 : i32
    %c0_i32_0 = arith.constant 0 : i32
    %c0_i32_1 = arith.constant 0 : i32
    return %c0_i32, %c0_i32_0 : i32, i32
  }
  func.func @transform_7(%arg0: i32) -> (i32, i32) {
    %c0_i32 = arith.constant 0 : i32
    %c0_i32_0 = arith.constant 0 : i32
    %c0_i32_1 = arith.constant 0 : i32
    return %c0_i32, %c0_i32_0 : i32, i32
  }
  func.func @transform_8(%arg0: i32) -> (i32, i32) {
    %c0_i32 = arith.constant 0 : i32
    %c0_i32_0 = arith.constant 0 : i32
    %c0_i32_1 = arith.constant 0 : i32
    return %c0_i32, %c0_i32_0 : i32, i32
  }
  func.func @transform_9(%arg0: i32) -> (i32, i32) {
    %c0_i32 = arith.constant 0 : i32
    %c0_i32_0 = arith.constant 0 : i32
    %c0_i32_1 = arith.constant 0 : i32
    return %c0_i32, %c0_i32_0 : i32, i32
  }
  func.func @transform_10(%arg0: i32) -> (i32, i32) {
    %c0_i32 = arith.constant 0 : i32
    %c0_i32_0 = arith.constant 0 : i32
    %c0_i32_1 = arith.constant 0 : i32
    return %c0_i32, %c0_i32_0 : i32, i32
  }
  func.func @transform_11(%arg0: i32) -> (i32, i32) {
    %c0_i32 = arith.constant 0 : i32
    %c0_i32_0 = arith.constant 0 : i32
    %c0_i32_1 = arith.constant 0 : i32
    return %c0_i32, %c0_i32_0 : i32, i32
  }
  func.func @transform_12(%arg0: i32) -> (i32, i32) {
    %c0_i32 = arith.constant 0 : i32
    %c0_i32_0 = arith.constant 0 : i32
    %c0_i32_1 = arith.constant 0 : i32
    return %c0_i32, %c0_i32_0 : i32, i32
  }
  func.func @transform_13(%arg0: i32) -> (i32, i32) {
    %c0_i32 = arith.constant 0 : i32
    %c0_i32_0 = arith.constant 0 : i32
    %c0_i32_1 = arith.constant 0 : i32
    return %c0_i32, %c0_i32_0 : i32, i32
  }
  func.func @transform_14(%arg0: i32) -> (i32, i32) {
    %c0_i32 = arith.constant 0 : i32
    %c0_i32_0 = arith.constant 0 : i32
    %c0_i32_1 = arith.constant 0 : i32
    return %c0_i32, %c0_i32_0 : i32, i32
  }
  func.func @transform_15(%arg0: i32) -> (i32, i32) {
    %c0_i32 = arith.constant 0 : i32
    %c0_i32_0 = arith.constant 0 : i32
    %c0_i32_1 = arith.constant 0 : i32
    return %c0_i32, %c0_i32_0 : i32, i32
  }
  func.func @transform_16(%arg0: i32) -> (i32, i32, i32) {
    %c0_i32 = arith.constant 0 : i32
    %c0_i32_0 = arith.constant 0 : i32
    %c0_i32_1 = arith.constant 0 : i32
    return %arg0, %c0_i32, %c0_i32_0 : i32, i32, i32
  }
}

module attributes {stable_mosaic.version = 14 : i64} {
  func.func @_mlp_body(%arg0: memref<100x256xf32, #tpu.memory_space<vmem>>, %arg1: memref<256x128xf32, #tpu.memory_space<vmem>>, %arg2: memref<1x128xf32, #tpu.memory_space<vmem>>, %arg3: memref<128x128xf32, #tpu.memory_space<vmem>>, %arg4: memref<1x128xf32, #tpu.memory_space<vmem>>, %arg5: memref<100x128xf32, #tpu.memory_space<vmem>>) attributes {dimension_semantics = [], scalar_prefetch = 0 : i64, scratch_operands = 0 : i64, tpu.core_type = #tpu.core_type<tc>} {
    %get3A = arith.constant 0 : index
    %get3A_0 = arith.constant 0 : index
    %get3A_1 = vector.load %arg0[%get3A, %get3A_0] : memref<100x256xf32, #tpu.memory_space<vmem>>, vector<100x256xf32>
    %get3A_2 = arith.constant 0 : index
    %get3A_3 = arith.constant 0 : index
    %get3A_4 = vector.load %arg1[%get3A_2, %get3A_3] : memref<256x128xf32, #tpu.memory_space<vmem>>, vector<256x128xf32>
    %dot_general3A = arith.constant dense<0.000000e+00> : vector<100x128xf32>
    %dot_general3A_5 = tpu.matmul %get3A_1, %get3A_4, %dot_general3A {dimension_numbers = #tpu.dot_dimension_numbers<[1], [0], [0], [1], [0, 0, 1, 1], [], []>, transpose_lhs_hint = false} : vector<100x256xf32>, vector<256x128xf32>, vector<100x128xf32> -> vector<100x128xf32>
    %get3A_6 = arith.constant 0 : index
    %get3A_7 = arith.constant 0 : index
    %get3A_8 = vector.load %arg2[%get3A_6, %get3A_7] : memref<1x128xf32, #tpu.memory_space<vmem>>, vector<1x128xf32>
    %add3A = vector.broadcast %get3A_8 : vector<1x128xf32> to vector<100x128xf32>
    %add3A_9 = arith.addf %dot_general3A_5, %add3A : vector<100x128xf32>
    %max3A = arith.constant 0.000000e+00 : f32
    %max3A_10 = vector.broadcast %max3A : f32 to vector<100x128xf32>
    %max3A_11 = arith.maximumf %add3A_9, %max3A_10 : vector<100x128xf32>
    %get3A_12 = arith.constant 0 : index
    %get3A_13 = arith.constant 0 : index
    %get3A_14 = vector.load %arg3[%get3A_12, %get3A_13] : memref<128x128xf32, #tpu.memory_space<vmem>>, vector<128x128xf32>
    %dot_general3A_15 = arith.constant dense<0.000000e+00> : vector<100x128xf32>
    %dot_general3A_16 = tpu.matmul %max3A_11, %get3A_14, %dot_general3A_15 {dimension_numbers = #tpu.dot_dimension_numbers<[1], [0], [0], [1], [0, 0, 1, 1], [], []>, transpose_lhs_hint = false} : vector<100x128xf32>, vector<128x128xf32>, vector<100x128xf32> -> vector<100x128xf32>
    %get3A_17 = arith.constant 0 : index
    %get3A_18 = arith.constant 0 : index
    %get3A_19 = vector.load %arg4[%get3A_17, %get3A_18] : memref<1x128xf32, #tpu.memory_space<vmem>>, vector<1x128xf32>
    %add3A_20 = vector.broadcast %get3A_19 : vector<1x128xf32> to vector<100x128xf32>
    %add3A_21 = arith.addf %dot_general3A_16, %add3A_20 : vector<100x128xf32>
    %max3A_22 = arith.constant 0.000000e+00 : f32
    %max3A_23 = vector.broadcast %max3A_22 : f32 to vector<100x128xf32>
    %max3A_24 = arith.maximumf %add3A_21, %max3A_23 : vector<100x128xf32>
    %swap3A = arith.constant 0 : index
    %swap3A_25 = arith.constant 0 : index
    %swap3A_26 = vector.load %arg5[%swap3A, %swap3A_25] : memref<100x128xf32, #tpu.memory_space<vmem>>, vector<100x128xf32>
    tpu.vector_store %arg5[%swap3A, %swap3A_25], %max3A_24 {strides = array<i32>} : memref<100x128xf32, #tpu.memory_space<vmem>>, vector<100x128xf32>,
    return
  }
}

module attributes {stable_mosaic.version = 14 : i64} {
  func.func @_pred_body(%arg0: i32, %arg1: memref<100x128xf32, #tpu.memory_space<vmem>>, %arg2: memref<1x128x5000xf32, #tpu.memory_space<vmem>>, %arg3: memref<1x1x5000xf32, #tpu.memory_space<vmem>>, %arg4: memref<1x100x5000xf32, #tpu.memory_space<vmem>>) attributes {dimension_semantics = [#tpu.dimension_semantics<arbitrary>], iteration_bounds = array<i64: 5>, scalar_prefetch = 0 : i64, scratch_operands = 0 : i64, tpu.core_type = #tpu.core_type<tc>, window_params = [{pipeline_mode = #tpu.pipeline_mode<synchronous>, transform_indices = @transform_0, window_bounds = array<i64: 100, 128>}, {transform_indices = @transform_1, window_bounds = array<i64: 1, 128, 5000>}, {transform_indices = @transform_2, window_bounds = array<i64: 1, 1, 5000>}, {transform_indices = @transform_3, window_bounds = array<i64: 1, 100, 5000>}]} {
    %get3A = arith.constant 0 : index
    %get3A_0 = arith.constant 0 : index
    %get3A_1 = vector.load %arg1[%get3A, %get3A_0] : memref<100x128xf32, #tpu.memory_space<vmem>>, vector<100x128xf32>
    %get3A_2 = arith.constant 0 : index
    %get3A_3 = arith.constant 0 : index
    %get3A_4 = arith.constant 0 : index
    %get3A_5 = vector.load %arg2[%get3A_2, %get3A_3, %get3A_4] : memref<1x128x5000xf32, #tpu.memory_space<vmem>>, vector<1x128x5000xf32>
    %get3A_6 = vector.shape_cast %get3A_5 : vector<1x128x5000xf32> to vector<128x5000xf32>
    %dot_general3A = arith.constant dense<0.000000e+00> : vector<100x5000xf32>
    %dot_general3A_7 = tpu.matmul %get3A_1, %get3A_6, %dot_general3A {dimension_numbers = #tpu.dot_dimension_numbers<[1], [0], [0], [1], [0, 0, 1, 1], [], []>, transpose_lhs_hint = false} : vector<100x128xf32>, vector<128x5000xf32>, vector<100x5000xf32> -> vector<100x5000xf32>
    %get3A_8 = arith.constant 0 : index
    %get3A_9 = arith.constant 0 : index
    %get3A_10 = arith.constant 0 : index
    %get3A_11 = vector.load %arg3[%get3A_8, %get3A_9, %get3A_10] : memref<1x1x5000xf32, #tpu.memory_space<vmem>>, vector<1x1x5000xf32>
    %get3A_12 = vector.shape_cast %get3A_11 : vector<1x1x5000xf32> to vector<1x5000xf32>
    %add3A = vector.broadcast %get3A_12 : vector<1x5000xf32> to vector<100x5000xf32>
    %add3A_13 = arith.addf %dot_general3A_7, %add3A : vector<100x5000xf32>
    %broadcast_in_dim3A = vector.shape_cast %add3A_13 : vector<100x5000xf32> to vector<1x100x5000xf32>
    %swap3A = arith.constant 0 : index
    %swap3A_14 = arith.constant 0 : index
    %swap3A_15 = arith.constant 0 : index
    %swap3A_16 = vector.load %arg4[%swap3A, %swap3A_14, %swap3A_15] : memref<1x100x5000xf32, #tpu.memory_space<vmem>>, vector<1x100x5000xf32>
    tpu.vector_store %arg4[%swap3A, %swap3A_14, %swap3A_15], %broadcast_in_dim3A {strides = array<i32>} : memref<1x100x5000xf32, #tpu.memory_space<vmem>>, vector<1x100x5000xf32>,
    return
  }
  func.func @transform_0(%arg0: i32) -> (i32, i32) {
    %c0_i32 = arith.constant 0 : i32
    %c0_i32_0 = arith.constant 0 : i32
    %c0_i32_1 = arith.constant 0 : i32
    return %c0_i32, %c0_i32_0 : i32, i32
  }
  func.func @transform_1(%arg0: i32) -> (i32, i32, i32) {
    %c0_i32 = arith.constant 0 : i32
    %c0_i32_0 = arith.constant 0 : i32
    %c0_i32_1 = arith.constant 0 : i32
    return %arg0, %c0_i32, %c0_i32_0 : i32, i32, i32
  }
  func.func @transform_2(%arg0: i32) -> (i32, i32, i32) {
    %c0_i32 = arith.constant 0 : i32
    %c0_i32_0 = arith.constant 0 : i32
    %c0_i32_1 = arith.constant 0 : i32
    return %arg0, %c0_i32, %c0_i32_0 : i32, i32, i32
  }
  func.func @transform_3(%arg0: i32) -> (i32, i32, i32) {
    %c0_i32 = arith.constant 0 : i32
    %c0_i32_0 = arith.constant 0 : i32
    %c0_i32_1 = arith.constant 0 : i32
    return %arg0, %c0_i32, %c0_i32_0 : i32, i32, i32
  }
}

</mosaic_0001>

<sc_bundles>
// kernel: kernel.6.cloned.1.call-start
scs
__scs_entry_jumppad:
0x0: {  	(pc) =	sbr.rel $0x88, $3  }
0x1: {  	(tag) =	ssettag $0x0;
	lr =	simm.s32 $0x1  }
0x2: {  	[smem:$0x3F89] =	sst lr;
	_ =	strace $0xD0000000  }
0x3: {  	_ = 	snop  }
0x4: {  	_ = 	snop  }
0x5: {  	_ = 	snop  }
0x6: {  	_ = 	snop  }
0x7: {  	_ = 	snop  }
__scs_overlays_trampoline_lowered:
0x8: {  	[smem:$0x3F98] =	sst s0  }
0x9: {  	[smem:$0x3F99] =	sst s1  }
0xa: {  	[smem:$0x3F9A] =	sst s2  }
0xb: {  	[smem:$0x3F9B] =	sst s3  }
0xc: {  	[smem:$0x3F9C] =	sst s4  }
0xd: {  	[smem:$0x3F9D] =	sst s5  }
0xe: {  	[smem:$0x3F9E] =	sst s6  }
0xf: {  	[smem:$0x3F9F] =	sst s7  }
0x10: {  	[smem:$0x3FA0] =	sst s8  }
0x11: {  	[smem:$0x3FA1] =	sst s9;
	s0 =	simm.s32 @!p0 $0x0  }
0x12: {  	s1 =	sld [smem:$0x3F87];
	s0 =	simm.s32 @p0 $0x1  }
0x13: {  	[smem:$0x3FA2] =	sst s0;
	s0 =	simm.s32 @!p1 $0x0  }
0x14: {  	s2 =	sld [smem:$0x3F86];
	s0 =	simm.s32 @p1 $0x1  }
0x15: {  	[smem:$0x3FA3] =	sst s0;
	s0 =	simm.s32 @!p2 $0x0  }
0x16: {  	s3 =	sld [smem:$0x3FDB];
	s0 =	simm.s32 @p2 $0x1  }
0x17: {  	s4 =	simm.s32 $0x1BF5;
	[smem:$0x3FA5] =	sst s0  }
0x18: {  	s0 =	sld [smem:$0x3F88];
	_ =	swait.ge [sflag:s4], $0x0  }
0x19: {  	s7 =	sld [smem:$0x3F89]  }
0x1a: {  	s8 =	sadd.s32 $0xFFFFE003, lr  }
0x1b: {  	s9 =	sadd.s32 $0xFFFFFEF7, lr;
	s5 =	simm.s32 $0xFFFFFFFF;
	p2 =	slt.u32 s8, $0xFFFFF086  }
0x1c: {  	p1 =	slt.u32 s9, $0xF7A;
	s5 =	simm.s32 @!p2 $0x0  }
0x1d: {  	s5 =	simm.s32 @p1 $0x1;
	p0 =	seq.s32 s7, s2  }
0x1e: {  	s7 =	smul.u32 @!p0 $0xF7A, s2;
	p2 =	seq.s32 @!p0 s5, $0x0  }
0x1f: {  	s9 =	smul.u32 $0xF7A, s1;
	s8 =	simm.s32 @!p0 $0x1BF5;
	p2 =	por !p2, p0  }
0x20: {  	[sflag:s8] =	ssyncset.s32 @!p0 $0xFFFFF086;
	s6 =	sadd.s32 @!p0 s3, s7;
	s7 =	simm.s32 @!p0 $0x108  }
0x21: {  	s3 =	sadd.s32 s3, s9;
	s6 =	sadd.s32 @!p0 $0x88, s6;
	s7 =	simm.s32 @p2 $0x1082  }
0x22: {  	[simem:s7], [sflag:s8] =	dma.local @!p0 [hbm:s6], $0xF7A  }
0x23: {  	s9 =	sor.u32 $0xD0000000, s2;
	s6 =	simm.s32 $0x108;
	_ =	swait.ge @!p0 [sflag:s8], $0x0  }
0x24: {  	s3 =	sadd.s32 $0x88, s3;
	s6 =	simm.s32 @!p1 $0x1082;
	[sflag:s4] =	ssyncset.s32 $0xFFFFF086  }
0x25: {  	[simem:s6], [sflag:s4] =	dma.local [hbm:s3], $0xF7A  }
0x26: {  	[smem:$0x3F89] =	sst s1;
	(tag) =	ssettag s2;
	_ =	strace s9  }
0x27: {  	s1 =	sld [smem:$0x3F99]  }
0x28: {  	s2 =	sld [smem:$0x3F9A]  }
0x29: {  	s4 =	sld [smem:$0x3F9C]  }
0x2a: {  	p0 =	seq.s32 s5, $0x0;
	s5 =	sld [smem:$0x3F9D]  }
0x2b: {  	s6 =	sld [smem:$0x3F9E]  }
0x2c: {  	s7 =	sld [smem:$0x3F9F]  }
0x2d: {  	s3 =	simm.s32 $0x108;
	s8 =	sld [smem:$0x3FA0]  }
0x2e: {  	s3 =	simm.s32 @!p0 $0x1082;
	s9 =	sld [smem:$0x3FA1]  }
0x2f: {  	lr =	sadd.s32 s0, s3;
	s0 =	sld [smem:$0x3F98]  }
0x30: {  	s3 =	sld [smem:$0x3F9B]  }
0x31: {  	[smem:$0x3FA4] =	sst s10  }
0x32: {  	s10 =	sld [smem:$0x3FA2];
	_ =	sdelay $0x3  }
0x33: {  	p0 =	seq.s32 s10, $0x1;
	s10 =	sld [smem:$0x3FA4];
	_ =	sdelay $0x3  }
0x34: {  	[smem:$0x3FA4] =	sst s10  }
0x35: {  	s10 =	sld [smem:$0x3FA3];
	_ =	sdelay $0x3  }
0x36: {  	p1 =	seq.s32 s10, $0x1;
	s10 =	sld [smem:$0x3FA4];
	_ =	sdelay $0x3  }
0x37: {  	[smem:$0x3FA4] =	sst s10  }
0x38: {  	s10 =	sld [smem:$0x3FA5]  }
0x39: {  	_ = 	snop;
	(pc) =	sbr.ind lr, $3  }
0x3a: {  	_ = 	snop  }
0x3b: {  	_ = 	snop  }
0x3c: {  	p2 =	seq.s32 s10, $0x1;
	s10 =	sld [smem:$0x3FA4]  }
0x3d: {  	_ =	shalt  }
0x3e: {  	_ =	shalt  }
0x3f: {  	_ =	shalt  }
0x40: {  	_ =	shalt  }
0x41: {  	_ =	shalt  }
0x42: {  	_ =	shalt  }
0x43: {  	_ =	shalt  }
0x44: {  	_ =	shalt  }
0x45: {  	_ =	shalt  }
0x46: {  	_ =	shalt  }
0x47: {  	_ =	shalt  }
0x48: {  	_ =	shalt  }
0x49: {  	_ =	shalt  }
0x4a: {  	_ =	shalt  }
0x4b: {  	_ =	shalt  }
0x4c: {  	_ =	shalt  }
0x4d: {  	_ =	shalt  }
0x4e: {  	_ =	shalt  }
0x4f: {  	_ =	shalt  }
0x50: {  	_ =	shalt  }
0x51: {  	_ =	shalt  }
0x52: {  	_ =	shalt  }
0x53: {  	_ =	shalt  }
0x54: {  	_ =	shalt  }
0x55: {  	_ =	shalt  }
0x56: {  	_ =	shalt  }
0x57: {  	_ =	shalt  }
0x58: {  	_ =	shalt  }
0x59: {  	_ =	shalt  }
0x5a: {  	_ =	shalt  }
0x5b: {  	_ =	shalt  }
0x5c: {  	_ =	shalt  }
0x5d: {  	_ =	shalt  }
0x5e: {  	_ =	shalt  }
0x5f: {  	_ =	shalt  }
0x60: {  	_ =	shalt  }
0x61: {  	_ =	shalt  }
0x62: {  	_ =	shalt  }
0x63: {  	_ =	shalt  }
0x64: {  	_ =	shalt  }
0x65: {  	_ =	shalt  }
0x66: {  	_ =	shalt  }
0x67: {  	_ =	shalt  }
0x68: {  	_ =	shalt  }
0x69: {  	_ =	shalt  }
0x6a: {  	_ =	shalt  }
0x6b: {  	_ =	shalt  }
0x6c: {  	_ =	shalt  }
0x6d: {  	_ =	shalt  }
0x6e: {  	_ =	shalt  }
0x6f: {  	_ =	shalt  }
0x70: {  	_ =	shalt  }
0x71: {  	_ =	shalt  }
0x72: {  	_ =	shalt  }
0x73: {  	_ =	shalt  }
0x74: {  	_ =	shalt  }
0x75: {  	_ =	shalt  }
0x76: {  	_ =	shalt  }
0x77: {  	_ =	shalt  }
0x78: {  	_ =	shalt  }
0x79: {  	_ =	shalt  }
0x7a: {  	_ =	shalt  }
0x7b: {  	_ =	shalt  }
0x7c: {  	_ =	shalt  }
0x7d: {  	_ =	shalt  }
0x7e: {  	_ =	shalt  }
0x7f: {  	_ =	shalt  }
0x80: {  	_ =	shalt  }
0x81: {  	_ =	shalt  }
0x82: {  	_ =	shalt  }
0x83: {  	_ =	shalt  }
0x84: {  	_ =	shalt  }
0x85: {  	_ =	shalt  }
0x86: {  	_ =	shalt  }
0x87: {  	_ =	shalt  }
.Lfunc_end0:
.L_simem_size_0:
called_computation_lowered:
.L_overlay_start_0:
0x88: {  	s2 =	sld [smem:$0x3FD9]  }
0x89: {  	s3 =	sld [smem:$0x3FFE];
	_ =	sdelay $0x1  }
0x8a: {  	s1 =	srdreg.scid  }
0x8b: {  	s0 =	sand.u32 $0x1, s1  }
0x8c: {  	s17 =	sshll.u32 s0, $0xA;
	s2 =	sadd.s32 s3, s2  }
0x8d: {  	s2 =	sadd.s32 s2, s17  }
0x8e: {  	[smem:$0x3FB0] =	sst s2  }
0x8f: {  	_ = 	snop  }
0x90: {  	s2 =	sld [smem:$0x3FD0];
	(tm) =	ssettm $0x1  }
0x91: {  	s18 =	sld [smem:$0x3FFB];
	_ =	sdelay $0x3  }
0x92: {  	_ =	strace s18  }
0x93: {  	s3 =	sld [smem:$0x3FFC];
	_ =	sdelay $0x3  }
0x94: {  	_ =	strace s3  }
0x95: {  	s3 =	sld [smem:$0x3FFD];
	_ =	sdelay $0x3  }
0x96: {  	_ =	strace s3  }
0x97: {  	_ =	strace $0x8FFFFFFF  }
0x98: {  	s19 =	sld [smem:$0x3FDB];
	_ =	sdelay $0x1  }
0x99: {  	s4 =	simm.s32 $_scs_section_size  }
0x9a: {  	s5 =	simm.s32 $_size__tile_overlayer_lowered;
	s6 =	simm.s32 $_tile_overlayer_lowered  }
0x9b: {  	s22 =	simm.s32 $0x1BFF;
	s21 =	sshll.u32 s6, $0x1;
	s3 =	sadd.s32 s4, s19  }
0x9c: {  	s7 =	simm.s32 $0x0;
	s20 =	sshll.u32 s5, $0x1;
	s5 =	sadd.s32 s21, s3  }
0x9d: {  	[timem:s7], [sflag:s22] =	dma.local [hbm:s5], s20  }
0x9e: {  	_ =	swait.ge [sflag:s22], s20  }
0x9f: {  	s4 =	ssub.s32 $0x0, s20;
	[sflag:s22] =	ssyncset.done $0x0  }
0xa0: {  	[sflag:s22] =	ssyncadd.s32 s4;
	_ =	sdelay $0x1  }
0xa1: {  	s23 =	simm.s32 $0x1B8B  }
0xa2: {  	_ =	swait.ge [sflag:s23], $0x1  }
0xa3: {  	[sflag:s23] =	ssyncset.done $0x0  }
0xa4: {  	s25 =	simm.s32 $0x1B8E;
	s24 =	sld [smem:$0x3FFE];
	[sflag:s23] =	ssyncadd.s32 $0xFFFFFFFF  }
0xa5: {  	s26 =	simm.s32 $execute0_lowered;
	[smem:$0x3FD2] =	sst s25  }
0xa6: {  	s5 =	sshll.u32 s26, $0x1;
	_ =	strace $0x80000046;
	[dreg:$0x1] =	wrdreg $0xFFFFFFFF  }
0xa7: {  	s28 =	simm.s32 $_size_execute0_lowered;
	s3 =	sadd.s32 s3, s5;
	[dreg:$0x0] =	wrdreg $0x0  }
0xa8: {  	s5 =	sshll.u32 s28, $0x1;
	[dreg:$0x2] =	wrdreg s3  }
0xa9: {  	[dreg:$0x3] =	wrdreg s5  }
0xaa: {  	[dreg:$0x4] =	wrdreg $0xC0  }
0xab: {  	_ =	task [dreg:s7], $0x5FFFF  }
0xac: {  	[dreg:$0x1] =	wrdreg $0xFFFFFFFF  }
0xad: {  	[dreg:$0x0] =	wrdreg $0x60  }
0xae: {  	[dreg:$0x2] =	wrdreg s2  }
0xaf: {  	[dreg:$0x3] =	wrdreg s24  }
0xb0: {  	[dreg:$0x4] =	wrdreg $0x9D000  }
0xb1: {  	[dreg:$0x5] =	wrdreg $0x9  }
0xb2: {  	_ =	task.clear_ibuf [dreg:s7], $0x6FFFF;
	_ =	strace $0x90000046  }
0xb3: {  	s29 =	simm.s32 $0x9;
	_ =	strace $0x80000048  }
0xb4: {  	_ =	swait.ge [sflag:s29], $0x1  }
0xb5: {  	[sflag:s29] =	ssyncadd.s32 $0xFFFFFFFF  }
0xb6: {  	_ =	strace $0x90000048  }
0xb7: {  	_ =	sfence  }
0xb8: {  	s30 =	sld [smem:$0x0];
	_ =	sdelay $0x2  }
0xb9: {  	s31 =	sshll.u32 s1, $0xD;
	s1 =	sshrl.u32 s1, $0x2  }
0xba: {  	s3 =	sand.u32 $0x4000, s31;
	s1 =	sadd.s32 s1, s30  }
0xbb: {  	s0 =	sor.u32 s3, s0;
	s1 =	sshll.u32 s1, $0x11  }
0xbc: {  	s0 =	sor.u32 s1, s0  }
0xbd: {  	s0 =	sadd.s32 $0x8F2B, s0  }
0xbe: {  	[sflag:s0] =	ssyncadd.remote.s32 $0x1  }
0xbf: {  	_ =	sfence.sel $0xFFFF  }
0xc0: {  	[dreg:$0x0] =	wrdreg $0xFFFFFFFF;
	(pc) =	sbr.abs _section_cstart, $3  }
0xc1: {  	[dreg:$0x1] =	wrdreg $0xFFFFFFFF  }
0xc2: {  	_ =	task.clear_ibuf [dreg:s7], $0x2FFFF;
	_ =	strace $0x9FFFFFFF  }
0xc3: {  	(tm) =	ssettm $0x7FFFFFFF  }
tec
execute0_lowered:
.L_overlay_start_1:
0x0: {  	(tag) =	ssettag $0x1  }
0x1: {  	s1 =	rddreg [dreg:$0x0];
	s0 =	stileid.u32  }
0x2: {  	s5 =	rddreg [dreg:$0x1];
	s6 =	smul.u32 $0x780, s0  }
0x3: {  	s2 =	srdreg.scid;
	s11 =	smul.u32 $0x7800, s0  }
0x4: {  	s3 =	rddreg [dreg:$0x2];
	s28 =	smul.u32 $0x1E880, s0  }
0x5: {  	s4 =	simm.s32 $0x0;
	s19 =	simm.s32 $0x2180;
	s14 =	smul.u32 $0x4F00, s0  }
0x6: {  	s20 =	simm.s32 $0x3;
	s7 =	sand.u32 $0x1, s2;
	s18 =	smul.u32 $0x9E0, s0  }
0x7: {  	s21 =	simm.s32 $0x400;
	s22 =	simm.s32 $0x40;
	s8 =	smul.u32 $0x3C0, s7  }
0x8: {  	s2 =	rddreg [dreg:$0x3];
	s9 =	sshrl.u32 s0, $0x3;
	s24 =	smul.u32 $0x7A800, s7  }
0x9: {  	s23 =	simm.s32 $0x1;
	[smem:$0x7FF] =	sst s4;
	s9 =	smul.u32 $0x3D400, s9  }
0xa: {  	v0 =	vimm.s32 $0x1;
	vm0 =	vcmask $0x3B00;
	s10 =	sadd.s32 $0x2800, s5;
	s25 =	sshll.u32 s0, $0x7;
	s16 =	smul.u32 $0x7A200, s7  }
0xb: {  	vm4 =	vcmask $0x3700;
	vm1 =	vcmask $0x3300;
	vm5 =	vcmask $0x2F00;
	_ =	strace $0x80000047;
	s26 =	ssub.s32 $0x2, s7;
	s31 =	smul.u32 $0x3C00, s7  }
0xc: {  	vm6 =	vcmask $0x2B00;
	vm7 =	vcmask $0x2700;
	vm8 =	vcmask $0x2300;
	s13 =	sshrl.u32 s26, $0x1;
	s11 =	sadd.s32 s11, s5;
	s29 =	sshrl.u32 s28, $0x2  }
0xd: {  	vm9 =	vcmask $0x1B00;
	vm10 =	vcmask $0x1700;
	vm11 =	vcmask $0x1300;
	s30 =	sshrl.u32 s14, $0x3;
	s14 =	simm.s32 $0x4;
	s6 =	sadd.s32 s8, s6  }
0xe: {  	vm12 =	vcmask $0xF00;
	vm13 =	vcmask $0xB00;
	v12 =	vimm.f32 $0.0e+00;
	s8 =	sadd.s32 s24, s9;
	s13 =	ssub.s32 s26, s13;
	s17 =	sadd.s32 $0x7A200, s16  }
0xf: {  	vm14 =	vcmask $0x700;
	v18 =	vlaneseq.u32;
	s11 =	sadd.s32 s31, s11;
	v10 =	vmov s16;
	s16 =	simm.s32 $0x2100;
	s6 =	sshrl.u32 s6, $0x3  }
0x10: {  	vm15 =	vcmask $0x300;
	v17 =	vimm.s32 $0x0;
	v1 =	vsel vm0, $0x0, v0;
	s24 =	simm.s32 $0x0;
	s12 =	sadd.s32 s6, s5;
	s6 =	sand.u32 $0x380, s25  }
0x11: {  	v2 =	vsel vm4, $0x0, v0;
	v6 =	vsel vm1, $0x0, v0;
	v14 =	vsel vm5, $0x0, v0;
	s9 =	smax.u32 s13, $0x1;
	s11 =	sadd.s32 $0xD800, s11;
	s6 =	sor.u32 s6, s8  }
0x12: {  	v5 =	vsel vm6, $0x0, v0;
	v11 =	vsel vm11, $0x0, v0;
	v29 =	vmov s17;
	s13 =	simm.s32 $0x2200;
	s17 =	simm.s32 $0x2;
	s6 =	sshrl.u32 s6, $0x3  }
0x13: {  	v9 =	vsel vm7, $0x0, v0;
	v4 =	vshrl.u32 v18, $0x3;
	v18 =	vsel vm15, $0x0, v0;
	[tilespmem:$0x1FFD0] =	vst v11;
	s12 =	sadd.s32 $0xC800, s12;
	s15 =	sadd.s32 s6, s5;
	s5 =	sadd.s32 s29, s3  }
0x14: {  	v15 =	vsel vm8, $0x0, v0;
	v8 =	vsel vm9, $0x0, v0;
	v13 =	vsel vm10, $0x0, v0;
	[tilespmem:$0x1FFF0] =	vst v18;
	s6 =	sadd.s32 s10, s30;
	s10 =	sadd.s32 s18, s10;
	s18 =	simm.s32 $0x80  }
0x15: {  	v30 =	vsel vm12, $0x0, v0;
	v19 =	vsel vm13, $0x0, v0;
	v16 =	vsel vm14, $0x0, v0;
	[tilespmem:$0x1FFE0] =	vst v29;
	s7 =	sadd.s32 $0x10, s6;
	s8 =	sadd.s32 $0x85800, s15;
	s15 =	simm.s32 $0x2080  }
.LBB2_1:
0x16: {  	s25 =	simm.s32 $0x40;
	s26 =	simm.s32 $0x0  }
.LBB2_2:
0x17: {  	p0 =	sne.s32 s25, $0x1E840;
	[tilespmem:s26+$0x2200] =	vst v12;
	s26 =	smov.u32 s25;
	s25 =	sadd.s32 $0x40, s25  }
.Ltmp0:
0x18: {  	(pc) =	sbr.rel @p0 .LBB2_2-.Ltmp0, $2  }
0x19: {  	_ =	sdelay $0x2  }
0x1a: {  	s26 =	sshra.s32 s26, $0x2  }
0x1b: {  	[tilespmem:s26+$0x2200] =	vst v12  }
0x1c: {  	[spmem:s5] =	stream.linear.scatter [tilespmem:s13], [sflag:$0x4], $0x7A20, $0x38;
	[tilespmem:$0x11728] =	vst v63  }
0x1d: {  	_ =	swait.ge [sflag:s14], $0x7A20  }
0x1e: {  	[sflag:s14] =	ssyncset.done $0x0  }
0x1f: {  	[sflag:s14] =	ssyncadd.s32 $0xFFFF85E0  }
0x20: {  	[bflag:$0x0] =	sbarrier.arrive $0xFFFF  }
0x21: {  	[tilespmem:s15], [sflag:$0x2] =	stream.linear.gather [hbm4b:s6+s4], $0x80, $0x38;
	[tilespmem:$0x11728] =	vst v63  }
0x22: {  	s25 =	simm.s32 $0xFFFFF620  }
0x23: {  	[tilespmem:s16], [sflag:$0x3] =	stream.linear.gather [hbm4b:s7+s4], $0x80, $0x38;
	[tilespmem:$0x11728] =	vst v63  }
.LBB2_4:
0x24: {  	_ =	swait.ge [sflag:s17], $0x80  }
0x25: {  	[sflag:s17] =	ssyncset.done $0x0  }
0x26: {  	[sflag:s17] =	ssyncadd.s32 $0xFFFFFF80  }
0x27: {  	v20 =	vld [tilespmem:$0x2080];
	_ =	sdelay $0x4  }
0x28: {  	[tilespmem:$0x9C80] =	vst v20  }
0x29: {  	[tilespmem:$0x9C90] =	vst v20  }
0x2a: {  	v21 =	vld [tilespmem:$0x9C81]  }
0x2b: {  	v22 =	vld [tilespmem:$0x9C82]  }
0x2c: {  	v23 =	vld [tilespmem:$0x9C83]  }
0x2d: {  	v24 =	vld [tilespmem:$0x9C84]  }
0x2e: {  	v61 =	vld [tilespmem:$0x9C85]  }
0x2f: {  	v62 =	vld [tilespmem:$0x9C86]  }
0x30: {  	v32 =	vld [tilespmem:$0x9C87]  }
0x31: {  	v35 =	vld [tilespmem:$0x9C88]  }
0x32: {  	v37 =	vld [tilespmem:$0x9C89]  }
0x33: {  	v39 =	vld [tilespmem:$0x9C8A]  }
0x34: {  	v42 =	vld [tilespmem:$0x9C8B]  }
0x35: {  	v44 =	vld [tilespmem:$0x9C8C]  }
0x36: {  	v46 =	vld [tilespmem:$0x9C8D]  }
0x37: {  	vm0 =	veq.s32 v20, v21  }
0x38: {  	vm1 =	veq.s32 v20, v22;
	vm5 =	veq.s32 v20, v23;
	vm6 =	veq.s32 v20, v24  }
0x39: {  	vm7 =	veq.s32 v20, v61;
	vm8 =	veq.s32 v20, v62;
	vm9 =	veq.s32 v20, v32  }
0x3a: {  	vm10 =	veq.s32 v20, v35;
	vm11 =	veq.s32 v20, v37;
	vm12 =	veq.s32 v20, v39  }
0x3b: {  	vm13 =	veq.s32 v20, v42;
	vm14 =	veq.s32 v20, v44;
	vm15 =	veq.s32 v20, v46  }
0x3c: {  	v21 =	vsel vm0, $0x2, v0;
	v25 =	vnsel vm0, $0x0, v1;
	v27 =	vnsel vm1, $0x0, v2  }
0x3d: {  	v26 =	vsel vm1, $0x1, v17;
	v25 =	vadd.s32 v25, v27;
	v27 =	vnsel vm5, $0x0, v6  }
0x3e: {  	v63 =	vsel vm5, $0x1, v17;
	v34 =	vnsel vm6, $0x0, v14;
	v25 =	vadd.s32 v27, v25  }
0x3f: {  	v49 =	vld [tilespmem:$0x2090];
	v33 =	vsel vm6, $0x1, v17;
	v27 =	vnsel vm7, $0x0, v5;
	v25 =	vadd.s32 v34, v25  }
0x40: {  	v36 =	vsel vm7, $0x1, v17;
	v25 =	vadd.s32 v27, v25;
	v27 =	vnsel vm8, $0x0, v9  }
0x41: {  	v38 =	vsel vm8, $0x1, v17;
	v41 =	vnsel vm9, $0x0, v15;
	v25 =	vadd.s32 v27, v25  }
0x42: {  	v3 =	vld [tilespmem:$0x1FFD0];
	v40 =	vsel vm9, $0x1, v17;
	v27 =	vnsel vm10, $0x0, v4;
	v25 =	vadd.s32 v41, v25  }
0x43: {  	v51 =	vld [tilespmem:$0x9C8F];
	v21 =	vadd.s32 v26, v21;
	v25 =	vadd.s32 v27, v25;
	v27 =	vnsel vm11, $0x0, v8  }
0x44: {  	v43 =	vsel vm10, $0x1, v17;
	v21 =	vadd.s32 v63, v21;
	v25 =	vadd.s32 v27, v25;
	v27 =	vld [tilespmem:$0x9C8E];
	[tilespmem:$0x9C80] =	vst v49  }
0x45: {  	v45 =	vsel vm11, $0x1, v17;
	v47 =	vsel vm12, $0x1, v17;
	v21 =	vadd.s32 v33, v21;
	[tilespmem:$0x9C90] =	vst v49  }
0x46: {  	v48 =	vnsel vm12, $0x0, v13;
	v50 =	vsel vm13, $0x1, v17;
	v21 =	vadd.s32 v36, v21;
	v58 =	vld [tilespmem:$0x9C81]  }
0x47: {  	v28 =	vnsel vm13, $0x0, v3;
	v52 =	vsel vm14, $0x1, v17;
	v21 =	vadd.s32 v38, v21;
	v32 =	vld [tilespmem:$0x9C84]  }
0x48: {  	v54 =	vsel vm15, $0x1, v17;
	v55 =	vnsel vm15, $0x0, v19;
	v21 =	vadd.s32 v40, v21;
	v33 =	vld [tilespmem:$0x9C85]  }
0x49: {  	vm6 =	vlt.s32 v20, v10;
	vm5 =	veq.s32 v20, v51;
	v21 =	vadd.s32 v43, v21;
	v35 =	vld [tilespmem:$0x9C87]  }
0x4a: {  	v61 =	vsel vm6, $0x1, v17;
	v59 =	vsel vm5, $0x1, v17;
	v21 =	vadd.s32 v45, v21;
	v36 =	vld [tilespmem:$0x9C88]  }
0x4b: {  	v60 =	vnsel vm5, $0x0, v18;
	v21 =	vadd.s32 v47, v21;
	v25 =	vadd.s32 v48, v25;
	v37 =	vld [tilespmem:$0x9C8A]  }
0x4c: {  	vm7 =	vge.s32 v20, v29;
	v38 =	vld [tilespmem:$0x9C8B];
	v21 =	vadd.s32 v50, v21;
	v25 =	vadd.s32 v28, v25  }
0x4d: {  	v28 =	vnsel vm14, $0x0, v30;
	v21 =	vadd.s32 v52, v21;
	vm4 =	veq.s32 v20, v27;
	v27 =	vld [tilespmem:$0x9C82]  }
0x4e: {  	v62 =	vsel vm7, $0xFFFFFFFF, v17;
	v53 =	vadd.s32 v28, v25;
	v21 =	vadd.s32 v54, v21  }
0x4f: {  	v24 =	vadd.s32 v55, v53;
	v20 =	vsub.s32 v20, v10;
	v56 =	vsel vm4, $0x1, v17  }
0x50: {  	v28 =	vld [tilespmem:$0x9C83];
	v57 =	vnsel vm4, $0x0, v16;
	vm9 =	veq.s32 v49, v58;
	vm12 =	veq.s32 v49, v32  }
0x51: {  	vm13 =	veq.s32 v49, v33;
	vm15 =	veq.s32 v49, v35;
	vm4 =	veq.s32 v49, v36  }
0x52: {  	vm6 =	veq.s32 v49, v37;
	vm7 =	veq.s32 v49, v38;
	vm10 =	veq.s32 v49, v27  }
0x53: {  	v21 =	vadd.s32 v56, v21;
	v23 =	vsel vm9, $0x2, v0;
	v27 =	vsel vm10, $0x1, v17  }
0x54: {  	v24 =	vadd.s32 v57, v24;
	v34 =	vnsel vm9, $0x0, v1;
	v23 =	vadd.s32 v27, v23;
	v27 =	vld [tilespmem:$0x9C86]  }
0x55: {  	v24 =	vadd.s32 v60, v24;
	v21 =	vadd.s32 v59, v21;
	vm11 =	veq.s32 v49, v28  }
0x56: {  	v26 =	vadd.s32 v61, v24;
	v63 =	vcvt.s32.f32 v21;
	v29 =	vnsel vm10, $0x0, v2  }
0x57: {  	v28 =	vsel vm11, $0x1, v17;
	v25 =	vadd.s32 v34, v29;
	v29 =	vnsel vm11, $0x0, v6  }
0x58: {  	v23 =	vadd.s32 v28, v23;
	v25 =	vadd.s32 v29, v25;
	v28 =	vsel vm12, $0x1, v17  }
0x59: {  	v23 =	vadd.s32 v28, v23;
	v28 =	vnsel vm12, $0x0, v14;
	vm14 =	veq.s32 v49, v27;
	v27 =	vld [tilespmem:$0x9C89]  }
0x5a: {  	vm8 =	veq.s32 v24, $0x0;
	v25 =	vadd.s32 v28, v25;
	v28 =	vsel vm13, $0x1, v17  }
0x5b: {  	vm0 =	veq.s32 v26, v62;
	v29 =	vnsel vm13, $0x0, v5;
	v23 =	vadd.s32 v28, v23  }
0x5c: {  	v25 =	vadd.s32 v29, v25;
	v28 =	vsel vm14, $0x1, v17;
	v29 =	vnsel vm14, $0x0, v9  }
0x5d: {  	v23 =	vadd.s32 v28, v23;
	v25 =	vadd.s32 v29, v25;
	v28 =	vsel vm15, $0x1, v17  }
0x5e: {  	v23 =	vadd.s32 v28, v23;
	v28 =	vnsel vm15, $0x0, v15;
	vm5 =	veq.s32 v49, v27;
	v27 =	vld [tilespmem:$0x9C8C]  }
0x5f: {  	v39 =	vld [tilespmem:$0x9C8D];
	v21 =	vnsel vm0, $0x7A200, v20;
	v25 =	vadd.s32 v28, v25;
	v28 =	vsel vm4, $0x1, v17  }
0x60: {  	v20 =	vnsel vm8, $0x0, v63;
	v29 =	vnsel vm4, $0x0, v4;
	v23 =	vadd.s32 v28, v23  }
0x61: {  	v40 =	vld [tilespmem:$0x20A0];
	v25 =	vadd.s32 v29, v25;
	v28 =	vsel vm5, $0x1, v17;
	v29 =	vnsel vm5, $0x0, v8  }
0x62: {  	v23 =	vadd.s32 v28, v23;
	v25 =	vadd.s32 v29, v25;
	v28 =	vsel vm6, $0x1, v17;
	v29 =	vld [tilespmem:$0x9C8E]  }
0x63: {  	v23 =	vadd.s32 v28, v23;
	v28 =	vnsel vm6, $0x0, v13;
	vm8 =	veq.s32 v49, v27;
	v27 =	vld [tilespmem:$0x9C8F]  }
0x64: {  	v11 =	vld [tilespmem:$0x1FFF0];
	vm9 =	veq.s32 v49, v39;
	v25 =	vadd.s32 v28, v25;
	v28 =	vsel vm7, $0x1, v17  }
0x65: {  	v18 =	vmovc v30;
	v30 =	vnsel vm7, $0x0, v3;
	v41 =	vnsel vm9, $0x0, v19;
	v23 =	vadd.s32 v28, v23  }
0x66: {  	v25 =	vadd.s32 v30, v25;
	v28 =	vsel vm8, $0x1, v17;
	v30 =	vnsel vm8, $0x0, v18  }
0x67: {  	v23 =	vadd.s32 v28, v23;
	v25 =	vadd.s32 v30, v25;
	vm10 =	veq.s32 v49, v29  }
0x68: {  	[tilespmem:$0x9C80] =	vst v40;
	v25 =	vadd.s32 v41, v25;
	v28 =	vnsel vm10, $0x0, v16;
	vm11 =	veq.s32 v49, v27  }
0x69: {  	[tilespmem:$0x9C90] =	vst v40;
	v25 =	vadd.s32 v28, v25;
	v28 =	vnsel vm11, $0x0, v11;
	v11 =	vld [tilespmem:$0x1FFE0]  }
0x6a: {  	v43 =	vld [tilespmem:$0x9C81]  }
0x6b: {  	v26 =	vsel vm9, $0x1, v17;
	v45 =	vld [tilespmem:$0x9C85]  }
0x6c: {  	v29 =	vld [tilespmem:$0x9C82];
	v23 =	vadd.s32 v26, v23;
	v42 =	vsel vm10, $0x1, v17  }
0x6d: {  	vm12 =	vlt.s32 v49, v10;
	v30 =	vld [tilespmem:$0x9C83];
	v23 =	vadd.s32 v42, v23;
	v27 =	vsel vm11, $0x1, v17  }
0x6e: {  	v25 =	vadd.s32 v28, v25;
	v28 =	vsel vm12, $0x1, v17;
	vm13 =	vge.s32 v49, v11  }
0x6f: {  	v23 =	vadd.s32 v27, v23;
	v28 =	vadd.s32 v28, v25;
	v27 =	vsel vm13, $0xFFFFFFFF, v17  }
0x70: {  	v22 =	vsub.s32 v49, v10;
	vm15 =	veq.s32 v40, v43;
	vm0 =	veq.s32 v28, v27;
	v28 =	vld [tilespmem:$0x9C84]  }
0x71: {  	vm7 =	veq.s32 v40, v45;
	v44 =	vsel vm15, $0x2, v0;
	vm4 =	veq.s32 v40, v29  }
0x72: {  	vm5 =	veq.s32 v40, v30;
	vm14 =	veq.s32 v25, $0x0;
	v29 =	vsel vm4, $0x1, v17  }
0x73: {  	v30 =	vsel vm5, $0x1, v17;
	v25 =	vadd.s32 v29, v44;
	v29 =	vld [tilespmem:$0x9C86];
	v27 =	vcvt.s32.f32 v23  }
0x74: {  	v46 =	vld [tilespmem:$0x9C88];
	v31 =	vnsel vm4, $0x0, v2;
	v25 =	vadd.s32 v30, v25;
	v23 =	vnsel vm0, $0x7A200, v22  }
0x75: {  	v22 =	vnsel vm14, $0x0, v27;
	v27 =	vnsel vm15, $0x0, v1;
	vm6 =	veq.s32 v40, v28;
	v28 =	vld [tilespmem:$0x9C87]  }
0x76: {  	v27 =	vadd.s32 v27, v31;
	v31 =	vnsel vm5, $0x0, v6;
	v30 =	vsel vm6, $0x1, v17  }
0x77: {  	v27 =	vadd.s32 v31, v27;
	v25 =	vadd.s32 v30, v25;
	v30 =	vnsel vm6, $0x0, v14  }
0x78: {  	vm8 =	veq.s32 v40, v29;
	v29 =	vld [tilespmem:$0x9C89];
	v27 =	vadd.s32 v30, v27;
	v30 =	vsel vm7, $0x1, v17  }
0x79: {  	v47 =	vld [tilespmem:$0x9C8B];
	vm10 =	veq.s32 v40, v46;
	v31 =	vnsel vm7, $0x0, v5;
	v25 =	vadd.s32 v30, v25  }
0x7a: {  	v27 =	vadd.s32 v31, v27;
	v30 =	vsel vm8, $0x1, v17;
	vm9 =	veq.s32 v40, v28;
	v28 =	vld [tilespmem:$0x9C8A]  }
0x7b: {  	v31 =	vnsel vm8, $0x0, v9;
	v25 =	vadd.s32 v30, v25;
	v30 =	vsel vm9, $0x1, v17  }
0x7c: {  	v27 =	vadd.s32 v31, v27;
	v25 =	vadd.s32 v30, v25;
	v30 =	vnsel vm9, $0x0, v15  }
0x7d: {  	vm11 =	veq.s32 v40, v29;
	v29 =	vld [tilespmem:$0x9C8C];
	v27 =	vadd.s32 v30, v27;
	v30 =	vsel vm10, $0x1, v17  }
0x7e: {  	vm13 =	veq.s32 v40, v47;
	v31 =	vnsel vm10, $0x0, v4;
	v25 =	vadd.s32 v30, v25  }
0x7f: {  	v27 =	vadd.s32 v31, v27;
	v30 =	vsel vm11, $0x1, v17;
	vm12 =	veq.s32 v40, v28;
	v28 =	vld [tilespmem:$0x9C8D]  }
0x80: {  	v48 =	vld [tilespmem:$0x20B0];
	v31 =	vnsel vm11, $0x0, v8;
	v25 =	vadd.s32 v30, v25;
	v30 =	vsel vm12, $0x1, v17  }
0x81: {  	v27 =	vadd.s32 v31, v27;
	v31 =	vld [tilespmem:$0x9C8E];
	v25 =	vadd.s32 v30, v25;
	v30 =	vnsel vm12, $0x0, v13  }
0x82: {  	vm14 =	veq.s32 v40, v29;
	v29 =	vld [tilespmem:$0x9C8F];
	v27 =	vadd.s32 v30, v27;
	v30 =	vsel vm13, $0x1, v17  }
0x83: {  	v11 =	vld [tilespmem:$0x1FFF0];
	v32 =	vnsel vm13, $0x0, v3;
	v49 =	vnsel vm14, $0x0, v18;
	v25 =	vadd.s32 v30, v25  }
0x84: {  	v27 =	vadd.s32 v32, v27;
	v30 =	vsel vm14, $0x1, v17;
	vm15 =	veq.s32 v40, v28  }
0x85: {  	v25 =	vadd.s32 v30, v25;
	v27 =	vadd.s32 v49, v27;
	v28 =	vsel vm15, $0x1, v17  }
0x86: {  	vm4 =	veq.s32 v40, v31;
	v25 =	vadd.s32 v28, v25;
	v28 =	vnsel vm15, $0x0, v19  }
0x87: {  	[tilespmem:$0x9C80] =	vst v48;
	vm5 =	veq.s32 v40, v29;
	v30 =	vnsel vm4, $0x0, v16;
	v27 =	vadd.s32 v28, v27  }
0x88: {  	[tilespmem:$0x9C90] =	vst v48;
	v28 =	vsel vm4, $0x1, v17;
	v27 =	vadd.s32 v30, v27;
	v30 =	vnsel vm5, $0x0, v11;
	v11 =	vld [tilespmem:$0x1FFE0]  }
0x89: {  	v25 =	vadd.s32 v28, v25;
	v28 =	vld [tilespmem:$0x9C81]  }
0x8a: {  	v50 =	vld [tilespmem:$0x9C83]  }
0x8b: {  	v31 =	vld [tilespmem:$0x9C82]  }
0x8c: {  	vm6 =	vlt.s32 v40, v10;
	v29 =	vsel vm5, $0x1, v17;
	v27 =	vadd.s32 v30, v27  }
0x8d: {  	v30 =	vsel vm6, $0x1, v17;
	v25 =	vadd.s32 v29, v25;
	vm7 =	vge.s32 v40, v11  }
0x8e: {  	v30 =	vadd.s32 v30, v27;
	vm9 =	veq.s32 v48, v28;
	v28 =	vld [tilespmem:$0x9C85];
	v29 =	vsel vm7, $0xFFFFFFFF, v17  }
0x8f: {  	vm11 =	veq.s32 v48, v50;
	vm0 =	veq.s32 v30, v29;
	v30 =	vld [tilespmem:$0x9C84]  }
0x90: {  	v24 =	vsub.s32 v40, v10;
	v37 =	vld [tilespmem:$0x9C8E];
	v32 =	vsel vm11, $0x1, v17;
	vm10 =	veq.s32 v48, v31  }
0x91: {  	vm8 =	veq.s32 v27, $0x0;
	v31 =	vsel vm10, $0x1, v17;
	v27 =	vsel vm9, $0x2, v0  }
0x92: {  	v51 =	vnsel vm11, $0x0, v6;
	v29 =	vcvt.s32.f32 v25;
	v27 =	vadd.s32 v31, v27;
	v31 =	vld [tilespmem:$0x9C86]  }
0x93: {  	v33 =	vnsel vm10, $0x0, v2;
	v25 =	vnsel vm0, $0x7A200, v24;
	vm13 =	veq.s32 v48, v28;
	v28 =	vld [tilespmem:$0x9C88]  }
0x94: {  	v24 =	vnsel vm8, $0x0, v29;
	v29 =	vnsel vm9, $0x0, v1;
	vm12 =	veq.s32 v48, v30;
	v30 =	vld [tilespmem:$0x9C87]  }
0x95: {  	vm10 =	veq.s32 v48, v37;
	v27 =	vadd.s32 v32, v27;
	v29 =	vadd.s32 v29, v33  }
0x96: {  	v29 =	vadd.s32 v51, v29;
	v54 =	vsel vm13, $0x1, v17;
	v55 =	vnsel vm13, $0x0, v5  }
0x97: {  	vm14 =	veq.s32 v48, v31;
	v31 =	vld [tilespmem:$0x9C89];
	v52 =	vsel vm12, $0x1, v17;
	v53 =	vnsel vm12, $0x0, v14  }
0x98: {  	v56 =	vsel vm14, $0x1, v17;
	v27 =	vadd.s32 v52, v27;
	vm4 =	veq.s32 v48, v28;
	v28 =	vld [tilespmem:$0x9C8B]  }
0x99: {  	v29 =	vadd.s32 v53, v29;
	v27 =	vadd.s32 v54, v27;
	vm15 =	veq.s32 v48, v30;
	v30 =	vld [tilespmem:$0x9C8A]  }
0x9a: {  	v57 =	vnsel vm14, $0x0, v9;
	v29 =	vadd.s32 v55, v29;
	v27 =	vadd.s32 v56, v27  }
0x9b: {  	v29 =	vadd.s32 v57, v29;
	v60 =	vsel vm4, $0x1, v17;
	v61 =	vnsel vm4, $0x0, v4  }
0x9c: {  	vm5 =	veq.s32 v48, v31;
	v31 =	vld [tilespmem:$0x9C8C];
	v58 =	vsel vm15, $0x1, v17;
	v59 =	vnsel vm15, $0x0, v15  }
0x9d: {  	v62 =	vsel vm5, $0x1, v17;
	v27 =	vadd.s32 v58, v27;
	vm7 =	veq.s32 v48, v28;
	v28 =	vld [tilespmem:$0x20C0]  }
0x9e: {  	v29 =	vadd.s32 v59, v29;
	v27 =	vadd.s32 v60, v27;
	vm6 =	veq.s32 v48, v30;
	v30 =	vld [tilespmem:$0x9C8D]  }
0x9f: {  	v63 =	vnsel vm5, $0x0, v8;
	v29 =	vadd.s32 v61, v29;
	v27 =	vadd.s32 v62, v27  }
0xa0: {  	v29 =	vadd.s32 v63, v29;
	v39 =	vsel vm7, $0x1, v17;
	v34 =	vnsel vm7, $0x0, v3  }
0xa1: {  	vm8 =	veq.s32 v48, v31;
	v36 =	vsel vm6, $0x1, v17;
	v38 =	vnsel vm6, $0x0, v13  }
0xa2: {  	v31 =	vld [tilespmem:$0x9C8F];
	v40 =	vsel vm8, $0x1, v17;
	v41 =	vnsel vm8, $0x0, v18;
	v27 =	vadd.s32 v36, v27;
	[tilespmem:$0x9C80] =	vst v28  }
0xa3: {  	v11 =	vld [tilespmem:$0x1FFF0];
	v29 =	vadd.s32 v38, v29;
	v27 =	vadd.s32 v39, v27;
	[tilespmem:$0x9C90] =	vst v28;
	vm9 =	veq.s32 v48, v30  }
0xa4: {  	v29 =	vadd.s32 v34, v29;
	v27 =	vadd.s32 v40, v27;
	v44 =	vld [tilespmem:$0x9C82];
	v30 =	vsel vm9, $0x1, v17  }
0xa5: {  	v29 =	vadd.s32 v41, v29;
	v46 =	vld [tilespmem:$0x9C83];
	v27 =	vadd.s32 v30, v27;
	v30 =	vnsel vm9, $0x0, v19  }
0xa6: {  	v47 =	vld [tilespmem:$0x9C84];
	v29 =	vadd.s32 v30, v29;
	v30 =	vsel vm10, $0x1, v17  }
0xa7: {  	v27 =	vadd.s32 v30, v27;
	v30 =	vld [tilespmem:$0x9C81]  }
0xa8: {  	v50 =	vld [tilespmem:$0x9C87]  }
0xa9: {  	v55 =	vld [tilespmem:$0x9C89]  }
0xaa: {  	v26 =	vsub.s32 v48, v10;
	v58 =	vld [tilespmem:$0x9C8A]  }
0xab: {  	v42 =	vnsel vm10, $0x0, v16;
	vm12 =	vlt.s32 v48, v10;
	vm11 =	veq.s32 v48, v31  }
0xac: {  	v45 =	vsel vm12, $0x1, v17;
	v31 =	vsel vm11, $0x1, v17;
	vm15 =	veq.s32 v28, v30;
	v30 =	vld [tilespmem:$0x9C85]  }
0xad: {  	v43 =	vnsel vm11, $0x0, v11;
	v29 =	vadd.s32 v42, v29;
	vm4 =	veq.s32 v28, v44  }
0xae: {  	vm5 =	veq.s32 v28, v46;
	vm6 =	veq.s32 v28, v47;
	vm9 =	veq.s32 v28, v50  }
0xaf: {  	v11 =	vld [tilespmem:$0x1FFE0];
	vm11 =	veq.s32 v28, v55;
	vm12 =	veq.s32 v28, v58;
	v29 =	vadd.s32 v43, v29  }
0xb0: {  	v63 =	vld [tilespmem:$0x9C8C];
	v27 =	vadd.s32 v31, v27;
	v33 =	vsel vm4, $0x1, v17;
	v35 =	vnsel vm4, $0x0, v2  }
0xb1: {  	v34 =	vsel vm5, $0x1, v17;
	v49 =	vnsel vm5, $0x0, v6;
	vm7 =	veq.s32 v28, v30;
	v30 =	vld [tilespmem:$0x9C88]  }
0xb2: {  	v41 =	vld [tilespmem:$0x9C8D];
	v51 =	vsel vm6, $0x1, v17;
	v52 =	vnsel vm6, $0x0, v14;
	v59 =	vsel vm9, $0x1, v17  }
0xb3: {  	v46 =	vld [tilespmem:$0x9C8F];
	v60 =	vnsel vm9, $0x0, v15;
	v39 =	vsel vm11, $0x1, v17;
	v40 =	vnsel vm11, $0x0, v8  }
0xb4: {  	v42 =	vsel vm12, $0x1, v17;
	v43 =	vld [tilespmem:$0x9C8E];
	v44 =	vnsel vm12, $0x0, v13;
	vm13 =	vge.s32 v48, v11  }
0xb5: {  	vm6 =	vlt.s32 v28, v10;
	v32 =	vadd.s32 v45, v29;
	v48 =	vld [tilespmem:$0x9C86];
	v31 =	vsel vm13, $0xFFFFFFFF, v17  }
0xb6: {  	vm0 =	veq.s32 v32, v31;
	v31 =	vcvt.s32.f32 v27;
	vm10 =	veq.s32 v28, v30;
	v30 =	vld [tilespmem:$0x9C8B]  }
0xb7: {  	vm14 =	veq.s32 v29, $0x0;
	v55 =	vsel vm6, $0x1, v17;
	v27 =	vnsel vm0, $0x7A200, v26  }
0xb8: {  	vm5 =	veq.s32 v28, v46;
	v26 =	vnsel vm14, $0x0, v31;
	v29 =	vsel vm15, $0x2, v0  }
0xb9: {  	v31 =	vnsel vm15, $0x0, v1;
	vm14 =	veq.s32 v28, v63;
	vm15 =	veq.s32 v28, v41  }
0xba: {  	v11 =	vld [tilespmem:$0x1FFF0];
	vm4 =	veq.s32 v28, v43;
	v29 =	vadd.s32 v33, v29;
	v31 =	vadd.s32 v31, v35  }
0xbb: {  	vm8 =	veq.s32 v28, v48;
	v47 =	vsel vm14, $0x1, v17;
	vm13 =	veq.s32 v28, v30;
	v30 =	vld [tilespmem:$0x20D0]  }
0xbc: {  	v29 =	vadd.s32 v34, v29;
	v31 =	vadd.s32 v49, v31;
	v56 =	vsel vm8, $0x1, v17  }
0xbd: {  	v57 =	vnsel vm8, $0x0, v9;
	v29 =	vadd.s32 v51, v29;
	v53 =	vsel vm7, $0x1, v17  }
0xbe: {  	v31 =	vadd.s32 v52, v31;
	v54 =	vnsel vm7, $0x0, v5;
	v29 =	vadd.s32 v53, v29  }
0xbf: {  	v31 =	vadd.s32 v54, v31;
	v53 =	vnsel vm5, $0x0, v11;
	v29 =	vadd.s32 v56, v29  }
0xc0: {  	v31 =	vadd.s32 v57, v31;
	v29 =	vadd.s32 v59, v29;
	v61 =	vsel vm10, $0x1, v17;
	[tilespmem:$0x9C80] =	vst v30  }
0xc1: {  	v11 =	vld [tilespmem:$0x1FFE0];
	v31 =	vadd.s32 v60, v31;
	v62 =	vnsel vm10, $0x0, v4;
	v29 =	vadd.s32 v61, v29;
	[tilespmem:$0x9C90] =	vst v30  }
0xc2: {  	v48 =	vnsel vm14, $0x0, v18;
	v31 =	vadd.s32 v62, v31;
	v29 =	vadd.s32 v39, v29;
	v52 =	vld [tilespmem:$0x9C81]  }
0xc3: {  	v32 =	vsel vm15, $0x1, v17;
	v31 =	vadd.s32 v40, v31;
	v29 =	vadd.s32 v42, v29;
	v54 =	vld [tilespmem:$0x9C82]  }
0xc4: {  	v31 =	vadd.s32 v44, v31;
	v45 =	vsel vm13, $0x1, v17;
	v36 =	vnsel vm13, $0x0, v3;
	v57 =	vld [tilespmem:$0x9C83]  }
0xc5: {  	v50 =	vsel vm4, $0x1, v17;
	v29 =	vadd.s32 v45, v29;
	v31 =	vadd.s32 v36, v31;
	v59 =	vld [tilespmem:$0x9C84]  }
0xc6: {  	v49 =	vnsel vm15, $0x0, v19;
	v29 =	vadd.s32 v47, v29;
	v31 =	vadd.s32 v48, v31;
	v60 =	vld [tilespmem:$0x9C85]  }
0xc7: {  	v51 =	vnsel vm4, $0x0, v16;
	v29 =	vadd.s32 v32, v29;
	v31 =	vadd.s32 v49, v31;
	v62 =	vld [tilespmem:$0x9C86]  }
0xc8: {  	v33 =	vsel vm5, $0x1, v17;
	v29 =	vadd.s32 v50, v29;
	v31 =	vadd.s32 v51, v31;
	v40 =	vld [tilespmem:$0x9C87]  }
0xc9: {  	vm7 =	vge.s32 v28, v11;
	v31 =	vadd.s32 v53, v31;
	v29 =	vadd.s32 v33, v29;
	v43 =	vld [tilespmem:$0x9C88]  }
0xca: {  	v56 =	vsel vm7, $0xFFFFFFFF, v17;
	v46 =	vld [tilespmem:$0x9C89];
	v34 =	vadd.s32 v55, v31;
	v58 =	vcvt.s32.f32 v29  }
0xcb: {  	v28 =	vsub.s32 v28, v10;
	v49 =	vld [tilespmem:$0x9C8A];
	vm8 =	veq.s32 v31, $0x0;
	vm0 =	veq.s32 v34, v56  }
0xcc: {  	v29 =	vnsel vm0, $0x7A200, v28;
	v28 =	vnsel vm8, $0x0, v58  }
0xcd: {  	vm9 =	veq.s32 v30, v52;
	vm10 =	veq.s32 v30, v54;
	vm11 =	veq.s32 v30, v57  }
0xce: {  	vm12 =	veq.s32 v30, v59;
	vm13 =	veq.s32 v30, v60;
	vm14 =	veq.s32 v30, v62  }
0xcf: {  	vm15 =	veq.s32 v30, v40;
	vm4 =	veq.s32 v30, v43;
	vm5 =	veq.s32 v30, v46  }
0xd0: {  	vm6 =	veq.s32 v30, v49;
	v61 =	vnsel vm9, $0x0, v1;
	v37 =	vnsel vm10, $0x0, v2  }
0xd1: {  	v31 =	vsel vm9, $0x2, v0;
	v63 =	vnsel vm11, $0x0, v6;
	v33 =	vadd.s32 v61, v37  }
0xd2: {  	v35 =	vsel vm10, $0x1, v17;
	v42 =	vnsel vm12, $0x0, v14;
	v33 =	vadd.s32 v63, v33  }
0xd3: {  	v36 =	vsel vm11, $0x1, v17;
	v45 =	vnsel vm13, $0x0, v5;
	v33 =	vadd.s32 v42, v33  }
0xd4: {  	v55 =	vld [tilespmem:$0x9C8C];
	v41 =	vsel vm12, $0x1, v17;
	v48 =	vnsel vm14, $0x0, v9;
	v33 =	vadd.s32 v45, v33  }
0xd5: {  	v58 =	vld [tilespmem:$0x9C8D];
	v51 =	vnsel vm15, $0x0, v15;
	v31 =	vadd.s32 v35, v31;
	v33 =	vadd.s32 v48, v33  }
0xd6: {  	v52 =	vld [tilespmem:$0x9C8B];
	v54 =	vnsel vm4, $0x0, v4;
	v31 =	vadd.s32 v36, v31;
	v33 =	vadd.s32 v51, v33  }
0xd7: {  	v57 =	vnsel vm5, $0x0, v8;
	v31 =	vadd.s32 v41, v31;
	v41 =	vld [tilespmem:$0x9C8F];
	v33 =	vadd.s32 v54, v33  }
0xd8: {  	v44 =	vsel vm13, $0x1, v17;
	v47 =	vsel vm14, $0x1, v17;
	v59 =	vadd.s32 v57, v33;
	v33 =	vld [tilespmem:$0x20E0]  }
0xd9: {  	v11 =	vld [tilespmem:$0x1FFF0];
	v50 =	vsel vm15, $0x1, v17;
	v53 =	vsel vm4, $0x1, v17;
	v56 =	vsel vm5, $0x1, v17  }
0xda: {  	v60 =	vsel vm6, $0x1, v17;
	v38 =	vnsel vm6, $0x0, v13;
	vm8 =	veq.s32 v30, v55  }
0xdb: {  	vm12 =	vlt.s32 v30, v10;
	v61 =	vld [tilespmem:$0x9C8E];
	v43 =	vnsel vm8, $0x0, v18;
	vm9 =	veq.s32 v30, v58  }
0xdc: {  	v42 =	vsel vm8, $0x1, v17;
	v34 =	vsel vm9, $0x1, v17;
	v31 =	vadd.s32 v44, v31  }
0xdd: {  	vm7 =	veq.s32 v30, v52;
	v31 =	vadd.s32 v47, v31;
	vm11 =	veq.s32 v30, v41;
	[tilespmem:$0x9C80] =	vst v33  }
0xde: {  	v44 =	vnsel vm9, $0x0, v19;
	v31 =	vadd.s32 v50, v31;
	v48 =	vnsel vm11, $0x0, v11;
	v11 =	vld [tilespmem:$0x1FFE0];
	[tilespmem:$0x9C90] =	vst v33  }
0xdf: {  	v63 =	vsel vm7, $0x1, v17;
	v40 =	vnsel vm7, $0x0, v3;
	v31 =	vadd.s32 v53, v31;
	v47 =	vld [tilespmem:$0x9C81]  }
0xe0: {  	vm10 =	veq.s32 v30, v61;
	v31 =	vadd.s32 v56, v31;
	v62 =	vadd.s32 v38, v59;
	v49 =	vld [tilespmem:$0x9C82]  }
0xe1: {  	v50 =	vsel vm12, $0x1, v17;
	v31 =	vadd.s32 v60, v31;
	v32 =	vadd.s32 v40, v62;
	v52 =	vld [tilespmem:$0x9C83]  }
0xe2: {  	v45 =	vsel vm10, $0x1, v17;
	v31 =	vadd.s32 v63, v31;
	v32 =	vadd.s32 v43, v32;
	v54 =	vld [tilespmem:$0x9C84]  }
0xe3: {  	v46 =	vnsel vm10, $0x0, v16;
	v31 =	vadd.s32 v42, v31;
	v32 =	vadd.s32 v44, v32;
	v56 =	vld [tilespmem:$0x9C85]  }
0xe4: {  	v35 =	vsel vm11, $0x1, v17;
	v31 =	vadd.s32 v34, v31;
	v32 =	vadd.s32 v46, v32;
	v58 =	vld [tilespmem:$0x9C86]  }
0xe5: {  	v31 =	vadd.s32 v45, v31;
	v32 =	vadd.s32 v48, v32;
	vm13 =	vge.s32 v30, v11;
	v60 =	vld [tilespmem:$0x9C87]  }
0xe6: {  	v31 =	vadd.s32 v35, v31;
	v63 =	vld [tilespmem:$0x9C88];
	v51 =	vsel vm13, $0xFFFFFFFF, v17;
	v36 =	vadd.s32 v50, v32  }
0xe7: {  	v30 =	vsub.s32 v30, v10;
	v44 =	vld [tilespmem:$0x9C89];
	v53 =	vcvt.s32.f32 v31;
	vm0 =	veq.s32 v36, v51  }
0xe8: {  	vm14 =	veq.s32 v32, $0x0;
	v31 =	vnsel vm0, $0x7A200, v30  }
0xe9: {  	v30 =	vnsel vm14, $0x0, v53;
	vm15 =	veq.s32 v33, v47;
	vm4 =	veq.s32 v33, v49  }
0xea: {  	vm5 =	veq.s32 v33, v52;
	vm6 =	veq.s32 v33, v54;
	vm7 =	veq.s32 v33, v56  }
0xeb: {  	vm8 =	veq.s32 v33, v58;
	vm9 =	veq.s32 v33, v60;
	vm10 =	veq.s32 v33, v63  }
0xec: {  	vm11 =	veq.s32 v33, v44;
	v55 =	vsel vm15, $0x2, v0;
	v37 =	vsel vm4, $0x1, v17  }
0xed: {  	v57 =	vnsel vm15, $0x0, v1;
	v38 =	vsel vm5, $0x1, v17;
	v32 =	vadd.s32 v37, v55  }
0xee: {  	v47 =	vld [tilespmem:$0x9C8A];
	v39 =	vnsel vm4, $0x0, v2;
	v61 =	vsel vm6, $0x1, v17;
	v32 =	vadd.s32 v38, v32  }
0xef: {  	v59 =	vnsel vm5, $0x0, v6;
	v42 =	vsel vm7, $0x1, v17;
	v32 =	vadd.s32 v61, v32  }
0xf0: {  	v62 =	vnsel vm6, $0x0, v14;
	v45 =	vsel vm8, $0x1, v17;
	v32 =	vadd.s32 v42, v32  }
0xf1: {  	v48 =	vsel vm9, $0x1, v17;
	v51 =	vsel vm10, $0x1, v17;
	v32 =	vadd.s32 v45, v32  }
0xf2: {  	v50 =	vld [tilespmem:$0x9C8B];
	v54 =	vsel vm11, $0x1, v17;
	v35 =	vadd.s32 v57, v39;
	v32 =	vadd.s32 v48, v32  }
0xf3: {  	v53 =	vld [tilespmem:$0x9C8C];
	v35 =	vadd.s32 v59, v35;
	vm12 =	veq.s32 v33, v47;
	v32 =	vadd.s32 v51, v32  }
0xf4: {  	v35 =	vadd.s32 v62, v35;
	v62 =	vld [tilespmem:$0x9C8F];
	v57 =	vsel vm12, $0x1, v17;
	v32 =	vadd.s32 v54, v32  }
0xf5: {  	v38 =	vadd.s32 v57, v32;
	v32 =	vld [tilespmem:$0x20F0]  }
0xf6: {  	v11 =	vld [tilespmem:$0x1FFF0];
	v43 =	vnsel vm7, $0x0, v5  }
0xf7: {  	v56 =	vld [tilespmem:$0x9C8D];
	v46 =	vnsel vm8, $0x0, v9;
	v49 =	vnsel vm9, $0x0, v15;
	v52 =	vnsel vm10, $0x0, v4  }
0xf8: {  	v58 =	vld [tilespmem:$0x9C8E];
	vm13 =	veq.s32 v33, v50;
	vm6 =	vlt.s32 v33, v10;
	v55 =	vnsel vm11, $0x0, v8  }
0xf9: {  	v60 =	vsel vm13, $0x1, v17;
	vm14 =	veq.s32 v33, v53;
	v35 =	vadd.s32 v43, v35  }
0xfa: {  	v61 =	vnsel vm13, $0x0, v3;
	v35 =	vadd.s32 v46, v35;
	vm5 =	veq.s32 v33, v62;
	[tilespmem:$0x9C80] =	vst v32  }
0xfb: {  	v63 =	vsel vm14, $0x1, v17;
	v35 =	vadd.s32 v49, v35;
	v49 =	vnsel vm5, $0x0, v11;
	v11 =	vld [tilespmem:$0x1FFE0];
	[tilespmem:$0x9C90] =	vst v32  }
0xfc: {  	v44 =	vnsel vm14, $0x0, v18;
	vm15 =	veq.s32 v33, v56;
	v35 =	vadd.s32 v52, v35;
	v48 =	vld [tilespmem:$0x9C81]  }
0xfd: {  	vm4 =	veq.s32 v33, v58;
	v40 =	vnsel vm12, $0x0, v13;
	v35 =	vadd.s32 v55, v35;
	v50 =	vld [tilespmem:$0x9C82]  }
0xfe: {  	v36 =	vsel vm15, $0x1, v17;
	v45 =	vnsel vm15, $0x0, v19;
	v59 =	vadd.s32 v40, v35;
	v53 =	vld [tilespmem:$0x9C83]  }
0xff: {  	v46 =	vsel vm4, $0x1, v17;
	v35 =	vadd.s32 v60, v38;
	v34 =	vadd.s32 v61, v59;
	v54 =	vld [tilespmem:$0x9C84]  }
0x100: {  	v47 =	vnsel vm4, $0x0, v16;
	v35 =	vadd.s32 v63, v35;
	v34 =	vadd.s32 v44, v34;
	v56 =	vld [tilespmem:$0x9C85]  }
0x101: {  	v51 =	vsel vm6, $0x1, v17;
	v35 =	vadd.s32 v36, v35;
	v34 =	vadd.s32 v45, v34;
	v58 =	vld [tilespmem:$0x9C86]  }
0x102: {  	v37 =	vsel vm5, $0x1, v17;
	v35 =	vadd.s32 v46, v35;
	v34 =	vadd.s32 v47, v34;
	v60 =	vld [tilespmem:$0x9C87]  }
0x103: {  	v34 =	vadd.s32 v49, v34;
	vm7 =	vge.s32 v33, v11;
	v35 =	vadd.s32 v37, v35;
	v63 =	vld [tilespmem:$0x9C88]  }
0x104: {  	v52 =	vsel vm7, $0xFFFFFFFF, v17;
	v38 =	vadd.s32 v51, v34;
	v35 =	vcvt.s32.f32 v35;
	v46 =	vld [tilespmem:$0x9C89]  }
0x105: {  	v33 =	vsub.s32 v33, v10;
	vm8 =	veq.s32 v34, $0x0;
	v49 =	vld [tilespmem:$0x9C8A];
	vm0 =	veq.s32 v38, v52  }
0x106: {  	v33 =	vnsel vm0, $0x7A200, v33;
	v34 =	vnsel vm8, $0x0, v35  }
0x107: {  	vm9 =	veq.s32 v32, v48;
	vm10 =	veq.s32 v32, v50;
	vm11 =	veq.s32 v32, v53  }
0x108: {  	vm12 =	veq.s32 v32, v54;
	vm13 =	veq.s32 v32, v56;
	vm14 =	veq.s32 v32, v58  }
0x109: {  	vm15 =	veq.s32 v32, v60;
	vm4 =	veq.s32 v32, v63;
	vm5 =	veq.s32 v32, v46  }
0x10a: {  	vm6 =	veq.s32 v32, v49;
	v55 =	vsel vm9, $0x2, v0;
	v57 =	vnsel vm9, $0x0, v1  }
0x10b: {  	v52 =	vld [tilespmem:$0x9C8B];
	v39 =	vsel vm10, $0x1, v17;
	v41 =	vnsel vm10, $0x0, v2;
	v40 =	vsel vm11, $0x1, v17  }
0x10c: {  	v59 =	vnsel vm11, $0x0, v6;
	v61 =	vsel vm12, $0x1, v17;
	v62 =	vnsel vm12, $0x0, v14  }
0x10d: {  	v44 =	vsel vm13, $0x1, v17;
	v45 =	vnsel vm13, $0x0, v5;
	v47 =	vsel vm14, $0x1, v17  }
0x10e: {  	v48 =	vnsel vm14, $0x0, v9;
	v50 =	vsel vm15, $0x1, v17;
	v51 =	vnsel vm15, $0x0, v15  }
0x10f: {  	v58 =	vld [tilespmem:$0x9C8D];
	v53 =	vsel vm4, $0x1, v17;
	v54 =	vnsel vm4, $0x0, v4;
	v56 =	vsel vm5, $0x1, v17  }
0x110: {  	v63 =	vld [tilespmem:$0x9C8E];
	vm7 =	veq.s32 v32, v52;
	vm12 =	vlt.s32 v32, v10;
	v35 =	vadd.s32 v39, v55  }
0x111: {  	v38 =	vadd.s32 v57, v41;
	v57 =	vnsel vm5, $0x0, v8;
	v49 =	vsel vm12, $0x1, v17  }
0x112: {  	v55 =	vld [tilespmem:$0x9C8C];
	v35 =	vadd.s32 v40, v35;
	v38 =	vadd.s32 v59, v38;
	v40 =	vnsel vm7, $0x0, v3  }
0x113: {  	v41 =	vld [tilespmem:$0x9C8F];
	v35 =	vadd.s32 v61, v35;
	v38 =	vadd.s32 v62, v38;
	v61 =	vsel vm6, $0x1, v17  }
0x114: {  	v62 =	vnsel vm6, $0x0, v13;
	v35 =	vadd.s32 v44, v35;
	v38 =	vadd.s32 v45, v38  }
0x115: {  	[tilespmem:$0x2080] =	vst v21;
	v11 =	vld [tilespmem:$0x1FFF0];
	vm9 =	veq.s32 v32, v58;
	vm10 =	veq.s32 v32, v63;
	v35 =	vadd.s32 v47, v35  }
0x116: {  	[tilespmem:$0x2180] =	vst v20;
	v38 =	vadd.s32 v48, v38;
	v44 =	vsel vm9, $0x1, v17;
	v45 =	vnsel vm9, $0x0, v19  }
0x117: {  	[tilespmem:$0x2090] =	vst v23;
	v46 =	vsel vm10, $0x1, v17;
	v35 =	vadd.s32 v50, v35;
	v38 =	vadd.s32 v51, v38  }
0x118: {  	[tilespmem:$0x2190] =	vst v22;
	vm8 =	veq.s32 v32, v55;
	vm11 =	veq.s32 v32, v41;
	v38 =	vadd.s32 v54, v38  }
0x119: {  	[tilespmem:$0x20A0] =	vst v25;
	v35 =	vadd.s32 v53, v35;
	v43 =	vnsel vm8, $0x0, v18;
	v60 =	vadd.s32 v57, v38  }
0x11a: {  	[tilespmem:$0x21A0] =	vst v24;
	v48 =	vnsel vm11, $0x0, v11;
	v11 =	vld [tilespmem:$0x1FFE0];
	v59 =	vadd.s32 v56, v35;
	v21 =	vadd.s32 v62, v60  }
0x11b: {  	[tilespmem:$0x20B0] =	vst v27;
	v38 =	vsel vm7, $0x1, v17;
	v20 =	vadd.s32 v61, v59;
	v21 =	vadd.s32 v40, v21  }
0x11c: {  	[tilespmem:$0x21B0] =	vst v26;
	v42 =	vsel vm8, $0x1, v17;
	v20 =	vadd.s32 v38, v20;
	v21 =	vadd.s32 v43, v21  }
0x11d: {  	[tilespmem:$0x20C0] =	vst v29;
	v47 =	vnsel vm10, $0x0, v16;
	v20 =	vadd.s32 v42, v20;
	v21 =	vadd.s32 v45, v21  }
0x11e: {  	[tilespmem:$0x21C0] =	vst v28;
	v22 =	vsel vm11, $0x1, v17;
	v20 =	vadd.s32 v44, v20;
	v21 =	vadd.s32 v47, v21  }
0x11f: {  	[tilespmem:$0x20D0] =	vst v31;
	vm13 =	vge.s32 v32, v11;
	v20 =	vadd.s32 v46, v20;
	v21 =	vadd.s32 v48, v21  }
0x120: {  	[tilespmem:$0x21D0] =	vst v30;
	v50 =	vsel vm13, $0xFFFFFFFF, v17;
	v20 =	vadd.s32 v22, v20;
	v23 =	vadd.s32 v49, v21  }
0x121: {  	[tilespmem:$0x20E0] =	vst v33;
	v51 =	vsub.s32 v32, v10;
	v20 =	vcvt.s32.f32 v20;
	vm0 =	veq.s32 v23, v50  }
0x122: {  	[tilespmem:$0x21E0] =	vst v34;
	vm14 =	veq.s32 v21, $0x0;
	v22 =	vnsel vm0, $0x7A200, v51  }
0x123: {  	v20 =	vnsel vm14, $0x0, v20;
	[tilespmem:$0x20F0] =	vst v22  }
0x124: {  	[tilespmem:$0x21F0] =	vst v20  }
0x125: {  	[spmem:s3] =	stream.indirect.scatter.add.f32 [tilespmem:s19], [sflag:$0x4], $0x1, s15, s18, $0xb8;
	[tilespmem:$0x11728] =	vst v63  }
0x126: {  	_ =	swait.ge [sflag:s14], $0x80  }
0x127: {  	s26 =	sadd.s32 s25, s10;
	[sflag:s14] =	ssyncset.done $0x0  }
0x128: {  	s28 =	sadd.s32 $0xA00, s26;
	[sflag:s14] =	ssyncadd.s32 $0xFFFFFF80  }
0x129: {  	[tilespmem:s15], [sflag:$0x2] =	stream.linear.gather [hbm4b:s28+s4], $0x80, $0x38;
	[tilespmem:$0x11728] =	vst v63  }
0x12a: {  	_ =	swait.ge [sflag:s20], $0x80  }
0x12b: {  	[sflag:s20] =	ssyncset.done $0x0  }
0x12c: {  	[sflag:s20] =	ssyncadd.s32 $0xFFFFFF80  }
0x12d: {  	v20 =	vld [tilespmem:$0x2100];
	_ =	sdelay $0x4  }
0x12e: {  	[tilespmem:$0x9C80] =	vst v20  }
0x12f: {  	[tilespmem:$0x9C90] =	vst v20  }
0x130: {  	v52 =	vld [tilespmem:$0x9C81]  }
0x131: {  	v53 =	vld [tilespmem:$0x9C82]  }
0x132: {  	v54 =	vld [tilespmem:$0x9C83]  }
0x133: {  	v55 =	vld [tilespmem:$0x9C84]  }
0x134: {  	v56 =	vld [tilespmem:$0x9C85]  }
0x135: {  	v59 =	vld [tilespmem:$0x9C86]  }
0x136: {  	v61 =	vld [tilespmem:$0x9C87]  }
0x137: {  	v32 =	vld [tilespmem:$0x9C88]  }
0x138: {  	v34 =	vld [tilespmem:$0x9C89]  }
0x139: {  	v36 =	vld [tilespmem:$0x9C8A]  }
0x13a: {  	v39 =	vld [tilespmem:$0x9C8B]  }
0x13b: {  	v41 =	vld [tilespmem:$0x9C8C]  }
0x13c: {  	vm15 =	veq.s32 v20, v52  }
0x13d: {  	vm4 =	veq.s32 v20, v53;
	vm5 =	veq.s32 v20, v54;
	vm6 =	veq.s32 v20, v55  }
0x13e: {  	vm7 =	veq.s32 v20, v56;
	vm8 =	veq.s32 v20, v59;
	vm9 =	veq.s32 v20, v61  }
0x13f: {  	vm10 =	veq.s32 v20, v32;
	vm11 =	veq.s32 v20, v34;
	vm12 =	veq.s32 v20, v36  }
0x140: {  	vm13 =	veq.s32 v20, v39;
	vm14 =	veq.s32 v20, v41;
	v21 =	vsel vm15, $0x2, v0  }
0x141: {  	v57 =	vnsel vm15, $0x0, v1;
	v58 =	vsel vm4, $0x1, v17;
	v27 =	vnsel vm4, $0x0, v2  }
0x142: {  	v60 =	vsel vm5, $0x1, v17;
	v25 =	vadd.s32 v57, v27;
	v27 =	vnsel vm5, $0x0, v6  }
0x143: {  	v46 =	vld [tilespmem:$0x2110];
	v62 =	vsel vm6, $0x1, v17;
	v63 =	vnsel vm6, $0x0, v14;
	v25 =	vadd.s32 v27, v25  }
0x144: {  	v48 =	vld [tilespmem:$0x9C8F];
	v33 =	vsel vm7, $0x1, v17;
	v27 =	vnsel vm7, $0x0, v5;
	v25 =	vadd.s32 v63, v25  }
0x145: {  	v11 =	vld [tilespmem:$0x1FFF0];
	v35 =	vsel vm8, $0x1, v17;
	v25 =	vadd.s32 v27, v25;
	v27 =	vnsel vm8, $0x0, v9  }
0x146: {  	v37 =	vsel vm9, $0x1, v17;
	v38 =	vnsel vm9, $0x0, v15;
	v25 =	vadd.s32 v27, v25  }
0x147: {  	v40 =	vsel vm10, $0x1, v17;
	v27 =	vnsel vm10, $0x0, v4;
	v25 =	vadd.s32 v38, v25  }
0x148: {  	v43 =	vld [tilespmem:$0x9C8D];
	v21 =	vadd.s32 v58, v21;
	v25 =	vadd.s32 v27, v25;
	v27 =	vnsel vm11, $0x0, v8  }
0x149: {  	vm5 =	veq.s32 v20, v48;
	v21 =	vadd.s32 v60, v21;
	v25 =	vadd.s32 v27, v25;
	v27 =	vld [tilespmem:$0x9C8E];
	[tilespmem:$0x9C80] =	vst v46  }
0x14a: {  	v42 =	vsel vm11, $0x1, v17;
	v57 =	vnsel vm5, $0x0, v11;
	v11 =	vld [tilespmem:$0x1FFE0];
	v21 =	vadd.s32 v62, v21;
	[tilespmem:$0x9C90] =	vst v46  }
0x14b: {  	v44 =	vsel vm12, $0x1, v17;
	v45 =	vnsel vm12, $0x0, v13;
	v21 =	vadd.s32 v33, v21;
	v55 =	vld [tilespmem:$0x9C81]  }
0x14c: {  	v47 =	vsel vm13, $0x1, v17;
	v28 =	vnsel vm13, $0x0, v3;
	v21 =	vadd.s32 v35, v21;
	v61 =	vld [tilespmem:$0x9C84]  }
0x14d: {  	v49 =	vsel vm14, $0x1, v17;
	vm15 =	veq.s32 v20, v43;
	v21 =	vadd.s32 v37, v21;
	v62 =	vld [tilespmem:$0x9C85]  }
0x14e: {  	vm6 =	vlt.s32 v20, v10;
	v51 =	vsel vm15, $0x1, v17;
	v21 =	vadd.s32 v40, v21;
	v32 =	vld [tilespmem:$0x9C87]  }
0x14f: {  	v52 =	vnsel vm15, $0x0, v19;
	v58 =	vsel vm6, $0x1, v17;
	v21 =	vadd.s32 v42, v21;
	v33 =	vld [tilespmem:$0x9C88]  }
0x150: {  	v56 =	vsel vm5, $0x1, v17;
	v21 =	vadd.s32 v44, v21;
	v25 =	vadd.s32 v45, v25;
	v34 =	vld [tilespmem:$0x9C8A]  }
0x151: {  	vm7 =	vge.s32 v20, v11;
	v35 =	vld [tilespmem:$0x9C8B];
	v21 =	vadd.s32 v47, v21;
	v25 =	vadd.s32 v28, v25  }
0x152: {  	v28 =	vnsel vm14, $0x0, v18;
	v21 =	vadd.s32 v49, v21;
	vm4 =	veq.s32 v20, v27;
	v27 =	vld [tilespmem:$0x9C82]  }
0x153: {  	v59 =	vsel vm7, $0xFFFFFFFF, v17;
	v50 =	vadd.s32 v28, v25;
	v21 =	vadd.s32 v51, v21  }
0x154: {  	v24 =	vadd.s32 v52, v50;
	v20 =	vsub.s32 v20, v10;
	v53 =	vsel vm4, $0x1, v17  }
0x155: {  	v28 =	vld [tilespmem:$0x9C83];
	v54 =	vnsel vm4, $0x0, v16;
	vm9 =	veq.s32 v46, v55;
	vm12 =	veq.s32 v46, v61  }
0x156: {  	vm13 =	veq.s32 v46, v62;
	vm15 =	veq.s32 v46, v32;
	vm4 =	veq.s32 v46, v33  }
0x157: {  	vm6 =	veq.s32 v46, v34;
	vm7 =	veq.s32 v46, v35;
	vm10 =	veq.s32 v46, v27  }
0x158: {  	v21 =	vadd.s32 v53, v21;
	v23 =	vsel vm9, $0x2, v0;
	v27 =	vsel vm10, $0x1, v17  }
0x159: {  	v24 =	vadd.s32 v54, v24;
	v63 =	vnsel vm9, $0x0, v1;
	v23 =	vadd.s32 v27, v23;
	v27 =	vld [tilespmem:$0x9C86]  }
0x15a: {  	v24 =	vadd.s32 v57, v24;
	v21 =	vadd.s32 v56, v21;
	vm11 =	veq.s32 v46, v28  }
0x15b: {  	v26 =	vadd.s32 v58, v24;
	v60 =	vcvt.s32.f32 v21;
	v29 =	vnsel vm10, $0x0, v2  }
0x15c: {  	v28 =	vsel vm11, $0x1, v17;
	v25 =	vadd.s32 v63, v29;
	v29 =	vnsel vm11, $0x0, v6  }
0x15d: {  	v23 =	vadd.s32 v28, v23;
	v25 =	vadd.s32 v29, v25;
	v28 =	vsel vm12, $0x1, v17  }
0x15e: {  	v23 =	vadd.s32 v28, v23;
	v28 =	vnsel vm12, $0x0, v14;
	vm14 =	veq.s32 v46, v27;
	v27 =	vld [tilespmem:$0x9C89]  }
0x15f: {  	vm8 =	veq.s32 v24, $0x0;
	v25 =	vadd.s32 v28, v25;
	v28 =	vsel vm13, $0x1, v17  }
0x160: {  	vm0 =	veq.s32 v26, v59;
	v29 =	vnsel vm13, $0x0, v5;
	v23 =	vadd.s32 v28, v23  }
0x161: {  	v25 =	vadd.s32 v29, v25;
	v28 =	vsel vm14, $0x1, v17;
	v29 =	vnsel vm14, $0x0, v9  }
0x162: {  	v23 =	vadd.s32 v28, v23;
	v25 =	vadd.s32 v29, v25;
	v28 =	vsel vm15, $0x1, v17  }
0x163: {  	v23 =	vadd.s32 v28, v23;
	v28 =	vnsel vm15, $0x0, v15;
	vm5 =	veq.s32 v46, v27;
	v27 =	vld [tilespmem:$0x9C8C]  }
0x164: {  	v36 =	vld [tilespmem:$0x9C8D];
	v21 =	vnsel vm0, $0x7A200, v20;
	v25 =	vadd.s32 v28, v25;
	v28 =	vsel vm4, $0x1, v17  }
0x165: {  	v20 =	vnsel vm8, $0x0, v60;
	v29 =	vnsel vm4, $0x0, v4;
	v23 =	vadd.s32 v28, v23  }
0x166: {  	v37 =	vld [tilespmem:$0x2120];
	v25 =	vadd.s32 v29, v25;
	v28 =	vsel vm5, $0x1, v17;
	v29 =	vnsel vm5, $0x0, v8  }
0x167: {  	v23 =	vadd.s32 v28, v23;
	v25 =	vadd.s32 v29, v25;
	v28 =	vsel vm6, $0x1, v17;
	v29 =	vld [tilespmem:$0x9C8E]  }
0x168: {  	v23 =	vadd.s32 v28, v23;
	v28 =	vnsel vm6, $0x0, v13;
	vm8 =	veq.s32 v46, v27;
	v27 =	vld [tilespmem:$0x9C8F]  }
0x169: {  	v11 =	vld [tilespmem:$0x1FFF0];
	vm9 =	veq.s32 v46, v36;
	v25 =	vadd.s32 v28, v25;
	v28 =	vsel vm7, $0x1, v17  }
0x16a: {  	v30 =	vnsel vm7, $0x0, v3;
	v38 =	vnsel vm9, $0x0, v19;
	v23 =	vadd.s32 v28, v23  }
0x16b: {  	v25 =	vadd.s32 v30, v25;
	v28 =	vsel vm8, $0x1, v17;
	v30 =	vnsel vm8, $0x0, v18  }
0x16c: {  	v23 =	vadd.s32 v28, v23;
	v25 =	vadd.s32 v30, v25;
	vm10 =	veq.s32 v46, v29  }
0x16d: {  	[tilespmem:$0x9C80] =	vst v37;
	v25 =	vadd.s32 v38, v25;
	v28 =	vnsel vm10, $0x0, v16;
	vm11 =	veq.s32 v46, v27  }
0x16e: {  	[tilespmem:$0x9C90] =	vst v37;
	v25 =	vadd.s32 v28, v25;
	v28 =	vnsel vm11, $0x0, v11;
	v11 =	vld [tilespmem:$0x1FFE0]  }
0x16f: {  	v40 =	vld [tilespmem:$0x9C81]  }
0x170: {  	v26 =	vsel vm9, $0x1, v17;
	v42 =	vld [tilespmem:$0x9C85]  }
0x171: {  	v29 =	vld [tilespmem:$0x9C82];
	v23 =	vadd.s32 v26, v23;
	v39 =	vsel vm10, $0x1, v17  }
0x172: {  	vm12 =	vlt.s32 v46, v10;
	v30 =	vld [tilespmem:$0x9C83];
	v23 =	vadd.s32 v39, v23;
	v27 =	vsel vm11, $0x1, v17  }
0x173: {  	v25 =	vadd.s32 v28, v25;
	v28 =	vsel vm12, $0x1, v17;
	vm13 =	vge.s32 v46, v11  }
0x174: {  	v23 =	vadd.s32 v27, v23;
	v28 =	vadd.s32 v28, v25;
	v27 =	vsel vm13, $0xFFFFFFFF, v17  }
0x175: {  	v22 =	vsub.s32 v46, v10;
	vm15 =	veq.s32 v37, v40;
	vm0 =	veq.s32 v28, v27;
	v28 =	vld [tilespmem:$0x9C84]  }
0x176: {  	vm7 =	veq.s32 v37, v42;
	v41 =	vsel vm15, $0x2, v0;
	vm4 =	veq.s32 v37, v29  }
0x177: {  	vm5 =	veq.s32 v37, v30;
	vm14 =	veq.s32 v25, $0x0;
	v29 =	vsel vm4, $0x1, v17  }
0x178: {  	v30 =	vsel vm5, $0x1, v17;
	v25 =	vadd.s32 v29, v41;
	v29 =	vld [tilespmem:$0x9C86];
	v27 =	vcvt.s32.f32 v23  }
0x179: {  	v43 =	vld [tilespmem:$0x9C88];
	v31 =	vnsel vm4, $0x0, v2;
	v25 =	vadd.s32 v30, v25;
	v23 =	vnsel vm0, $0x7A200, v22  }
0x17a: {  	v22 =	vnsel vm14, $0x0, v27;
	v27 =	vnsel vm15, $0x0, v1;
	vm6 =	veq.s32 v37, v28;
	v28 =	vld [tilespmem:$0x9C87]  }
0x17b: {  	v27 =	vadd.s32 v27, v31;
	v31 =	vnsel vm5, $0x0, v6;
	v30 =	vsel vm6, $0x1, v17  }
0x17c: {  	v27 =	vadd.s32 v31, v27;
	v25 =	vadd.s32 v30, v25;
	v30 =	vnsel vm6, $0x0, v14  }
0x17d: {  	vm8 =	veq.s32 v37, v29;
	v29 =	vld [tilespmem:$0x9C89];
	v27 =	vadd.s32 v30, v27;
	v30 =	vsel vm7, $0x1, v17  }
0x17e: {  	v44 =	vld [tilespmem:$0x9C8B];
	vm10 =	veq.s32 v37, v43;
	v31 =	vnsel vm7, $0x0, v5;
	v25 =	vadd.s32 v30, v25  }
0x17f: {  	v27 =	vadd.s32 v31, v27;
	v30 =	vsel vm8, $0x1, v17;
	vm9 =	veq.s32 v37, v28;
	v28 =	vld [tilespmem:$0x9C8A]  }
0x180: {  	v31 =	vnsel vm8, $0x0, v9;
	v25 =	vadd.s32 v30, v25;
	v30 =	vsel vm9, $0x1, v17  }
0x181: {  	v27 =	vadd.s32 v31, v27;
	v25 =	vadd.s32 v30, v25;
	v30 =	vnsel vm9, $0x0, v15  }
0x182: {  	vm11 =	veq.s32 v37, v29;
	v29 =	vld [tilespmem:$0x9C8C];
	v27 =	vadd.s32 v30, v27;
	v30 =	vsel vm10, $0x1, v17  }
0x183: {  	vm13 =	veq.s32 v37, v44;
	v31 =	vnsel vm10, $0x0, v4;
	v25 =	vadd.s32 v30, v25  }
0x184: {  	v27 =	vadd.s32 v31, v27;
	v30 =	vsel vm11, $0x1, v17;
	vm12 =	veq.s32 v37, v28;
	v28 =	vld [tilespmem:$0x9C8D]  }
0x185: {  	v26 =	vld [tilespmem:$0x2130];
	v31 =	vnsel vm11, $0x0, v8;
	v25 =	vadd.s32 v30, v25;
	v30 =	vsel vm12, $0x1, v17  }
0x186: {  	v27 =	vadd.s32 v31, v27;
	v31 =	vld [tilespmem:$0x9C8E];
	v25 =	vadd.s32 v30, v25;
	v30 =	vnsel vm12, $0x0, v13  }
0x187: {  	vm14 =	veq.s32 v37, v29;
	v27 =	vadd.s32 v30, v27;
	v30 =	vsel vm13, $0x1, v17  }
0x188: {  	v45 =	vnsel vm13, $0x0, v3;
	v29 =	vld [tilespmem:$0x9C8F];
	v46 =	vnsel vm14, $0x0, v18;
	v25 =	vadd.s32 v30, v25  }
0x189: {  	v11 =	vld [tilespmem:$0x1FFF0];
	v27 =	vadd.s32 v45, v27;
	v30 =	vsel vm14, $0x1, v17;
	vm15 =	veq.s32 v37, v28  }
0x18a: {  	[tilespmem:$0x9C80] =	vst v26;
	v25 =	vadd.s32 v30, v25;
	v27 =	vadd.s32 v46, v27;
	v28 =	vsel vm15, $0x1, v17  }
0x18b: {  	[tilespmem:$0x9C90] =	vst v26;
	vm4 =	veq.s32 v37, v31;
	v25 =	vadd.s32 v28, v25;
	v28 =	vnsel vm15, $0x0, v19  }
0x18c: {  	v31 =	vld [tilespmem:$0x9C82];
	v27 =	vadd.s32 v28, v27;
	v28 =	vsel vm4, $0x1, v17  }
0x18d: {  	vm5 =	veq.s32 v37, v29;
	v30 =	vnsel vm4, $0x0, v16;
	v25 =	vadd.s32 v28, v25;
	v28 =	vld [tilespmem:$0x9C81]  }
0x18e: {  	v27 =	vadd.s32 v30, v27;
	v30 =	vnsel vm5, $0x0, v11;
	v11 =	vld [tilespmem:$0x1FFE0];
	_ =	sdelay $0x2  }
0x18f: {  	vm6 =	vlt.s32 v37, v10;
	v29 =	vsel vm5, $0x1, v17  }
0x190: {  	v27 =	vadd.s32 v30, v27;
	v30 =	vsel vm6, $0x1, v17;
	vm9 =	veq.s32 v26, v28;
	v28 =	vld [tilespmem:$0x9C85]  }
0x191: {  	v47 =	vld [tilespmem:$0x9C83];
	v25 =	vadd.s32 v29, v25;
	vm10 =	veq.s32 v26, v31;
	vm7 =	vge.s32 v37, v11  }
0x192: {  	v63 =	vld [tilespmem:$0x9C8E];
	v30 =	vadd.s32 v30, v27;
	vm8 =	veq.s32 v27, $0x0;
	v29 =	vsel vm7, $0xFFFFFFFF, v17  }
0x193: {  	v31 =	vsel vm10, $0x1, v17;
	v27 =	vsel vm9, $0x2, v0;
	vm0 =	veq.s32 v30, v29;
	v30 =	vld [tilespmem:$0x9C84]  }
0x194: {  	v27 =	vadd.s32 v31, v27;
	v31 =	vld [tilespmem:$0x9C86]  }
0x195: {  	vm13 =	veq.s32 v26, v28;
	v28 =	vld [tilespmem:$0x9C88];
	_ =	sdelay $0x1  }
0x196: {  	vm11 =	veq.s32 v26, v47  }
0x197: {  	v24 =	vsub.s32 v37, v10;
	v32 =	vsel vm11, $0x1, v17;
	vm12 =	veq.s32 v26, v30;
	v30 =	vld [tilespmem:$0x9C87]  }
0x198: {  	v49 =	vnsel vm11, $0x0, v6;
	v29 =	vcvt.s32.f32 v25;
	vm14 =	veq.s32 v26, v31;
	v31 =	vld [tilespmem:$0x9C89]  }
0x199: {  	v48 =	vnsel vm10, $0x0, v2;
	vm10 =	veq.s32 v26, v63;
	vm4 =	veq.s32 v26, v28;
	v28 =	vld [tilespmem:$0x9C8B]  }
0x19a: {  	v25 =	vnsel vm0, $0x7A200, v24;
	v24 =	vnsel vm8, $0x0, v29;
	v29 =	vnsel vm9, $0x0, v1  }
0x19b: {  	v41 =	vnsel vm10, $0x0, v16;
	v27 =	vadd.s32 v32, v27;
	v29 =	vadd.s32 v29, v48  }
0x19c: {  	v29 =	vadd.s32 v49, v29;
	v52 =	vsel vm13, $0x1, v17;
	vm15 =	veq.s32 v26, v30;
	v30 =	vld [tilespmem:$0x9C8A]  }
0x19d: {  	v53 =	vnsel vm13, $0x0, v5;
	v50 =	vsel vm12, $0x1, v17;
	vm5 =	veq.s32 v26, v31;
	v31 =	vld [tilespmem:$0x9C8C]  }
0x19e: {  	v51 =	vnsel vm12, $0x0, v14;
	v54 =	vsel vm14, $0x1, v17;
	vm7 =	veq.s32 v26, v28;
	v28 =	vld [tilespmem:$0x2140]  }
0x19f: {  	v55 =	vnsel vm14, $0x0, v9;
	v27 =	vadd.s32 v50, v27;
	v29 =	vadd.s32 v51, v29  }
0x1a0: {  	vm12 =	vlt.s32 v26, v10;
	v27 =	vadd.s32 v52, v27;
	v29 =	vadd.s32 v53, v29  }
0x1a1: {  	v44 =	vsel vm12, $0x1, v17;
	v27 =	vadd.s32 v54, v27;
	v29 =	vadd.s32 v55, v29  }
0x1a2: {  	v58 =	vsel vm4, $0x1, v17;
	v59 =	vnsel vm4, $0x0, v4;
	vm6 =	veq.s32 v26, v30;
	v30 =	vld [tilespmem:$0x9C8D]  }
0x1a3: {  	v56 =	vsel vm15, $0x1, v17;
	v57 =	vnsel vm15, $0x0, v15;
	vm8 =	veq.s32 v26, v31;
	v31 =	vld [tilespmem:$0x9C8F];
	[tilespmem:$0x9C80] =	vst v28  }
0x1a4: {  	v11 =	vld [tilespmem:$0x1FFF0];
	v60 =	vsel vm5, $0x1, v17;
	v27 =	vadd.s32 v56, v27;
	v29 =	vadd.s32 v57, v29;
	[tilespmem:$0x9C90] =	vst v28  }
0x1a5: {  	v61 =	vnsel vm5, $0x0, v8;
	v27 =	vadd.s32 v58, v27;
	v29 =	vadd.s32 v59, v29;
	v43 =	vld [tilespmem:$0x9C82]  }
0x1a6: {  	v27 =	vadd.s32 v60, v27;
	v29 =	vadd.s32 v61, v29;
	v37 =	vsel vm7, $0x1, v17;
	v45 =	vld [tilespmem:$0x9C83]  }
0x1a7: {  	v38 =	vnsel vm7, $0x0, v3;
	v62 =	vsel vm6, $0x1, v17;
	v36 =	vnsel vm6, $0x0, v13;
	v46 =	vld [tilespmem:$0x9C84]  }
0x1a8: {  	v39 =	vsel vm8, $0x1, v17;
	v40 =	vnsel vm8, $0x0, v18;
	v27 =	vadd.s32 v62, v27;
	v48 =	vld [tilespmem:$0x9C86]  }
0x1a9: {  	v29 =	vadd.s32 v36, v29;
	v27 =	vadd.s32 v37, v27;
	v50 =	vld [tilespmem:$0x9C87];
	vm9 =	veq.s32 v26, v30  }
0x1aa: {  	v29 =	vadd.s32 v38, v29;
	v27 =	vadd.s32 v39, v27;
	v55 =	vld [tilespmem:$0x9C89];
	v30 =	vsel vm9, $0x1, v17  }
0x1ab: {  	v29 =	vadd.s32 v40, v29;
	v58 =	vld [tilespmem:$0x9C8A];
	v27 =	vadd.s32 v30, v27;
	v30 =	vnsel vm9, $0x0, v19  }
0x1ac: {  	vm11 =	veq.s32 v26, v31;
	v29 =	vadd.s32 v30, v29;
	v30 =	vsel vm10, $0x1, v17  }
0x1ad: {  	v31 =	vsel vm11, $0x1, v17;
	v42 =	vnsel vm11, $0x0, v11;
	v11 =	vld [tilespmem:$0x1FFE0];
	v27 =	vadd.s32 v30, v27  }
0x1ae: {  	v29 =	vadd.s32 v41, v29;
	v30 =	vld [tilespmem:$0x9C81];
	vm4 =	veq.s32 v28, v43;
	vm5 =	veq.s32 v28, v45  }
0x1af: {  	vm6 =	veq.s32 v28, v46;
	vm8 =	veq.s32 v28, v48;
	vm9 =	veq.s32 v28, v50  }
0x1b0: {  	vm11 =	veq.s32 v28, v55;
	vm12 =	veq.s32 v28, v58;
	v29 =	vadd.s32 v42, v29  }
0x1b1: {  	v27 =	vadd.s32 v31, v27;
	v33 =	vsel vm4, $0x1, v17;
	v47 =	vnsel vm4, $0x0, v2  }
0x1b2: {  	v34 =	vsel vm5, $0x1, v17;
	v49 =	vnsel vm5, $0x0, v6;
	v51 =	vsel vm6, $0x1, v17  }
0x1b3: {  	v52 =	vnsel vm6, $0x0, v14;
	vm13 =	vge.s32 v26, v11;
	vm15 =	veq.s32 v28, v30;
	v30 =	vld [tilespmem:$0x9C85]  }
0x1b4: {  	v56 =	vsel vm8, $0x1, v17;
	v32 =	vadd.s32 v44, v29;
	v31 =	vsel vm13, $0xFFFFFFFF, v17  }
0x1b5: {  	v57 =	vnsel vm8, $0x0, v9;
	vm0 =	veq.s32 v32, v31;
	v31 =	vcvt.s32.f32 v27  }
0x1b6: {  	v59 =	vsel vm9, $0x1, v17;
	v26 =	vsub.s32 v26, v10;
	vm14 =	veq.s32 v29, $0x0  }
0x1b7: {  	v27 =	vnsel vm0, $0x7A200, v26;
	v26 =	vnsel vm14, $0x0, v31;
	v29 =	vsel vm15, $0x2, v0  }
0x1b8: {  	v31 =	vnsel vm15, $0x0, v1;
	v29 =	vadd.s32 v33, v29;
	vm7 =	veq.s32 v28, v30;
	v30 =	vld [tilespmem:$0x9C88]  }
0x1b9: {  	v60 =	vnsel vm9, $0x0, v15;
	v31 =	vadd.s32 v31, v47;
	v29 =	vadd.s32 v34, v29  }
0x1ba: {  	v31 =	vadd.s32 v49, v31;
	v29 =	vadd.s32 v51, v29;
	v53 =	vsel vm7, $0x1, v17  }
0x1bb: {  	v63 =	vld [tilespmem:$0x9C8C];
	v31 =	vadd.s32 v52, v31;
	v54 =	vnsel vm7, $0x0, v5;
	v29 =	vadd.s32 v53, v29  }
0x1bc: {  	v41 =	vld [tilespmem:$0x9C8D];
	v39 =	vsel vm11, $0x1, v17;
	v31 =	vadd.s32 v54, v31;
	v29 =	vadd.s32 v56, v29  }
0x1bd: {  	v43 =	vld [tilespmem:$0x9C8E];
	v31 =	vadd.s32 v57, v31;
	v29 =	vadd.s32 v59, v29;
	vm10 =	veq.s32 v28, v30  }
0x1be: {  	v11 =	vld [tilespmem:$0x1FFF0];
	v31 =	vadd.s32 v60, v31;
	v61 =	vsel vm10, $0x1, v17;
	v62 =	vnsel vm10, $0x0, v4  }
0x1bf: {  	v40 =	vnsel vm11, $0x0, v8;
	v47 =	vld [tilespmem:$0x9C8F];
	v29 =	vadd.s32 v61, v29;
	v31 =	vadd.s32 v62, v31  }
0x1c0: {  	v30 =	vld [tilespmem:$0x9C8B];
	v29 =	vadd.s32 v39, v29;
	v42 =	vadd.s32 v40, v31;
	v31 =	vsel vm12, $0x1, v17  }
0x1c1: {  	v29 =	vadd.s32 v31, v29;
	v31 =	vld [tilespmem:$0x2150];
	_ =	sdelay $0x1  }
0x1c2: {  	vm6 =	vlt.s32 v28, v10;
	v44 =	vnsel vm12, $0x0, v13;
	vm14 =	veq.s32 v28, v63  }
0x1c3: {  	vm4 =	veq.s32 v28, v43;
	vm15 =	veq.s32 v28, v41;
	v48 =	vsel vm14, $0x1, v17  }
0x1c4: {  	v32 =	vsel vm15, $0x1, v17;
	v50 =	vnsel vm15, $0x0, v19;
	vm5 =	veq.s32 v28, v47  }
0x1c5: {  	v49 =	vnsel vm14, $0x0, v18;
	v54 =	vnsel vm5, $0x0, v11;
	vm13 =	veq.s32 v28, v30;
	[tilespmem:$0x9C80] =	vst v31  }
0x1c6: {  	v11 =	vld [tilespmem:$0x1FFE0];
	v30 =	vadd.s32 v44, v42;
	v45 =	vsel vm13, $0x1, v17;
	v46 =	vnsel vm13, $0x0, v3;
	[tilespmem:$0x9C90] =	vst v31  }
0x1c7: {  	v51 =	vsel vm4, $0x1, v17;
	v29 =	vadd.s32 v45, v29;
	v30 =	vadd.s32 v46, v30;
	v53 =	vld [tilespmem:$0x9C81]  }
0x1c8: {  	v52 =	vnsel vm4, $0x0, v16;
	v29 =	vadd.s32 v48, v29;
	v30 =	vadd.s32 v49, v30;
	v55 =	vld [tilespmem:$0x9C82]  }
0x1c9: {  	v33 =	vsel vm5, $0x1, v17;
	v29 =	vadd.s32 v32, v29;
	v30 =	vadd.s32 v50, v30;
	v58 =	vld [tilespmem:$0x9C83]  }
0x1ca: {  	v56 =	vsel vm6, $0x1, v17;
	v29 =	vadd.s32 v51, v29;
	v30 =	vadd.s32 v52, v30;
	v60 =	vld [tilespmem:$0x9C84]  }
0x1cb: {  	vm7 =	vge.s32 v28, v11;
	v61 =	vld [tilespmem:$0x9C85];
	v30 =	vadd.s32 v54, v30;
	v29 =	vadd.s32 v33, v29  }
0x1cc: {  	v57 =	vsel vm7, $0xFFFFFFFF, v17;
	v40 =	vld [tilespmem:$0x9C86];
	v34 =	vadd.s32 v56, v30;
	v59 =	vcvt.s32.f32 v29  }
0x1cd: {  	v28 =	vsub.s32 v28, v10;
	v42 =	vld [tilespmem:$0x9C87];
	vm8 =	veq.s32 v30, $0x0;
	vm0 =	veq.s32 v34, v57  }
0x1ce: {  	v45 =	vld [tilespmem:$0x9C88];
	v29 =	vnsel vm0, $0x7A200, v28;
	v28 =	vnsel vm8, $0x0, v59;
	vm9 =	veq.s32 v31, v53  }
0x1cf: {  	v48 =	vld [tilespmem:$0x9C89];
	vm10 =	veq.s32 v31, v55;
	vm11 =	veq.s32 v31, v58;
	vm12 =	veq.s32 v31, v60  }
0x1d0: {  	v51 =	vld [tilespmem:$0x9C8A];
	vm13 =	veq.s32 v31, v61;
	v30 =	vsel vm9, $0x2, v0;
	v35 =	vsel vm10, $0x1, v17  }
0x1d1: {  	vm14 =	veq.s32 v31, v40;
	v36 =	vsel vm11, $0x1, v17;
	v30 =	vadd.s32 v35, v30  }
0x1d2: {  	vm15 =	veq.s32 v31, v42;
	v43 =	vsel vm12, $0x1, v17;
	v30 =	vadd.s32 v36, v30  }
0x1d3: {  	vm4 =	veq.s32 v31, v45;
	v46 =	vsel vm13, $0x1, v17;
	v30 =	vadd.s32 v43, v30  }
0x1d4: {  	vm5 =	veq.s32 v31, v48;
	v49 =	vsel vm14, $0x1, v17;
	v30 =	vadd.s32 v46, v30  }
0x1d5: {  	vm6 =	veq.s32 v31, v51;
	v52 =	vsel vm15, $0x1, v17;
	v30 =	vadd.s32 v49, v30  }
0x1d6: {  	v11 =	vld [tilespmem:$0x1FFF0];
	v62 =	vnsel vm9, $0x0, v1;
	v55 =	vsel vm4, $0x1, v17;
	v30 =	vadd.s32 v52, v30  }
0x1d7: {  	v54 =	vld [tilespmem:$0x9C8B];
	v63 =	vnsel vm10, $0x0, v2;
	v58 =	vsel vm5, $0x1, v17;
	v30 =	vadd.s32 v55, v30  }
0x1d8: {  	v41 =	vnsel vm11, $0x0, v6;
	v61 =	vsel vm6, $0x1, v17;
	v43 =	vld [tilespmem:$0x9C8F];
	v30 =	vadd.s32 v58, v30  }
0x1d9: {  	v44 =	vnsel vm12, $0x0, v14;
	v47 =	vnsel vm13, $0x0, v5;
	v36 =	vadd.s32 v61, v30;
	v30 =	vld [tilespmem:$0x2160]  }
0x1da: {  	v57 =	vld [tilespmem:$0x9C8C];
	v50 =	vnsel vm14, $0x0, v9;
	v53 =	vnsel vm15, $0x0, v15;
	v33 =	vadd.s32 v62, v63  }
0x1db: {  	v60 =	vld [tilespmem:$0x9C8D];
	v56 =	vnsel vm4, $0x0, v4;
	v59 =	vnsel vm5, $0x0, v8;
	v33 =	vadd.s32 v41, v33  }
0x1dc: {  	vm7 =	veq.s32 v31, v54;
	vm12 =	vlt.s32 v31, v10;
	v33 =	vadd.s32 v44, v33  }
0x1dd: {  	v62 =	vld [tilespmem:$0x9C8E];
	v63 =	vnsel vm6, $0x0, v13;
	v42 =	vnsel vm7, $0x0, v3;
	v33 =	vadd.s32 v47, v33  }
0x1de: {  	v41 =	vsel vm7, $0x1, v17;
	v33 =	vadd.s32 v50, v33;
	vm11 =	veq.s32 v31, v43;
	[tilespmem:$0x9C80] =	vst v30  }
0x1df: {  	vm8 =	veq.s32 v31, v57;
	v33 =	vadd.s32 v53, v33;
	v50 =	vnsel vm11, $0x0, v11;
	v11 =	vld [tilespmem:$0x1FFE0];
	[tilespmem:$0x9C90] =	vst v30  }
0x1e0: {  	v44 =	vsel vm8, $0x1, v17;
	vm9 =	veq.s32 v31, v60;
	v33 =	vadd.s32 v56, v33;
	v49 =	vld [tilespmem:$0x9C81]  }
0x1e1: {  	v45 =	vnsel vm8, $0x0, v18;
	v34 =	vsel vm9, $0x1, v17;
	v33 =	vadd.s32 v59, v33;
	v51 =	vld [tilespmem:$0x9C82]  }
0x1e2: {  	v46 =	vnsel vm9, $0x0, v19;
	vm10 =	veq.s32 v31, v62;
	v40 =	vadd.s32 v63, v33;
	v53 =	vld [tilespmem:$0x9C83]  }
0x1e3: {  	v52 =	vsel vm12, $0x1, v17;
	v33 =	vadd.s32 v41, v36;
	v32 =	vadd.s32 v42, v40;
	v55 =	vld [tilespmem:$0x9C84]  }
0x1e4: {  	v47 =	vsel vm10, $0x1, v17;
	v33 =	vadd.s32 v44, v33;
	v32 =	vadd.s32 v45, v32;
	v56 =	vld [tilespmem:$0x9C85]  }
0x1e5: {  	v48 =	vnsel vm10, $0x0, v16;
	v33 =	vadd.s32 v34, v33;
	v32 =	vadd.s32 v46, v32;
	v59 =	vld [tilespmem:$0x9C86]  }
0x1e6: {  	v35 =	vsel vm11, $0x1, v17;
	v33 =	vadd.s32 v47, v33;
	v32 =	vadd.s32 v48, v32;
	v62 =	vld [tilespmem:$0x9C87]  }
0x1e7: {  	v32 =	vadd.s32 v50, v32;
	vm13 =	vge.s32 v31, v11;
	v33 =	vadd.s32 v35, v33;
	v46 =	vld [tilespmem:$0x9C88]  }
0x1e8: {  	v54 =	vsel vm13, $0xFFFFFFFF, v17;
	v36 =	vadd.s32 v52, v32;
	v33 =	vcvt.s32.f32 v33;
	v48 =	vld [tilespmem:$0x9C89]  }
0x1e9: {  	v31 =	vsub.s32 v31, v10;
	vm14 =	veq.s32 v32, $0x0;
	v50 =	vld [tilespmem:$0x9C8A];
	vm0 =	veq.s32 v36, v54  }
0x1ea: {  	v31 =	vnsel vm0, $0x7A200, v31;
	v32 =	vnsel vm14, $0x0, v33  }
0x1eb: {  	vm15 =	veq.s32 v30, v49;
	vm4 =	veq.s32 v30, v51;
	vm5 =	veq.s32 v30, v53  }
0x1ec: {  	vm6 =	veq.s32 v30, v55;
	vm7 =	veq.s32 v30, v56;
	vm8 =	veq.s32 v30, v59  }
0x1ed: {  	vm9 =	veq.s32 v30, v62;
	vm10 =	veq.s32 v30, v46;
	vm11 =	veq.s32 v30, v48  }
0x1ee: {  	vm12 =	veq.s32 v30, v50;
	v57 =	vsel vm15, $0x2, v0;
	v58 =	vnsel vm15, $0x0, v1  }
0x1ef: {  	v11 =	vld [tilespmem:$0x1FFF0];
	v37 =	vnsel vm4, $0x0, v2;
	v60 =	vsel vm4, $0x1, v17;
	v61 =	vnsel vm5, $0x0, v6  }
0x1f0: {  	v54 =	vld [tilespmem:$0x9C8C];
	v63 =	vsel vm5, $0x1, v17;
	v35 =	vsel vm6, $0x1, v17;
	v45 =	vnsel vm6, $0x0, v14  }
0x1f1: {  	v53 =	vld [tilespmem:$0x9C8B];
	v47 =	vnsel vm7, $0x0, v5;
	v42 =	vsel vm7, $0x1, v17;
	v49 =	vsel vm8, $0x1, v17  }
0x1f2: {  	v38 =	vnsel vm8, $0x0, v9;
	v36 =	vadd.s32 v58, v37;
	v33 =	vadd.s32 v60, v57;
	v58 =	vld [tilespmem:$0x9C8F]  }
0x1f3: {  	v52 =	vnsel vm9, $0x0, v15;
	v43 =	vsel vm9, $0x1, v17;
	v41 =	vadd.s32 v63, v33;
	v33 =	vld [tilespmem:$0x2170]  }
0x1f4: {  	v55 =	vld [tilespmem:$0x9C8D];
	v44 =	vsel vm10, $0x1, v17;
	v39 =	vnsel vm11, $0x0, v8;
	v40 =	vnsel vm12, $0x0, v13  }
0x1f5: {  	v56 =	vld [tilespmem:$0x9C8E];
	vm14 =	veq.s32 v30, v54;
	vm6 =	vlt.s32 v30, v10;
	v36 =	vadd.s32 v61, v36  }
0x1f6: {  	v34 =	vsel vm14, $0x1, v17;
	v59 =	vnsel vm14, $0x0, v18;
	v36 =	vadd.s32 v45, v36  }
0x1f7: {  	v45 =	vnsel vm10, $0x0, v4;
	v35 =	vadd.s32 v35, v41;
	v36 =	vadd.s32 v47, v36  }
0x1f8: {  	vm13 =	veq.s32 v30, v53;
	v35 =	vadd.s32 v42, v35;
	vm5 =	veq.s32 v30, v58;
	[tilespmem:$0x9C80] =	vst v33  }
0x1f9: {  	vm15 =	veq.s32 v30, v55;
	v35 =	vadd.s32 v49, v35;
	[tilespmem:$0x9C90] =	vst v33;
	v49 =	vnsel vm5, $0x0, v11;
	v11 =	vld [tilespmem:$0x1FFE0]  }
0x1fa: {  	vm4 =	veq.s32 v30, v56;
	v51 =	vadd.s32 v38, v36;
	v57 =	vnsel vm13, $0x0, v3;
	v61 =	vld [tilespmem:$0x9C81]  }
0x1fb: {  	v46 =	vsel vm13, $0x1, v17;
	v60 =	vnsel vm15, $0x0, v19;
	v36 =	vadd.s32 v52, v51;
	v62 =	vld [tilespmem:$0x9C82]  }
0x1fc: {  	v41 =	vsel vm15, $0x1, v17;
	v35 =	vadd.s32 v43, v35;
	v36 =	vadd.s32 v45, v36;
	v63 =	vld [tilespmem:$0x9C83]  }
0x1fd: {  	v45 =	vsel vm11, $0x1, v17;
	v35 =	vadd.s32 v44, v35;
	v36 =	vadd.s32 v39, v36;
	v50 =	vld [tilespmem:$0x9C84]  }
0x1fe: {  	v39 =	vsel vm12, $0x1, v17;
	v51 =	vld [tilespmem:$0x9C85];
	v35 =	vadd.s32 v45, v35;
	v36 =	vadd.s32 v40, v36  }
0x1ff: {  	v38 =	vsel vm4, $0x1, v17;
	v37 =	vld [tilespmem:$0x9C87];
	v35 =	vadd.s32 v39, v35;
	v36 =	vadd.s32 v57, v36  }
0x200: {  	v47 =	vnsel vm4, $0x0, v16;
	v42 =	vld [tilespmem:$0x9C88];
	v35 =	vadd.s32 v46, v35;
	v36 =	vadd.s32 v59, v36  }
0x201: {  	v48 =	vsel vm5, $0x1, v17;
	v34 =	vadd.s32 v34, v35;
	v36 =	vadd.s32 v60, v36  }
0x202: {  	vm7 =	vge.s32 v30, v11;
	v34 =	vadd.s32 v41, v34;
	v36 =	vadd.s32 v47, v36  }
0x203: {  	v47 =	vsel vm6, $0x1, v17;
	vm8 =	veq.s32 v33, v61;
	vm9 =	veq.s32 v33, v62  }
0x204: {  	vm10 =	veq.s32 v33, v63;
	vm11 =	veq.s32 v33, v50;
	vm12 =	veq.s32 v33, v51  }
0x205: {  	v40 =	vld [tilespmem:$0x9C86];
	vm14 =	veq.s32 v33, v37;
	vm15 =	veq.s32 v33, v42;
	v34 =	vadd.s32 v38, v34  }
0x206: {  	[tilespmem:$0x2140] =	vst v29;
	v29 =	vld [tilespmem:$0x1FFE0];
	v36 =	vadd.s32 v49, v36;
	v49 =	vsel vm7, $0xFFFFFFFF, v17;
	v52 =	vsel vm8, $0x2, v0  }
0x207: {  	v53 =	vnsel vm8, $0x0, v1;
	v54 =	vsel vm9, $0x1, v17;
	v55 =	vnsel vm9, $0x0, v2  }
0x208: {  	v50 =	vld [tilespmem:$0x9C89];
	v56 =	vsel vm10, $0x1, v17;
	v57 =	vnsel vm10, $0x0, v6;
	v58 =	vsel vm11, $0x1, v17  }
0x209: {  	v51 =	vld [tilespmem:$0x9C8A];
	v59 =	vnsel vm11, $0x0, v14;
	v60 =	vsel vm12, $0x1, v17;
	v61 =	vnsel vm12, $0x0, v5  }
0x20a: {  	vm13 =	veq.s32 v33, v40;
	v40 =	vld [tilespmem:$0x9C8B];
	v37 =	vsel vm14, $0x1, v17;
	v0 =	vnsel vm14, $0x0, v15  }
0x20b: {  	v7 =	vmovc v1;
	v42 =	vsel vm15, $0x1, v17;
	v1 =	vnsel vm15, $0x0, v4;
	vm14 =	vge.s32 v33, v29  }
0x20c: {  	v62 =	vsel vm13, $0x1, v17;
	v63 =	vnsel vm13, $0x0, v9;
	v54 =	vadd.s32 v54, v52  }
0x20d: {  	v55 =	vadd.s32 v53, v55;
	vm11 =	veq.s32 v36, $0x0;
	vm13 =	vlt.s32 v33, v10  }
0x20e: {  	v43 =	vadd.s32 v57, v55;
	vm4 =	veq.s32 v33, v50;
	vm5 =	veq.s32 v33, v51  }
0x20f: {  	v50 =	vsel vm4, $0x1, v17;
	vm6 =	veq.s32 v33, v40;
	v40 =	vadd.s32 v47, v36  }
0x210: {  	vm7 =	veq.s32 v40, v49;
	v40 =	vadd.s32 v56, v54;
	v56 =	vadd.s32 v59, v43  }
0x211: {  	v11 =	vmovc v14;
	v14 =	vnsel vm4, $0x0, v8;
	v40 =	vadd.s32 v58, v40;
	v39 =	vadd.s32 v61, v56  }
0x212: {  	v12 =	vmovc v8;
	v51 =	vsel vm5, $0x1, v17;
	v58 =	vld [tilespmem:$0x9C8C];
	v40 =	vadd.s32 v60, v40;
	v57 =	vadd.s32 v63, v39  }
0x213: {  	v8 =	vmovc v5;
	v5 =	vmovc v2;
	v2 =	vnsel vm5, $0x0, v13;
	v40 =	vadd.s32 v62, v40;
	v0 =	vadd.s32 v0, v57  }
0x214: {  	v47 =	vsel vm6, $0x1, v17;
	v60 =	vld [tilespmem:$0x9C8D];
	v37 =	vadd.s32 v37, v40;
	v0 =	vadd.s32 v1, v0  }
0x215: {  	v3 =	vnsel vm6, $0x0, v3;
	v62 =	vld [tilespmem:$0x9C8F];
	v59 =	vadd.s32 v42, v37;
	v0 =	vadd.s32 v14, v0  }
0x216: {  	[tilespmem:$0x2100] =	vst v21;
	v61 =	vadd.s32 v48, v34;
	v1 =	vadd.s32 v50, v59;
	v0 =	vadd.s32 v2, v0  }
0x217: {  	[tilespmem:$0x2180] =	vst v20;
	v14 =	vld [tilespmem:$0x9C8E];
	v2 =	vsub.s32 v30, v10;
	vm8 =	veq.s32 v33, v58;
	v1 =	vadd.s32 v51, v1  }
0x218: {  	[tilespmem:$0x2110] =	vst v23;
	v30 =	vmovc v18;
	v18 =	vld [tilespmem:$0x1FFF0];
	v0 =	vadd.s32 v3, v0;
	v2 =	vnsel vm7, $0x7A200, v2;
	v3 =	vsel vm8, $0x1, v17  }
0x219: {  	[tilespmem:$0x2190] =	vst v22;
	v20 =	vnsel vm8, $0x0, v30;
	vm9 =	veq.s32 v33, v60;
	v1 =	vadd.s32 v47, v1  }
0x21a: {  	[tilespmem:$0x2120] =	vst v25;
	v0 =	vadd.s32 v20, v0;
	v20 =	vnsel vm9, $0x0, v19;
	vm12 =	veq.s32 v33, v62  }
0x21b: {  	[tilespmem:$0x21A0] =	vst v24;
	v1 =	vadd.s32 v3, v1;
	v3 =	vsel vm9, $0x1, v17;
	v0 =	vadd.s32 v20, v0  }
0x21c: {  	[tilespmem:$0x2130] =	vst v27;
	vm10 =	veq.s32 v33, v14;
	v14 =	vcvt.s32.f32 v61;
	v1 =	vadd.s32 v3, v1  }
0x21d: {  	[tilespmem:$0x21B0] =	vst v26;
	v3 =	vsel vm10, $0x1, v17;
	v63 =	vnsel vm10, $0x0, v16;
	v20 =	vnsel vm12, $0x0, v18  }
0x21e: {  	[tilespmem:$0x21C0] =	vst v28;
	v1 =	vadd.s32 v3, v1;
	v0 =	vadd.s32 v63, v0;
	v3 =	vnsel vm11, $0x0, v14  }
0x21f: {  	[tilespmem:$0x2150] =	vst v31;
	v14 =	vsel vm12, $0x1, v17;
	v0 =	vadd.s32 v20, v0;
	v20 =	vsel vm13, $0x1, v17  }
0x220: {  	[tilespmem:$0x21D0] =	vst v32;
	v1 =	vadd.s32 v14, v1;
	v14 =	vsel vm14, $0xFFFFFFFF, v17;
	v20 =	vadd.s32 v20, v0  }
0x221: {  	[tilespmem:$0x2160] =	vst v2;
	v2 =	vsub.s32 v33, v10;
	v1 =	vcvt.s32.f32 v1;
	vm0 =	veq.s32 v20, v14  }
0x222: {  	[tilespmem:$0x21E0] =	vst v3;
	vm15 =	veq.s32 v0, $0x0;
	v2 =	vnsel vm0, $0x7A200, v2  }
0x223: {  	v0 =	vnsel vm15, $0x0, v1;
	[tilespmem:$0x2170] =	vst v2  }
0x224: {  	p0 =	sne.s32 s25, $0xFFFFFFE0;
	[tilespmem:$0x21F0] =	vst v0  }
0x225: {  	[spmem:s3] =	stream.indirect.scatter.add.f32 [tilespmem:s19], [sflag:$0x4], $0x1, s16, s18, $0xb8;
	[tilespmem:$0x11728] =	vst v63  }
.Ltmp1:
0x226: {  	_ = 	snop;
	(pc) =	sbr.rel @p0 .LBB2_4-.Ltmp1, $4  }
0x227: {  	_ =	swait.ge [sflag:s14], $0x80  }
0x228: {  	[sflag:s14] =	ssyncset.done $0x0  }
0x229: {  	s25 =	sadd.s32 $0x20, s25;
	s26 =	sadd.s32 $0xA10, s26;
	v14 =	vmov v11;
	[sflag:s14] =	ssyncadd.s32 $0xFFFFFF80  }
0x22a: {  	v0 =	vimm.s32 $0x1;
	v1 =	vmovc v7;
	v2 =	vmovc v5;
	v5 =	vmov v8;
	v8 =	vmov v12;
	[tilespmem:s16], [sflag:$0x3] =	stream.linear.gather [hbm4b:s26+s4], $0x80, $0x38;
	[tilespmem:$0x11728] =	vst v63  }
0x22b: {  	_ =	swait.ge [sflag:s17], $0x80  }
0x22c: {  	[sflag:s17] =	ssyncset.done $0x0  }
0x22d: {  	[sflag:s17] =	ssyncadd.s32 $0xFFFFFF80  }
0x22e: {  	_ =	swait.ge [sflag:s20], $0x80  }
0x22f: {  	[sflag:s20] =	ssyncset.done $0x0  }
0x230: {  	[sflag:s20] =	ssyncadd.s32 $0xFFFFFF80  }
0x231: {  	[bflag:$0x0] =	sbarrier.arrive $0xFFFF  }
0x232: {  	[tilespmem:s13], [sflag:$0x4] =	stream.linear.gather [spmem:s5], $0x7A20, $0x38;
	[tilespmem:$0x11728] =	vst v63  }
0x233: {  	_ =	swait.ge [sflag:s14], $0x7A20  }
0x234: {  	[sflag:s14] =	ssyncset.done $0x0  }
0x235: {  	[sflag:s14] =	ssyncadd.s32 $0xFFFF85E0  }
0x236: {  	[hbm4b:s8+s18] =	stream.strided.scatter [tilespmem:s13], [sflag:$0x4], $0x7A80, s21, s18, $0x38;
	[tilespmem:$0x11728] =	vst v63  }
0x237: {  	_ =	swait.ge [sflag:s14], $0x7A80  }
0x238: {  	[sflag:s14] =	ssyncset.done $0x0  }
0x239: {  	s25 =	sadd.s32 $0x0, s12;
	[sflag:s14] =	ssyncadd.s32 $0xFFFF8580  }
0x23a: {  	[tilespmem:s4], [sflag:$0x4] =	stream.linear.gather [hbm4b:s25+s4], $0x40, $0x38;
	[tilespmem:$0x11728] =	vst v63  }
0x23b: {  	_ =	swait.ge [sflag:s14], $0x40  }
0x23c: {  	[sflag:s14] =	ssyncset.done $0x0  }
0x23d: {  	[sflag:s14] =	ssyncadd.s32 $0xFFFFFFC0  }
0x23e: {  	[tilespmem:s18], [sflag:$0x1] =	stream.indirect.gather [hbm4b:s1+s22], $0x80, s4, s22, $0xb8;
	[tilespmem:$0x11728] =	vst v63  }
0x23f: {  	_ =	swait.ge [sflag:s23], $0x2000  }
0x240: {  	[sflag:s23] =	ssyncset.done $0x0  }
0x241: {  	[sflag:s23] =	ssyncadd.s32 $0xFFFFE000  }
0x242: {  	[hbm4b:s11+s4] =	stream.linear.scatter [tilespmem:s18], [sflag:$0x4], $0x2000, $0x38;
	[tilespmem:$0x11728] =	vst v63  }
0x243: {  	s26 =	simm.s32 $0x8;
	_ =	swait.ge [sflag:s14], $0x2000  }
0x244: {  	s28 =	simm.s32 $0x10;
	s25 =	sadd.s32 $0x400, s11;
	[sflag:s14] =	ssyncset.done $0x0  }
.LBB2_6:
0x245: {  	s29 =	sadd.s32 s26, s12  }
0x246: {  	[sflag:s14] =	ssyncadd.s32 $0xFFFFE000;
	s26 =	smov.u32 s28;
	s30 =	sadd.s32 $0x8, s28  }
0x247: {  	[tilespmem:s4], [sflag:$0x4] =	stream.linear.gather [hbm4b:s29+s4], $0x40, $0x38;
	[tilespmem:$0x11728] =	vst v63  }
0x248: {  	p0 =	sne.s32 s28, $0x70;
	_ =	swait.ge [sflag:s14], $0x40  }
0x249: {  	[sflag:s14] =	ssyncset.done $0x0  }
0x24a: {  	[sflag:s14] =	ssyncadd.s32 $0xFFFFFFC0  }
0x24b: {  	[tilespmem:s18], [sflag:$0x1] =	stream.indirect.gather [hbm4b:s1+s22], $0x80, s4, s22, $0xb8;
	[tilespmem:$0x11728] =	vst v63  }
0x24c: {  	_ =	swait.ge [sflag:s23], $0x2000  }
.Ltmp2:
0x24d: {  	[sflag:s23] =	ssyncset.done $0x0;
	(pc) =	sbr.rel @p0 .LBB2_6-.Ltmp2, $4  }
0x24e: {  	[sflag:s23] =	ssyncadd.s32 $0xFFFFE000  }
0x24f: {  	[hbm4b:s25+s4] =	stream.linear.scatter [tilespmem:s18], [sflag:$0x4], $0x2000, $0x38;
	[tilespmem:$0x11728] =	vst v63  }
0x250: {  	_ =	swait.ge [sflag:s14], $0x2000  }
0x251: {  	s28 =	smov.u32 s30;
	s25 =	sadd.s32 $0x400, s25;
	[sflag:s14] =	ssyncset.done $0x0  }
0x252: {  	s26 =	sadd.s32 s26, s12;
	[sflag:s14] =	ssyncadd.s32 $0xFFFFE000  }
0x253: {  	[tilespmem:s4], [sflag:$0x4] =	stream.linear.gather [hbm4b:s26+s4], $0x40, $0x38;
	[tilespmem:$0x11728] =	vst v63  }
0x254: {  	_ =	swait.ge [sflag:s14], $0x40  }
0x255: {  	[sflag:s14] =	ssyncset.done $0x0  }
0x256: {  	[sflag:s14] =	ssyncadd.s32 $0xFFFFFFC0  }
0x257: {  	[tilespmem:s18], [sflag:$0x1] =	stream.indirect.gather [hbm4b:s1+s22], $0x80, s4, s22, $0xb8;
	[tilespmem:$0x11728] =	vst v63  }
0x258: {  	s24 =	sadd.s32 $0x1, s24;
	_ =	swait.ge [sflag:s23], $0x2000  }
0x259: {  	p0 =	sne.s32 s24, s9;
	[sflag:s23] =	ssyncset.done $0x0  }
.Ltmp3:
0x25a: {  	[sflag:s23] =	ssyncadd.s32 $0xFFFFE000;
	(pc) =	sbr.rel @p0 .LBB2_1-.Ltmp3, $4  }
0x25b: {  	[hbm4b:s25+s4] =	stream.linear.scatter [tilespmem:s18], [sflag:$0x4], $0x2000, $0x38;
	[tilespmem:$0x11728] =	vst v63  }
0x25c: {  	_ =	swait.ge [sflag:s14], $0x2000  }
0x25d: {  	[sflag:s14] =	ssyncset.done $0x0  }
0x25e: {  	v12 =	vimm.f32 $0.0e+00;
	[sflag:s14] =	ssyncadd.s32 $0xFFFFE000  }
0x25f: {  	_ =	sfence.sel $0x180000  }
0x260: {  	[bflag:$0x0] =	sbarrier.arrive $0xFFFF  }
0x261: {  	p0 =	sne.s32 s0, $0x0;
	_ =	strace $0x90000047  }
0x262: {  	s0 =	sadd.s32 @!p0 $0x100000, s2;
	[bflag:$0x2] =	sbarrier.arrive $0xFFFF  }
0x263: {  	[sflag:s0] =	ssyncadd.tile.s32 @!p0 $0x1;
	_ =	shalt  }
.Lfunc_end2:
_tile_overlayer_lowered:
.L_overlay_start_2:
0x264: {  	(tag) =	ssettag $0x2  }
0x265: {  	s0 =	rddreg [dreg:$0x0];
	s2 =	stileid.u32  }
0x266: {  	s1 =	rddreg [dreg:$0x1];
	p0 =	sne.s32 s2, $0x0  }
0x267: {  	s3 =	rddreg [dreg:$0x2];
	[bflag:$0x3] =	sbarrier.arrive $0xFFFF;
	s2 =	simm.s32 @!p0 $0x1C04  }
0x268: {  	[timem:s3], [sflag:s2] =	dma.local @!p0 [hbm:s0], s1  }
0x269: {  	s0 =	simm.s32 @!p0 $0x4  }
0x26a: {  	_ =	swait.ge @!p0 [sflag:s0], s1  }
0x26b: {  	s1 =	ssub.s32 @!p0 $0x0, s1;
	[sflag:s0] =	ssyncset.done @!p0 $0x0  }
0x26c: {  	[sflag:s0] =	ssyncadd.s32 @!p0 s1  }
0x26d: {  	[bflag:$0x3] =	sbarrier.arrive $0xFFFF  }
0x26e: {  	_ =	shalt  }

</sc_bundles>
